<compile_context>
chip_gen: v7x
topology: tpu7x:2x2x1
jax: 0.10.2.dev20260603
libtpu: 0.0.44.dev20260713+nightly
codegen_flags: <defaults>
</compile_context>

<pallas_src>
import functools

import jax
import jax.numpy as jnp
from jax import lax
from jax.experimental import pallas as pl
from jax.experimental.pallas import tpu as pltpu
from jax.experimental.pallas import tpu_sc as plsc

N = 100000
NPAD = 100352
TPR = NPAD // 16
QC = TPR // 8
E = 1600000
EROWS = 12544
EPAD = EROWS * 128
RPT = EROWS // 16
GB = 8
NGRP = RPT // GB
RPW = EROWS // 32
GA = 8
NPARTS = 4
ZROWS = NPARTS * NPAD

_mesh = plsc.VectorSubcoreMesh(core_axis_name="c", subcore_axis_name="s")
_sc_params = pltpu.CompilerParams(use_tc_tiling_on_sc=False,
                                  needs_layout_passes=False)


@functools.partial(
    pl.kernel,
    out_type=jax.ShapeDtypeStruct((2, NPAD), jnp.float32),
    mesh=_mesh,
    compiler_params=_sc_params,
    scratch_types=[
        pltpu.MemorySpace.VMEM_SHARED((NPAD, 16), jnp.float32),
        pltpu.VMEM((QC, 16), jnp.float32),
        pltpu.VMEM((TPR,), jnp.float32),
        pltpu.VMEM((GA, 128), jnp.int32),
    ],
)
def _deg_kernel(dst_hbm, out_hbm, d_sh, stage_v, deg_v, dst_v):
    c = lax.axis_index("c")
    t = lax.axis_index("s")
    ones = jnp.ones((16,), jnp.float32)

    def fill(i, _):
        stage_v[i] = ones
        return _

    lax.fori_loop(0, QC, fill, None)
    for q in range(8):
        pltpu.sync_copy(stage_v, d_sh.at[pl.ds(t * TPR + q * QC, QC)])
    plsc.subcore_barrier()

    base = c * (EROWS // 2) + t * RPW

    def body(g, _):
        row0 = base + g * GA
        pltpu.sync_copy(dst_hbm.at[pl.ds(row0, GA)], dst_v)
        for j in range(GA):
            pltpu.sync_copy(stage_v.at[pl.ds(0, 128)], d_sh.at[dst_v.at[j]],
                            add=True)
        return _

    lax.fori_loop(0, RPW // GA, body, None)
    plsc.subcore_barrier()

    rows16 = lax.iota(jnp.int32, 16)
    zeros16 = jnp.zeros((16,), jnp.int32)

    def compact(q):
        pltpu.sync_copy(d_sh.at[pl.ds(t * TPR + q * QC, QC)], stage_v)

        def inner(w, _):
            vals = plsc.load_gather(stage_v, [w * 16 + rows16, zeros16])
            deg_v[pl.ds(q * QC + w * 16, 16)] = vals
            return _

        lax.fori_loop(0, QC // 16, inner, None)

    for q in range(8):
        compact(q)
    pltpu.sync_copy(deg_v, out_hbm.at[c, pl.ds(t * TPR, TPR)])


@functools.partial(
    pl.kernel,
    out_type=jax.ShapeDtypeStruct((ZROWS, 16), jnp.float32),
    mesh=_mesh,
    compiler_params=_sc_params,
    scratch_types=[
        pltpu.MemorySpace.VMEM_SHARED((NPAD, 16), jnp.float32),
        pltpu.VMEM((GB, 128), jnp.int32),
        pltpu.VMEM((GB, 128), jnp.int32),
        pltpu.VMEM((GB, 128, 16), jnp.float32),
        pltpu.SemaphoreType.DMA,
    ],
)
def _segsum_kernel(zflat_hbm, src_hbm, dst_hbm, out_hbm,
                   s_sh, src_v, dst_v, rows_v, sem):
    c = lax.axis_index("c")
    t = lax.axis_index("s")
    for p in range(2):
        part = c * 2 + p
        zoff = part * NPAD
        pltpu.sync_copy(zflat_hbm.at[pl.ds(zoff + t * TPR, TPR)],
                        s_sh.at[pl.ds(t * TPR, TPR)])
        plsc.subcore_barrier()

        def body(g, _):
            row0 = t * RPT + g * GB
            pltpu.sync_copy(src_hbm.at[pl.ds(row0, GB)], src_v)
            pltpu.sync_copy(dst_hbm.at[pl.ds(row0, GB)], dst_v)
            for j in range(GB):
                for k in range(8):
                    sl = (j, pl.ds(k * 16, 16))
                    src_v[sl] = src_v[sl] + zoff
            handles = [
                pltpu.async_copy(zflat_hbm.at[src_v.at[j]], rows_v.at[j], sem)
                for j in range(GB)
            ]
            for j in range(GB):
                handles[j].wait()
                pltpu.sync_copy(rows_v.at[j], s_sh.at[dst_v.at[j]], add=True)
            return _

        lax.fori_loop(0, NGRP, body, None)
        plsc.subcore_barrier()
        pltpu.sync_copy(s_sh.at[pl.ds(t * TPR, TPR)],
                        out_hbm.at[pl.ds(zoff + t * TPR, TPR)])
        plsc.subcore_barrier()


def _unpack_lanes(blk, w):
    return jnp.concatenate(
        [blk[:, u * w:(u + 1) * w] for u in range(8)], axis=0)


def _scale_body(x_ref, dpk_ref, out_ref):
    dinv = _unpack_lanes(dpk_ref[...], 16)[:, 0:1]
    z = x_ref[...] * dinv
    for p in range(NPARTS):
        zp = z[:, p * 16:(p + 1) * 16]
        out_ref[p] = jnp.concatenate(
            [zp[u * (TPR // 8):(u + 1) * (TPR // 8), :] for u in range(8)],
            axis=1)


def _scale_split(x_pad, dinvpk):
    return pl.pallas_call(
        _scale_body,
        grid=(NPAD // TPR,),
        in_specs=[
            pl.BlockSpec((TPR, 64), lambda i: (i, 0)),
            pl.BlockSpec((TPR // 8, 128), lambda i: (i, 0)),
        ],
        out_specs=pl.BlockSpec((NPARTS, TPR // 8, 128), lambda i: (0, i, 0)),
        out_shape=jax.ShapeDtypeStruct((NPARTS, NPAD // 8, 128), jnp.float32),
    )(x_pad, dinvpk)


def _head_body(st_ref, dpk_ref, wc_ref, bc_ref, wl_ref, bl_ref,
               out_ref, acc_ref):
    i = pl.program_id(0)

    g = jnp.dot(_unpack_lanes(st_ref[0], 16), wc_ref[0],
                preferred_element_type=jnp.float32)
    for p in range(1, NPARTS):
        g += jnp.dot(_unpack_lanes(st_ref[p], 16), wc_ref[p],
                     preferred_element_type=jnp.float32)
    dinv = _unpack_lanes(dpk_ref[...], 16)[:, 0:1]
    h = jnp.maximum(g * dinv + bc_ref[...], 0.0)
    rows = lax.broadcasted_iota(jnp.int32, (TPR, 1), 0) + i * TPR
    h = jnp.where(rows < N, h, 0.0)
    partial = jnp.sum(h.reshape(TPR // 8, 8, 128), axis=0)

    @pl.when(i == 0)
    def _():
        acc_ref[...] = partial

    @pl.when(i > 0)
    def _():
        acc_ref[...] += partial

    @pl.when(i == (NPAD // TPR) - 1)
    def _():
        emb = jnp.sum(acc_ref[...], axis=0, keepdims=True) * (1.0 / N)
        out_ref[...] = jnp.tanh(
            jnp.dot(emb, wl_ref[...], preferred_element_type=jnp.float32)
            + bl_ref[...])


def _head(stpk, dinvpk, wc4, bc2d, wl, bl2d):
    return pl.pallas_call(
        _head_body,
        grid=(NPAD // TPR,),
        in_specs=[
            pl.BlockSpec((NPARTS, TPR // 8, 128), lambda i: (0, i, 0)),
            pl.BlockSpec((TPR // 8, 128), lambda i: (i, 0)),
            pl.BlockSpec((NPARTS, 16, 128), lambda i: (0, 0, 0)),
            pl.BlockSpec((1, 128), lambda i: (0, 0)),
            pl.BlockSpec((128, 128), lambda i: (0, 0)),
            pl.BlockSpec((1, 128), lambda i: (0, 0)),
        ],
        out_specs=pl.BlockSpec((1, 128), lambda i: (0, 0)),
        out_shape=jax.ShapeDtypeStruct((1, 128), jnp.float32),
        scratch_shapes=[pltpu.VMEM((8, 128), jnp.float32)],
    )(stpk, dinvpk, wc4, bc2d, wl, bl2d)


def kernel(edge_index, W_conv, b_conv, W_lin, b_lin):
    in_feat = W_conv.shape[0]
    src = edge_index[0].astype(jnp.int32)
    dst = edge_index[1].astype(jnp.int32)
    npad_e = EPAD - E
    pad_src = N + (jnp.arange(npad_e, dtype=jnp.int32) % 8)
    pad_dst = (N + 8) + (jnp.arange(npad_e, dtype=jnp.int32) % (NPAD - N - 8))
    def perm(n):
        blk, r = n // TPR, n % TPR
        return blk * TPR + 8 * (r % (TPR // 8)) + r // (TPR // 8)

    dst_plain = jnp.concatenate([dst, pad_dst])
    srcp = perm(jnp.concatenate([src, pad_src]))
    src2d = srcp.reshape(EROWS, 128)
    dst2d = perm(dst_plain).reshape(EROWS, 128)

    degc = _deg_kernel(dst_plain.reshape(EROWS, 128))
    deg = degc[0] + degc[1] - 1.0
    dinv1d = lax.rsqrt(deg)
    dinvpk = jnp.repeat(
        jnp.swapaxes(dinv1d.reshape(16, 8, TPR // 8), 1, 2).reshape(-1), 16
    ).reshape(NPAD // 8, 128)

    x = jax.random.normal(jax.random.key(42), (N, in_feat), dtype=jnp.float32)
    x_pad = jnp.zeros((NPAD, 64), jnp.float32).at[:N, :in_feat].set(x)

    zpk = _scale_split(x_pad, dinvpk)
    st = _segsum_kernel(zpk.reshape(ZROWS, 16), src2d, dst2d)
    stpk = st.reshape(NPARTS, NPAD // 8, 128)

    wc4 = jnp.zeros((64, 128), jnp.float32).at[:in_feat].set(W_conv)
    wc4 = wc4.reshape(NPARTS, 16, 128)
    out = _head(stpk, dinvpk, wc4, b_conv[None, :], W_lin, b_lin[None, :])
    return out

# --- scband reference (transcript-rebuilt; emitter-appended) ---
"""Pipeline reference for scband-graph-encoder-27204322853378 (READ-ONLY COPY).

The authoritative reference and input builder live on the scoring server;
editing this copy changes nothing except your own understanding.
"""

import jax, jax.numpy as jnp
import numpy as np

N_NODES = 100000
E = 1600000
IN_FEAT = 50
HID = 128
OUT = 128


def setup_inputs(seed: int = 0) -> dict:
    key = jax.random.key(seed)
    k1, k2, k3 = jax.random.split(key, 3)
    edge_index = jax.random.randint(k1, (2, E), 0, N_NODES)
    # learned params: GCNConv weight (no-bias linear inside PyG GCNConv) + conv bias,
    # then nn.Linear(hidden, out)
    W_conv = jax.random.normal(k2, (IN_FEAT, HID), dtype=jnp.float32) * 0.1
    b_conv = jnp.zeros((HID,), dtype=jnp.float32)
    W_lin = jax.random.normal(k3, (HID, OUT), dtype=jnp.float32) * 0.1
    b_lin = jnp.zeros((OUT,), dtype=jnp.float32)
    return {"edge_index": edge_index, "W_conv": W_conv, "b_conv": b_conv,
            "W_lin": W_lin, "b_lin": b_lin}


def reference(edge_index, W_conv, b_conv, W_lin, b_lin):
    # n_nodes = edge_index.max() + 1 (as in the torch forward)
    n = N_NODES
    # forward generates random node features of width 50 (treated as fixed data)
    x = jax.random.normal(jax.random.key(42), (n, IN_FEAT), dtype=jnp.float32)

    # GCNConv: add self-loops, symmetric normalization D^-1/2 (A+I) D^-1/2, then X W + b
    loop = jnp.arange(n, dtype=edge_index.dtype)
    src = jnp.concatenate([edge_index[0], loop])
    dst = jnp.concatenate([edge_index[1], loop])
    deg = jax.ops.segment_sum(jnp.ones_like(dst, dtype=jnp.float32), dst, num_segments=n)
    dinv = jnp.where(deg > 0, deg ** -0.5, 0.0)
    norm = dinv[src] * dinv[dst]

    xw = x @ W_conv                      # [n, HID]
    msg = xw[src] * norm[:, None]        # gather over src (memory-bound)
    agg = jax.ops.segment_sum(msg, dst, num_segments=n) + b_conv  # scatter-add

    h = jax.nn.relu(agg)
    # global_mean_pool with batch = all zeros -> single-graph mean
    emb = jnp.mean(h, axis=0, keepdims=True)  # [1, HID]
    out = jnp.tanh(emb @ W_lin + b_lin)       # [1, OUT]
    return out

if __name__ == "__main__":
    import jax
    _d = setup_inputs()
    print(jax.jit(kernel)(*tuple(_d.values())))

</pallas_src>

<mosaic_0001>
#map = affine_map<(d0, d1) -> (0, 0)>
module attributes {stable_mosaic.version = 14 : i64} {
  func.func @_deg_kernel(%arg0: i32, %arg1: i32, %arg2: memref<12544x128xi32, #tpu.memory_space<hbm>>, %arg3: memref<2x100352xf32, #tpu.memory_space<hbm>>, %arg4: memref<100352x16xf32, #tpu.memory_space<vmem_shared>>, %arg5: memref<784x16xf32, #tpu.memory_space<vmem>>, %arg6: memref<6272xf32, #tpu.memory_space<vmem>>, %arg7: memref<8x128xi32, #tpu.memory_space<vmem>>) attributes {dimension_semantics = [#tpu.dimension_semantics<core_parallel>, #tpu.dimension_semantics<subcore_parallel>], iteration_bounds = array<i64: 2, 16>, scalar_prefetch = 0 : i64, scratch_operands = 4 : i64, tpu.core_type = #tpu.core_type<sc_vector_subcore>, window_params = [{transform_indices = #map}, {transform_indices = #map}]} {
    %broadcast_in_dim3A = arith.constant 1.000000e+00 : f32
    %broadcast_in_dim3A_0 = vector.broadcast %broadcast_in_dim3A : f32 to vector<16xf32>
    %scan3A = arith.constant 0 : i32
    %scan3A_1 = arith.constant 784 : i32
    %scan3A_2 = arith.addi %scan3A, %scan3A_1 : i32
    %scan3A_3 = arith.constant 1 : i32
    scf.for %scan3A_122 = %scan3A to %scan3A_2 step %scan3A_3  : i32 {
      %swap3A = arith.index_cast %scan3A_122 : i32 to index
      %swap3A_123 = arith.constant 0 : index
      %swap3A_124 = tpu.vector_load %arg5[%swap3A, %swap3A_123] {strides = array<i32>} : memref<784x16xf32, #tpu.memory_space<vmem>>, vector<16xf32>,
      tpu.vector_store %arg5[%swap3A, %swap3A_123], %broadcast_in_dim3A_0 {strides = array<i32>} : memref<784x16xf32, #tpu.memory_space<vmem>>, vector<16xf32>,
    }
    %scan3A_4 = arith.constant 784 : i32
    %mul3A = arith.constant 6272 : i32
    %mul3A_5 = arith.muli %arg1, %mul3A : i32
    %add3A = arith.constant 0 : i32
    %add3A_6 = arith.addi %mul3A_5, %add3A : i32
    "tpu.region"() ({
      %run_scoped3A = tpu.sem_alloc : memref<!tpu.dma_semaphore, #tpu.memory_space<semaphore_mem>>
      %dma_start3A = arith.constant 0 : i32
      %dma_start3A_122 = tpu.memref_slice %arg4[%add3A_6, %dma_start3A] : memref<100352x16xf32, #tpu.memory_space<vmem_shared>> -> memref<784x16xf32, #tpu.memory_space<vmem_shared>>
      %dma_start3A_123 = arith.constant 0 : i32
      %dma_start3A_124 = tpu.memref_slice %arg4[%add3A_6, %dma_start3A_123] : memref<100352x16xf32, #tpu.memory_space<vmem_shared>> -> memref<784x16xf32, #tpu.memory_space<vmem_shared>>
      tpu.enqueue_dma source(%arg5 : memref<784x16xf32, #tpu.memory_space<vmem>>) target(%dma_start3A_124 : memref<784x16xf32, #tpu.memory_space<vmem_shared>>) target_semaphore(%run_scoped3A : memref<!tpu.dma_semaphore, #tpu.memory_space<semaphore_mem>>)
      %dma_wait3A = arith.constant 0 : i32
      %dma_wait3A_125 = tpu.memref_slice %arg4[%add3A_6, %dma_wait3A] : memref<100352x16xf32, #tpu.memory_space<vmem_shared>> -> memref<784x16xf32, #tpu.memory_space<vmem_shared>>
      %dma_wait3A_126 = arith.constant 0 : i32
      %dma_wait3A_127 = tpu.memref_slice %arg4[%add3A_6, %dma_wait3A_126] : memref<100352x16xf32, #tpu.memory_space<vmem_shared>> -> memref<784x16xf32, #tpu.memory_space<vmem_shared>>
      tpu.wait_dma2 semaphore(%run_scoped3A : memref<!tpu.dma_semaphore, #tpu.memory_space<semaphore_mem>>) src(%arg5 : memref<784x16xf32, #tpu.memory_space<vmem>>) dst(%dma_wait3A_127 : memref<784x16xf32, #tpu.memory_space<vmem_shared>>)
      tpu.yield
    }) : () -> ()
    %mul3A_7 = arith.constant 6272 : i32
    %mul3A_8 = arith.muli %arg1, %mul3A_7 : i32
    %add3A_9 = arith.constant 784 : i32
    %add3A_10 = arith.addi %mul3A_8, %add3A_9 : i32
    "tpu.region"() ({
      %run_scoped3A = tpu.sem_alloc : memref<!tpu.dma_semaphore, #tpu.memory_space<semaphore_mem>>
      %dma_start3A = arith.constant 0 : i32
      %dma_start3A_122 = tpu.memref_slice %arg4[%add3A_10, %dma_start3A] : memref<100352x16xf32, #tpu.memory_space<vmem_shared>> -> memref<784x16xf32, #tpu.memory_space<vmem_shared>>
      %dma_start3A_123 = arith.constant 0 : i32
      %dma_start3A_124 = tpu.memref_slice %arg4[%add3A_10, %dma_start3A_123] : memref<100352x16xf32, #tpu.memory_space<vmem_shared>> -> memref<784x16xf32, #tpu.memory_space<vmem_shared>>
      tpu.enqueue_dma source(%arg5 : memref<784x16xf32, #tpu.memory_space<vmem>>) target(%dma_start3A_124 : memref<784x16xf32, #tpu.memory_space<vmem_shared>>) target_semaphore(%run_scoped3A : memref<!tpu.dma_semaphore, #tpu.memory_space<semaphore_mem>>)
      %dma_wait3A = arith.constant 0 : i32
      %dma_wait3A_125 = tpu.memref_slice %arg4[%add3A_10, %dma_wait3A] : memref<100352x16xf32, #tpu.memory_space<vmem_shared>> -> memref<784x16xf32, #tpu.memory_space<vmem_shared>>
      %dma_wait3A_126 = arith.constant 0 : i32
      %dma_wait3A_127 = tpu.memref_slice %arg4[%add3A_10, %dma_wait3A_126] : memref<100352x16xf32, #tpu.memory_space<vmem_shared>> -> memref<784x16xf32, #tpu.memory_space<vmem_shared>>
      tpu.wait_dma2 semaphore(%run_scoped3A : memref<!tpu.dma_semaphore, #tpu.memory_space<semaphore_mem>>) src(%arg5 : memref<784x16xf32, #tpu.memory_space<vmem>>) dst(%dma_wait3A_127 : memref<784x16xf32, #tpu.memory_space<vmem_shared>>)
      tpu.yield
    }) : () -> ()
    %mul3A_11 = arith.constant 6272 : i32
    %mul3A_12 = arith.muli %arg1, %mul3A_11 : i32
    %add3A_13 = arith.constant 1568 : i32
    %add3A_14 = arith.addi %mul3A_12, %add3A_13 : i32
    "tpu.region"() ({
      %run_scoped3A = tpu.sem_alloc : memref<!tpu.dma_semaphore, #tpu.memory_space<semaphore_mem>>
      %dma_start3A = arith.constant 0 : i32
      %dma_start3A_122 = tpu.memref_slice %arg4[%add3A_14, %dma_start3A] : memref<100352x16xf32, #tpu.memory_space<vmem_shared>> -> memref<784x16xf32, #tpu.memory_space<vmem_shared>>
      %dma_start3A_123 = arith.constant 0 : i32
      %dma_start3A_124 = tpu.memref_slice %arg4[%add3A_14, %dma_start3A_123] : memref<100352x16xf32, #tpu.memory_space<vmem_shared>> -> memref<784x16xf32, #tpu.memory_space<vmem_shared>>
      tpu.enqueue_dma source(%arg5 : memref<784x16xf32, #tpu.memory_space<vmem>>) target(%dma_start3A_124 : memref<784x16xf32, #tpu.memory_space<vmem_shared>>) target_semaphore(%run_scoped3A : memref<!tpu.dma_semaphore, #tpu.memory_space<semaphore_mem>>)
      %dma_wait3A = arith.constant 0 : i32
      %dma_wait3A_125 = tpu.memref_slice %arg4[%add3A_14, %dma_wait3A] : memref<100352x16xf32, #tpu.memory_space<vmem_shared>> -> memref<784x16xf32, #tpu.memory_space<vmem_shared>>
      %dma_wait3A_126 = arith.constant 0 : i32
      %dma_wait3A_127 = tpu.memref_slice %arg4[%add3A_14, %dma_wait3A_126] : memref<100352x16xf32, #tpu.memory_space<vmem_shared>> -> memref<784x16xf32, #tpu.memory_space<vmem_shared>>
      tpu.wait_dma2 semaphore(%run_scoped3A : memref<!tpu.dma_semaphore, #tpu.memory_space<semaphore_mem>>) src(%arg5 : memref<784x16xf32, #tpu.memory_space<vmem>>) dst(%dma_wait3A_127 : memref<784x16xf32, #tpu.memory_space<vmem_shared>>)
      tpu.yield
    }) : () -> ()
    %mul3A_15 = arith.constant 6272 : i32
    %mul3A_16 = arith.muli %arg1, %mul3A_15 : i32
    %add3A_17 = arith.constant 2352 : i32
    %add3A_18 = arith.addi %mul3A_16, %add3A_17 : i32
    "tpu.region"() ({
      %run_scoped3A = tpu.sem_alloc : memref<!tpu.dma_semaphore, #tpu.memory_space<semaphore_mem>>
      %dma_start3A = arith.constant 0 : i32
      %dma_start3A_122 = tpu.memref_slice %arg4[%add3A_18, %dma_start3A] : memref<100352x16xf32, #tpu.memory_space<vmem_shared>> -> memref<784x16xf32, #tpu.memory_space<vmem_shared>>
      %dma_start3A_123 = arith.constant 0 : i32
      %dma_start3A_124 = tpu.memref_slice %arg4[%add3A_18, %dma_start3A_123] : memref<100352x16xf32, #tpu.memory_space<vmem_shared>> -> memref<784x16xf32, #tpu.memory_space<vmem_shared>>
      tpu.enqueue_dma source(%arg5 : memref<784x16xf32, #tpu.memory_space<vmem>>) target(%dma_start3A_124 : memref<784x16xf32, #tpu.memory_space<vmem_shared>>) target_semaphore(%run_scoped3A : memref<!tpu.dma_semaphore, #tpu.memory_space<semaphore_mem>>)
      %dma_wait3A = arith.constant 0 : i32
      %dma_wait3A_125 = tpu.memref_slice %arg4[%add3A_18, %dma_wait3A] : memref<100352x16xf32, #tpu.memory_space<vmem_shared>> -> memref<784x16xf32, #tpu.memory_space<vmem_shared>>
      %dma_wait3A_126 = arith.constant 0 : i32
      %dma_wait3A_127 = tpu.memref_slice %arg4[%add3A_18, %dma_wait3A_126] : memref<100352x16xf32, #tpu.memory_space<vmem_shared>> -> memref<784x16xf32, #tpu.memory_space<vmem_shared>>
      tpu.wait_dma2 semaphore(%run_scoped3A : memref<!tpu.dma_semaphore, #tpu.memory_space<semaphore_mem>>) src(%arg5 : memref<784x16xf32, #tpu.memory_space<vmem>>) dst(%dma_wait3A_127 : memref<784x16xf32, #tpu.memory_space<vmem_shared>>)
      tpu.yield
    }) : () -> ()
    %mul3A_19 = arith.constant 6272 : i32
    %mul3A_20 = arith.muli %arg1, %mul3A_19 : i32
    %add3A_21 = arith.constant 3136 : i32
    %add3A_22 = arith.addi %mul3A_20, %add3A_21 : i32
    "tpu.region"() ({
      %run_scoped3A = tpu.sem_alloc : memref<!tpu.dma_semaphore, #tpu.memory_space<semaphore_mem>>
      %dma_start3A = arith.constant 0 : i32
      %dma_start3A_122 = tpu.memref_slice %arg4[%add3A_22, %dma_start3A] : memref<100352x16xf32, #tpu.memory_space<vmem_shared>> -> memref<784x16xf32, #tpu.memory_space<vmem_shared>>
      %dma_start3A_123 = arith.constant 0 : i32
      %dma_start3A_124 = tpu.memref_slice %arg4[%add3A_22, %dma_start3A_123] : memref<100352x16xf32, #tpu.memory_space<vmem_shared>> -> memref<784x16xf32, #tpu.memory_space<vmem_shared>>
      tpu.enqueue_dma source(%arg5 : memref<784x16xf32, #tpu.memory_space<vmem>>) target(%dma_start3A_124 : memref<784x16xf32, #tpu.memory_space<vmem_shared>>) target_semaphore(%run_scoped3A : memref<!tpu.dma_semaphore, #tpu.memory_space<semaphore_mem>>)
      %dma_wait3A = arith.constant 0 : i32
      %dma_wait3A_125 = tpu.memref_slice %arg4[%add3A_22, %dma_wait3A] : memref<100352x16xf32, #tpu.memory_space<vmem_shared>> -> memref<784x16xf32, #tpu.memory_space<vmem_shared>>
      %dma_wait3A_126 = arith.constant 0 : i32
      %dma_wait3A_127 = tpu.memref_slice %arg4[%add3A_22, %dma_wait3A_126] : memref<100352x16xf32, #tpu.memory_space<vmem_shared>> -> memref<784x16xf32, #tpu.memory_space<vmem_shared>>
      tpu.wait_dma2 semaphore(%run_scoped3A : memref<!tpu.dma_semaphore, #tpu.memory_space<semaphore_mem>>) src(%arg5 : memref<784x16xf32, #tpu.memory_space<vmem>>) dst(%dma_wait3A_127 : memref<784x16xf32, #tpu.memory_space<vmem_shared>>)
      tpu.yield
    }) : () -> ()
    %mul3A_23 = arith.constant 6272 : i32
    %mul3A_24 = arith.muli %arg1, %mul3A_23 : i32
    %add3A_25 = arith.constant 3920 : i32
    %add3A_26 = arith.addi %mul3A_24, %add3A_25 : i32
    "tpu.region"() ({
      %run_scoped3A = tpu.sem_alloc : memref<!tpu.dma_semaphore, #tpu.memory_space<semaphore_mem>>
      %dma_start3A = arith.constant 0 : i32
      %dma_start3A_122 = tpu.memref_slice %arg4[%add3A_26, %dma_start3A] : memref<100352x16xf32, #tpu.memory_space<vmem_shared>> -> memref<784x16xf32, #tpu.memory_space<vmem_shared>>
      %dma_start3A_123 = arith.constant 0 : i32
      %dma_start3A_124 = tpu.memref_slice %arg4[%add3A_26, %dma_start3A_123] : memref<100352x16xf32, #tpu.memory_space<vmem_shared>> -> memref<784x16xf32, #tpu.memory_space<vmem_shared>>
      tpu.enqueue_dma source(%arg5 : memref<784x16xf32, #tpu.memory_space<vmem>>) target(%dma_start3A_124 : memref<784x16xf32, #tpu.memory_space<vmem_shared>>) target_semaphore(%run_scoped3A : memref<!tpu.dma_semaphore, #tpu.memory_space<semaphore_mem>>)
      %dma_wait3A = arith.constant 0 : i32
      %dma_wait3A_125 = tpu.memref_slice %arg4[%add3A_26, %dma_wait3A] : memref<100352x16xf32, #tpu.memory_space<vmem_shared>> -> memref<784x16xf32, #tpu.memory_space<vmem_shared>>
      %dma_wait3A_126 = arith.constant 0 : i32
      %dma_wait3A_127 = tpu.memref_slice %arg4[%add3A_26, %dma_wait3A_126] : memref<100352x16xf32, #tpu.memory_space<vmem_shared>> -> memref<784x16xf32, #tpu.memory_space<vmem_shared>>
      tpu.wait_dma2 semaphore(%run_scoped3A : memref<!tpu.dma_semaphore, #tpu.memory_space<semaphore_mem>>) src(%arg5 : memref<784x16xf32, #tpu.memory_space<vmem>>) dst(%dma_wait3A_127 : memref<784x16xf32, #tpu.memory_space<vmem_shared>>)
      tpu.yield
    }) : () -> ()
    %mul3A_27 = arith.constant 6272 : i32
    %mul3A_28 = arith.muli %arg1, %mul3A_27 : i32
    %add3A_29 = arith.constant 4704 : i32
    %add3A_30 = arith.addi %mul3A_28, %add3A_29 : i32
    "tpu.region"() ({
      %run_scoped3A = tpu.sem_alloc : memref<!tpu.dma_semaphore, #tpu.memory_space<semaphore_mem>>
      %dma_start3A = arith.constant 0 : i32
      %dma_start3A_122 = tpu.memref_slice %arg4[%add3A_30, %dma_start3A] : memref<100352x16xf32, #tpu.memory_space<vmem_shared>> -> memref<784x16xf32, #tpu.memory_space<vmem_shared>>
      %dma_start3A_123 = arith.constant 0 : i32
      %dma_start3A_124 = tpu.memref_slice %arg4[%add3A_30, %dma_start3A_123] : memref<100352x16xf32, #tpu.memory_space<vmem_shared>> -> memref<784x16xf32, #tpu.memory_space<vmem_shared>>
      tpu.enqueue_dma source(%arg5 : memref<784x16xf32, #tpu.memory_space<vmem>>) target(%dma_start3A_124 : memref<784x16xf32, #tpu.memory_space<vmem_shared>>) target_semaphore(%run_scoped3A : memref<!tpu.dma_semaphore, #tpu.memory_space<semaphore_mem>>)
      %dma_wait3A = arith.constant 0 : i32
      %dma_wait3A_125 = tpu.memref_slice %arg4[%add3A_30, %dma_wait3A] : memref<100352x16xf32, #tpu.memory_space<vmem_shared>> -> memref<784x16xf32, #tpu.memory_space<vmem_shared>>
      %dma_wait3A_126 = arith.constant 0 : i32
      %dma_wait3A_127 = tpu.memref_slice %arg4[%add3A_30, %dma_wait3A_126] : memref<100352x16xf32, #tpu.memory_space<vmem_shared>> -> memref<784x16xf32, #tpu.memory_space<vmem_shared>>
      tpu.wait_dma2 semaphore(%run_scoped3A : memref<!tpu.dma_semaphore, #tpu.memory_space<semaphore_mem>>) src(%arg5 : memref<784x16xf32, #tpu.memory_space<vmem>>) dst(%dma_wait3A_127 : memref<784x16xf32, #tpu.memory_space<vmem_shared>>)
      tpu.yield
    }) : () -> ()
    %mul3A_31 = arith.constant 6272 : i32
    %mul3A_32 = arith.muli %arg1, %mul3A_31 : i32
    %add3A_33 = arith.constant 5488 : i32
    %add3A_34 = arith.addi %mul3A_32, %add3A_33 : i32
    "tpu.region"() ({
      %run_scoped3A = tpu.sem_alloc : memref<!tpu.dma_semaphore, #tpu.memory_space<semaphore_mem>>
      %dma_start3A = arith.constant 0 : i32
      %dma_start3A_122 = tpu.memref_slice %arg4[%add3A_34, %dma_start3A] : memref<100352x16xf32, #tpu.memory_space<vmem_shared>> -> memref<784x16xf32, #tpu.memory_space<vmem_shared>>
      %dma_start3A_123 = arith.constant 0 : i32
      %dma_start3A_124 = tpu.memref_slice %arg4[%add3A_34, %dma_start3A_123] : memref<100352x16xf32, #tpu.memory_space<vmem_shared>> -> memref<784x16xf32, #tpu.memory_space<vmem_shared>>
      tpu.enqueue_dma source(%arg5 : memref<784x16xf32, #tpu.memory_space<vmem>>) target(%dma_start3A_124 : memref<784x16xf32, #tpu.memory_space<vmem_shared>>) target_semaphore(%run_scoped3A : memref<!tpu.dma_semaphore, #tpu.memory_space<semaphore_mem>>)
      %dma_wait3A = arith.constant 0 : i32
      %dma_wait3A_125 = tpu.memref_slice %arg4[%add3A_34, %dma_wait3A] : memref<100352x16xf32, #tpu.memory_space<vmem_shared>> -> memref<784x16xf32, #tpu.memory_space<vmem_shared>>
      %dma_wait3A_126 = arith.constant 0 : i32
      %dma_wait3A_127 = tpu.memref_slice %arg4[%add3A_34, %dma_wait3A_126] : memref<100352x16xf32, #tpu.memory_space<vmem_shared>> -> memref<784x16xf32, #tpu.memory_space<vmem_shared>>
      tpu.wait_dma2 semaphore(%run_scoped3A : memref<!tpu.dma_semaphore, #tpu.memory_space<semaphore_mem>>) src(%arg5 : memref<784x16xf32, #tpu.memory_space<vmem>>) dst(%dma_wait3A_127 : memref<784x16xf32, #tpu.memory_space<vmem_shared>>)
      tpu.yield
    }) : () -> ()
    %barrier3A = arith.constant 0 : index
    tpu.barrier barrier_id(%barrier3A)
    %mul3A_35 = arith.constant 6272 : i32
    %mul3A_36 = arith.muli %arg0, %mul3A_35 : i32
    %mul3A_37 = arith.constant 392 : i32
    %mul3A_38 = arith.muli %arg1, %mul3A_37 : i32
    %add3A_39 = arith.addi %mul3A_36, %mul3A_38 : i32
    %scan3A_40 = arith.constant 0 : i32
    %scan3A_41 = arith.constant 49 : i32
    %scan3A_42 = arith.addi %scan3A_40, %scan3A_41 : i32
    %scan3A_43 = arith.constant 1 : i32
    scf.for %scan3A_122 = %scan3A_40 to %scan3A_42 step %scan3A_43  : i32 {
      %mul3A_123 = arith.constant 8 : i32
      %mul3A_124 = arith.muli %scan3A_122, %mul3A_123 : i32
      %add3A_125 = arith.addi %add3A_39, %mul3A_124 : i32
      "tpu.region"() ({
        %run_scoped3A_133 = tpu.sem_alloc : memref<!tpu.dma_semaphore, #tpu.memory_space<semaphore_mem>>
        %dma_start3A = arith.constant 0 : i32
        %dma_start3A_134 = tpu.memref_slice %arg2[%add3A_125, %dma_start3A] : memref<12544x128xi32, #tpu.memory_space<hbm>> -> memref<8x128xi32, #tpu.memory_space<hbm>>
        %dma_start3A_135 = arith.constant 0 : i32
        %dma_start3A_136 = tpu.memref_slice %arg2[%add3A_125, %dma_start3A_135] : memref<12544x128xi32, #tpu.memory_space<hbm>> -> memref<8x128xi32, #tpu.memory_space<hbm>>
        tpu.enqueue_dma source(%dma_start3A_136 : memref<8x128xi32, #tpu.memory_space<hbm>>) target(%arg7 : memref<8x128xi32, #tpu.memory_space<vmem>>) target_semaphore(%run_scoped3A_133 : memref<!tpu.dma_semaphore, #tpu.memory_space<semaphore_mem>>)
        %dma_wait3A = arith.constant 0 : i32
        %dma_wait3A_137 = tpu.memref_slice %arg2[%add3A_125, %dma_wait3A] : memref<12544x128xi32, #tpu.memory_space<hbm>> -> memref<8x128xi32, #tpu.memory_space<hbm>>
        %dma_wait3A_138 = arith.constant 0 : i32
        %dma_wait3A_139 = tpu.memref_slice %arg2[%add3A_125, %dma_wait3A_138] : memref<12544x128xi32, #tpu.memory_space<hbm>> -> memref<8x128xi32, #tpu.memory_space<hbm>>
        tpu.wait_dma2 semaphore(%run_scoped3A_133 : memref<!tpu.dma_semaphore, #tpu.memory_space<semaphore_mem>>) src(%dma_wait3A_139 : memref<8x128xi32, #tpu.memory_space<hbm>>) dst(%arg7 : memref<8x128xi32, #tpu.memory_space<vmem>>)
        tpu.yield
      }) : () -> ()
      %run_scoped3A = arith.constant 0 : i32
      "tpu.region"() ({
        %run_scoped3A_133 = tpu.sem_alloc : memref<!tpu.dma_semaphore, #tpu.memory_space<semaphore_mem>>
        %dma_start3A = arith.constant 0 : i32
        %dma_start3A_134 = arith.constant 0 : i32
        %dma_start3A_135 = tpu.memref_slice %arg5[%dma_start3A, %dma_start3A_134] : memref<784x16xf32, #tpu.memory_space<vmem>> -> memref<128x16xf32, #tpu.memory_space<vmem>>
        %dma_start3A_136 = arith.constant 0 : i32
        %dma_start3A_137 = tpu.memref_slice %arg7[%run_scoped3A, %dma_start3A_136] : memref<8x128xi32, #tpu.memory_space<vmem>> -> memref<1x128xi32, #tpu.memory_space<vmem>>
        %dma_start3A_138 = tpu.memref_squeeze %dma_start3A_137 : memref<1x128xi32, #tpu.memory_space<vmem>> -> memref<128xi32, #tpu.memory_space<vmem>>
        %dma_start3A_139 = arith.constant 0 : i32
        %dma_start3A_140 = arith.constant 0 : i32
        %dma_start3A_141 = tpu.memref_slice %arg4[%dma_start3A_139, %dma_start3A_140] : memref<100352x16xf32, #tpu.memory_space<vmem_shared>> -> memref<100352x16xf32, #tpu.memory_space<vmem_shared>>
        tpu.enqueue_indirect_dma source(%dma_start3A_135 : memref<128x16xf32, #tpu.memory_space<vmem>>) target(%dma_start3A_141 : memref<100352x16xf32, #tpu.memory_space<vmem_shared>>) offsets(%dma_start3A_138 : memref<128xi32, #tpu.memory_space<vmem>>) semaphore(%run_scoped3A_133 : memref<!tpu.dma_semaphore, #tpu.memory_space<semaphore_mem>>) {add = true}
        %dma_wait3A = arith.constant 0 : i32
        %dma_wait3A_142 = arith.constant 0 : i32
        %dma_wait3A_143 = tpu.memref_slice %arg5[%dma_wait3A, %dma_wait3A_142] : memref<784x16xf32, #tpu.memory_space<vmem>> -> memref<128x16xf32, #tpu.memory_space<vmem>>
        %dma_wait3A_144 = arith.constant 0 : i32
        %dma_wait3A_145 = tpu.memref_slice %arg7[%run_scoped3A, %dma_wait3A_144] : memref<8x128xi32, #tpu.memory_space<vmem>> -> memref<1x128xi32, #tpu.memory_space<vmem>>
        %dma_wait3A_146 = tpu.memref_squeeze %dma_wait3A_145 : memref<1x128xi32, #tpu.memory_space<vmem>> -> memref<128xi32, #tpu.memory_space<vmem>>
        %dma_wait3A_147 = arith.constant 0 : i32
        %dma_wait3A_148 = arith.constant 0 : i32
        %dma_wait3A_149 = tpu.memref_slice %arg4[%dma_wait3A_147, %dma_wait3A_148] : memref<100352x16xf32, #tpu.memory_space<vmem_shared>> -> memref<100352x16xf32, #tpu.memory_space<vmem_shared>>
        tpu.wait_indirect_dma semaphore(%run_scoped3A_133 : memref<!tpu.dma_semaphore, #tpu.memory_space<semaphore_mem>>) src(%dma_wait3A_143 : memref<128x16xf32, #tpu.memory_space<vmem>>) dst(%dma_wait3A_149 : memref<100352x16xf32, #tpu.memory_space<vmem_shared>>)
        tpu.yield
      }) : () -> ()
      %run_scoped3A_126 = arith.constant 1 : i32
      "tpu.region"() ({
        %run_scoped3A_133 = tpu.sem_alloc : memref<!tpu.dma_semaphore, #tpu.memory_space<semaphore_mem>>
        %dma_start3A = arith.constant 0 : i32
        %dma_start3A_134 = arith.constant 0 : i32
        %dma_start3A_135 = tpu.memref_slice %arg5[%dma_start3A, %dma_start3A_134] : memref<784x16xf32, #tpu.memory_space<vmem>> -> memref<128x16xf32, #tpu.memory_space<vmem>>
        %dma_start3A_136 = arith.constant 0 : i32
        %dma_start3A_137 = tpu.memref_slice %arg7[%run_scoped3A_126, %dma_start3A_136] : memref<8x128xi32, #tpu.memory_space<vmem>> -> memref<1x128xi32, #tpu.memory_space<vmem>>
        %dma_start3A_138 = tpu.memref_squeeze %dma_start3A_137 : memref<1x128xi32, #tpu.memory_space<vmem>> -> memref<128xi32, #tpu.memory_space<vmem>>
        %dma_start3A_139 = arith.constant 0 : i32
        %dma_start3A_140 = arith.constant 0 : i32
        %dma_start3A_141 = tpu.memref_slice %arg4[%dma_start3A_139, %dma_start3A_140] : memref<100352x16xf32, #tpu.memory_space<vmem_shared>> -> memref<100352x16xf32, #tpu.memory_space<vmem_shared>>
        tpu.enqueue_indirect_dma source(%dma_start3A_135 : memref<128x16xf32, #tpu.memory_space<vmem>>) target(%dma_start3A_141 : memref<100352x16xf32, #tpu.memory_space<vmem_shared>>) offsets(%dma_start3A_138 : memref<128xi32, #tpu.memory_space<vmem>>) semaphore(%run_scoped3A_133 : memref<!tpu.dma_semaphore, #tpu.memory_space<semaphore_mem>>) {add = true}
        %dma_wait3A = arith.constant 0 : i32
        %dma_wait3A_142 = arith.constant 0 : i32
        %dma_wait3A_143 = tpu.memref_slice %arg5[%dma_wait3A, %dma_wait3A_142] : memref<784x16xf32, #tpu.memory_space<vmem>> -> memref<128x16xf32, #tpu.memory_space<vmem>>
        %dma_wait3A_144 = arith.constant 0 : i32
        %dma_wait3A_145 = tpu.memref_slice %arg7[%run_scoped3A_126, %dma_wait3A_144] : memref<8x128xi32, #tpu.memory_space<vmem>> -> memref<1x128xi32, #tpu.memory_space<vmem>>
        %dma_wait3A_146 = tpu.memref_squeeze %dma_wait3A_145 : memref<1x128xi32, #tpu.memory_space<vmem>> -> memref<128xi32, #tpu.memory_space<vmem>>
        %dma_wait3A_147 = arith.constant 0 : i32
        %dma_wait3A_148 = arith.constant 0 : i32
        %dma_wait3A_149 = tpu.memref_slice %arg4[%dma_wait3A_147, %dma_wait3A_148] : memref<100352x16xf32, #tpu.memory_space<vmem_shared>> -> memref<100352x16xf32, #tpu.memory_space<vmem_shared>>
        tpu.wait_indirect_dma semaphore(%run_scoped3A_133 : memref<!tpu.dma_semaphore, #tpu.memory_space<semaphore_mem>>) src(%dma_wait3A_143 : memref<128x16xf32, #tpu.memory_space<vmem>>) dst(%dma_wait3A_149 : memref<100352x16xf32, #tpu.memory_space<vmem_shared>>)
        tpu.yield
      }) : () -> ()
      %run_scoped3A_127 = arith.constant 2 : i32
      "tpu.region"() ({
        %run_scoped3A_133 = tpu.sem_alloc : memref<!tpu.dma_semaphore, #tpu.memory_space<semaphore_mem>>
        %dma_start3A = arith.constant 0 : i32
        %dma_start3A_134 = arith.constant 0 : i32
        %dma_start3A_135 = tpu.memref_slice %arg5[%dma_start3A, %dma_start3A_134] : memref<784x16xf32, #tpu.memory_space<vmem>> -> memref<128x16xf32, #tpu.memory_space<vmem>>
        %dma_start3A_136 = arith.constant 0 : i32
        %dma_start3A_137 = tpu.memref_slice %arg7[%run_scoped3A_127, %dma_start3A_136] : memref<8x128xi32, #tpu.memory_space<vmem>> -> memref<1x128xi32, #tpu.memory_space<vmem>>
        %dma_start3A_138 = tpu.memref_squeeze %dma_start3A_137 : memref<1x128xi32, #tpu.memory_space<vmem>> -> memref<128xi32, #tpu.memory_space<vmem>>
        %dma_start3A_139 = arith.constant 0 : i32
        %dma_start3A_140 = arith.constant 0 : i32
        %dma_start3A_141 = tpu.memref_slice %arg4[%dma_start3A_139, %dma_start3A_140] : memref<100352x16xf32, #tpu.memory_space<vmem_shared>> -> memref<100352x16xf32, #tpu.memory_space<vmem_shared>>
        tpu.enqueue_indirect_dma source(%dma_start3A_135 : memref<128x16xf32, #tpu.memory_space<vmem>>) target(%dma_start3A_141 : memref<100352x16xf32, #tpu.memory_space<vmem_shared>>) offsets(%dma_start3A_138 : memref<128xi32, #tpu.memory_space<vmem>>) semaphore(%run_scoped3A_133 : memref<!tpu.dma_semaphore, #tpu.memory_space<semaphore_mem>>) {add = true}
        %dma_wait3A = arith.constant 0 : i32
        %dma_wait3A_142 = arith.constant 0 : i32
        %dma_wait3A_143 = tpu.memref_slice %arg5[%dma_wait3A, %dma_wait3A_142] : memref<784x16xf32, #tpu.memory_space<vmem>> -> memref<128x16xf32, #tpu.memory_space<vmem>>
        %dma_wait3A_144 = arith.constant 0 : i32
        %dma_wait3A_145 = tpu.memref_slice %arg7[%run_scoped3A_127, %dma_wait3A_144] : memref<8x128xi32, #tpu.memory_space<vmem>> -> memref<1x128xi32, #tpu.memory_space<vmem>>
        %dma_wait3A_146 = tpu.memref_squeeze %dma_wait3A_145 : memref<1x128xi32, #tpu.memory_space<vmem>> -> memref<128xi32, #tpu.memory_space<vmem>>
        %dma_wait3A_147 = arith.constant 0 : i32
        %dma_wait3A_148 = arith.constant 0 : i32
        %dma_wait3A_149 = tpu.memref_slice %arg4[%dma_wait3A_147, %dma_wait3A_148] : memref<100352x16xf32, #tpu.memory_space<vmem_shared>> -> memref<100352x16xf32, #tpu.memory_space<vmem_shared>>
        tpu.wait_indirect_dma semaphore(%run_scoped3A_133 : memref<!tpu.dma_semaphore, #tpu.memory_space<semaphore_mem>>) src(%dma_wait3A_143 : memref<128x16xf32, #tpu.memory_space<vmem>>) dst(%dma_wait3A_149 : memref<100352x16xf32, #tpu.memory_space<vmem_shared>>)
        tpu.yield
      }) : () -> ()
      %run_scoped3A_128 = arith.constant 3 : i32
      "tpu.region"() ({
        %run_scoped3A_133 = tpu.sem_alloc : memref<!tpu.dma_semaphore, #tpu.memory_space<semaphore_mem>>
        %dma_start3A = arith.constant 0 : i32
        %dma_start3A_134 = arith.constant 0 : i32
        %dma_start3A_135 = tpu.memref_slice %arg5[%dma_start3A, %dma_start3A_134] : memref<784x16xf32, #tpu.memory_space<vmem>> -> memref<128x16xf32, #tpu.memory_space<vmem>>
        %dma_start3A_136 = arith.constant 0 : i32
        %dma_start3A_137 = tpu.memref_slice %arg7[%run_scoped3A_128, %dma_start3A_136] : memref<8x128xi32, #tpu.memory_space<vmem>> -> memref<1x128xi32, #tpu.memory_space<vmem>>
        %dma_start3A_138 = tpu.memref_squeeze %dma_start3A_137 : memref<1x128xi32, #tpu.memory_space<vmem>> -> memref<128xi32, #tpu.memory_space<vmem>>
        %dma_start3A_139 = arith.constant 0 : i32
        %dma_start3A_140 = arith.constant 0 : i32
        %dma_start3A_141 = tpu.memref_slice %arg4[%dma_start3A_139, %dma_start3A_140] : memref<100352x16xf32, #tpu.memory_space<vmem_shared>> -> memref<100352x16xf32, #tpu.memory_space<vmem_shared>>
        tpu.enqueue_indirect_dma source(%dma_start3A_135 : memref<128x16xf32, #tpu.memory_space<vmem>>) target(%dma_start3A_141 : memref<100352x16xf32, #tpu.memory_space<vmem_shared>>) offsets(%dma_start3A_138 : memref<128xi32, #tpu.memory_space<vmem>>) semaphore(%run_scoped3A_133 : memref<!tpu.dma_semaphore, #tpu.memory_space<semaphore_mem>>) {add = true}
        %dma_wait3A = arith.constant 0 : i32
        %dma_wait3A_142 = arith.constant 0 : i32
        %dma_wait3A_143 = tpu.memref_slice %arg5[%dma_wait3A, %dma_wait3A_142] : memref<784x16xf32, #tpu.memory_space<vmem>> -> memref<128x16xf32, #tpu.memory_space<vmem>>
        %dma_wait3A_144 = arith.constant 0 : i32
        %dma_wait3A_145 = tpu.memref_slice %arg7[%run_scoped3A_128, %dma_wait3A_144] : memref<8x128xi32, #tpu.memory_space<vmem>> -> memref<1x128xi32, #tpu.memory_space<vmem>>
        %dma_wait3A_146 = tpu.memref_squeeze %dma_wait3A_145 : memref<1x128xi32, #tpu.memory_space<vmem>> -> memref<128xi32, #tpu.memory_space<vmem>>
        %dma_wait3A_147 = arith.constant 0 : i32
        %dma_wait3A_148 = arith.constant 0 : i32
        %dma_wait3A_149 = tpu.memref_slice %arg4[%dma_wait3A_147, %dma_wait3A_148] : memref<100352x16xf32, #tpu.memory_space<vmem_shared>> -> memref<100352x16xf32, #tpu.memory_space<vmem_shared>>
        tpu.wait_indirect_dma semaphore(%run_scoped3A_133 : memref<!tpu.dma_semaphore, #tpu.memory_space<semaphore_mem>>) src(%dma_wait3A_143 : memref<128x16xf32, #tpu.memory_space<vmem>>) dst(%dma_wait3A_149 : memref<100352x16xf32, #tpu.memory_space<vmem_shared>>)
        tpu.yield
      }) : () -> ()
      %run_scoped3A_129 = arith.constant 4 : i32
      "tpu.region"() ({
        %run_scoped3A_133 = tpu.sem_alloc : memref<!tpu.dma_semaphore, #tpu.memory_space<semaphore_mem>>
        %dma_start3A = arith.constant 0 : i32
        %dma_start3A_134 = arith.constant 0 : i32
        %dma_start3A_135 = tpu.memref_slice %arg5[%dma_start3A, %dma_start3A_134] : memref<784x16xf32, #tpu.memory_space<vmem>> -> memref<128x16xf32, #tpu.memory_space<vmem>>
        %dma_start3A_136 = arith.constant 0 : i32
        %dma_start3A_137 = tpu.memref_slice %arg7[%run_scoped3A_129, %dma_start3A_136] : memref<8x128xi32, #tpu.memory_space<vmem>> -> memref<1x128xi32, #tpu.memory_space<vmem>>
        %dma_start3A_138 = tpu.memref_squeeze %dma_start3A_137 : memref<1x128xi32, #tpu.memory_space<vmem>> -> memref<128xi32, #tpu.memory_space<vmem>>
        %dma_start3A_139 = arith.constant 0 : i32
        %dma_start3A_140 = arith.constant 0 : i32
        %dma_start3A_141 = tpu.memref_slice %arg4[%dma_start3A_139, %dma_start3A_140] : memref<100352x16xf32, #tpu.memory_space<vmem_shared>> -> memref<100352x16xf32, #tpu.memory_space<vmem_shared>>
        tpu.enqueue_indirect_dma source(%dma_start3A_135 : memref<128x16xf32, #tpu.memory_space<vmem>>) target(%dma_start3A_141 : memref<100352x16xf32, #tpu.memory_space<vmem_shared>>) offsets(%dma_start3A_138 : memref<128xi32, #tpu.memory_space<vmem>>) semaphore(%run_scoped3A_133 : memref<!tpu.dma_semaphore, #tpu.memory_space<semaphore_mem>>) {add = true}
        %dma_wait3A = arith.constant 0 : i32
        %dma_wait3A_142 = arith.constant 0 : i32
        %dma_wait3A_143 = tpu.memref_slice %arg5[%dma_wait3A, %dma_wait3A_142] : memref<784x16xf32, #tpu.memory_space<vmem>> -> memref<128x16xf32, #tpu.memory_space<vmem>>
        %dma_wait3A_144 = arith.constant 0 : i32
        %dma_wait3A_145 = tpu.memref_slice %arg7[%run_scoped3A_129, %dma_wait3A_144] : memref<8x128xi32, #tpu.memory_space<vmem>> -> memref<1x128xi32, #tpu.memory_space<vmem>>
        %dma_wait3A_146 = tpu.memref_squeeze %dma_wait3A_145 : memref<1x128xi32, #tpu.memory_space<vmem>> -> memref<128xi32, #tpu.memory_space<vmem>>
        %dma_wait3A_147 = arith.constant 0 : i32
        %dma_wait3A_148 = arith.constant 0 : i32
        %dma_wait3A_149 = tpu.memref_slice %arg4[%dma_wait3A_147, %dma_wait3A_148] : memref<100352x16xf32, #tpu.memory_space<vmem_shared>> -> memref<100352x16xf32, #tpu.memory_space<vmem_shared>>
        tpu.wait_indirect_dma semaphore(%run_scoped3A_133 : memref<!tpu.dma_semaphore, #tpu.memory_space<semaphore_mem>>) src(%dma_wait3A_143 : memref<128x16xf32, #tpu.memory_space<vmem>>) dst(%dma_wait3A_149 : memref<100352x16xf32, #tpu.memory_space<vmem_shared>>)
        tpu.yield
      }) : () -> ()
      %run_scoped3A_130 = arith.constant 5 : i32
      "tpu.region"() ({
        %run_scoped3A_133 = tpu.sem_alloc : memref<!tpu.dma_semaphore, #tpu.memory_space<semaphore_mem>>
        %dma_start3A = arith.constant 0 : i32
        %dma_start3A_134 = arith.constant 0 : i32
        %dma_start3A_135 = tpu.memref_slice %arg5[%dma_start3A, %dma_start3A_134] : memref<784x16xf32, #tpu.memory_space<vmem>> -> memref<128x16xf32, #tpu.memory_space<vmem>>
        %dma_start3A_136 = arith.constant 0 : i32
        %dma_start3A_137 = tpu.memref_slice %arg7[%run_scoped3A_130, %dma_start3A_136] : memref<8x128xi32, #tpu.memory_space<vmem>> -> memref<1x128xi32, #tpu.memory_space<vmem>>
        %dma_start3A_138 = tpu.memref_squeeze %dma_start3A_137 : memref<1x128xi32, #tpu.memory_space<vmem>> -> memref<128xi32, #tpu.memory_space<vmem>>
        %dma_start3A_139 = arith.constant 0 : i32
        %dma_start3A_140 = arith.constant 0 : i32
        %dma_start3A_141 = tpu.memref_slice %arg4[%dma_start3A_139, %dma_start3A_140] : memref<100352x16xf32, #tpu.memory_space<vmem_shared>> -> memref<100352x16xf32, #tpu.memory_space<vmem_shared>>
        tpu.enqueue_indirect_dma source(%dma_start3A_135 : memref<128x16xf32, #tpu.memory_space<vmem>>) target(%dma_start3A_141 : memref<100352x16xf32, #tpu.memory_space<vmem_shared>>) offsets(%dma_start3A_138 : memref<128xi32, #tpu.memory_space<vmem>>) semaphore(%run_scoped3A_133 : memref<!tpu.dma_semaphore, #tpu.memory_space<semaphore_mem>>) {add = true}
        %dma_wait3A = arith.constant 0 : i32
        %dma_wait3A_142 = arith.constant 0 : i32
        %dma_wait3A_143 = tpu.memref_slice %arg5[%dma_wait3A, %dma_wait3A_142] : memref<784x16xf32, #tpu.memory_space<vmem>> -> memref<128x16xf32, #tpu.memory_space<vmem>>
        %dma_wait3A_144 = arith.constant 0 : i32
        %dma_wait3A_145 = tpu.memref_slice %arg7[%run_scoped3A_130, %dma_wait3A_144] : memref<8x128xi32, #tpu.memory_space<vmem>> -> memref<1x128xi32, #tpu.memory_space<vmem>>
        %dma_wait3A_146 = tpu.memref_squeeze %dma_wait3A_145 : memref<1x128xi32, #tpu.memory_space<vmem>> -> memref<128xi32, #tpu.memory_space<vmem>>
        %dma_wait3A_147 = arith.constant 0 : i32
        %dma_wait3A_148 = arith.constant 0 : i32
        %dma_wait3A_149 = tpu.memref_slice %arg4[%dma_wait3A_147, %dma_wait3A_148] : memref<100352x16xf32, #tpu.memory_space<vmem_shared>> -> memref<100352x16xf32, #tpu.memory_space<vmem_shared>>
        tpu.wait_indirect_dma semaphore(%run_scoped3A_133 : memref<!tpu.dma_semaphore, #tpu.memory_space<semaphore_mem>>) src(%dma_wait3A_143 : memref<128x16xf32, #tpu.memory_space<vmem>>) dst(%dma_wait3A_149 : memref<100352x16xf32, #tpu.memory_space<vmem_shared>>)
        tpu.yield
      }) : () -> ()
      %run_scoped3A_131 = arith.constant 6 : i32
      "tpu.region"() ({
        %run_scoped3A_133 = tpu.sem_alloc : memref<!tpu.dma_semaphore, #tpu.memory_space<semaphore_mem>>
        %dma_start3A = arith.constant 0 : i32
        %dma_start3A_134 = arith.constant 0 : i32
        %dma_start3A_135 = tpu.memref_slice %arg5[%dma_start3A, %dma_start3A_134] : memref<784x16xf32, #tpu.memory_space<vmem>> -> memref<128x16xf32, #tpu.memory_space<vmem>>
        %dma_start3A_136 = arith.constant 0 : i32
        %dma_start3A_137 = tpu.memref_slice %arg7[%run_scoped3A_131, %dma_start3A_136] : memref<8x128xi32, #tpu.memory_space<vmem>> -> memref<1x128xi32, #tpu.memory_space<vmem>>
        %dma_start3A_138 = tpu.memref_squeeze %dma_start3A_137 : memref<1x128xi32, #tpu.memory_space<vmem>> -> memref<128xi32, #tpu.memory_space<vmem>>
        %dma_start3A_139 = arith.constant 0 : i32
        %dma_start3A_140 = arith.constant 0 : i32
        %dma_start3A_141 = tpu.memref_slice %arg4[%dma_start3A_139, %dma_start3A_140] : memref<100352x16xf32, #tpu.memory_space<vmem_shared>> -> memref<100352x16xf32, #tpu.memory_space<vmem_shared>>
        tpu.enqueue_indirect_dma source(%dma_start3A_135 : memref<128x16xf32, #tpu.memory_space<vmem>>) target(%dma_start3A_141 : memref<100352x16xf32, #tpu.memory_space<vmem_shared>>) offsets(%dma_start3A_138 : memref<128xi32, #tpu.memory_space<vmem>>) semaphore(%run_scoped3A_133 : memref<!tpu.dma_semaphore, #tpu.memory_space<semaphore_mem>>) {add = true}
        %dma_wait3A = arith.constant 0 : i32
        %dma_wait3A_142 = arith.constant 0 : i32
        %dma_wait3A_143 = tpu.memref_slice %arg5[%dma_wait3A, %dma_wait3A_142] : memref<784x16xf32, #tpu.memory_space<vmem>> -> memref<128x16xf32, #tpu.memory_space<vmem>>
        %dma_wait3A_144 = arith.constant 0 : i32
        %dma_wait3A_145 = tpu.memref_slice %arg7[%run_scoped3A_131, %dma_wait3A_144] : memref<8x128xi32, #tpu.memory_space<vmem>> -> memref<1x128xi32, #tpu.memory_space<vmem>>
        %dma_wait3A_146 = tpu.memref_squeeze %dma_wait3A_145 : memref<1x128xi32, #tpu.memory_space<vmem>> -> memref<128xi32, #tpu.memory_space<vmem>>
        %dma_wait3A_147 = arith.constant 0 : i32
        %dma_wait3A_148 = arith.constant 0 : i32
        %dma_wait3A_149 = tpu.memref_slice %arg4[%dma_wait3A_147, %dma_wait3A_148] : memref<100352x16xf32, #tpu.memory_space<vmem_shared>> -> memref<100352x16xf32, #tpu.memory_space<vmem_shared>>
        tpu.wait_indirect_dma semaphore(%run_scoped3A_133 : memref<!tpu.dma_semaphore, #tpu.memory_space<semaphore_mem>>) src(%dma_wait3A_143 : memref<128x16xf32, #tpu.memory_space<vmem>>) dst(%dma_wait3A_149 : memref<100352x16xf32, #tpu.memory_space<vmem_shared>>)
        tpu.yield
      }) : () -> ()
      %run_scoped3A_132 = arith.constant 7 : i32
      "tpu.region"() ({
        %run_scoped3A_133 = tpu.sem_alloc : memref<!tpu.dma_semaphore, #tpu.memory_space<semaphore_mem>>
        %dma_start3A = arith.constant 0 : i32
        %dma_start3A_134 = arith.constant 0 : i32
        %dma_start3A_135 = tpu.memref_slice %arg5[%dma_start3A, %dma_start3A_134] : memref<784x16xf32, #tpu.memory_space<vmem>> -> memref<128x16xf32, #tpu.memory_space<vmem>>
        %dma_start3A_136 = arith.constant 0 : i32
        %dma_start3A_137 = tpu.memref_slice %arg7[%run_scoped3A_132, %dma_start3A_136] : memref<8x128xi32, #tpu.memory_space<vmem>> -> memref<1x128xi32, #tpu.memory_space<vmem>>
        %dma_start3A_138 = tpu.memref_squeeze %dma_start3A_137 : memref<1x128xi32, #tpu.memory_space<vmem>> -> memref<128xi32, #tpu.memory_space<vmem>>
        %dma_start3A_139 = arith.constant 0 : i32
        %dma_start3A_140 = arith.constant 0 : i32
        %dma_start3A_141 = tpu.memref_slice %arg4[%dma_start3A_139, %dma_start3A_140] : memref<100352x16xf32, #tpu.memory_space<vmem_shared>> -> memref<100352x16xf32, #tpu.memory_space<vmem_shared>>
        tpu.enqueue_indirect_dma source(%dma_start3A_135 : memref<128x16xf32, #tpu.memory_space<vmem>>) target(%dma_start3A_141 : memref<100352x16xf32, #tpu.memory_space<vmem_shared>>) offsets(%dma_start3A_138 : memref<128xi32, #tpu.memory_space<vmem>>) semaphore(%run_scoped3A_133 : memref<!tpu.dma_semaphore, #tpu.memory_space<semaphore_mem>>) {add = true}
        %dma_wait3A = arith.constant 0 : i32
        %dma_wait3A_142 = arith.constant 0 : i32
        %dma_wait3A_143 = tpu.memref_slice %arg5[%dma_wait3A, %dma_wait3A_142] : memref<784x16xf32, #tpu.memory_space<vmem>> -> memref<128x16xf32, #tpu.memory_space<vmem>>
        %dma_wait3A_144 = arith.constant 0 : i32
        %dma_wait3A_145 = tpu.memref_slice %arg7[%run_scoped3A_132, %dma_wait3A_144] : memref<8x128xi32, #tpu.memory_space<vmem>> -> memref<1x128xi32, #tpu.memory_space<vmem>>
        %dma_wait3A_146 = tpu.memref_squeeze %dma_wait3A_145 : memref<1x128xi32, #tpu.memory_space<vmem>> -> memref<128xi32, #tpu.memory_space<vmem>>
        %dma_wait3A_147 = arith.constant 0 : i32
        %dma_wait3A_148 = arith.constant 0 : i32
        %dma_wait3A_149 = tpu.memref_slice %arg4[%dma_wait3A_147, %dma_wait3A_148] : memref<100352x16xf32, #tpu.memory_space<vmem_shared>> -> memref<100352x16xf32, #tpu.memory_space<vmem_shared>>
        tpu.wait_indirect_dma semaphore(%run_scoped3A_133 : memref<!tpu.dma_semaphore, #tpu.memory_space<semaphore_mem>>) src(%dma_wait3A_143 : memref<128x16xf32, #tpu.memory_space<vmem>>) dst(%dma_wait3A_149 : memref<100352x16xf32, #tpu.memory_space<vmem_shared>>)
        tpu.yield
      }) : () -> ()
    }
    %scan3A_44 = arith.constant 49 : i32
    %barrier3A_45 = arith.constant 0 : index
    tpu.barrier barrier_id(%barrier3A_45)
    %iota3A = tpu.iota {dimensions = array<i32: 0>} : vector<16xi32>
    %broadcast_in_dim3A_46 = arith.constant 0 : i32
    %broadcast_in_dim3A_47 = vector.broadcast %broadcast_in_dim3A_46 : i32 to vector<16xi32>
    %mul3A_48 = arith.constant 6272 : i32
    %mul3A_49 = arith.muli %arg1, %mul3A_48 : i32
    %add3A_50 = arith.constant 0 : i32
    %add3A_51 = arith.addi %mul3A_49, %add3A_50 : i32
    "tpu.region"() ({
      %run_scoped3A = tpu.sem_alloc : memref<!tpu.dma_semaphore, #tpu.memory_space<semaphore_mem>>
      %dma_start3A = arith.constant 0 : i32
      %dma_start3A_122 = tpu.memref_slice %arg4[%add3A_51, %dma_start3A] : memref<100352x16xf32, #tpu.memory_space<vmem_shared>> -> memref<784x16xf32, #tpu.memory_space<vmem_shared>>
      %dma_start3A_123 = arith.constant 0 : i32
      %dma_start3A_124 = tpu.memref_slice %arg4[%add3A_51, %dma_start3A_123] : memref<100352x16xf32, #tpu.memory_space<vmem_shared>> -> memref<784x16xf32, #tpu.memory_space<vmem_shared>>
      tpu.enqueue_dma source(%dma_start3A_124 : memref<784x16xf32, #tpu.memory_space<vmem_shared>>) target(%arg5 : memref<784x16xf32, #tpu.memory_space<vmem>>) target_semaphore(%run_scoped3A : memref<!tpu.dma_semaphore, #tpu.memory_space<semaphore_mem>>)
      %dma_wait3A = arith.constant 0 : i32
      %dma_wait3A_125 = tpu.memref_slice %arg4[%add3A_51, %dma_wait3A] : memref<100352x16xf32, #tpu.memory_space<vmem_shared>> -> memref<784x16xf32, #tpu.memory_space<vmem_shared>>
      %dma_wait3A_126 = arith.constant 0 : i32
      %dma_wait3A_127 = tpu.memref_slice %arg4[%add3A_51, %dma_wait3A_126] : memref<100352x16xf32, #tpu.memory_space<vmem_shared>> -> memref<784x16xf32, #tpu.memory_space<vmem_shared>>
      tpu.wait_dma2 semaphore(%run_scoped3A : memref<!tpu.dma_semaphore, #tpu.memory_space<semaphore_mem>>) src(%dma_wait3A_127 : memref<784x16xf32, #tpu.memory_space<vmem_shared>>) dst(%arg5 : memref<784x16xf32, #tpu.memory_space<vmem>>)
      tpu.yield
    }) : () -> ()
    %scan3A_52 = arith.constant 0 : i32
    %scan3A_53 = arith.constant 49 : i32
    %scan3A_54 = arith.addi %scan3A_52, %scan3A_53 : i32
    %scan3A_55 = arith.constant 1 : i32
    scf.for %scan3A_122 = %scan3A_52 to %scan3A_54 step %scan3A_55  : i32 {
      %mul3A_123 = arith.constant 16 : i32
      %mul3A_124 = arith.muli %scan3A_122, %mul3A_123 : i32
      %add3A_125 = vector.broadcast %mul3A_124 : i32 to vector<16xi32>
      %add3A_126 = arith.addi %add3A_125, %iota3A : vector<16xi32>
      %gather3A = tpu.vector_load_idx %arg5[%add3A_126, %broadcast_in_dim3A_47] : memref<784x16xf32, #tpu.memory_space<vmem>>[vector<16xi32>, vector<16xi32>], vector<16xf32>,
      %mul3A_127 = arith.constant 16 : i32
      %mul3A_128 = arith.muli %scan3A_122, %mul3A_127 : i32
      %add3A_129 = arith.constant 0 : i32
      %add3A_130 = arith.addi %add3A_129, %mul3A_128 : i32
      %swap3A = arith.index_cast %add3A_130 : i32 to index
      %swap3A_131 = tpu.vector_load %arg6[%swap3A] {strides = array<i32>} : memref<6272xf32, #tpu.memory_space<vmem>>, vector<16xf32>,
      tpu.vector_store %arg6[%swap3A], %gather3A {strides = array<i32>} : memref<6272xf32, #tpu.memory_space<vmem>>, vector<16xf32>,
    }
    %scan3A_56 = arith.constant 49 : i32
    %mul3A_57 = arith.constant 6272 : i32
    %mul3A_58 = arith.muli %arg1, %mul3A_57 : i32
    %add3A_59 = arith.constant 784 : i32
    %add3A_60 = arith.addi %mul3A_58, %add3A_59 : i32
    "tpu.region"() ({
      %run_scoped3A = tpu.sem_alloc : memref<!tpu.dma_semaphore, #tpu.memory_space<semaphore_mem>>
      %dma_start3A = arith.constant 0 : i32
      %dma_start3A_122 = tpu.memref_slice %arg4[%add3A_60, %dma_start3A] : memref<100352x16xf32, #tpu.memory_space<vmem_shared>> -> memref<784x16xf32, #tpu.memory_space<vmem_shared>>
      %dma_start3A_123 = arith.constant 0 : i32
      %dma_start3A_124 = tpu.memref_slice %arg4[%add3A_60, %dma_start3A_123] : memref<100352x16xf32, #tpu.memory_space<vmem_shared>> -> memref<784x16xf32, #tpu.memory_space<vmem_shared>>
      tpu.enqueue_dma source(%dma_start3A_124 : memref<784x16xf32, #tpu.memory_space<vmem_shared>>) target(%arg5 : memref<784x16xf32, #tpu.memory_space<vmem>>) target_semaphore(%run_scoped3A : memref<!tpu.dma_semaphore, #tpu.memory_space<semaphore_mem>>)
      %dma_wait3A = arith.constant 0 : i32
      %dma_wait3A_125 = tpu.memref_slice %arg4[%add3A_60, %dma_wait3A] : memref<100352x16xf32, #tpu.memory_space<vmem_shared>> -> memref<784x16xf32, #tpu.memory_space<vmem_shared>>
      %dma_wait3A_126 = arith.constant 0 : i32
      %dma_wait3A_127 = tpu.memref_slice %arg4[%add3A_60, %dma_wait3A_126] : memref<100352x16xf32, #tpu.memory_space<vmem_shared>> -> memref<784x16xf32, #tpu.memory_space<vmem_shared>>
      tpu.wait_dma2 semaphore(%run_scoped3A : memref<!tpu.dma_semaphore, #tpu.memory_space<semaphore_mem>>) src(%dma_wait3A_127 : memref<784x16xf32, #tpu.memory_space<vmem_shared>>) dst(%arg5 : memref<784x16xf32, #tpu.memory_space<vmem>>)
      tpu.yield
    }) : () -> ()
    %scan3A_61 = arith.constant 0 : i32
    %scan3A_62 = arith.constant 49 : i32
    %scan3A_63 = arith.addi %scan3A_61, %scan3A_62 : i32
    %scan3A_64 = arith.constant 1 : i32
    scf.for %scan3A_122 = %scan3A_61 to %scan3A_63 step %scan3A_64  : i32 {
      %mul3A_123 = arith.constant 16 : i32
      %mul3A_124 = arith.muli %scan3A_122, %mul3A_123 : i32
      %add3A_125 = vector.broadcast %mul3A_124 : i32 to vector<16xi32>
      %add3A_126 = arith.addi %add3A_125, %iota3A : vector<16xi32>
      %gather3A = tpu.vector_load_idx %arg5[%add3A_126, %broadcast_in_dim3A_47] : memref<784x16xf32, #tpu.memory_space<vmem>>[vector<16xi32>, vector<16xi32>], vector<16xf32>,
      %mul3A_127 = arith.constant 16 : i32
      %mul3A_128 = arith.muli %scan3A_122, %mul3A_127 : i32
      %add3A_129 = arith.constant 784 : i32
      %add3A_130 = arith.addi %add3A_129, %mul3A_128 : i32
      %swap3A = arith.index_cast %add3A_130 : i32 to index
      %swap3A_131 = tpu.vector_load %arg6[%swap3A] {strides = array<i32>} : memref<6272xf32, #tpu.memory_space<vmem>>, vector<16xf32>,
      tpu.vector_store %arg6[%swap3A], %gather3A {strides = array<i32>} : memref<6272xf32, #tpu.memory_space<vmem>>, vector<16xf32>,
    }
    %scan3A_65 = arith.constant 49 : i32
    %mul3A_66 = arith.constant 6272 : i32
    %mul3A_67 = arith.muli %arg1, %mul3A_66 : i32
    %add3A_68 = arith.constant 1568 : i32
    %add3A_69 = arith.addi %mul3A_67, %add3A_68 : i32
    "tpu.region"() ({
      %run_scoped3A = tpu.sem_alloc : memref<!tpu.dma_semaphore, #tpu.memory_space<semaphore_mem>>
      %dma_start3A = arith.constant 0 : i32
      %dma_start3A_122 = tpu.memref_slice %arg4[%add3A_69, %dma_start3A] : memref<100352x16xf32, #tpu.memory_space<vmem_shared>> -> memref<784x16xf32, #tpu.memory_space<vmem_shared>>
      %dma_start3A_123 = arith.constant 0 : i32
      %dma_start3A_124 = tpu.memref_slice %arg4[%add3A_69, %dma_start3A_123] : memref<100352x16xf32, #tpu.memory_space<vmem_shared>> -> memref<784x16xf32, #tpu.memory_space<vmem_shared>>
      tpu.enqueue_dma source(%dma_start3A_124 : memref<784x16xf32, #tpu.memory_space<vmem_shared>>) target(%arg5 : memref<784x16xf32, #tpu.memory_space<vmem>>) target_semaphore(%run_scoped3A : memref<!tpu.dma_semaphore, #tpu.memory_space<semaphore_mem>>)
      %dma_wait3A = arith.constant 0 : i32
      %dma_wait3A_125 = tpu.memref_slice %arg4[%add3A_69, %dma_wait3A] : memref<100352x16xf32, #tpu.memory_space<vmem_shared>> -> memref<784x16xf32, #tpu.memory_space<vmem_shared>>
      %dma_wait3A_126 = arith.constant 0 : i32
      %dma_wait3A_127 = tpu.memref_slice %arg4[%add3A_69, %dma_wait3A_126] : memref<100352x16xf32, #tpu.memory_space<vmem_shared>> -> memref<784x16xf32, #tpu.memory_space<vmem_shared>>
      tpu.wait_dma2 semaphore(%run_scoped3A : memref<!tpu.dma_semaphore, #tpu.memory_space<semaphore_mem>>) src(%dma_wait3A_127 : memref<784x16xf32, #tpu.memory_space<vmem_shared>>) dst(%arg5 : memref<784x16xf32, #tpu.memory_space<vmem>>)
      tpu.yield
    }) : () -> ()
    %scan3A_70 = arith.constant 0 : i32
    %scan3A_71 = arith.constant 49 : i32
    %scan3A_72 = arith.addi %scan3A_70, %scan3A_71 : i32
    %scan3A_73 = arith.constant 1 : i32
    scf.for %scan3A_122 = %scan3A_70 to %scan3A_72 step %scan3A_73  : i32 {
      %mul3A_123 = arith.constant 16 : i32
      %mul3A_124 = arith.muli %scan3A_122, %mul3A_123 : i32
      %add3A_125 = vector.broadcast %mul3A_124 : i32 to vector<16xi32>
      %add3A_126 = arith.addi %add3A_125, %iota3A : vector<16xi32>
      %gather3A = tpu.vector_load_idx %arg5[%add3A_126, %broadcast_in_dim3A_47] : memref<784x16xf32, #tpu.memory_space<vmem>>[vector<16xi32>, vector<16xi32>], vector<16xf32>,
      %mul3A_127 = arith.constant 16 : i32
      %mul3A_128 = arith.muli %scan3A_122, %mul3A_127 : i32
      %add3A_129 = arith.constant 1568 : i32
      %add3A_130 = arith.addi %add3A_129, %mul3A_128 : i32
      %swap3A = arith.index_cast %add3A_130 : i32 to index
      %swap3A_131 = tpu.vector_load %arg6[%swap3A] {strides = array<i32>} : memref<6272xf32, #tpu.memory_space<vmem>>, vector<16xf32>,
      tpu.vector_store %arg6[%swap3A], %gather3A {strides = array<i32>} : memref<6272xf32, #tpu.memory_space<vmem>>, vector<16xf32>,
    }
    %scan3A_74 = arith.constant 49 : i32
    %mul3A_75 = arith.constant 6272 : i32
    %mul3A_76 = arith.muli %arg1, %mul3A_75 : i32
    %add3A_77 = arith.constant 2352 : i32
    %add3A_78 = arith.addi %mul3A_76, %add3A_77 : i32
    "tpu.region"() ({
      %run_scoped3A = tpu.sem_alloc : memref<!tpu.dma_semaphore, #tpu.memory_space<semaphore_mem>>
      %dma_start3A = arith.constant 0 : i32
      %dma_start3A_122 = tpu.memref_slice %arg4[%add3A_78, %dma_start3A] : memref<100352x16xf32, #tpu.memory_space<vmem_shared>> -> memref<784x16xf32, #tpu.memory_space<vmem_shared>>
      %dma_start3A_123 = arith.constant 0 : i32
      %dma_start3A_124 = tpu.memref_slice %arg4[%add3A_78, %dma_start3A_123] : memref<100352x16xf32, #tpu.memory_space<vmem_shared>> -> memref<784x16xf32, #tpu.memory_space<vmem_shared>>
      tpu.enqueue_dma source(%dma_start3A_124 : memref<784x16xf32, #tpu.memory_space<vmem_shared>>) target(%arg5 : memref<784x16xf32, #tpu.memory_space<vmem>>) target_semaphore(%run_scoped3A : memref<!tpu.dma_semaphore, #tpu.memory_space<semaphore_mem>>)
      %dma_wait3A = arith.constant 0 : i32
      %dma_wait3A_125 = tpu.memref_slice %arg4[%add3A_78, %dma_wait3A] : memref<100352x16xf32, #tpu.memory_space<vmem_shared>> -> memref<784x16xf32, #tpu.memory_space<vmem_shared>>
      %dma_wait3A_126 = arith.constant 0 : i32
      %dma_wait3A_127 = tpu.memref_slice %arg4[%add3A_78, %dma_wait3A_126] : memref<100352x16xf32, #tpu.memory_space<vmem_shared>> -> memref<784x16xf32, #tpu.memory_space<vmem_shared>>
      tpu.wait_dma2 semaphore(%run_scoped3A : memref<!tpu.dma_semaphore, #tpu.memory_space<semaphore_mem>>) src(%dma_wait3A_127 : memref<784x16xf32, #tpu.memory_space<vmem_shared>>) dst(%arg5 : memref<784x16xf32, #tpu.memory_space<vmem>>)
      tpu.yield
    }) : () -> ()
    %scan3A_79 = arith.constant 0 : i32
    %scan3A_80 = arith.constant 49 : i32
    %scan3A_81 = arith.addi %scan3A_79, %scan3A_80 : i32
    %scan3A_82 = arith.constant 1 : i32
    scf.for %scan3A_122 = %scan3A_79 to %scan3A_81 step %scan3A_82  : i32 {
      %mul3A_123 = arith.constant 16 : i32
      %mul3A_124 = arith.muli %scan3A_122, %mul3A_123 : i32
      %add3A_125 = vector.broadcast %mul3A_124 : i32 to vector<16xi32>
      %add3A_126 = arith.addi %add3A_125, %iota3A : vector<16xi32>
      %gather3A = tpu.vector_load_idx %arg5[%add3A_126, %broadcast_in_dim3A_47] : memref<784x16xf32, #tpu.memory_space<vmem>>[vector<16xi32>, vector<16xi32>], vector<16xf32>,
      %mul3A_127 = arith.constant 16 : i32
      %mul3A_128 = arith.muli %scan3A_122, %mul3A_127 : i32
      %add3A_129 = arith.constant 2352 : i32
      %add3A_130 = arith.addi %add3A_129, %mul3A_128 : i32
      %swap3A = arith.index_cast %add3A_130 : i32 to index
      %swap3A_131 = tpu.vector_load %arg6[%swap3A] {strides = array<i32>} : memref<6272xf32, #tpu.memory_space<vmem>>, vector<16xf32>,
      tpu.vector_store %arg6[%swap3A], %gather3A {strides = array<i32>} : memref<6272xf32, #tpu.memory_space<vmem>>, vector<16xf32>,
    }
    %scan3A_83 = arith.constant 49 : i32
    %mul3A_84 = arith.constant 6272 : i32
    %mul3A_85 = arith.muli %arg1, %mul3A_84 : i32
    %add3A_86 = arith.constant 3136 : i32
    %add3A_87 = arith.addi %mul3A_85, %add3A_86 : i32
    "tpu.region"() ({
      %run_scoped3A = tpu.sem_alloc : memref<!tpu.dma_semaphore, #tpu.memory_space<semaphore_mem>>
      %dma_start3A = arith.constant 0 : i32
      %dma_start3A_122 = tpu.memref_slice %arg4[%add3A_87, %dma_start3A] : memref<100352x16xf32, #tpu.memory_space<vmem_shared>> -> memref<784x16xf32, #tpu.memory_space<vmem_shared>>
      %dma_start3A_123 = arith.constant 0 : i32
      %dma_start3A_124 = tpu.memref_slice %arg4[%add3A_87, %dma_start3A_123] : memref<100352x16xf32, #tpu.memory_space<vmem_shared>> -> memref<784x16xf32, #tpu.memory_space<vmem_shared>>
      tpu.enqueue_dma source(%dma_start3A_124 : memref<784x16xf32, #tpu.memory_space<vmem_shared>>) target(%arg5 : memref<784x16xf32, #tpu.memory_space<vmem>>) target_semaphore(%run_scoped3A : memref<!tpu.dma_semaphore, #tpu.memory_space<semaphore_mem>>)
      %dma_wait3A = arith.constant 0 : i32
      %dma_wait3A_125 = tpu.memref_slice %arg4[%add3A_87, %dma_wait3A] : memref<100352x16xf32, #tpu.memory_space<vmem_shared>> -> memref<784x16xf32, #tpu.memory_space<vmem_shared>>
      %dma_wait3A_126 = arith.constant 0 : i32
      %dma_wait3A_127 = tpu.memref_slice %arg4[%add3A_87, %dma_wait3A_126] : memref<100352x16xf32, #tpu.memory_space<vmem_shared>> -> memref<784x16xf32, #tpu.memory_space<vmem_shared>>
      tpu.wait_dma2 semaphore(%run_scoped3A : memref<!tpu.dma_semaphore, #tpu.memory_space<semaphore_mem>>) src(%dma_wait3A_127 : memref<784x16xf32, #tpu.memory_space<vmem_shared>>) dst(%arg5 : memref<784x16xf32, #tpu.memory_space<vmem>>)
      tpu.yield
    }) : () -> ()
    %scan3A_88 = arith.constant 0 : i32
    %scan3A_89 = arith.constant 49 : i32
    %scan3A_90 = arith.addi %scan3A_88, %scan3A_89 : i32
    %scan3A_91 = arith.constant 1 : i32
    scf.for %scan3A_122 = %scan3A_88 to %scan3A_90 step %scan3A_91  : i32 {
      %mul3A_123 = arith.constant 16 : i32
      %mul3A_124 = arith.muli %scan3A_122, %mul3A_123 : i32
      %add3A_125 = vector.broadcast %mul3A_124 : i32 to vector<16xi32>
      %add3A_126 = arith.addi %add3A_125, %iota3A : vector<16xi32>
      %gather3A = tpu.vector_load_idx %arg5[%add3A_126, %broadcast_in_dim3A_47] : memref<784x16xf32, #tpu.memory_space<vmem>>[vector<16xi32>, vector<16xi32>], vector<16xf32>,
      %mul3A_127 = arith.constant 16 : i32
      %mul3A_128 = arith.muli %scan3A_122, %mul3A_127 : i32
      %add3A_129 = arith.constant 3136 : i32
      %add3A_130 = arith.addi %add3A_129, %mul3A_128 : i32
      %swap3A = arith.index_cast %add3A_130 : i32 to index
      %swap3A_131 = tpu.vector_load %arg6[%swap3A] {strides = array<i32>} : memref<6272xf32, #tpu.memory_space<vmem>>, vector<16xf32>,
      tpu.vector_store %arg6[%swap3A], %gather3A {strides = array<i32>} : memref<6272xf32, #tpu.memory_space<vmem>>, vector<16xf32>,
    }
    %scan3A_92 = arith.constant 49 : i32
    %mul3A_93 = arith.constant 6272 : i32
    %mul3A_94 = arith.muli %arg1, %mul3A_93 : i32
    %add3A_95 = arith.constant 3920 : i32
    %add3A_96 = arith.addi %mul3A_94, %add3A_95 : i32
    "tpu.region"() ({
      %run_scoped3A = tpu.sem_alloc : memref<!tpu.dma_semaphore, #tpu.memory_space<semaphore_mem>>
      %dma_start3A = arith.constant 0 : i32
      %dma_start3A_122 = tpu.memref_slice %arg4[%add3A_96, %dma_start3A] : memref<100352x16xf32, #tpu.memory_space<vmem_shared>> -> memref<784x16xf32, #tpu.memory_space<vmem_shared>>
      %dma_start3A_123 = arith.constant 0 : i32
      %dma_start3A_124 = tpu.memref_slice %arg4[%add3A_96, %dma_start3A_123] : memref<100352x16xf32, #tpu.memory_space<vmem_shared>> -> memref<784x16xf32, #tpu.memory_space<vmem_shared>>
      tpu.enqueue_dma source(%dma_start3A_124 : memref<784x16xf32, #tpu.memory_space<vmem_shared>>) target(%arg5 : memref<784x16xf32, #tpu.memory_space<vmem>>) target_semaphore(%run_scoped3A : memref<!tpu.dma_semaphore, #tpu.memory_space<semaphore_mem>>)
      %dma_wait3A = arith.constant 0 : i32
      %dma_wait3A_125 = tpu.memref_slice %arg4[%add3A_96, %dma_wait3A] : memref<100352x16xf32, #tpu.memory_space<vmem_shared>> -> memref<784x16xf32, #tpu.memory_space<vmem_shared>>
      %dma_wait3A_126 = arith.constant 0 : i32
      %dma_wait3A_127 = tpu.memref_slice %arg4[%add3A_96, %dma_wait3A_126] : memref<100352x16xf32, #tpu.memory_space<vmem_shared>> -> memref<784x16xf32, #tpu.memory_space<vmem_shared>>
      tpu.wait_dma2 semaphore(%run_scoped3A : memref<!tpu.dma_semaphore, #tpu.memory_space<semaphore_mem>>) src(%dma_wait3A_127 : memref<784x16xf32, #tpu.memory_space<vmem_shared>>) dst(%arg5 : memref<784x16xf32, #tpu.memory_space<vmem>>)
      tpu.yield
    }) : () -> ()
    %scan3A_97 = arith.constant 0 : i32
    %scan3A_98 = arith.constant 49 : i32
    %scan3A_99 = arith.addi %scan3A_97, %scan3A_98 : i32
    %scan3A_100 = arith.constant 1 : i32
    scf.for %scan3A_122 = %scan3A_97 to %scan3A_99 step %scan3A_100  : i32 {
      %mul3A_123 = arith.constant 16 : i32
      %mul3A_124 = arith.muli %scan3A_122, %mul3A_123 : i32
      %add3A_125 = vector.broadcast %mul3A_124 : i32 to vector<16xi32>
      %add3A_126 = arith.addi %add3A_125, %iota3A : vector<16xi32>
      %gather3A = tpu.vector_load_idx %arg5[%add3A_126, %broadcast_in_dim3A_47] : memref<784x16xf32, #tpu.memory_space<vmem>>[vector<16xi32>, vector<16xi32>], vector<16xf32>,
      %mul3A_127 = arith.constant 16 : i32
      %mul3A_128 = arith.muli %scan3A_122, %mul3A_127 : i32
      %add3A_129 = arith.constant 3920 : i32
      %add3A_130 = arith.addi %add3A_129, %mul3A_128 : i32
      %swap3A = arith.index_cast %add3A_130 : i32 to index
      %swap3A_131 = tpu.vector_load %arg6[%swap3A] {strides = array<i32>} : memref<6272xf32, #tpu.memory_space<vmem>>, vector<16xf32>,
      tpu.vector_store %arg6[%swap3A], %gather3A {strides = array<i32>} : memref<6272xf32, #tpu.memory_space<vmem>>, vector<16xf32>,
    }
    %scan3A_101 = arith.constant 49 : i32
    %mul3A_102 = arith.constant 6272 : i32
    %mul3A_103 = arith.muli %arg1, %mul3A_102 : i32
    %add3A_104 = arith.constant 4704 : i32
    %add3A_105 = arith.addi %mul3A_103, %add3A_104 : i32
    "tpu.region"() ({
      %run_scoped3A = tpu.sem_alloc : memref<!tpu.dma_semaphore, #tpu.memory_space<semaphore_mem>>
      %dma_start3A = arith.constant 0 : i32
      %dma_start3A_122 = tpu.memref_slice %arg4[%add3A_105, %dma_start3A] : memref<100352x16xf32, #tpu.memory_space<vmem_shared>> -> memref<784x16xf32, #tpu.memory_space<vmem_shared>>
      %dma_start3A_123 = arith.constant 0 : i32
      %dma_start3A_124 = tpu.memref_slice %arg4[%add3A_105, %dma_start3A_123] : memref<100352x16xf32, #tpu.memory_space<vmem_shared>> -> memref<784x16xf32, #tpu.memory_space<vmem_shared>>
      tpu.enqueue_dma source(%dma_start3A_124 : memref<784x16xf32, #tpu.memory_space<vmem_shared>>) target(%arg5 : memref<784x16xf32, #tpu.memory_space<vmem>>) target_semaphore(%run_scoped3A : memref<!tpu.dma_semaphore, #tpu.memory_space<semaphore_mem>>)
      %dma_wait3A = arith.constant 0 : i32
      %dma_wait3A_125 = tpu.memref_slice %arg4[%add3A_105, %dma_wait3A] : memref<100352x16xf32, #tpu.memory_space<vmem_shared>> -> memref<784x16xf32, #tpu.memory_space<vmem_shared>>
      %dma_wait3A_126 = arith.constant 0 : i32
      %dma_wait3A_127 = tpu.memref_slice %arg4[%add3A_105, %dma_wait3A_126] : memref<100352x16xf32, #tpu.memory_space<vmem_shared>> -> memref<784x16xf32, #tpu.memory_space<vmem_shared>>
      tpu.wait_dma2 semaphore(%run_scoped3A : memref<!tpu.dma_semaphore, #tpu.memory_space<semaphore_mem>>) src(%dma_wait3A_127 : memref<784x16xf32, #tpu.memory_space<vmem_shared>>) dst(%arg5 : memref<784x16xf32, #tpu.memory_space<vmem>>)
      tpu.yield
    }) : () -> ()
    %scan3A_106 = arith.constant 0 : i32
    %scan3A_107 = arith.constant 49 : i32
    %scan3A_108 = arith.addi %scan3A_106, %scan3A_107 : i32
    %scan3A_109 = arith.constant 1 : i32
    scf.for %scan3A_122 = %scan3A_106 to %scan3A_108 step %scan3A_109  : i32 {
      %mul3A_123 = arith.constant 16 : i32
      %mul3A_124 = arith.muli %scan3A_122, %mul3A_123 : i32
      %add3A_125 = vector.broadcast %mul3A_124 : i32 to vector<16xi32>
      %add3A_126 = arith.addi %add3A_125, %iota3A : vector<16xi32>
      %gather3A = tpu.vector_load_idx %arg5[%add3A_126, %broadcast_in_dim3A_47] : memref<784x16xf32, #tpu.memory_space<vmem>>[vector<16xi32>, vector<16xi32>], vector<16xf32>,
      %mul3A_127 = arith.constant 16 : i32
      %mul3A_128 = arith.muli %scan3A_122, %mul3A_127 : i32
      %add3A_129 = arith.constant 4704 : i32
      %add3A_130 = arith.addi %add3A_129, %mul3A_128 : i32
      %swap3A = arith.index_cast %add3A_130 : i32 to index
      %swap3A_131 = tpu.vector_load %arg6[%swap3A] {strides = array<i32>} : memref<6272xf32, #tpu.memory_space<vmem>>, vector<16xf32>,
      tpu.vector_store %arg6[%swap3A], %gather3A {strides = array<i32>} : memref<6272xf32, #tpu.memory_space<vmem>>, vector<16xf32>,
    }
    %scan3A_110 = arith.constant 49 : i32
    %mul3A_111 = arith.constant 6272 : i32
    %mul3A_112 = arith.muli %arg1, %mul3A_111 : i32
    %add3A_113 = arith.constant 5488 : i32
    %add3A_114 = arith.addi %mul3A_112, %add3A_113 : i32
    "tpu.region"() ({
      %run_scoped3A = tpu.sem_alloc : memref<!tpu.dma_semaphore, #tpu.memory_space<semaphore_mem>>
      %dma_start3A = arith.constant 0 : i32
      %dma_start3A_122 = tpu.memref_slice %arg4[%add3A_114, %dma_start3A] : memref<100352x16xf32, #tpu.memory_space<vmem_shared>> -> memref<784x16xf32, #tpu.memory_space<vmem_shared>>
      %dma_start3A_123 = arith.constant 0 : i32
      %dma_start3A_124 = tpu.memref_slice %arg4[%add3A_114, %dma_start3A_123] : memref<100352x16xf32, #tpu.memory_space<vmem_shared>> -> memref<784x16xf32, #tpu.memory_space<vmem_shared>>
      tpu.enqueue_dma source(%dma_start3A_124 : memref<784x16xf32, #tpu.memory_space<vmem_shared>>) target(%arg5 : memref<784x16xf32, #tpu.memory_space<vmem>>) target_semaphore(%run_scoped3A : memref<!tpu.dma_semaphore, #tpu.memory_space<semaphore_mem>>)
      %dma_wait3A = arith.constant 0 : i32
      %dma_wait3A_125 = tpu.memref_slice %arg4[%add3A_114, %dma_wait3A] : memref<100352x16xf32, #tpu.memory_space<vmem_shared>> -> memref<784x16xf32, #tpu.memory_space<vmem_shared>>
      %dma_wait3A_126 = arith.constant 0 : i32
      %dma_wait3A_127 = tpu.memref_slice %arg4[%add3A_114, %dma_wait3A_126] : memref<100352x16xf32, #tpu.memory_space<vmem_shared>> -> memref<784x16xf32, #tpu.memory_space<vmem_shared>>
      tpu.wait_dma2 semaphore(%run_scoped3A : memref<!tpu.dma_semaphore, #tpu.memory_space<semaphore_mem>>) src(%dma_wait3A_127 : memref<784x16xf32, #tpu.memory_space<vmem_shared>>) dst(%arg5 : memref<784x16xf32, #tpu.memory_space<vmem>>)
      tpu.yield
    }) : () -> ()
    %scan3A_115 = arith.constant 0 : i32
    %scan3A_116 = arith.constant 49 : i32
    %scan3A_117 = arith.addi %scan3A_115, %scan3A_116 : i32
    %scan3A_118 = arith.constant 1 : i32
    scf.for %scan3A_122 = %scan3A_115 to %scan3A_117 step %scan3A_118  : i32 {
      %mul3A_123 = arith.constant 16 : i32
      %mul3A_124 = arith.muli %scan3A_122, %mul3A_123 : i32
      %add3A_125 = vector.broadcast %mul3A_124 : i32 to vector<16xi32>
      %add3A_126 = arith.addi %add3A_125, %iota3A : vector<16xi32>
      %gather3A = tpu.vector_load_idx %arg5[%add3A_126, %broadcast_in_dim3A_47] : memref<784x16xf32, #tpu.memory_space<vmem>>[vector<16xi32>, vector<16xi32>], vector<16xf32>,
      %mul3A_127 = arith.constant 16 : i32
      %mul3A_128 = arith.muli %scan3A_122, %mul3A_127 : i32
      %add3A_129 = arith.constant 5488 : i32
      %add3A_130 = arith.addi %add3A_129, %mul3A_128 : i32
      %swap3A = arith.index_cast %add3A_130 : i32 to index
      %swap3A_131 = tpu.vector_load %arg6[%swap3A] {strides = array<i32>} : memref<6272xf32, #tpu.memory_space<vmem>>, vector<16xf32>,
      tpu.vector_store %arg6[%swap3A], %gather3A {strides = array<i32>} : memref<6272xf32, #tpu.memory_space<vmem>>, vector<16xf32>,
    }
    %scan3A_119 = arith.constant 49 : i32
    %mul3A_120 = arith.constant 6272 : i32
    %mul3A_121 = arith.muli %arg1, %mul3A_120 : i32
    "tpu.region"() ({
      %run_scoped3A = tpu.sem_alloc : memref<!tpu.dma_semaphore, #tpu.memory_space<semaphore_mem>>
      %dma_start3A = tpu.memref_slice %arg3[%arg0, %mul3A_121] : memref<2x100352xf32, #tpu.memory_space<hbm>> -> memref<1x6272xf32, #tpu.memory_space<hbm>>
      %dma_start3A_122 = tpu.memref_squeeze %dma_start3A : memref<1x6272xf32, #tpu.memory_space<hbm>> -> memref<6272xf32, #tpu.memory_space<hbm>>
      %dma_start3A_123 = tpu.memref_slice %arg3[%arg0, %mul3A_121] : memref<2x100352xf32, #tpu.memory_space<hbm>> -> memref<1x6272xf32, #tpu.memory_space<hbm>>
      %dma_start3A_124 = tpu.memref_squeeze %dma_start3A_123 : memref<1x6272xf32, #tpu.memory_space<hbm>> -> memref<6272xf32, #tpu.memory_space<hbm>>
      tpu.enqueue_dma source(%arg6 : memref<6272xf32, #tpu.memory_space<vmem>>) target(%dma_start3A_124 : memref<6272xf32, #tpu.memory_space<hbm>>) target_semaphore(%run_scoped3A : memref<!tpu.dma_semaphore, #tpu.memory_space<semaphore_mem>>)
      %dma_wait3A = tpu.memref_slice %arg3[%arg0, %mul3A_121] : memref<2x100352xf32, #tpu.memory_space<hbm>> -> memref<1x6272xf32, #tpu.memory_space<hbm>>
      %dma_wait3A_125 = tpu.memref_squeeze %dma_wait3A : memref<1x6272xf32, #tpu.memory_space<hbm>> -> memref<6272xf32, #tpu.memory_space<hbm>>
      %dma_wait3A_126 = tpu.memref_slice %arg3[%arg0, %mul3A_121] : memref<2x100352xf32, #tpu.memory_space<hbm>> -> memref<1x6272xf32, #tpu.memory_space<hbm>>
      %dma_wait3A_127 = tpu.memref_squeeze %dma_wait3A_126 : memref<1x6272xf32, #tpu.memory_space<hbm>> -> memref<6272xf32, #tpu.memory_space<hbm>>
      tpu.wait_dma2 semaphore(%run_scoped3A : memref<!tpu.dma_semaphore, #tpu.memory_space<semaphore_mem>>) src(%arg6 : memref<6272xf32, #tpu.memory_space<vmem>>) dst(%dma_wait3A_127 : memref<6272xf32, #tpu.memory_space<hbm>>)
      tpu.yield
    }) : () -> ()
    return
  }
}

#map = affine_map<(d0, d1) -> (0, 0)>
module attributes {stable_mosaic.version = 14 : i64} {
  func.func @_segsum_kernel(%arg0: i32, %arg1: i32, %arg2: memref<401408x16xf32, #tpu.memory_space<hbm>>, %arg3: memref<12544x128xi32, #tpu.memory_space<hbm>>, %arg4: memref<12544x128xi32, #tpu.memory_space<hbm>>, %arg5: memref<401408x16xf32, #tpu.memory_space<hbm>>, %arg6: memref<100352x16xf32, #tpu.memory_space<vmem_shared>>, %arg7: memref<8x128xi32, #tpu.memory_space<vmem>>, %arg8: memref<8x128xi32, #tpu.memory_space<vmem>>, %arg9: memref<8x128x16xf32, #tpu.memory_space<vmem>>, %arg10: memref<!tpu.dma_semaphore, #tpu.memory_space<semaphore_mem>>) attributes {dimension_semantics = [#tpu.dimension_semantics<core_parallel>, #tpu.dimension_semantics<subcore_parallel>], iteration_bounds = array<i64: 2, 16>, scalar_prefetch = 0 : i64, scratch_operands = 5 : i64, tpu.core_type = #tpu.core_type<sc_vector_subcore>, window_params = [{transform_indices = #map}, {transform_indices = #map}, {transform_indices = #map}, {transform_indices = #map}]} {
    %mul3A = arith.constant 2 : i32
    %mul3A_0 = arith.muli %arg0, %mul3A : i32
    %add3A = arith.constant 0 : i32
    %add3A_1 = arith.addi %mul3A_0, %add3A : i32
    %mul3A_2 = arith.constant 100352 : i32
    %mul3A_3 = arith.muli %add3A_1, %mul3A_2 : i32
    %mul3A_4 = arith.constant 6272 : i32
    %mul3A_5 = arith.muli %arg1, %mul3A_4 : i32
    %add3A_6 = arith.addi %mul3A_3, %mul3A_5 : i32
    %mul3A_7 = arith.constant 6272 : i32
    %mul3A_8 = arith.muli %arg1, %mul3A_7 : i32
    "tpu.region"() ({
      %run_scoped3A = tpu.sem_alloc : memref<!tpu.dma_semaphore, #tpu.memory_space<semaphore_mem>>
      %dma_start3A = arith.constant 0 : i32
      %dma_start3A_44 = tpu.memref_slice %arg6[%mul3A_8, %dma_start3A] : memref<100352x16xf32, #tpu.memory_space<vmem_shared>> -> memref<6272x16xf32, #tpu.memory_space<vmem_shared>>
      %dma_start3A_45 = arith.constant 0 : i32
      %dma_start3A_46 = tpu.memref_slice %arg2[%add3A_6, %dma_start3A_45] : memref<401408x16xf32, #tpu.memory_space<hbm>> -> memref<6272x16xf32, #tpu.memory_space<hbm>>
      tpu.enqueue_dma source(%dma_start3A_46 : memref<6272x16xf32, #tpu.memory_space<hbm>>) target(%dma_start3A_44 : memref<6272x16xf32, #tpu.memory_space<vmem_shared>>) target_semaphore(%run_scoped3A : memref<!tpu.dma_semaphore, #tpu.memory_space<semaphore_mem>>)
      %dma_wait3A = arith.constant 0 : i32
      %dma_wait3A_47 = tpu.memref_slice %arg6[%mul3A_8, %dma_wait3A] : memref<100352x16xf32, #tpu.memory_space<vmem_shared>> -> memref<6272x16xf32, #tpu.memory_space<vmem_shared>>
      %dma_wait3A_48 = arith.constant 0 : i32
      %dma_wait3A_49 = tpu.memref_slice %arg2[%add3A_6, %dma_wait3A_48] : memref<401408x16xf32, #tpu.memory_space<hbm>> -> memref<6272x16xf32, #tpu.memory_space<hbm>>
      tpu.wait_dma2 semaphore(%run_scoped3A : memref<!tpu.dma_semaphore, #tpu.memory_space<semaphore_mem>>) src(%dma_wait3A_49 : memref<6272x16xf32, #tpu.memory_space<hbm>>) dst(%dma_wait3A_47 : memref<6272x16xf32, #tpu.memory_space<vmem_shared>>)
      tpu.yield
    }) : () -> ()
    %barrier3A = arith.constant 0 : index
    tpu.barrier barrier_id(%barrier3A)
    %scan3A = arith.constant 0 : i32
    %scan3A_9 = arith.constant 98 : i32
    %scan3A_10 = arith.addi %scan3A, %scan3A_9 : i32
    %scan3A_11 = arith.constant 1 : i32
    scf.for %scan3A_44 = %scan3A to %scan3A_10 step %scan3A_11  : i32 {
      %mul3A_45 = arith.constant 784 : i32
      %mul3A_46 = arith.muli %arg1, %mul3A_45 : i32
      %mul3A_47 = arith.constant 8 : i32
      %mul3A_48 = arith.muli %scan3A_44, %mul3A_47 : i32
      %add3A_49 = arith.addi %mul3A_46, %mul3A_48 : i32
      "tpu.region"() ({
        %run_scoped3A_893 = tpu.sem_alloc : memref<!tpu.dma_semaphore, #tpu.memory_space<semaphore_mem>>
        %dma_start3A_894 = arith.constant 0 : i32
        %dma_start3A_895 = tpu.memref_slice %arg3[%add3A_49, %dma_start3A_894] : memref<12544x128xi32, #tpu.memory_space<hbm>> -> memref<8x128xi32, #tpu.memory_space<hbm>>
        %dma_start3A_896 = arith.constant 0 : i32
        %dma_start3A_897 = tpu.memref_slice %arg3[%add3A_49, %dma_start3A_896] : memref<12544x128xi32, #tpu.memory_space<hbm>> -> memref<8x128xi32, #tpu.memory_space<hbm>>
        tpu.enqueue_dma source(%dma_start3A_897 : memref<8x128xi32, #tpu.memory_space<hbm>>) target(%arg7 : memref<8x128xi32, #tpu.memory_space<vmem>>) target_semaphore(%run_scoped3A_893 : memref<!tpu.dma_semaphore, #tpu.memory_space<semaphore_mem>>)
        %dma_wait3A_898 = arith.constant 0 : i32
        %dma_wait3A_899 = tpu.memref_slice %arg3[%add3A_49, %dma_wait3A_898] : memref<12544x128xi32, #tpu.memory_space<hbm>> -> memref<8x128xi32, #tpu.memory_space<hbm>>
        %dma_wait3A_900 = arith.constant 0 : i32
        %dma_wait3A_901 = tpu.memref_slice %arg3[%add3A_49, %dma_wait3A_900] : memref<12544x128xi32, #tpu.memory_space<hbm>> -> memref<8x128xi32, #tpu.memory_space<hbm>>
        tpu.wait_dma2 semaphore(%run_scoped3A_893 : memref<!tpu.dma_semaphore, #tpu.memory_space<semaphore_mem>>) src(%dma_wait3A_901 : memref<8x128xi32, #tpu.memory_space<hbm>>) dst(%arg7 : memref<8x128xi32, #tpu.memory_space<vmem>>)
        tpu.yield
      }) : () -> ()
      "tpu.region"() ({
        %run_scoped3A_893 = tpu.sem_alloc : memref<!tpu.dma_semaphore, #tpu.memory_space<semaphore_mem>>
        %dma_start3A_894 = arith.constant 0 : i32
        %dma_start3A_895 = tpu.memref_slice %arg4[%add3A_49, %dma_start3A_894] : memref<12544x128xi32, #tpu.memory_space<hbm>> -> memref<8x128xi32, #tpu.memory_space<hbm>>
        %dma_start3A_896 = arith.constant 0 : i32
        %dma_start3A_897 = tpu.memref_slice %arg4[%add3A_49, %dma_start3A_896] : memref<12544x128xi32, #tpu.memory_space<hbm>> -> memref<8x128xi32, #tpu.memory_space<hbm>>
        tpu.enqueue_dma source(%dma_start3A_897 : memref<8x128xi32, #tpu.memory_space<hbm>>) target(%arg8 : memref<8x128xi32, #tpu.memory_space<vmem>>) target_semaphore(%run_scoped3A_893 : memref<!tpu.dma_semaphore, #tpu.memory_space<semaphore_mem>>)
        %dma_wait3A_898 = arith.constant 0 : i32
        %dma_wait3A_899 = tpu.memref_slice %arg4[%add3A_49, %dma_wait3A_898] : memref<12544x128xi32, #tpu.memory_space<hbm>> -> memref<8x128xi32, #tpu.memory_space<hbm>>
        %dma_wait3A_900 = arith.constant 0 : i32
        %dma_wait3A_901 = tpu.memref_slice %arg4[%add3A_49, %dma_wait3A_900] : memref<12544x128xi32, #tpu.memory_space<hbm>> -> memref<8x128xi32, #tpu.memory_space<hbm>>
        tpu.wait_dma2 semaphore(%run_scoped3A_893 : memref<!tpu.dma_semaphore, #tpu.memory_space<semaphore_mem>>) src(%dma_wait3A_901 : memref<8x128xi32, #tpu.memory_space<hbm>>) dst(%arg8 : memref<8x128xi32, #tpu.memory_space<vmem>>)
        tpu.yield
      }) : () -> ()
      %get3A = arith.constant 0 : i32
      %get3A_50 = arith.index_cast %get3A : i32 to index
      %get3A_51 = arith.constant 0 : index
      %get3A_52 = tpu.vector_load %arg7[%get3A_50, %get3A_51] {strides = array<i32>} : memref<8x128xi32, #tpu.memory_space<vmem>>, vector<16xi32>,
      %add3A_53 = vector.broadcast %mul3A_3 : i32 to vector<16xi32>
      %add3A_54 = arith.addi %get3A_52, %add3A_53 : vector<16xi32>
      %swap3A = arith.constant 0 : i32
      %swap3A_55 = arith.index_cast %swap3A : i32 to index
      %swap3A_56 = arith.constant 0 : index
      %swap3A_57 = tpu.vector_load %arg7[%swap3A_55, %swap3A_56] {strides = array<i32>} : memref<8x128xi32, #tpu.memory_space<vmem>>, vector<16xi32>,
      tpu.vector_store %arg7[%swap3A_55, %swap3A_56], %add3A_54 {strides = array<i32>} : memref<8x128xi32, #tpu.memory_space<vmem>>, vector<16xi32>,
      %get3A_58 = arith.constant 0 : i32
      %get3A_59 = arith.index_cast %get3A_58 : i32 to index
      %get3A_60 = arith.constant 16 : index
      %get3A_61 = tpu.vector_load %arg7[%get3A_59, %get3A_60] {strides = array<i32>} : memref<8x128xi32, #tpu.memory_space<vmem>>, vector<16xi32>,
      %add3A_62 = vector.broadcast %mul3A_3 : i32 to vector<16xi32>
      %add3A_63 = arith.addi %get3A_61, %add3A_62 : vector<16xi32>
      %swap3A_64 = arith.constant 0 : i32
      %swap3A_65 = arith.index_cast %swap3A_64 : i32 to index
      %swap3A_66 = arith.constant 16 : index
      %swap3A_67 = tpu.vector_load %arg7[%swap3A_65, %swap3A_66] {strides = array<i32>} : memref<8x128xi32, #tpu.memory_space<vmem>>, vector<16xi32>,
      tpu.vector_store %arg7[%swap3A_65, %swap3A_66], %add3A_63 {strides = array<i32>} : memref<8x128xi32, #tpu.memory_space<vmem>>, vector<16xi32>,
      %get3A_68 = arith.constant 0 : i32
      %get3A_69 = arith.index_cast %get3A_68 : i32 to index
      %get3A_70 = arith.constant 32 : index
      %get3A_71 = tpu.vector_load %arg7[%get3A_69, %get3A_70] {strides = array<i32>} : memref<8x128xi32, #tpu.memory_space<vmem>>, vector<16xi32>,
      %add3A_72 = vector.broadcast %mul3A_3 : i32 to vector<16xi32>
      %add3A_73 = arith.addi %get3A_71, %add3A_72 : vector<16xi32>
      %swap3A_74 = arith.constant 0 : i32
      %swap3A_75 = arith.index_cast %swap3A_74 : i32 to index
      %swap3A_76 = arith.constant 32 : index
      %swap3A_77 = tpu.vector_load %arg7[%swap3A_75, %swap3A_76] {strides = array<i32>} : memref<8x128xi32, #tpu.memory_space<vmem>>, vector<16xi32>,
      tpu.vector_store %arg7[%swap3A_75, %swap3A_76], %add3A_73 {strides = array<i32>} : memref<8x128xi32, #tpu.memory_space<vmem>>, vector<16xi32>,
      %get3A_78 = arith.constant 0 : i32
      %get3A_79 = arith.index_cast %get3A_78 : i32 to index
      %get3A_80 = arith.constant 48 : index
      %get3A_81 = tpu.vector_load %arg7[%get3A_79, %get3A_80] {strides = array<i32>} : memref<8x128xi32, #tpu.memory_space<vmem>>, vector<16xi32>,
      %add3A_82 = vector.broadcast %mul3A_3 : i32 to vector<16xi32>
      %add3A_83 = arith.addi %get3A_81, %add3A_82 : vector<16xi32>
      %swap3A_84 = arith.constant 0 : i32
      %swap3A_85 = arith.index_cast %swap3A_84 : i32 to index
      %swap3A_86 = arith.constant 48 : index
      %swap3A_87 = tpu.vector_load %arg7[%swap3A_85, %swap3A_86] {strides = array<i32>} : memref<8x128xi32, #tpu.memory_space<vmem>>, vector<16xi32>,
      tpu.vector_store %arg7[%swap3A_85, %swap3A_86], %add3A_83 {strides = array<i32>} : memref<8x128xi32, #tpu.memory_space<vmem>>, vector<16xi32>,
      %get3A_88 = arith.constant 0 : i32
      %get3A_89 = arith.index_cast %get3A_88 : i32 to index
      %get3A_90 = arith.constant 64 : index
      %get3A_91 = tpu.vector_load %arg7[%get3A_89, %get3A_90] {strides = array<i32>} : memref<8x128xi32, #tpu.memory_space<vmem>>, vector<16xi32>,
      %add3A_92 = vector.broadcast %mul3A_3 : i32 to vector<16xi32>
      %add3A_93 = arith.addi %get3A_91, %add3A_92 : vector<16xi32>
      %swap3A_94 = arith.constant 0 : i32
      %swap3A_95 = arith.index_cast %swap3A_94 : i32 to index
      %swap3A_96 = arith.constant 64 : index
      %swap3A_97 = tpu.vector_load %arg7[%swap3A_95, %swap3A_96] {strides = array<i32>} : memref<8x128xi32, #tpu.memory_space<vmem>>, vector<16xi32>,
      tpu.vector_store %arg7[%swap3A_95, %swap3A_96], %add3A_93 {strides = array<i32>} : memref<8x128xi32, #tpu.memory_space<vmem>>, vector<16xi32>,
      %get3A_98 = arith.constant 0 : i32
      %get3A_99 = arith.index_cast %get3A_98 : i32 to index
      %get3A_100 = arith.constant 80 : index
      %get3A_101 = tpu.vector_load %arg7[%get3A_99, %get3A_100] {strides = array<i32>} : memref<8x128xi32, #tpu.memory_space<vmem>>, vector<16xi32>,
      %add3A_102 = vector.broadcast %mul3A_3 : i32 to vector<16xi32>
      %add3A_103 = arith.addi %get3A_101, %add3A_102 : vector<16xi32>
      %swap3A_104 = arith.constant 0 : i32
      %swap3A_105 = arith.index_cast %swap3A_104 : i32 to index
      %swap3A_106 = arith.constant 80 : index
      %swap3A_107 = tpu.vector_load %arg7[%swap3A_105, %swap3A_106] {strides = array<i32>} : memref<8x128xi32, #tpu.memory_space<vmem>>, vector<16xi32>,
      tpu.vector_store %arg7[%swap3A_105, %swap3A_106], %add3A_103 {strides = array<i32>} : memref<8x128xi32, #tpu.memory_space<vmem>>, vector<16xi32>,
      %get3A_108 = arith.constant 0 : i32
      %get3A_109 = arith.index_cast %get3A_108 : i32 to index
      %get3A_110 = arith.constant 96 : index
      %get3A_111 = tpu.vector_load %arg7[%get3A_109, %get3A_110] {strides = array<i32>} : memref<8x128xi32, #tpu.memory_space<vmem>>, vector<16xi32>,
      %add3A_112 = vector.broadcast %mul3A_3 : i32 to vector<16xi32>
      %add3A_113 = arith.addi %get3A_111, %add3A_112 : vector<16xi32>
      %swap3A_114 = arith.constant 0 : i32
      %swap3A_115 = arith.index_cast %swap3A_114 : i32 to index
      %swap3A_116 = arith.constant 96 : index
      %swap3A_117 = tpu.vector_load %arg7[%swap3A_115, %swap3A_116] {strides = array<i32>} : memref<8x128xi32, #tpu.memory_space<vmem>>, vector<16xi32>,
      tpu.vector_store %arg7[%swap3A_115, %swap3A_116], %add3A_113 {strides = array<i32>} : memref<8x128xi32, #tpu.memory_space<vmem>>, vector<16xi32>,
      %get3A_118 = arith.constant 0 : i32
      %get3A_119 = arith.index_cast %get3A_118 : i32 to index
      %get3A_120 = arith.constant 112 : index
      %get3A_121 = tpu.vector_load %arg7[%get3A_119, %get3A_120] {strides = array<i32>} : memref<8x128xi32, #tpu.memory_space<vmem>>, vector<16xi32>,
      %add3A_122 = vector.broadcast %mul3A_3 : i32 to vector<16xi32>
      %add3A_123 = arith.addi %get3A_121, %add3A_122 : vector<16xi32>
      %swap3A_124 = arith.constant 0 : i32
      %swap3A_125 = arith.index_cast %swap3A_124 : i32 to index
      %swap3A_126 = arith.constant 112 : index
      %swap3A_127 = tpu.vector_load %arg7[%swap3A_125, %swap3A_126] {strides = array<i32>} : memref<8x128xi32, #tpu.memory_space<vmem>>, vector<16xi32>,
      tpu.vector_store %arg7[%swap3A_125, %swap3A_126], %add3A_123 {strides = array<i32>} : memref<8x128xi32, #tpu.memory_space<vmem>>, vector<16xi32>,
      %get3A_128 = arith.constant 1 : i32
      %get3A_129 = arith.index_cast %get3A_128 : i32 to index
      %get3A_130 = arith.constant 0 : index
      %get3A_131 = tpu.vector_load %arg7[%get3A_129, %get3A_130] {strides = array<i32>} : memref<8x128xi32, #tpu.memory_space<vmem>>, vector<16xi32>,
      %add3A_132 = vector.broadcast %mul3A_3 : i32 to vector<16xi32>
      %add3A_133 = arith.addi %get3A_131, %add3A_132 : vector<16xi32>
      %swap3A_134 = arith.constant 1 : i32
      %swap3A_135 = arith.index_cast %swap3A_134 : i32 to index
      %swap3A_136 = arith.constant 0 : index
      %swap3A_137 = tpu.vector_load %arg7[%swap3A_135, %swap3A_136] {strides = array<i32>} : memref<8x128xi32, #tpu.memory_space<vmem>>, vector<16xi32>,
      tpu.vector_store %arg7[%swap3A_135, %swap3A_136], %add3A_133 {strides = array<i32>} : memref<8x128xi32, #tpu.memory_space<vmem>>, vector<16xi32>,
      %get3A_138 = arith.constant 1 : i32
      %get3A_139 = arith.index_cast %get3A_138 : i32 to index
      %get3A_140 = arith.constant 16 : index
      %get3A_141 = tpu.vector_load %arg7[%get3A_139, %get3A_140] {strides = array<i32>} : memref<8x128xi32, #tpu.memory_space<vmem>>, vector<16xi32>,
      %add3A_142 = vector.broadcast %mul3A_3 : i32 to vector<16xi32>
      %add3A_143 = arith.addi %get3A_141, %add3A_142 : vector<16xi32>
      %swap3A_144 = arith.constant 1 : i32
      %swap3A_145 = arith.index_cast %swap3A_144 : i32 to index
      %swap3A_146 = arith.constant 16 : index
      %swap3A_147 = tpu.vector_load %arg7[%swap3A_145, %swap3A_146] {strides = array<i32>} : memref<8x128xi32, #tpu.memory_space<vmem>>, vector<16xi32>,
      tpu.vector_store %arg7[%swap3A_145, %swap3A_146], %add3A_143 {strides = array<i32>} : memref<8x128xi32, #tpu.memory_space<vmem>>, vector<16xi32>,
      %get3A_148 = arith.constant 1 : i32
      %get3A_149 = arith.index_cast %get3A_148 : i32 to index
      %get3A_150 = arith.constant 32 : index
      %get3A_151 = tpu.vector_load %arg7[%get3A_149, %get3A_150] {strides = array<i32>} : memref<8x128xi32, #tpu.memory_space<vmem>>, vector<16xi32>,
      %add3A_152 = vector.broadcast %mul3A_3 : i32 to vector<16xi32>
      %add3A_153 = arith.addi %get3A_151, %add3A_152 : vector<16xi32>
      %swap3A_154 = arith.constant 1 : i32
      %swap3A_155 = arith.index_cast %swap3A_154 : i32 to index
      %swap3A_156 = arith.constant 32 : index
      %swap3A_157 = tpu.vector_load %arg7[%swap3A_155, %swap3A_156] {strides = array<i32>} : memref<8x128xi32, #tpu.memory_space<vmem>>, vector<16xi32>,
      tpu.vector_store %arg7[%swap3A_155, %swap3A_156], %add3A_153 {strides = array<i32>} : memref<8x128xi32, #tpu.memory_space<vmem>>, vector<16xi32>,
      %get3A_158 = arith.constant 1 : i32
      %get3A_159 = arith.index_cast %get3A_158 : i32 to index
      %get3A_160 = arith.constant 48 : index
      %get3A_161 = tpu.vector_load %arg7[%get3A_159, %get3A_160] {strides = array<i32>} : memref<8x128xi32, #tpu.memory_space<vmem>>, vector<16xi32>,
      %add3A_162 = vector.broadcast %mul3A_3 : i32 to vector<16xi32>
      %add3A_163 = arith.addi %get3A_161, %add3A_162 : vector<16xi32>
      %swap3A_164 = arith.constant 1 : i32
      %swap3A_165 = arith.index_cast %swap3A_164 : i32 to index
      %swap3A_166 = arith.constant 48 : index
      %swap3A_167 = tpu.vector_load %arg7[%swap3A_165, %swap3A_166] {strides = array<i32>} : memref<8x128xi32, #tpu.memory_space<vmem>>, vector<16xi32>,
      tpu.vector_store %arg7[%swap3A_165, %swap3A_166], %add3A_163 {strides = array<i32>} : memref<8x128xi32, #tpu.memory_space<vmem>>, vector<16xi32>,
      %get3A_168 = arith.constant 1 : i32
      %get3A_169 = arith.index_cast %get3A_168 : i32 to index
      %get3A_170 = arith.constant 64 : index
      %get3A_171 = tpu.vector_load %arg7[%get3A_169, %get3A_170] {strides = array<i32>} : memref<8x128xi32, #tpu.memory_space<vmem>>, vector<16xi32>,
      %add3A_172 = vector.broadcast %mul3A_3 : i32 to vector<16xi32>
      %add3A_173 = arith.addi %get3A_171, %add3A_172 : vector<16xi32>
      %swap3A_174 = arith.constant 1 : i32
      %swap3A_175 = arith.index_cast %swap3A_174 : i32 to index
      %swap3A_176 = arith.constant 64 : index
      %swap3A_177 = tpu.vector_load %arg7[%swap3A_175, %swap3A_176] {strides = array<i32>} : memref<8x128xi32, #tpu.memory_space<vmem>>, vector<16xi32>,
      tpu.vector_store %arg7[%swap3A_175, %swap3A_176], %add3A_173 {strides = array<i32>} : memref<8x128xi32, #tpu.memory_space<vmem>>, vector<16xi32>,
      %get3A_178 = arith.constant 1 : i32
      %get3A_179 = arith.index_cast %get3A_178 : i32 to index
      %get3A_180 = arith.constant 80 : index
      %get3A_181 = tpu.vector_load %arg7[%get3A_179, %get3A_180] {strides = array<i32>} : memref<8x128xi32, #tpu.memory_space<vmem>>, vector<16xi32>,
      %add3A_182 = vector.broadcast %mul3A_3 : i32 to vector<16xi32>
      %add3A_183 = arith.addi %get3A_181, %add3A_182 : vector<16xi32>
      %swap3A_184 = arith.constant 1 : i32
      %swap3A_185 = arith.index_cast %swap3A_184 : i32 to index
      %swap3A_186 = arith.constant 80 : index
      %swap3A_187 = tpu.vector_load %arg7[%swap3A_185, %swap3A_186] {strides = array<i32>} : memref<8x128xi32, #tpu.memory_space<vmem>>, vector<16xi32>,
      tpu.vector_store %arg7[%swap3A_185, %swap3A_186], %add3A_183 {strides = array<i32>} : memref<8x128xi32, #tpu.memory_space<vmem>>, vector<16xi32>,
      %get3A_188 = arith.constant 1 : i32
      %get3A_189 = arith.index_cast %get3A_188 : i32 to index
      %get3A_190 = arith.constant 96 : index
      %get3A_191 = tpu.vector_load %arg7[%get3A_189, %get3A_190] {strides = array<i32>} : memref<8x128xi32, #tpu.memory_space<vmem>>, vector<16xi32>,
      %add3A_192 = vector.broadcast %mul3A_3 : i32 to vector<16xi32>
      %add3A_193 = arith.addi %get3A_191, %add3A_192 : vector<16xi32>
      %swap3A_194 = arith.constant 1 : i32
      %swap3A_195 = arith.index_cast %swap3A_194 : i32 to index
      %swap3A_196 = arith.constant 96 : index
      %swap3A_197 = tpu.vector_load %arg7[%swap3A_195, %swap3A_196] {strides = array<i32>} : memref<8x128xi32, #tpu.memory_space<vmem>>, vector<16xi32>,
      tpu.vector_store %arg7[%swap3A_195, %swap3A_196], %add3A_193 {strides = array<i32>} : memref<8x128xi32, #tpu.memory_space<vmem>>, vector<16xi32>,
      %get3A_198 = arith.constant 1 : i32
      %get3A_199 = arith.index_cast %get3A_198 : i32 to index
      %get3A_200 = arith.constant 112 : index
      %get3A_201 = tpu.vector_load %arg7[%get3A_199, %get3A_200] {strides = array<i32>} : memref<8x128xi32, #tpu.memory_space<vmem>>, vector<16xi32>,
      %add3A_202 = vector.broadcast %mul3A_3 : i32 to vector<16xi32>
      %add3A_203 = arith.addi %get3A_201, %add3A_202 : vector<16xi32>
      %swap3A_204 = arith.constant 1 : i32
      %swap3A_205 = arith.index_cast %swap3A_204 : i32 to index
      %swap3A_206 = arith.constant 112 : index
      %swap3A_207 = tpu.vector_load %arg7[%swap3A_205, %swap3A_206] {strides = array<i32>} : memref<8x128xi32, #tpu.memory_space<vmem>>, vector<16xi32>,
      tpu.vector_store %arg7[%swap3A_205, %swap3A_206], %add3A_203 {strides = array<i32>} : memref<8x128xi32, #tpu.memory_space<vmem>>, vector<16xi32>,
      %get3A_208 = arith.constant 2 : i32
      %get3A_209 = arith.index_cast %get3A_208 : i32 to index
      %get3A_210 = arith.constant 0 : index
      %get3A_211 = tpu.vector_load %arg7[%get3A_209, %get3A_210] {strides = array<i32>} : memref<8x128xi32, #tpu.memory_space<vmem>>, vector<16xi32>,
      %add3A_212 = vector.broadcast %mul3A_3 : i32 to vector<16xi32>
      %add3A_213 = arith.addi %get3A_211, %add3A_212 : vector<16xi32>
      %swap3A_214 = arith.constant 2 : i32
      %swap3A_215 = arith.index_cast %swap3A_214 : i32 to index
      %swap3A_216 = arith.constant 0 : index
      %swap3A_217 = tpu.vector_load %arg7[%swap3A_215, %swap3A_216] {strides = array<i32>} : memref<8x128xi32, #tpu.memory_space<vmem>>, vector<16xi32>,
      tpu.vector_store %arg7[%swap3A_215, %swap3A_216], %add3A_213 {strides = array<i32>} : memref<8x128xi32, #tpu.memory_space<vmem>>, vector<16xi32>,
      %get3A_218 = arith.constant 2 : i32
      %get3A_219 = arith.index_cast %get3A_218 : i32 to index
      %get3A_220 = arith.constant 16 : index
      %get3A_221 = tpu.vector_load %arg7[%get3A_219, %get3A_220] {strides = array<i32>} : memref<8x128xi32, #tpu.memory_space<vmem>>, vector<16xi32>,
      %add3A_222 = vector.broadcast %mul3A_3 : i32 to vector<16xi32>
      %add3A_223 = arith.addi %get3A_221, %add3A_222 : vector<16xi32>
      %swap3A_224 = arith.constant 2 : i32
      %swap3A_225 = arith.index_cast %swap3A_224 : i32 to index
      %swap3A_226 = arith.constant 16 : index
      %swap3A_227 = tpu.vector_load %arg7[%swap3A_225, %swap3A_226] {strides = array<i32>} : memref<8x128xi32, #tpu.memory_space<vmem>>, vector<16xi32>,
      tpu.vector_store %arg7[%swap3A_225, %swap3A_226], %add3A_223 {strides = array<i32>} : memref<8x128xi32, #tpu.memory_space<vmem>>, vector<16xi32>,
      %get3A_228 = arith.constant 2 : i32
      %get3A_229 = arith.index_cast %get3A_228 : i32 to index
      %get3A_230 = arith.constant 32 : index
      %get3A_231 = tpu.vector_load %arg7[%get3A_229, %get3A_230] {strides = array<i32>} : memref<8x128xi32, #tpu.memory_space<vmem>>, vector<16xi32>,
      %add3A_232 = vector.broadcast %mul3A_3 : i32 to vector<16xi32>
      %add3A_233 = arith.addi %get3A_231, %add3A_232 : vector<16xi32>
      %swap3A_234 = arith.constant 2 : i32
      %swap3A_235 = arith.index_cast %swap3A_234 : i32 to index
      %swap3A_236 = arith.constant 32 : index
      %swap3A_237 = tpu.vector_load %arg7[%swap3A_235, %swap3A_236] {strides = array<i32>} : memref<8x128xi32, #tpu.memory_space<vmem>>, vector<16xi32>,
      tpu.vector_store %arg7[%swap3A_235, %swap3A_236], %add3A_233 {strides = array<i32>} : memref<8x128xi32, #tpu.memory_space<vmem>>, vector<16xi32>,
      %get3A_238 = arith.constant 2 : i32
      %get3A_239 = arith.index_cast %get3A_238 : i32 to index
      %get3A_240 = arith.constant 48 : index
      %get3A_241 = tpu.vector_load %arg7[%get3A_239, %get3A_240] {strides = array<i32>} : memref<8x128xi32, #tpu.memory_space<vmem>>, vector<16xi32>,
      %add3A_242 = vector.broadcast %mul3A_3 : i32 to vector<16xi32>
      %add3A_243 = arith.addi %get3A_241, %add3A_242 : vector<16xi32>
      %swap3A_244 = arith.constant 2 : i32
      %swap3A_245 = arith.index_cast %swap3A_244 : i32 to index
      %swap3A_246 = arith.constant 48 : index
      %swap3A_247 = tpu.vector_load %arg7[%swap3A_245, %swap3A_246] {strides = array<i32>} : memref<8x128xi32, #tpu.memory_space<vmem>>, vector<16xi32>,
      tpu.vector_store %arg7[%swap3A_245, %swap3A_246], %add3A_243 {strides = array<i32>} : memref<8x128xi32, #tpu.memory_space<vmem>>, vector<16xi32>,
      %get3A_248 = arith.constant 2 : i32
      %get3A_249 = arith.index_cast %get3A_248 : i32 to index
      %get3A_250 = arith.constant 64 : index
      %get3A_251 = tpu.vector_load %arg7[%get3A_249, %get3A_250] {strides = array<i32>} : memref<8x128xi32, #tpu.memory_space<vmem>>, vector<16xi32>,
      %add3A_252 = vector.broadcast %mul3A_3 : i32 to vector<16xi32>
      %add3A_253 = arith.addi %get3A_251, %add3A_252 : vector<16xi32>
      %swap3A_254 = arith.constant 2 : i32
      %swap3A_255 = arith.index_cast %swap3A_254 : i32 to index
      %swap3A_256 = arith.constant 64 : index
      %swap3A_257 = tpu.vector_load %arg7[%swap3A_255, %swap3A_256] {strides = array<i32>} : memref<8x128xi32, #tpu.memory_space<vmem>>, vector<16xi32>,
      tpu.vector_store %arg7[%swap3A_255, %swap3A_256], %add3A_253 {strides = array<i32>} : memref<8x128xi32, #tpu.memory_space<vmem>>, vector<16xi32>,
      %get3A_258 = arith.constant 2 : i32
      %get3A_259 = arith.index_cast %get3A_258 : i32 to index
      %get3A_260 = arith.constant 80 : index
      %get3A_261 = tpu.vector_load %arg7[%get3A_259, %get3A_260] {strides = array<i32>} : memref<8x128xi32, #tpu.memory_space<vmem>>, vector<16xi32>,
      %add3A_262 = vector.broadcast %mul3A_3 : i32 to vector<16xi32>
      %add3A_263 = arith.addi %get3A_261, %add3A_262 : vector<16xi32>
      %swap3A_264 = arith.constant 2 : i32
      %swap3A_265 = arith.index_cast %swap3A_264 : i32 to index
      %swap3A_266 = arith.constant 80 : index
      %swap3A_267 = tpu.vector_load %arg7[%swap3A_265, %swap3A_266] {strides = array<i32>} : memref<8x128xi32, #tpu.memory_space<vmem>>, vector<16xi32>,
      tpu.vector_store %arg7[%swap3A_265, %swap3A_266], %add3A_263 {strides = array<i32>} : memref<8x128xi32, #tpu.memory_space<vmem>>, vector<16xi32>,
      %get3A_268 = arith.constant 2 : i32
      %get3A_269 = arith.index_cast %get3A_268 : i32 to index
      %get3A_270 = arith.constant 96 : index
      %get3A_271 = tpu.vector_load %arg7[%get3A_269, %get3A_270] {strides = array<i32>} : memref<8x128xi32, #tpu.memory_space<vmem>>, vector<16xi32>,
      %add3A_272 = vector.broadcast %mul3A_3 : i32 to vector<16xi32>
      %add3A_273 = arith.addi %get3A_271, %add3A_272 : vector<16xi32>
      %swap3A_274 = arith.constant 2 : i32
      %swap3A_275 = arith.index_cast %swap3A_274 : i32 to index
      %swap3A_276 = arith.constant 96 : index
      %swap3A_277 = tpu.vector_load %arg7[%swap3A_275, %swap3A_276] {strides = array<i32>} : memref<8x128xi32, #tpu.memory_space<vmem>>, vector<16xi32>,
      tpu.vector_store %arg7[%swap3A_275, %swap3A_276], %add3A_273 {strides = array<i32>} : memref<8x128xi32, #tpu.memory_space<vmem>>, vector<16xi32>,
      %get3A_278 = arith.constant 2 : i32
      %get3A_279 = arith.index_cast %get3A_278 : i32 to index
      %get3A_280 = arith.constant 112 : index
      %get3A_281 = tpu.vector_load %arg7[%get3A_279, %get3A_280] {strides = array<i32>} : memref<8x128xi32, #tpu.memory_space<vmem>>, vector<16xi32>,
      %add3A_282 = vector.broadcast %mul3A_3 : i32 to vector<16xi32>
      %add3A_283 = arith.addi %get3A_281, %add3A_282 : vector<16xi32>
      %swap3A_284 = arith.constant 2 : i32
      %swap3A_285 = arith.index_cast %swap3A_284 : i32 to index
      %swap3A_286 = arith.constant 112 : index
      %swap3A_287 = tpu.vector_load %arg7[%swap3A_285, %swap3A_286] {strides = array<i32>} : memref<8x128xi32, #tpu.memory_space<vmem>>, vector<16xi32>,
      tpu.vector_store %arg7[%swap3A_285, %swap3A_286], %add3A_283 {strides = array<i32>} : memref<8x128xi32, #tpu.memory_space<vmem>>, vector<16xi32>,
      %get3A_288 = arith.constant 3 : i32
      %get3A_289 = arith.index_cast %get3A_288 : i32 to index
      %get3A_290 = arith.constant 0 : index
      %get3A_291 = tpu.vector_load %arg7[%get3A_289, %get3A_290] {strides = array<i32>} : memref<8x128xi32, #tpu.memory_space<vmem>>, vector<16xi32>,
      %add3A_292 = vector.broadcast %mul3A_3 : i32 to vector<16xi32>
      %add3A_293 = arith.addi %get3A_291, %add3A_292 : vector<16xi32>
      %swap3A_294 = arith.constant 3 : i32
      %swap3A_295 = arith.index_cast %swap3A_294 : i32 to index
      %swap3A_296 = arith.constant 0 : index
      %swap3A_297 = tpu.vector_load %arg7[%swap3A_295, %swap3A_296] {strides = array<i32>} : memref<8x128xi32, #tpu.memory_space<vmem>>, vector<16xi32>,
      tpu.vector_store %arg7[%swap3A_295, %swap3A_296], %add3A_293 {strides = array<i32>} : memref<8x128xi32, #tpu.memory_space<vmem>>, vector<16xi32>,
      %get3A_298 = arith.constant 3 : i32
      %get3A_299 = arith.index_cast %get3A_298 : i32 to index
      %get3A_300 = arith.constant 16 : index
      %get3A_301 = tpu.vector_load %arg7[%get3A_299, %get3A_300] {strides = array<i32>} : memref<8x128xi32, #tpu.memory_space<vmem>>, vector<16xi32>,
      %add3A_302 = vector.broadcast %mul3A_3 : i32 to vector<16xi32>
      %add3A_303 = arith.addi %get3A_301, %add3A_302 : vector<16xi32>
      %swap3A_304 = arith.constant 3 : i32
      %swap3A_305 = arith.index_cast %swap3A_304 : i32 to index
      %swap3A_306 = arith.constant 16 : index
      %swap3A_307 = tpu.vector_load %arg7[%swap3A_305, %swap3A_306] {strides = array<i32>} : memref<8x128xi32, #tpu.memory_space<vmem>>, vector<16xi32>,
      tpu.vector_store %arg7[%swap3A_305, %swap3A_306], %add3A_303 {strides = array<i32>} : memref<8x128xi32, #tpu.memory_space<vmem>>, vector<16xi32>,
      %get3A_308 = arith.constant 3 : i32
      %get3A_309 = arith.index_cast %get3A_308 : i32 to index
      %get3A_310 = arith.constant 32 : index
      %get3A_311 = tpu.vector_load %arg7[%get3A_309, %get3A_310] {strides = array<i32>} : memref<8x128xi32, #tpu.memory_space<vmem>>, vector<16xi32>,
      %add3A_312 = vector.broadcast %mul3A_3 : i32 to vector<16xi32>
      %add3A_313 = arith.addi %get3A_311, %add3A_312 : vector<16xi32>
      %swap3A_314 = arith.constant 3 : i32
      %swap3A_315 = arith.index_cast %swap3A_314 : i32 to index
      %swap3A_316 = arith.constant 32 : index
      %swap3A_317 = tpu.vector_load %arg7[%swap3A_315, %swap3A_316] {strides = array<i32>} : memref<8x128xi32, #tpu.memory_space<vmem>>, vector<16xi32>,
      tpu.vector_store %arg7[%swap3A_315, %swap3A_316], %add3A_313 {strides = array<i32>} : memref<8x128xi32, #tpu.memory_space<vmem>>, vector<16xi32>,
      %get3A_318 = arith.constant 3 : i32
      %get3A_319 = arith.index_cast %get3A_318 : i32 to index
      %get3A_320 = arith.constant 48 : index
      %get3A_321 = tpu.vector_load %arg7[%get3A_319, %get3A_320] {strides = array<i32>} : memref<8x128xi32, #tpu.memory_space<vmem>>, vector<16xi32>,
      %add3A_322 = vector.broadcast %mul3A_3 : i32 to vector<16xi32>
      %add3A_323 = arith.addi %get3A_321, %add3A_322 : vector<16xi32>
      %swap3A_324 = arith.constant 3 : i32
      %swap3A_325 = arith.index_cast %swap3A_324 : i32 to index
      %swap3A_326 = arith.constant 48 : index
      %swap3A_327 = tpu.vector_load %arg7[%swap3A_325, %swap3A_326] {strides = array<i32>} : memref<8x128xi32, #tpu.memory_space<vmem>>, vector<16xi32>,
      tpu.vector_store %arg7[%swap3A_325, %swap3A_326], %add3A_323 {strides = array<i32>} : memref<8x128xi32, #tpu.memory_space<vmem>>, vector<16xi32>,
      %get3A_328 = arith.constant 3 : i32
      %get3A_329 = arith.index_cast %get3A_328 : i32 to index
      %get3A_330 = arith.constant 64 : index
      %get3A_331 = tpu.vector_load %arg7[%get3A_329, %get3A_330] {strides = array<i32>} : memref<8x128xi32, #tpu.memory_space<vmem>>, vector<16xi32>,
      %add3A_332 = vector.broadcast %mul3A_3 : i32 to vector<16xi32>
      %add3A_333 = arith.addi %get3A_331, %add3A_332 : vector<16xi32>
      %swap3A_334 = arith.constant 3 : i32
      %swap3A_335 = arith.index_cast %swap3A_334 : i32 to index
      %swap3A_336 = arith.constant 64 : index
      %swap3A_337 = tpu.vector_load %arg7[%swap3A_335, %swap3A_336] {strides = array<i32>} : memref<8x128xi32, #tpu.memory_space<vmem>>, vector<16xi32>,
      tpu.vector_store %arg7[%swap3A_335, %swap3A_336], %add3A_333 {strides = array<i32>} : memref<8x128xi32, #tpu.memory_space<vmem>>, vector<16xi32>,
      %get3A_338 = arith.constant 3 : i32
      %get3A_339 = arith.index_cast %get3A_338 : i32 to index
      %get3A_340 = arith.constant 80 : index
      %get3A_341 = tpu.vector_load %arg7[%get3A_339, %get3A_340] {strides = array<i32>} : memref<8x128xi32, #tpu.memory_space<vmem>>, vector<16xi32>,
      %add3A_342 = vector.broadcast %mul3A_3 : i32 to vector<16xi32>
      %add3A_343 = arith.addi %get3A_341, %add3A_342 : vector<16xi32>
      %swap3A_344 = arith.constant 3 : i32
      %swap3A_345 = arith.index_cast %swap3A_344 : i32 to index
      %swap3A_346 = arith.constant 80 : index
      %swap3A_347 = tpu.vector_load %arg7[%swap3A_345, %swap3A_346] {strides = array<i32>} : memref<8x128xi32, #tpu.memory_space<vmem>>, vector<16xi32>,
      tpu.vector_store %arg7[%swap3A_345, %swap3A_346], %add3A_343 {strides = array<i32>} : memref<8x128xi32, #tpu.memory_space<vmem>>, vector<16xi32>,
      %get3A_348 = arith.constant 3 : i32
      %get3A_349 = arith.index_cast %get3A_348 : i32 to index
      %get3A_350 = arith.constant 96 : index
      %get3A_351 = tpu.vector_load %arg7[%get3A_349, %get3A_350] {strides = array<i32>} : memref<8x128xi32, #tpu.memory_space<vmem>>, vector<16xi32>,
      %add3A_352 = vector.broadcast %mul3A_3 : i32 to vector<16xi32>
      %add3A_353 = arith.addi %get3A_351, %add3A_352 : vector<16xi32>
      %swap3A_354 = arith.constant 3 : i32
      %swap3A_355 = arith.index_cast %swap3A_354 : i32 to index
      %swap3A_356 = arith.constant 96 : index
      %swap3A_357 = tpu.vector_load %arg7[%swap3A_355, %swap3A_356] {strides = array<i32>} : memref<8x128xi32, #tpu.memory_space<vmem>>, vector<16xi32>,
      tpu.vector_store %arg7[%swap3A_355, %swap3A_356], %add3A_353 {strides = array<i32>} : memref<8x128xi32, #tpu.memory_space<vmem>>, vector<16xi32>,
      %get3A_358 = arith.constant 3 : i32
      %get3A_359 = arith.index_cast %get3A_358 : i32 to index
      %get3A_360 = arith.constant 112 : index
      %get3A_361 = tpu.vector_load %arg7[%get3A_359, %get3A_360] {strides = array<i32>} : memref<8x128xi32, #tpu.memory_space<vmem>>, vector<16xi32>,
      %add3A_362 = vector.broadcast %mul3A_3 : i32 to vector<16xi32>
      %add3A_363 = arith.addi %get3A_361, %add3A_362 : vector<16xi32>
      %swap3A_364 = arith.constant 3 : i32
      %swap3A_365 = arith.index_cast %swap3A_364 : i32 to index
      %swap3A_366 = arith.constant 112 : index
      %swap3A_367 = tpu.vector_load %arg7[%swap3A_365, %swap3A_366] {strides = array<i32>} : memref<8x128xi32, #tpu.memory_space<vmem>>, vector<16xi32>,
      tpu.vector_store %arg7[%swap3A_365, %swap3A_366], %add3A_363 {strides = array<i32>} : memref<8x128xi32, #tpu.memory_space<vmem>>, vector<16xi32>,
      %get3A_368 = arith.constant 4 : i32
      %get3A_369 = arith.index_cast %get3A_368 : i32 to index
      %get3A_370 = arith.constant 0 : index
      %get3A_371 = tpu.vector_load %arg7[%get3A_369, %get3A_370] {strides = array<i32>} : memref<8x128xi32, #tpu.memory_space<vmem>>, vector<16xi32>,
      %add3A_372 = vector.broadcast %mul3A_3 : i32 to vector<16xi32>
      %add3A_373 = arith.addi %get3A_371, %add3A_372 : vector<16xi32>
      %swap3A_374 = arith.constant 4 : i32
      %swap3A_375 = arith.index_cast %swap3A_374 : i32 to index
      %swap3A_376 = arith.constant 0 : index
      %swap3A_377 = tpu.vector_load %arg7[%swap3A_375, %swap3A_376] {strides = array<i32>} : memref<8x128xi32, #tpu.memory_space<vmem>>, vector<16xi32>,
      tpu.vector_store %arg7[%swap3A_375, %swap3A_376], %add3A_373 {strides = array<i32>} : memref<8x128xi32, #tpu.memory_space<vmem>>, vector<16xi32>,
      %get3A_378 = arith.constant 4 : i32
      %get3A_379 = arith.index_cast %get3A_378 : i32 to index
      %get3A_380 = arith.constant 16 : index
      %get3A_381 = tpu.vector_load %arg7[%get3A_379, %get3A_380] {strides = array<i32>} : memref<8x128xi32, #tpu.memory_space<vmem>>, vector<16xi32>,
      %add3A_382 = vector.broadcast %mul3A_3 : i32 to vector<16xi32>
      %add3A_383 = arith.addi %get3A_381, %add3A_382 : vector<16xi32>
      %swap3A_384 = arith.constant 4 : i32
      %swap3A_385 = arith.index_cast %swap3A_384 : i32 to index
      %swap3A_386 = arith.constant 16 : index
      %swap3A_387 = tpu.vector_load %arg7[%swap3A_385, %swap3A_386] {strides = array<i32>} : memref<8x128xi32, #tpu.memory_space<vmem>>, vector<16xi32>,
      tpu.vector_store %arg7[%swap3A_385, %swap3A_386], %add3A_383 {strides = array<i32>} : memref<8x128xi32, #tpu.memory_space<vmem>>, vector<16xi32>,
      %get3A_388 = arith.constant 4 : i32
      %get3A_389 = arith.index_cast %get3A_388 : i32 to index
      %get3A_390 = arith.constant 32 : index
      %get3A_391 = tpu.vector_load %arg7[%get3A_389, %get3A_390] {strides = array<i32>} : memref<8x128xi32, #tpu.memory_space<vmem>>, vector<16xi32>,
      %add3A_392 = vector.broadcast %mul3A_3 : i32 to vector<16xi32>
      %add3A_393 = arith.addi %get3A_391, %add3A_392 : vector<16xi32>
      %swap3A_394 = arith.constant 4 : i32
      %swap3A_395 = arith.index_cast %swap3A_394 : i32 to index
      %swap3A_396 = arith.constant 32 : index
      %swap3A_397 = tpu.vector_load %arg7[%swap3A_395, %swap3A_396] {strides = array<i32>} : memref<8x128xi32, #tpu.memory_space<vmem>>, vector<16xi32>,
      tpu.vector_store %arg7[%swap3A_395, %swap3A_396], %add3A_393 {strides = array<i32>} : memref<8x128xi32, #tpu.memory_space<vmem>>, vector<16xi32>,
      %get3A_398 = arith.constant 4 : i32
      %get3A_399 = arith.index_cast %get3A_398 : i32 to index
      %get3A_400 = arith.constant 48 : index
      %get3A_401 = tpu.vector_load %arg7[%get3A_399, %get3A_400] {strides = array<i32>} : memref<8x128xi32, #tpu.memory_space<vmem>>, vector<16xi32>,
      %add3A_402 = vector.broadcast %mul3A_3 : i32 to vector<16xi32>
      %add3A_403 = arith.addi %get3A_401, %add3A_402 : vector<16xi32>
      %swap3A_404 = arith.constant 4 : i32
      %swap3A_405 = arith.index_cast %swap3A_404 : i32 to index
      %swap3A_406 = arith.constant 48 : index
      %swap3A_407 = tpu.vector_load %arg7[%swap3A_405, %swap3A_406] {strides = array<i32>} : memref<8x128xi32, #tpu.memory_space<vmem>>, vector<16xi32>,
      tpu.vector_store %arg7[%swap3A_405, %swap3A_406], %add3A_403 {strides = array<i32>} : memref<8x128xi32, #tpu.memory_space<vmem>>, vector<16xi32>,
      %get3A_408 = arith.constant 4 : i32
      %get3A_409 = arith.index_cast %get3A_408 : i32 to index
      %get3A_410 = arith.constant 64 : index
      %get3A_411 = tpu.vector_load %arg7[%get3A_409, %get3A_410] {strides = array<i32>} : memref<8x128xi32, #tpu.memory_space<vmem>>, vector<16xi32>,
      %add3A_412 = vector.broadcast %mul3A_3 : i32 to vector<16xi32>
      %add3A_413 = arith.addi %get3A_411, %add3A_412 : vector<16xi32>
      %swap3A_414 = arith.constant 4 : i32
      %swap3A_415 = arith.index_cast %swap3A_414 : i32 to index
      %swap3A_416 = arith.constant 64 : index
      %swap3A_417 = tpu.vector_load %arg7[%swap3A_415, %swap3A_416] {strides = array<i32>} : memref<8x128xi32, #tpu.memory_space<vmem>>, vector<16xi32>,
      tpu.vector_store %arg7[%swap3A_415, %swap3A_416], %add3A_413 {strides = array<i32>} : memref<8x128xi32, #tpu.memory_space<vmem>>, vector<16xi32>,
      %get3A_418 = arith.constant 4 : i32
      %get3A_419 = arith.index_cast %get3A_418 : i32 to index
      %get3A_420 = arith.constant 80 : index
      %get3A_421 = tpu.vector_load %arg7[%get3A_419, %get3A_420] {strides = array<i32>} : memref<8x128xi32, #tpu.memory_space<vmem>>, vector<16xi32>,
      %add3A_422 = vector.broadcast %mul3A_3 : i32 to vector<16xi32>
      %add3A_423 = arith.addi %get3A_421, %add3A_422 : vector<16xi32>
      %swap3A_424 = arith.constant 4 : i32
      %swap3A_425 = arith.index_cast %swap3A_424 : i32 to index
      %swap3A_426 = arith.constant 80 : index
      %swap3A_427 = tpu.vector_load %arg7[%swap3A_425, %swap3A_426] {strides = array<i32>} : memref<8x128xi32, #tpu.memory_space<vmem>>, vector<16xi32>,
      tpu.vector_store %arg7[%swap3A_425, %swap3A_426], %add3A_423 {strides = array<i32>} : memref<8x128xi32, #tpu.memory_space<vmem>>, vector<16xi32>,
      %get3A_428 = arith.constant 4 : i32
      %get3A_429 = arith.index_cast %get3A_428 : i32 to index
      %get3A_430 = arith.constant 96 : index
      %get3A_431 = tpu.vector_load %arg7[%get3A_429, %get3A_430] {strides = array<i32>} : memref<8x128xi32, #tpu.memory_space<vmem>>, vector<16xi32>,
      %add3A_432 = vector.broadcast %mul3A_3 : i32 to vector<16xi32>
      %add3A_433 = arith.addi %get3A_431, %add3A_432 : vector<16xi32>
      %swap3A_434 = arith.constant 4 : i32
      %swap3A_435 = arith.index_cast %swap3A_434 : i32 to index
      %swap3A_436 = arith.constant 96 : index
      %swap3A_437 = tpu.vector_load %arg7[%swap3A_435, %swap3A_436] {strides = array<i32>} : memref<8x128xi32, #tpu.memory_space<vmem>>, vector<16xi32>,
      tpu.vector_store %arg7[%swap3A_435, %swap3A_436], %add3A_433 {strides = array<i32>} : memref<8x128xi32, #tpu.memory_space<vmem>>, vector<16xi32>,
      %get3A_438 = arith.constant 4 : i32
      %get3A_439 = arith.index_cast %get3A_438 : i32 to index
      %get3A_440 = arith.constant 112 : index
      %get3A_441 = tpu.vector_load %arg7[%get3A_439, %get3A_440] {strides = array<i32>} : memref<8x128xi32, #tpu.memory_space<vmem>>, vector<16xi32>,
      %add3A_442 = vector.broadcast %mul3A_3 : i32 to vector<16xi32>
      %add3A_443 = arith.addi %get3A_441, %add3A_442 : vector<16xi32>
      %swap3A_444 = arith.constant 4 : i32
      %swap3A_445 = arith.index_cast %swap3A_444 : i32 to index
      %swap3A_446 = arith.constant 112 : index
      %swap3A_447 = tpu.vector_load %arg7[%swap3A_445, %swap3A_446] {strides = array<i32>} : memref<8x128xi32, #tpu.memory_space<vmem>>, vector<16xi32>,
      tpu.vector_store %arg7[%swap3A_445, %swap3A_446], %add3A_443 {strides = array<i32>} : memref<8x128xi32, #tpu.memory_space<vmem>>, vector<16xi32>,
      %get3A_448 = arith.constant 5 : i32
      %get3A_449 = arith.index_cast %get3A_448 : i32 to index
      %get3A_450 = arith.constant 0 : index
      %get3A_451 = tpu.vector_load %arg7[%get3A_449, %get3A_450] {strides = array<i32>} : memref<8x128xi32, #tpu.memory_space<vmem>>, vector<16xi32>,
      %add3A_452 = vector.broadcast %mul3A_3 : i32 to vector<16xi32>
      %add3A_453 = arith.addi %get3A_451, %add3A_452 : vector<16xi32>
      %swap3A_454 = arith.constant 5 : i32
      %swap3A_455 = arith.index_cast %swap3A_454 : i32 to index
      %swap3A_456 = arith.constant 0 : index
      %swap3A_457 = tpu.vector_load %arg7[%swap3A_455, %swap3A_456] {strides = array<i32>} : memref<8x128xi32, #tpu.memory_space<vmem>>, vector<16xi32>,
      tpu.vector_store %arg7[%swap3A_455, %swap3A_456], %add3A_453 {strides = array<i32>} : memref<8x128xi32, #tpu.memory_space<vmem>>, vector<16xi32>,
      %get3A_458 = arith.constant 5 : i32
      %get3A_459 = arith.index_cast %get3A_458 : i32 to index
      %get3A_460 = arith.constant 16 : index
      %get3A_461 = tpu.vector_load %arg7[%get3A_459, %get3A_460] {strides = array<i32>} : memref<8x128xi32, #tpu.memory_space<vmem>>, vector<16xi32>,
      %add3A_462 = vector.broadcast %mul3A_3 : i32 to vector<16xi32>
      %add3A_463 = arith.addi %get3A_461, %add3A_462 : vector<16xi32>
      %swap3A_464 = arith.constant 5 : i32
      %swap3A_465 = arith.index_cast %swap3A_464 : i32 to index
      %swap3A_466 = arith.constant 16 : index
      %swap3A_467 = tpu.vector_load %arg7[%swap3A_465, %swap3A_466] {strides = array<i32>} : memref<8x128xi32, #tpu.memory_space<vmem>>, vector<16xi32>,
      tpu.vector_store %arg7[%swap3A_465, %swap3A_466], %add3A_463 {strides = array<i32>} : memref<8x128xi32, #tpu.memory_space<vmem>>, vector<16xi32>,
      %get3A_468 = arith.constant 5 : i32
      %get3A_469 = arith.index_cast %get3A_468 : i32 to index
      %get3A_470 = arith.constant 32 : index
      %get3A_471 = tpu.vector_load %arg7[%get3A_469, %get3A_470] {strides = array<i32>} : memref<8x128xi32, #tpu.memory_space<vmem>>, vector<16xi32>,
      %add3A_472 = vector.broadcast %mul3A_3 : i32 to vector<16xi32>
      %add3A_473 = arith.addi %get3A_471, %add3A_472 : vector<16xi32>
      %swap3A_474 = arith.constant 5 : i32
      %swap3A_475 = arith.index_cast %swap3A_474 : i32 to index
      %swap3A_476 = arith.constant 32 : index
      %swap3A_477 = tpu.vector_load %arg7[%swap3A_475, %swap3A_476] {strides = array<i32>} : memref<8x128xi32, #tpu.memory_space<vmem>>, vector<16xi32>,
      tpu.vector_store %arg7[%swap3A_475, %swap3A_476], %add3A_473 {strides = array<i32>} : memref<8x128xi32, #tpu.memory_space<vmem>>, vector<16xi32>,
      %get3A_478 = arith.constant 5 : i32
      %get3A_479 = arith.index_cast %get3A_478 : i32 to index
      %get3A_480 = arith.constant 48 : index
      %get3A_481 = tpu.vector_load %arg7[%get3A_479, %get3A_480] {strides = array<i32>} : memref<8x128xi32, #tpu.memory_space<vmem>>, vector<16xi32>,
      %add3A_482 = vector.broadcast %mul3A_3 : i32 to vector<16xi32>
      %add3A_483 = arith.addi %get3A_481, %add3A_482 : vector<16xi32>
      %swap3A_484 = arith.constant 5 : i32
      %swap3A_485 = arith.index_cast %swap3A_484 : i32 to index
      %swap3A_486 = arith.constant 48 : index
      %swap3A_487 = tpu.vector_load %arg7[%swap3A_485, %swap3A_486] {strides = array<i32>} : memref<8x128xi32, #tpu.memory_space<vmem>>, vector<16xi32>,
      tpu.vector_store %arg7[%swap3A_485, %swap3A_486], %add3A_483 {strides = array<i32>} : memref<8x128xi32, #tpu.memory_space<vmem>>, vector<16xi32>,
      %get3A_488 = arith.constant 5 : i32
      %get3A_489 = arith.index_cast %get3A_488 : i32 to index
      %get3A_490 = arith.constant 64 : index
      %get3A_491 = tpu.vector_load %arg7[%get3A_489, %get3A_490] {strides = array<i32>} : memref<8x128xi32, #tpu.memory_space<vmem>>, vector<16xi32>,
      %add3A_492 = vector.broadcast %mul3A_3 : i32 to vector<16xi32>
      %add3A_493 = arith.addi %get3A_491, %add3A_492 : vector<16xi32>
      %swap3A_494 = arith.constant 5 : i32
      %swap3A_495 = arith.index_cast %swap3A_494 : i32 to index
      %swap3A_496 = arith.constant 64 : index
      %swap3A_497 = tpu.vector_load %arg7[%swap3A_495, %swap3A_496] {strides = array<i32>} : memref<8x128xi32, #tpu.memory_space<vmem>>, vector<16xi32>,
      tpu.vector_store %arg7[%swap3A_495, %swap3A_496], %add3A_493 {strides = array<i32>} : memref<8x128xi32, #tpu.memory_space<vmem>>, vector<16xi32>,
      %get3A_498 = arith.constant 5 : i32
      %get3A_499 = arith.index_cast %get3A_498 : i32 to index
      %get3A_500 = arith.constant 80 : index
      %get3A_501 = tpu.vector_load %arg7[%get3A_499, %get3A_500] {strides = array<i32>} : memref<8x128xi32, #tpu.memory_space<vmem>>, vector<16xi32>,
      %add3A_502 = vector.broadcast %mul3A_3 : i32 to vector<16xi32>
      %add3A_503 = arith.addi %get3A_501, %add3A_502 : vector<16xi32>
      %swap3A_504 = arith.constant 5 : i32
      %swap3A_505 = arith.index_cast %swap3A_504 : i32 to index
      %swap3A_506 = arith.constant 80 : index
      %swap3A_507 = tpu.vector_load %arg7[%swap3A_505, %swap3A_506] {strides = array<i32>} : memref<8x128xi32, #tpu.memory_space<vmem>>, vector<16xi32>,
      tpu.vector_store %arg7[%swap3A_505, %swap3A_506], %add3A_503 {strides = array<i32>} : memref<8x128xi32, #tpu.memory_space<vmem>>, vector<16xi32>,
      %get3A_508 = arith.constant 5 : i32
      %get3A_509 = arith.index_cast %get3A_508 : i32 to index
      %get3A_510 = arith.constant 96 : index
      %get3A_511 = tpu.vector_load %arg7[%get3A_509, %get3A_510] {strides = array<i32>} : memref<8x128xi32, #tpu.memory_space<vmem>>, vector<16xi32>,
      %add3A_512 = vector.broadcast %mul3A_3 : i32 to vector<16xi32>
      %add3A_513 = arith.addi %get3A_511, %add3A_512 : vector<16xi32>
      %swap3A_514 = arith.constant 5 : i32
      %swap3A_515 = arith.index_cast %swap3A_514 : i32 to index
      %swap3A_516 = arith.constant 96 : index
      %swap3A_517 = tpu.vector_load %arg7[%swap3A_515, %swap3A_516] {strides = array<i32>} : memref<8x128xi32, #tpu.memory_space<vmem>>, vector<16xi32>,
      tpu.vector_store %arg7[%swap3A_515, %swap3A_516], %add3A_513 {strides = array<i32>} : memref<8x128xi32, #tpu.memory_space<vmem>>, vector<16xi32>,
      %get3A_518 = arith.constant 5 : i32
      %get3A_519 = arith.index_cast %get3A_518 : i32 to index
      %get3A_520 = arith.constant 112 : index
      %get3A_521 = tpu.vector_load %arg7[%get3A_519, %get3A_520] {strides = array<i32>} : memref<8x128xi32, #tpu.memory_space<vmem>>, vector<16xi32>,
      %add3A_522 = vector.broadcast %mul3A_3 : i32 to vector<16xi32>
      %add3A_523 = arith.addi %get3A_521, %add3A_522 : vector<16xi32>
      %swap3A_524 = arith.constant 5 : i32
      %swap3A_525 = arith.index_cast %swap3A_524 : i32 to index
      %swap3A_526 = arith.constant 112 : index
      %swap3A_527 = tpu.vector_load %arg7[%swap3A_525, %swap3A_526] {strides = array<i32>} : memref<8x128xi32, #tpu.memory_space<vmem>>, vector<16xi32>,
      tpu.vector_store %arg7[%swap3A_525, %swap3A_526], %add3A_523 {strides = array<i32>} : memref<8x128xi32, #tpu.memory_space<vmem>>, vector<16xi32>,
      %get3A_528 = arith.constant 6 : i32
      %get3A_529 = arith.index_cast %get3A_528 : i32 to index
      %get3A_530 = arith.constant 0 : index
      %get3A_531 = tpu.vector_load %arg7[%get3A_529, %get3A_530] {strides = array<i32>} : memref<8x128xi32, #tpu.memory_space<vmem>>, vector<16xi32>,
      %add3A_532 = vector.broadcast %mul3A_3 : i32 to vector<16xi32>
      %add3A_533 = arith.addi %get3A_531, %add3A_532 : vector<16xi32>
      %swap3A_534 = arith.constant 6 : i32
      %swap3A_535 = arith.index_cast %swap3A_534 : i32 to index
      %swap3A_536 = arith.constant 0 : index
      %swap3A_537 = tpu.vector_load %arg7[%swap3A_535, %swap3A_536] {strides = array<i32>} : memref<8x128xi32, #tpu.memory_space<vmem>>, vector<16xi32>,
      tpu.vector_store %arg7[%swap3A_535, %swap3A_536], %add3A_533 {strides = array<i32>} : memref<8x128xi32, #tpu.memory_space<vmem>>, vector<16xi32>,
      %get3A_538 = arith.constant 6 : i32
      %get3A_539 = arith.index_cast %get3A_538 : i32 to index
      %get3A_540 = arith.constant 16 : index
      %get3A_541 = tpu.vector_load %arg7[%get3A_539, %get3A_540] {strides = array<i32>} : memref<8x128xi32, #tpu.memory_space<vmem>>, vector<16xi32>,
      %add3A_542 = vector.broadcast %mul3A_3 : i32 to vector<16xi32>
      %add3A_543 = arith.addi %get3A_541, %add3A_542 : vector<16xi32>
      %swap3A_544 = arith.constant 6 : i32
      %swap3A_545 = arith.index_cast %swap3A_544 : i32 to index
      %swap3A_546 = arith.constant 16 : index
      %swap3A_547 = tpu.vector_load %arg7[%swap3A_545, %swap3A_546] {strides = array<i32>} : memref<8x128xi32, #tpu.memory_space<vmem>>, vector<16xi32>,
      tpu.vector_store %arg7[%swap3A_545, %swap3A_546], %add3A_543 {strides = array<i32>} : memref<8x128xi32, #tpu.memory_space<vmem>>, vector<16xi32>,
      %get3A_548 = arith.constant 6 : i32
      %get3A_549 = arith.index_cast %get3A_548 : i32 to index
      %get3A_550 = arith.constant 32 : index
      %get3A_551 = tpu.vector_load %arg7[%get3A_549, %get3A_550] {strides = array<i32>} : memref<8x128xi32, #tpu.memory_space<vmem>>, vector<16xi32>,
      %add3A_552 = vector.broadcast %mul3A_3 : i32 to vector<16xi32>
      %add3A_553 = arith.addi %get3A_551, %add3A_552 : vector<16xi32>
      %swap3A_554 = arith.constant 6 : i32
      %swap3A_555 = arith.index_cast %swap3A_554 : i32 to index
      %swap3A_556 = arith.constant 32 : index
      %swap3A_557 = tpu.vector_load %arg7[%swap3A_555, %swap3A_556] {strides = array<i32>} : memref<8x128xi32, #tpu.memory_space<vmem>>, vector<16xi32>,
      tpu.vector_store %arg7[%swap3A_555, %swap3A_556], %add3A_553 {strides = array<i32>} : memref<8x128xi32, #tpu.memory_space<vmem>>, vector<16xi32>,
      %get3A_558 = arith.constant 6 : i32
      %get3A_559 = arith.index_cast %get3A_558 : i32 to index
      %get3A_560 = arith.constant 48 : index
      %get3A_561 = tpu.vector_load %arg7[%get3A_559, %get3A_560] {strides = array<i32>} : memref<8x128xi32, #tpu.memory_space<vmem>>, vector<16xi32>,
      %add3A_562 = vector.broadcast %mul3A_3 : i32 to vector<16xi32>
      %add3A_563 = arith.addi %get3A_561, %add3A_562 : vector<16xi32>
      %swap3A_564 = arith.constant 6 : i32
      %swap3A_565 = arith.index_cast %swap3A_564 : i32 to index
      %swap3A_566 = arith.constant 48 : index
      %swap3A_567 = tpu.vector_load %arg7[%swap3A_565, %swap3A_566] {strides = array<i32>} : memref<8x128xi32, #tpu.memory_space<vmem>>, vector<16xi32>,
      tpu.vector_store %arg7[%swap3A_565, %swap3A_566], %add3A_563 {strides = array<i32>} : memref<8x128xi32, #tpu.memory_space<vmem>>, vector<16xi32>,
      %get3A_568 = arith.constant 6 : i32
      %get3A_569 = arith.index_cast %get3A_568 : i32 to index
      %get3A_570 = arith.constant 64 : index
      %get3A_571 = tpu.vector_load %arg7[%get3A_569, %get3A_570] {strides = array<i32>} : memref<8x128xi32, #tpu.memory_space<vmem>>, vector<16xi32>,
      %add3A_572 = vector.broadcast %mul3A_3 : i32 to vector<16xi32>
      %add3A_573 = arith.addi %get3A_571, %add3A_572 : vector<16xi32>
      %swap3A_574 = arith.constant 6 : i32
      %swap3A_575 = arith.index_cast %swap3A_574 : i32 to index
      %swap3A_576 = arith.constant 64 : index
      %swap3A_577 = tpu.vector_load %arg7[%swap3A_575, %swap3A_576] {strides = array<i32>} : memref<8x128xi32, #tpu.memory_space<vmem>>, vector<16xi32>,
      tpu.vector_store %arg7[%swap3A_575, %swap3A_576], %add3A_573 {strides = array<i32>} : memref<8x128xi32, #tpu.memory_space<vmem>>, vector<16xi32>,
      %get3A_578 = arith.constant 6 : i32
      %get3A_579 = arith.index_cast %get3A_578 : i32 to index
      %get3A_580 = arith.constant 80 : index
      %get3A_581 = tpu.vector_load %arg7[%get3A_579, %get3A_580] {strides = array<i32>} : memref<8x128xi32, #tpu.memory_space<vmem>>, vector<16xi32>,
      %add3A_582 = vector.broadcast %mul3A_3 : i32 to vector<16xi32>
      %add3A_583 = arith.addi %get3A_581, %add3A_582 : vector<16xi32>
      %swap3A_584 = arith.constant 6 : i32
      %swap3A_585 = arith.index_cast %swap3A_584 : i32 to index
      %swap3A_586 = arith.constant 80 : index
      %swap3A_587 = tpu.vector_load %arg7[%swap3A_585, %swap3A_586] {strides = array<i32>} : memref<8x128xi32, #tpu.memory_space<vmem>>, vector<16xi32>,
      tpu.vector_store %arg7[%swap3A_585, %swap3A_586], %add3A_583 {strides = array<i32>} : memref<8x128xi32, #tpu.memory_space<vmem>>, vector<16xi32>,
      %get3A_588 = arith.constant 6 : i32
      %get3A_589 = arith.index_cast %get3A_588 : i32 to index
      %get3A_590 = arith.constant 96 : index
      %get3A_591 = tpu.vector_load %arg7[%get3A_589, %get3A_590] {strides = array<i32>} : memref<8x128xi32, #tpu.memory_space<vmem>>, vector<16xi32>,
      %add3A_592 = vector.broadcast %mul3A_3 : i32 to vector<16xi32>
      %add3A_593 = arith.addi %get3A_591, %add3A_592 : vector<16xi32>
      %swap3A_594 = arith.constant 6 : i32
      %swap3A_595 = arith.index_cast %swap3A_594 : i32 to index
      %swap3A_596 = arith.constant 96 : index
      %swap3A_597 = tpu.vector_load %arg7[%swap3A_595, %swap3A_596] {strides = array<i32>} : memref<8x128xi32, #tpu.memory_space<vmem>>, vector<16xi32>,
      tpu.vector_store %arg7[%swap3A_595, %swap3A_596], %add3A_593 {strides = array<i32>} : memref<8x128xi32, #tpu.memory_space<vmem>>, vector<16xi32>,
      %get3A_598 = arith.constant 6 : i32
      %get3A_599 = arith.index_cast %get3A_598 : i32 to index
      %get3A_600 = arith.constant 112 : index
      %get3A_601 = tpu.vector_load %arg7[%get3A_599, %get3A_600] {strides = array<i32>} : memref<8x128xi32, #tpu.memory_space<vmem>>, vector<16xi32>,
      %add3A_602 = vector.broadcast %mul3A_3 : i32 to vector<16xi32>
      %add3A_603 = arith.addi %get3A_601, %add3A_602 : vector<16xi32>
      %swap3A_604 = arith.constant 6 : i32
      %swap3A_605 = arith.index_cast %swap3A_604 : i32 to index
      %swap3A_606 = arith.constant 112 : index
      %swap3A_607 = tpu.vector_load %arg7[%swap3A_605, %swap3A_606] {strides = array<i32>} : memref<8x128xi32, #tpu.memory_space<vmem>>, vector<16xi32>,
      tpu.vector_store %arg7[%swap3A_605, %swap3A_606], %add3A_603 {strides = array<i32>} : memref<8x128xi32, #tpu.memory_space<vmem>>, vector<16xi32>,
      %get3A_608 = arith.constant 7 : i32
      %get3A_609 = arith.index_cast %get3A_608 : i32 to index
      %get3A_610 = arith.constant 0 : index
      %get3A_611 = tpu.vector_load %arg7[%get3A_609, %get3A_610] {strides = array<i32>} : memref<8x128xi32, #tpu.memory_space<vmem>>, vector<16xi32>,
      %add3A_612 = vector.broadcast %mul3A_3 : i32 to vector<16xi32>
      %add3A_613 = arith.addi %get3A_611, %add3A_612 : vector<16xi32>
      %swap3A_614 = arith.constant 7 : i32
      %swap3A_615 = arith.index_cast %swap3A_614 : i32 to index
      %swap3A_616 = arith.constant 0 : index
      %swap3A_617 = tpu.vector_load %arg7[%swap3A_615, %swap3A_616] {strides = array<i32>} : memref<8x128xi32, #tpu.memory_space<vmem>>, vector<16xi32>,
      tpu.vector_store %arg7[%swap3A_615, %swap3A_616], %add3A_613 {strides = array<i32>} : memref<8x128xi32, #tpu.memory_space<vmem>>, vector<16xi32>,
      %get3A_618 = arith.constant 7 : i32
      %get3A_619 = arith.index_cast %get3A_618 : i32 to index
      %get3A_620 = arith.constant 16 : index
      %get3A_621 = tpu.vector_load %arg7[%get3A_619, %get3A_620] {strides = array<i32>} : memref<8x128xi32, #tpu.memory_space<vmem>>, vector<16xi32>,
      %add3A_622 = vector.broadcast %mul3A_3 : i32 to vector<16xi32>
      %add3A_623 = arith.addi %get3A_621, %add3A_622 : vector<16xi32>
      %swap3A_624 = arith.constant 7 : i32
      %swap3A_625 = arith.index_cast %swap3A_624 : i32 to index
      %swap3A_626 = arith.constant 16 : index
      %swap3A_627 = tpu.vector_load %arg7[%swap3A_625, %swap3A_626] {strides = array<i32>} : memref<8x128xi32, #tpu.memory_space<vmem>>, vector<16xi32>,
      tpu.vector_store %arg7[%swap3A_625, %swap3A_626], %add3A_623 {strides = array<i32>} : memref<8x128xi32, #tpu.memory_space<vmem>>, vector<16xi32>,
      %get3A_628 = arith.constant 7 : i32
      %get3A_629 = arith.index_cast %get3A_628 : i32 to index
      %get3A_630 = arith.constant 32 : index
      %get3A_631 = tpu.vector_load %arg7[%get3A_629, %get3A_630] {strides = array<i32>} : memref<8x128xi32, #tpu.memory_space<vmem>>, vector<16xi32>,
      %add3A_632 = vector.broadcast %mul3A_3 : i32 to vector<16xi32>
      %add3A_633 = arith.addi %get3A_631, %add3A_632 : vector<16xi32>
      %swap3A_634 = arith.constant 7 : i32
      %swap3A_635 = arith.index_cast %swap3A_634 : i32 to index
      %swap3A_636 = arith.constant 32 : index
      %swap3A_637 = tpu.vector_load %arg7[%swap3A_635, %swap3A_636] {strides = array<i32>} : memref<8x128xi32, #tpu.memory_space<vmem>>, vector<16xi32>,
      tpu.vector_store %arg7[%swap3A_635, %swap3A_636], %add3A_633 {strides = array<i32>} : memref<8x128xi32, #tpu.memory_space<vmem>>, vector<16xi32>,
      %get3A_638 = arith.constant 7 : i32
      %get3A_639 = arith.index_cast %get3A_638 : i32 to index
      %get3A_640 = arith.constant 48 : index
      %get3A_641 = tpu.vector_load %arg7[%get3A_639, %get3A_640] {strides = array<i32>} : memref<8x128xi32, #tpu.memory_space<vmem>>, vector<16xi32>,
      %add3A_642 = vector.broadcast %mul3A_3 : i32 to vector<16xi32>
      %add3A_643 = arith.addi %get3A_641, %add3A_642 : vector<16xi32>
      %swap3A_644 = arith.constant 7 : i32
      %swap3A_645 = arith.index_cast %swap3A_644 : i32 to index
      %swap3A_646 = arith.constant 48 : index
      %swap3A_647 = tpu.vector_load %arg7[%swap3A_645, %swap3A_646] {strides = array<i32>} : memref<8x128xi32, #tpu.memory_space<vmem>>, vector<16xi32>,
      tpu.vector_store %arg7[%swap3A_645, %swap3A_646], %add3A_643 {strides = array<i32>} : memref<8x128xi32, #tpu.memory_space<vmem>>, vector<16xi32>,
      %get3A_648 = arith.constant 7 : i32
      %get3A_649 = arith.index_cast %get3A_648 : i32 to index
      %get3A_650 = arith.constant 64 : index
      %get3A_651 = tpu.vector_load %arg7[%get3A_649, %get3A_650] {strides = array<i32>} : memref<8x128xi32, #tpu.memory_space<vmem>>, vector<16xi32>,
      %add3A_652 = vector.broadcast %mul3A_3 : i32 to vector<16xi32>
      %add3A_653 = arith.addi %get3A_651, %add3A_652 : vector<16xi32>
      %swap3A_654 = arith.constant 7 : i32
      %swap3A_655 = arith.index_cast %swap3A_654 : i32 to index
      %swap3A_656 = arith.constant 64 : index
      %swap3A_657 = tpu.vector_load %arg7[%swap3A_655, %swap3A_656] {strides = array<i32>} : memref<8x128xi32, #tpu.memory_space<vmem>>, vector<16xi32>,
      tpu.vector_store %arg7[%swap3A_655, %swap3A_656], %add3A_653 {strides = array<i32>} : memref<8x128xi32, #tpu.memory_space<vmem>>, vector<16xi32>,
      %get3A_658 = arith.constant 7 : i32
      %get3A_659 = arith.index_cast %get3A_658 : i32 to index
      %get3A_660 = arith.constant 80 : index
      %get3A_661 = tpu.vector_load %arg7[%get3A_659, %get3A_660] {strides = array<i32>} : memref<8x128xi32, #tpu.memory_space<vmem>>, vector<16xi32>,
      %add3A_662 = vector.broadcast %mul3A_3 : i32 to vector<16xi32>
      %add3A_663 = arith.addi %get3A_661, %add3A_662 : vector<16xi32>
      %swap3A_664 = arith.constant 7 : i32
      %swap3A_665 = arith.index_cast %swap3A_664 : i32 to index
      %swap3A_666 = arith.constant 80 : index
      %swap3A_667 = tpu.vector_load %arg7[%swap3A_665, %swap3A_666] {strides = array<i32>} : memref<8x128xi32, #tpu.memory_space<vmem>>, vector<16xi32>,
      tpu.vector_store %arg7[%swap3A_665, %swap3A_666], %add3A_663 {strides = array<i32>} : memref<8x128xi32, #tpu.memory_space<vmem>>, vector<16xi32>,
      %get3A_668 = arith.constant 7 : i32
      %get3A_669 = arith.index_cast %get3A_668 : i32 to index
      %get3A_670 = arith.constant 96 : index
      %get3A_671 = tpu.vector_load %arg7[%get3A_669, %get3A_670] {strides = array<i32>} : memref<8x128xi32, #tpu.memory_space<vmem>>, vector<16xi32>,
      %add3A_672 = vector.broadcast %mul3A_3 : i32 to vector<16xi32>
      %add3A_673 = arith.addi %get3A_671, %add3A_672 : vector<16xi32>
      %swap3A_674 = arith.constant 7 : i32
      %swap3A_675 = arith.index_cast %swap3A_674 : i32 to index
      %swap3A_676 = arith.constant 96 : index
      %swap3A_677 = tpu.vector_load %arg7[%swap3A_675, %swap3A_676] {strides = array<i32>} : memref<8x128xi32, #tpu.memory_space<vmem>>, vector<16xi32>,
      tpu.vector_store %arg7[%swap3A_675, %swap3A_676], %add3A_673 {strides = array<i32>} : memref<8x128xi32, #tpu.memory_space<vmem>>, vector<16xi32>,
      %get3A_678 = arith.constant 7 : i32
      %get3A_679 = arith.index_cast %get3A_678 : i32 to index
      %get3A_680 = arith.constant 112 : index
      %get3A_681 = tpu.vector_load %arg7[%get3A_679, %get3A_680] {strides = array<i32>} : memref<8x128xi32, #tpu.memory_space<vmem>>, vector<16xi32>,
      %add3A_682 = vector.broadcast %mul3A_3 : i32 to vector<16xi32>
      %add3A_683 = arith.addi %get3A_681, %add3A_682 : vector<16xi32>
      %swap3A_684 = arith.constant 7 : i32
      %swap3A_685 = arith.index_cast %swap3A_684 : i32 to index
      %swap3A_686 = arith.constant 112 : index
      %swap3A_687 = tpu.vector_load %arg7[%swap3A_685, %swap3A_686] {strides = array<i32>} : memref<8x128xi32, #tpu.memory_space<vmem>>, vector<16xi32>,
      tpu.vector_store %arg7[%swap3A_685, %swap3A_686], %add3A_683 {strides = array<i32>} : memref<8x128xi32, #tpu.memory_space<vmem>>, vector<16xi32>,
      %dma_start3A = arith.constant 0 : i32
      %dma_start3A_688 = arith.constant 0 : i32
      %dma_start3A_689 = arith.constant 0 : i32
      %dma_start3A_690 = arith.constant 0 : i32
      %dma_start3A_691 = tpu.memref_slice %arg9[%dma_start3A_688, %dma_start3A_689, %dma_start3A_690] : memref<8x128x16xf32, #tpu.memory_space<vmem>> -> memref<1x128x16xf32, #tpu.memory_space<vmem>>
      %dma_start3A_692 = tpu.memref_squeeze %dma_start3A_691 : memref<1x128x16xf32, #tpu.memory_space<vmem>> -> memref<128x16xf32, #tpu.memory_space<vmem>>
      %dma_start3A_693 = arith.constant 0 : i32
      %dma_start3A_694 = tpu.memref_slice %arg7[%dma_start3A, %dma_start3A_693] : memref<8x128xi32, #tpu.memory_space<vmem>> -> memref<1x128xi32, #tpu.memory_space<vmem>>
      %dma_start3A_695 = tpu.memref_squeeze %dma_start3A_694 : memref<1x128xi32, #tpu.memory_space<vmem>> -> memref<128xi32, #tpu.memory_space<vmem>>
      %dma_start3A_696 = arith.constant 0 : i32
      %dma_start3A_697 = arith.constant 0 : i32
      %dma_start3A_698 = tpu.memref_slice %arg2[%dma_start3A_696, %dma_start3A_697] : memref<401408x16xf32, #tpu.memory_space<hbm>> -> memref<401408x16xf32, #tpu.memory_space<hbm>>
      tpu.enqueue_indirect_dma source(%dma_start3A_698 : memref<401408x16xf32, #tpu.memory_space<hbm>>) target(%dma_start3A_692 : memref<128x16xf32, #tpu.memory_space<vmem>>) offsets(%dma_start3A_695 : memref<128xi32, #tpu.memory_space<vmem>>) semaphore(%arg10 : memref<!tpu.dma_semaphore, #tpu.memory_space<semaphore_mem>>)
      %dma_start3A_699 = arith.constant 1 : i32
      %dma_start3A_700 = arith.constant 1 : i32
      %dma_start3A_701 = arith.constant 0 : i32
      %dma_start3A_702 = arith.constant 0 : i32
      %dma_start3A_703 = tpu.memref_slice %arg9[%dma_start3A_700, %dma_start3A_701, %dma_start3A_702] : memref<8x128x16xf32, #tpu.memory_space<vmem>> -> memref<1x128x16xf32, #tpu.memory_space<vmem>>
      %dma_start3A_704 = tpu.memref_squeeze %dma_start3A_703 : memref<1x128x16xf32, #tpu.memory_space<vmem>> -> memref<128x16xf32, #tpu.memory_space<vmem>>
      %dma_start3A_705 = arith.constant 0 : i32
      %dma_start3A_706 = tpu.memref_slice %arg7[%dma_start3A_699, %dma_start3A_705] : memref<8x128xi32, #tpu.memory_space<vmem>> -> memref<1x128xi32, #tpu.memory_space<vmem>>
      %dma_start3A_707 = tpu.memref_squeeze %dma_start3A_706 : memref<1x128xi32, #tpu.memory_space<vmem>> -> memref<128xi32, #tpu.memory_space<vmem>>
      %dma_start3A_708 = arith.constant 0 : i32
      %dma_start3A_709 = arith.constant 0 : i32
      %dma_start3A_710 = tpu.memref_slice %arg2[%dma_start3A_708, %dma_start3A_709] : memref<401408x16xf32, #tpu.memory_space<hbm>> -> memref<401408x16xf32, #tpu.memory_space<hbm>>
      tpu.enqueue_indirect_dma source(%dma_start3A_710 : memref<401408x16xf32, #tpu.memory_space<hbm>>) target(%dma_start3A_704 : memref<128x16xf32, #tpu.memory_space<vmem>>) offsets(%dma_start3A_707 : memref<128xi32, #tpu.memory_space<vmem>>) semaphore(%arg10 : memref<!tpu.dma_semaphore, #tpu.memory_space<semaphore_mem>>)
      %dma_start3A_711 = arith.constant 2 : i32
      %dma_start3A_712 = arith.constant 2 : i32
      %dma_start3A_713 = arith.constant 0 : i32
      %dma_start3A_714 = arith.constant 0 : i32
      %dma_start3A_715 = tpu.memref_slice %arg9[%dma_start3A_712, %dma_start3A_713, %dma_start3A_714] : memref<8x128x16xf32, #tpu.memory_space<vmem>> -> memref<1x128x16xf32, #tpu.memory_space<vmem>>
      %dma_start3A_716 = tpu.memref_squeeze %dma_start3A_715 : memref<1x128x16xf32, #tpu.memory_space<vmem>> -> memref<128x16xf32, #tpu.memory_space<vmem>>
      %dma_start3A_717 = arith.constant 0 : i32
      %dma_start3A_718 = tpu.memref_slice %arg7[%dma_start3A_711, %dma_start3A_717] : memref<8x128xi32, #tpu.memory_space<vmem>> -> memref<1x128xi32, #tpu.memory_space<vmem>>
      %dma_start3A_719 = tpu.memref_squeeze %dma_start3A_718 : memref<1x128xi32, #tpu.memory_space<vmem>> -> memref<128xi32, #tpu.memory_space<vmem>>
      %dma_start3A_720 = arith.constant 0 : i32
      %dma_start3A_721 = arith.constant 0 : i32
      %dma_start3A_722 = tpu.memref_slice %arg2[%dma_start3A_720, %dma_start3A_721] : memref<401408x16xf32, #tpu.memory_space<hbm>> -> memref<401408x16xf32, #tpu.memory_space<hbm>>
      tpu.enqueue_indirect_dma source(%dma_start3A_722 : memref<401408x16xf32, #tpu.memory_space<hbm>>) target(%dma_start3A_716 : memref<128x16xf32, #tpu.memory_space<vmem>>) offsets(%dma_start3A_719 : memref<128xi32, #tpu.memory_space<vmem>>) semaphore(%arg10 : memref<!tpu.dma_semaphore, #tpu.memory_space<semaphore_mem>>)
      %dma_start3A_723 = arith.constant 3 : i32
      %dma_start3A_724 = arith.constant 3 : i32
      %dma_start3A_725 = arith.constant 0 : i32
      %dma_start3A_726 = arith.constant 0 : i32
      %dma_start3A_727 = tpu.memref_slice %arg9[%dma_start3A_724, %dma_start3A_725, %dma_start3A_726] : memref<8x128x16xf32, #tpu.memory_space<vmem>> -> memref<1x128x16xf32, #tpu.memory_space<vmem>>
      %dma_start3A_728 = tpu.memref_squeeze %dma_start3A_727 : memref<1x128x16xf32, #tpu.memory_space<vmem>> -> memref<128x16xf32, #tpu.memory_space<vmem>>
      %dma_start3A_729 = arith.constant 0 : i32
      %dma_start3A_730 = tpu.memref_slice %arg7[%dma_start3A_723, %dma_start3A_729] : memref<8x128xi32, #tpu.memory_space<vmem>> -> memref<1x128xi32, #tpu.memory_space<vmem>>
      %dma_start3A_731 = tpu.memref_squeeze %dma_start3A_730 : memref<1x128xi32, #tpu.memory_space<vmem>> -> memref<128xi32, #tpu.memory_space<vmem>>
      %dma_start3A_732 = arith.constant 0 : i32
      %dma_start3A_733 = arith.constant 0 : i32
      %dma_start3A_734 = tpu.memref_slice %arg2[%dma_start3A_732, %dma_start3A_733] : memref<401408x16xf32, #tpu.memory_space<hbm>> -> memref<401408x16xf32, #tpu.memory_space<hbm>>
      tpu.enqueue_indirect_dma source(%dma_start3A_734 : memref<401408x16xf32, #tpu.memory_space<hbm>>) target(%dma_start3A_728 : memref<128x16xf32, #tpu.memory_space<vmem>>) offsets(%dma_start3A_731 : memref<128xi32, #tpu.memory_space<vmem>>) semaphore(%arg10 : memref<!tpu.dma_semaphore, #tpu.memory_space<semaphore_mem>>)
      %dma_start3A_735 = arith.constant 4 : i32
      %dma_start3A_736 = arith.constant 4 : i32
      %dma_start3A_737 = arith.constant 0 : i32
      %dma_start3A_738 = arith.constant 0 : i32
      %dma_start3A_739 = tpu.memref_slice %arg9[%dma_start3A_736, %dma_start3A_737, %dma_start3A_738] : memref<8x128x16xf32, #tpu.memory_space<vmem>> -> memref<1x128x16xf32, #tpu.memory_space<vmem>>
      %dma_start3A_740 = tpu.memref_squeeze %dma_start3A_739 : memref<1x128x16xf32, #tpu.memory_space<vmem>> -> memref<128x16xf32, #tpu.memory_space<vmem>>
      %dma_start3A_741 = arith.constant 0 : i32
      %dma_start3A_742 = tpu.memref_slice %arg7[%dma_start3A_735, %dma_start3A_741] : memref<8x128xi32, #tpu.memory_space<vmem>> -> memref<1x128xi32, #tpu.memory_space<vmem>>
      %dma_start3A_743 = tpu.memref_squeeze %dma_start3A_742 : memref<1x128xi32, #tpu.memory_space<vmem>> -> memref<128xi32, #tpu.memory_space<vmem>>
      %dma_start3A_744 = arith.constant 0 : i32
      %dma_start3A_745 = arith.constant 0 : i32
      %dma_start3A_746 = tpu.memref_slice %arg2[%dma_start3A_744, %dma_start3A_745] : memref<401408x16xf32, #tpu.memory_space<hbm>> -> memref<401408x16xf32, #tpu.memory_space<hbm>>
      tpu.enqueue_indirect_dma source(%dma_start3A_746 : memref<401408x16xf32, #tpu.memory_space<hbm>>) target(%dma_start3A_740 : memref<128x16xf32, #tpu.memory_space<vmem>>) offsets(%dma_start3A_743 : memref<128xi32, #tpu.memory_space<vmem>>) semaphore(%arg10 : memref<!tpu.dma_semaphore, #tpu.memory_space<semaphore_mem>>)
      %dma_start3A_747 = arith.constant 5 : i32
      %dma_start3A_748 = arith.constant 5 : i32
      %dma_start3A_749 = arith.constant 0 : i32
      %dma_start3A_750 = arith.constant 0 : i32
      %dma_start3A_751 = tpu.memref_slice %arg9[%dma_start3A_748, %dma_start3A_749, %dma_start3A_750] : memref<8x128x16xf32, #tpu.memory_space<vmem>> -> memref<1x128x16xf32, #tpu.memory_space<vmem>>
      %dma_start3A_752 = tpu.memref_squeeze %dma_start3A_751 : memref<1x128x16xf32, #tpu.memory_space<vmem>> -> memref<128x16xf32, #tpu.memory_space<vmem>>
      %dma_start3A_753 = arith.constant 0 : i32
      %dma_start3A_754 = tpu.memref_slice %arg7[%dma_start3A_747, %dma_start3A_753] : memref<8x128xi32, #tpu.memory_space<vmem>> -> memref<1x128xi32, #tpu.memory_space<vmem>>
      %dma_start3A_755 = tpu.memref_squeeze %dma_start3A_754 : memref<1x128xi32, #tpu.memory_space<vmem>> -> memref<128xi32, #tpu.memory_space<vmem>>
      %dma_start3A_756 = arith.constant 0 : i32
      %dma_start3A_757 = arith.constant 0 : i32
      %dma_start3A_758 = tpu.memref_slice %arg2[%dma_start3A_756, %dma_start3A_757] : memref<401408x16xf32, #tpu.memory_space<hbm>> -> memref<401408x16xf32, #tpu.memory_space<hbm>>
      tpu.enqueue_indirect_dma source(%dma_start3A_758 : memref<401408x16xf32, #tpu.memory_space<hbm>>) target(%dma_start3A_752 : memref<128x16xf32, #tpu.memory_space<vmem>>) offsets(%dma_start3A_755 : memref<128xi32, #tpu.memory_space<vmem>>) semaphore(%arg10 : memref<!tpu.dma_semaphore, #tpu.memory_space<semaphore_mem>>)
      %dma_start3A_759 = arith.constant 6 : i32
      %dma_start3A_760 = arith.constant 6 : i32
      %dma_start3A_761 = arith.constant 0 : i32
      %dma_start3A_762 = arith.constant 0 : i32
      %dma_start3A_763 = tpu.memref_slice %arg9[%dma_start3A_760, %dma_start3A_761, %dma_start3A_762] : memref<8x128x16xf32, #tpu.memory_space<vmem>> -> memref<1x128x16xf32, #tpu.memory_space<vmem>>
      %dma_start3A_764 = tpu.memref_squeeze %dma_start3A_763 : memref<1x128x16xf32, #tpu.memory_space<vmem>> -> memref<128x16xf32, #tpu.memory_space<vmem>>
      %dma_start3A_765 = arith.constant 0 : i32
      %dma_start3A_766 = tpu.memref_slice %arg7[%dma_start3A_759, %dma_start3A_765] : memref<8x128xi32, #tpu.memory_space<vmem>> -> memref<1x128xi32, #tpu.memory_space<vmem>>
      %dma_start3A_767 = tpu.memref_squeeze %dma_start3A_766 : memref<1x128xi32, #tpu.memory_space<vmem>> -> memref<128xi32, #tpu.memory_space<vmem>>
      %dma_start3A_768 = arith.constant 0 : i32
      %dma_start3A_769 = arith.constant 0 : i32
      %dma_start3A_770 = tpu.memref_slice %arg2[%dma_start3A_768, %dma_start3A_769] : memref<401408x16xf32, #tpu.memory_space<hbm>> -> memref<401408x16xf32, #tpu.memory_space<hbm>>
      tpu.enqueue_indirect_dma source(%dma_start3A_770 : memref<401408x16xf32, #tpu.memory_space<hbm>>) target(%dma_start3A_764 : memref<128x16xf32, #tpu.memory_space<vmem>>) offsets(%dma_start3A_767 : memref<128xi32, #tpu.memory_space<vmem>>) semaphore(%arg10 : memref<!tpu.dma_semaphore, #tpu.memory_space<semaphore_mem>>)
      %dma_start3A_771 = arith.constant 7 : i32
      %dma_start3A_772 = arith.constant 7 : i32
      %dma_start3A_773 = arith.constant 0 : i32
      %dma_start3A_774 = arith.constant 0 : i32
      %dma_start3A_775 = tpu.memref_slice %arg9[%dma_start3A_772, %dma_start3A_773, %dma_start3A_774] : memref<8x128x16xf32, #tpu.memory_space<vmem>> -> memref<1x128x16xf32, #tpu.memory_space<vmem>>
      %dma_start3A_776 = tpu.memref_squeeze %dma_start3A_775 : memref<1x128x16xf32, #tpu.memory_space<vmem>> -> memref<128x16xf32, #tpu.memory_space<vmem>>
      %dma_start3A_777 = arith.constant 0 : i32
      %dma_start3A_778 = tpu.memref_slice %arg7[%dma_start3A_771, %dma_start3A_777] : memref<8x128xi32, #tpu.memory_space<vmem>> -> memref<1x128xi32, #tpu.memory_space<vmem>>
      %dma_start3A_779 = tpu.memref_squeeze %dma_start3A_778 : memref<1x128xi32, #tpu.memory_space<vmem>> -> memref<128xi32, #tpu.memory_space<vmem>>
      %dma_start3A_780 = arith.constant 0 : i32
      %dma_start3A_781 = arith.constant 0 : i32
      %dma_start3A_782 = tpu.memref_slice %arg2[%dma_start3A_780, %dma_start3A_781] : memref<401408x16xf32, #tpu.memory_space<hbm>> -> memref<401408x16xf32, #tpu.memory_space<hbm>>
      tpu.enqueue_indirect_dma source(%dma_start3A_782 : memref<401408x16xf32, #tpu.memory_space<hbm>>) target(%dma_start3A_776 : memref<128x16xf32, #tpu.memory_space<vmem>>) offsets(%dma_start3A_779 : memref<128xi32, #tpu.memory_space<vmem>>) semaphore(%arg10 : memref<!tpu.dma_semaphore, #tpu.memory_space<semaphore_mem>>)
      %dma_wait3A = arith.constant 0 : i32
      %dma_wait3A_783 = arith.constant 0 : i32
      %dma_wait3A_784 = arith.constant 0 : i32
      %dma_wait3A_785 = arith.constant 0 : i32
      %dma_wait3A_786 = tpu.memref_slice %arg9[%dma_wait3A_783, %dma_wait3A_784, %dma_wait3A_785] : memref<8x128x16xf32, #tpu.memory_space<vmem>> -> memref<1x128x16xf32, #tpu.memory_space<vmem>>
      %dma_wait3A_787 = tpu.memref_squeeze %dma_wait3A_786 : memref<1x128x16xf32, #tpu.memory_space<vmem>> -> memref<128x16xf32, #tpu.memory_space<vmem>>
      %dma_wait3A_788 = arith.constant 0 : i32
      %dma_wait3A_789 = tpu.memref_slice %arg7[%dma_wait3A, %dma_wait3A_788] : memref<8x128xi32, #tpu.memory_space<vmem>> -> memref<1x128xi32, #tpu.memory_space<vmem>>
      %dma_wait3A_790 = tpu.memref_squeeze %dma_wait3A_789 : memref<1x128xi32, #tpu.memory_space<vmem>> -> memref<128xi32, #tpu.memory_space<vmem>>
      %dma_wait3A_791 = arith.constant 0 : i32
      %dma_wait3A_792 = arith.constant 0 : i32
      %dma_wait3A_793 = tpu.memref_slice %arg2[%dma_wait3A_791, %dma_wait3A_792] : memref<401408x16xf32, #tpu.memory_space<hbm>> -> memref<401408x16xf32, #tpu.memory_space<hbm>>
      tpu.wait_indirect_dma semaphore(%arg10 : memref<!tpu.dma_semaphore, #tpu.memory_space<semaphore_mem>>) src(%dma_wait3A_793 : memref<401408x16xf32, #tpu.memory_space<hbm>>) dst(%dma_wait3A_787 : memref<128x16xf32, #tpu.memory_space<vmem>>)
      %run_scoped3A = arith.constant 0 : i32
      %run_scoped3A_794 = arith.constant 0 : i32
      "tpu.region"() ({
        %run_scoped3A_893 = tpu.sem_alloc : memref<!tpu.dma_semaphore, #tpu.memory_space<semaphore_mem>>
        %dma_start3A_894 = arith.constant 0 : i32
        %dma_start3A_895 = arith.constant 0 : i32
        %dma_start3A_896 = tpu.memref_slice %arg9[%run_scoped3A, %dma_start3A_894, %dma_start3A_895] : memref<8x128x16xf32, #tpu.memory_space<vmem>> -> memref<1x128x16xf32, #tpu.memory_space<vmem>>
        %dma_start3A_897 = tpu.memref_squeeze %dma_start3A_896 : memref<1x128x16xf32, #tpu.memory_space<vmem>> -> memref<128x16xf32, #tpu.memory_space<vmem>>
        %dma_start3A_898 = arith.constant 0 : i32
        %dma_start3A_899 = tpu.memref_slice %arg8[%run_scoped3A_794, %dma_start3A_898] : memref<8x128xi32, #tpu.memory_space<vmem>> -> memref<1x128xi32, #tpu.memory_space<vmem>>
        %dma_start3A_900 = tpu.memref_squeeze %dma_start3A_899 : memref<1x128xi32, #tpu.memory_space<vmem>> -> memref<128xi32, #tpu.memory_space<vmem>>
        %dma_start3A_901 = arith.constant 0 : i32
        %dma_start3A_902 = arith.constant 0 : i32
        %dma_start3A_903 = tpu.memref_slice %arg6[%dma_start3A_901, %dma_start3A_902] : memref<100352x16xf32, #tpu.memory_space<vmem_shared>> -> memref<100352x16xf32, #tpu.memory_space<vmem_shared>>
        tpu.enqueue_indirect_dma source(%dma_start3A_897 : memref<128x16xf32, #tpu.memory_space<vmem>>) target(%dma_start3A_903 : memref<100352x16xf32, #tpu.memory_space<vmem_shared>>) offsets(%dma_start3A_900 : memref<128xi32, #tpu.memory_space<vmem>>) semaphore(%run_scoped3A_893 : memref<!tpu.dma_semaphore, #tpu.memory_space<semaphore_mem>>) {add = true}
        %dma_wait3A_904 = arith.constant 0 : i32
        %dma_wait3A_905 = arith.constant 0 : i32
        %dma_wait3A_906 = tpu.memref_slice %arg9[%run_scoped3A, %dma_wait3A_904, %dma_wait3A_905] : memref<8x128x16xf32, #tpu.memory_space<vmem>> -> memref<1x128x16xf32, #tpu.memory_space<vmem>>
        %dma_wait3A_907 = tpu.memref_squeeze %dma_wait3A_906 : memref<1x128x16xf32, #tpu.memory_space<vmem>> -> memref<128x16xf32, #tpu.memory_space<vmem>>
        %dma_wait3A_908 = arith.constant 0 : i32
        %dma_wait3A_909 = tpu.memref_slice %arg8[%run_scoped3A_794, %dma_wait3A_908] : memref<8x128xi32, #tpu.memory_space<vmem>> -> memref<1x128xi32, #tpu.memory_space<vmem>>
        %dma_wait3A_910 = tpu.memref_squeeze %dma_wait3A_909 : memref<1x128xi32, #tpu.memory_space<vmem>> -> memref<128xi32, #tpu.memory_space<vmem>>
        %dma_wait3A_911 = arith.constant 0 : i32
        %dma_wait3A_912 = arith.constant 0 : i32
        %dma_wait3A_913 = tpu.memref_slice %arg6[%dma_wait3A_911, %dma_wait3A_912] : memref<100352x16xf32, #tpu.memory_space<vmem_shared>> -> memref<100352x16xf32, #tpu.memory_space<vmem_shared>>
        tpu.wait_indirect_dma semaphore(%run_scoped3A_893 : memref<!tpu.dma_semaphore, #tpu.memory_space<semaphore_mem>>) src(%dma_wait3A_907 : memref<128x16xf32, #tpu.memory_space<vmem>>) dst(%dma_wait3A_913 : memref<100352x16xf32, #tpu.memory_space<vmem_shared>>)
        tpu.yield
      }) : () -> ()
      %dma_wait3A_795 = arith.constant 1 : i32
      %dma_wait3A_796 = arith.constant 1 : i32
      %dma_wait3A_797 = arith.constant 0 : i32
      %dma_wait3A_798 = arith.constant 0 : i32
      %dma_wait3A_799 = tpu.memref_slice %arg9[%dma_wait3A_796, %dma_wait3A_797, %dma_wait3A_798] : memref<8x128x16xf32, #tpu.memory_space<vmem>> -> memref<1x128x16xf32, #tpu.memory_space<vmem>>
      %dma_wait3A_800 = tpu.memref_squeeze %dma_wait3A_799 : memref<1x128x16xf32, #tpu.memory_space<vmem>> -> memref<128x16xf32, #tpu.memory_space<vmem>>
      %dma_wait3A_801 = arith.constant 0 : i32
      %dma_wait3A_802 = tpu.memref_slice %arg7[%dma_wait3A_795, %dma_wait3A_801] : memref<8x128xi32, #tpu.memory_space<vmem>> -> memref<1x128xi32, #tpu.memory_space<vmem>>
      %dma_wait3A_803 = tpu.memref_squeeze %dma_wait3A_802 : memref<1x128xi32, #tpu.memory_space<vmem>> -> memref<128xi32, #tpu.memory_space<vmem>>
      %dma_wait3A_804 = arith.constant 0 : i32
      %dma_wait3A_805 = arith.constant 0 : i32
      %dma_wait3A_806 = tpu.memref_slice %arg2[%dma_wait3A_804, %dma_wait3A_805] : memref<401408x16xf32, #tpu.memory_space<hbm>> -> memref<401408x16xf32, #tpu.memory_space<hbm>>
      tpu.wait_indirect_dma semaphore(%arg10 : memref<!tpu.dma_semaphore, #tpu.memory_space<semaphore_mem>>) src(%dma_wait3A_806 : memref<401408x16xf32, #tpu.memory_space<hbm>>) dst(%dma_wait3A_800 : memref<128x16xf32, #tpu.memory_space<vmem>>)
      %run_scoped3A_807 = arith.constant 1 : i32
      %run_scoped3A_808 = arith.constant 1 : i32
      "tpu.region"() ({
        %run_scoped3A_893 = tpu.sem_alloc : memref<!tpu.dma_semaphore, #tpu.memory_space<semaphore_mem>>
        %dma_start3A_894 = arith.constant 0 : i32
        %dma_start3A_895 = arith.constant 0 : i32
        %dma_start3A_896 = tpu.memref_slice %arg9[%run_scoped3A_807, %dma_start3A_894, %dma_start3A_895] : memref<8x128x16xf32, #tpu.memory_space<vmem>> -> memref<1x128x16xf32, #tpu.memory_space<vmem>>
        %dma_start3A_897 = tpu.memref_squeeze %dma_start3A_896 : memref<1x128x16xf32, #tpu.memory_space<vmem>> -> memref<128x16xf32, #tpu.memory_space<vmem>>
        %dma_start3A_898 = arith.constant 0 : i32
        %dma_start3A_899 = tpu.memref_slice %arg8[%run_scoped3A_808, %dma_start3A_898] : memref<8x128xi32, #tpu.memory_space<vmem>> -> memref<1x128xi32, #tpu.memory_space<vmem>>
        %dma_start3A_900 = tpu.memref_squeeze %dma_start3A_899 : memref<1x128xi32, #tpu.memory_space<vmem>> -> memref<128xi32, #tpu.memory_space<vmem>>
        %dma_start3A_901 = arith.constant 0 : i32
        %dma_start3A_902 = arith.constant 0 : i32
        %dma_start3A_903 = tpu.memref_slice %arg6[%dma_start3A_901, %dma_start3A_902] : memref<100352x16xf32, #tpu.memory_space<vmem_shared>> -> memref<100352x16xf32, #tpu.memory_space<vmem_shared>>
        tpu.enqueue_indirect_dma source(%dma_start3A_897 : memref<128x16xf32, #tpu.memory_space<vmem>>) target(%dma_start3A_903 : memref<100352x16xf32, #tpu.memory_space<vmem_shared>>) offsets(%dma_start3A_900 : memref<128xi32, #tpu.memory_space<vmem>>) semaphore(%run_scoped3A_893 : memref<!tpu.dma_semaphore, #tpu.memory_space<semaphore_mem>>) {add = true}
        %dma_wait3A_904 = arith.constant 0 : i32
        %dma_wait3A_905 = arith.constant 0 : i32
        %dma_wait3A_906 = tpu.memref_slice %arg9[%run_scoped3A_807, %dma_wait3A_904, %dma_wait3A_905] : memref<8x128x16xf32, #tpu.memory_space<vmem>> -> memref<1x128x16xf32, #tpu.memory_space<vmem>>
        %dma_wait3A_907 = tpu.memref_squeeze %dma_wait3A_906 : memref<1x128x16xf32, #tpu.memory_space<vmem>> -> memref<128x16xf32, #tpu.memory_space<vmem>>
        %dma_wait3A_908 = arith.constant 0 : i32
        %dma_wait3A_909 = tpu.memref_slice %arg8[%run_scoped3A_808, %dma_wait3A_908] : memref<8x128xi32, #tpu.memory_space<vmem>> -> memref<1x128xi32, #tpu.memory_space<vmem>>
        %dma_wait3A_910 = tpu.memref_squeeze %dma_wait3A_909 : memref<1x128xi32, #tpu.memory_space<vmem>> -> memref<128xi32, #tpu.memory_space<vmem>>
        %dma_wait3A_911 = arith.constant 0 : i32
        %dma_wait3A_912 = arith.constant 0 : i32
        %dma_wait3A_913 = tpu.memref_slice %arg6[%dma_wait3A_911, %dma_wait3A_912] : memref<100352x16xf32, #tpu.memory_space<vmem_shared>> -> memref<100352x16xf32, #tpu.memory_space<vmem_shared>>
        tpu.wait_indirect_dma semaphore(%run_scoped3A_893 : memref<!tpu.dma_semaphore, #tpu.memory_space<semaphore_mem>>) src(%dma_wait3A_907 : memref<128x16xf32, #tpu.memory_space<vmem>>) dst(%dma_wait3A_913 : memref<100352x16xf32, #tpu.memory_space<vmem_shared>>)
        tpu.yield
      }) : () -> ()
      %dma_wait3A_809 = arith.constant 2 : i32
      %dma_wait3A_810 = arith.constant 2 : i32
      %dma_wait3A_811 = arith.constant 0 : i32
      %dma_wait3A_812 = arith.constant 0 : i32
      %dma_wait3A_813 = tpu.memref_slice %arg9[%dma_wait3A_810, %dma_wait3A_811, %dma_wait3A_812] : memref<8x128x16xf32, #tpu.memory_space<vmem>> -> memref<1x128x16xf32, #tpu.memory_space<vmem>>
      %dma_wait3A_814 = tpu.memref_squeeze %dma_wait3A_813 : memref<1x128x16xf32, #tpu.memory_space<vmem>> -> memref<128x16xf32, #tpu.memory_space<vmem>>
      %dma_wait3A_815 = arith.constant 0 : i32
      %dma_wait3A_816 = tpu.memref_slice %arg7[%dma_wait3A_809, %dma_wait3A_815] : memref<8x128xi32, #tpu.memory_space<vmem>> -> memref<1x128xi32, #tpu.memory_space<vmem>>
      %dma_wait3A_817 = tpu.memref_squeeze %dma_wait3A_816 : memref<1x128xi32, #tpu.memory_space<vmem>> -> memref<128xi32, #tpu.memory_space<vmem>>
      %dma_wait3A_818 = arith.constant 0 : i32
      %dma_wait3A_819 = arith.constant 0 : i32
      %dma_wait3A_820 = tpu.memref_slice %arg2[%dma_wait3A_818, %dma_wait3A_819] : memref<401408x16xf32, #tpu.memory_space<hbm>> -> memref<401408x16xf32, #tpu.memory_space<hbm>>
      tpu.wait_indirect_dma semaphore(%arg10 : memref<!tpu.dma_semaphore, #tpu.memory_space<semaphore_mem>>) src(%dma_wait3A_820 : memref<401408x16xf32, #tpu.memory_space<hbm>>) dst(%dma_wait3A_814 : memref<128x16xf32, #tpu.memory_space<vmem>>)
      %run_scoped3A_821 = arith.constant 2 : i32
      %run_scoped3A_822 = arith.constant 2 : i32
      "tpu.region"() ({
        %run_scoped3A_893 = tpu.sem_alloc : memref<!tpu.dma_semaphore, #tpu.memory_space<semaphore_mem>>
        %dma_start3A_894 = arith.constant 0 : i32
        %dma_start3A_895 = arith.constant 0 : i32
        %dma_start3A_896 = tpu.memref_slice %arg9[%run_scoped3A_821, %dma_start3A_894, %dma_start3A_895] : memref<8x128x16xf32, #tpu.memory_space<vmem>> -> memref<1x128x16xf32, #tpu.memory_space<vmem>>
        %dma_start3A_897 = tpu.memref_squeeze %dma_start3A_896 : memref<1x128x16xf32, #tpu.memory_space<vmem>> -> memref<128x16xf32, #tpu.memory_space<vmem>>
        %dma_start3A_898 = arith.constant 0 : i32
        %dma_start3A_899 = tpu.memref_slice %arg8[%run_scoped3A_822, %dma_start3A_898] : memref<8x128xi32, #tpu.memory_space<vmem>> -> memref<1x128xi32, #tpu.memory_space<vmem>>
        %dma_start3A_900 = tpu.memref_squeeze %dma_start3A_899 : memref<1x128xi32, #tpu.memory_space<vmem>> -> memref<128xi32, #tpu.memory_space<vmem>>
        %dma_start3A_901 = arith.constant 0 : i32
        %dma_start3A_902 = arith.constant 0 : i32
        %dma_start3A_903 = tpu.memref_slice %arg6[%dma_start3A_901, %dma_start3A_902] : memref<100352x16xf32, #tpu.memory_space<vmem_shared>> -> memref<100352x16xf32, #tpu.memory_space<vmem_shared>>
        tpu.enqueue_indirect_dma source(%dma_start3A_897 : memref<128x16xf32, #tpu.memory_space<vmem>>) target(%dma_start3A_903 : memref<100352x16xf32, #tpu.memory_space<vmem_shared>>) offsets(%dma_start3A_900 : memref<128xi32, #tpu.memory_space<vmem>>) semaphore(%run_scoped3A_893 : memref<!tpu.dma_semaphore, #tpu.memory_space<semaphore_mem>>) {add = true}
        %dma_wait3A_904 = arith.constant 0 : i32
        %dma_wait3A_905 = arith.constant 0 : i32
        %dma_wait3A_906 = tpu.memref_slice %arg9[%run_scoped3A_821, %dma_wait3A_904, %dma_wait3A_905] : memref<8x128x16xf32, #tpu.memory_space<vmem>> -> memref<1x128x16xf32, #tpu.memory_space<vmem>>
        %dma_wait3A_907 = tpu.memref_squeeze %dma_wait3A_906 : memref<1x128x16xf32, #tpu.memory_space<vmem>> -> memref<128x16xf32, #tpu.memory_space<vmem>>
        %dma_wait3A_908 = arith.constant 0 : i32
        %dma_wait3A_909 = tpu.memref_slice %arg8[%run_scoped3A_822, %dma_wait3A_908] : memref<8x128xi32, #tpu.memory_space<vmem>> -> memref<1x128xi32, #tpu.memory_space<vmem>>
        %dma_wait3A_910 = tpu.memref_squeeze %dma_wait3A_909 : memref<1x128xi32, #tpu.memory_space<vmem>> -> memref<128xi32, #tpu.memory_space<vmem>>
        %dma_wait3A_911 = arith.constant 0 : i32
        %dma_wait3A_912 = arith.constant 0 : i32
        %dma_wait3A_913 = tpu.memref_slice %arg6[%dma_wait3A_911, %dma_wait3A_912] : memref<100352x16xf32, #tpu.memory_space<vmem_shared>> -> memref<100352x16xf32, #tpu.memory_space<vmem_shared>>
        tpu.wait_indirect_dma semaphore(%run_scoped3A_893 : memref<!tpu.dma_semaphore, #tpu.memory_space<semaphore_mem>>) src(%dma_wait3A_907 : memref<128x16xf32, #tpu.memory_space<vmem>>) dst(%dma_wait3A_913 : memref<100352x16xf32, #tpu.memory_space<vmem_shared>>)
        tpu.yield
      }) : () -> ()
      %dma_wait3A_823 = arith.constant 3 : i32
      %dma_wait3A_824 = arith.constant 3 : i32
      %dma_wait3A_825 = arith.constant 0 : i32
      %dma_wait3A_826 = arith.constant 0 : i32
      %dma_wait3A_827 = tpu.memref_slice %arg9[%dma_wait3A_824, %dma_wait3A_825, %dma_wait3A_826] : memref<8x128x16xf32, #tpu.memory_space<vmem>> -> memref<1x128x16xf32, #tpu.memory_space<vmem>>
      %dma_wait3A_828 = tpu.memref_squeeze %dma_wait3A_827 : memref<1x128x16xf32, #tpu.memory_space<vmem>> -> memref<128x16xf32, #tpu.memory_space<vmem>>
      %dma_wait3A_829 = arith.constant 0 : i32
      %dma_wait3A_830 = tpu.memref_slice %arg7[%dma_wait3A_823, %dma_wait3A_829] : memref<8x128xi32, #tpu.memory_space<vmem>> -> memref<1x128xi32, #tpu.memory_space<vmem>>
      %dma_wait3A_831 = tpu.memref_squeeze %dma_wait3A_830 : memref<1x128xi32, #tpu.memory_space<vmem>> -> memref<128xi32, #tpu.memory_space<vmem>>
      %dma_wait3A_832 = arith.constant 0 : i32
      %dma_wait3A_833 = arith.constant 0 : i32
      %dma_wait3A_834 = tpu.memref_slice %arg2[%dma_wait3A_832, %dma_wait3A_833] : memref<401408x16xf32, #tpu.memory_space<hbm>> -> memref<401408x16xf32, #tpu.memory_space<hbm>>
      tpu.wait_indirect_dma semaphore(%arg10 : memref<!tpu.dma_semaphore, #tpu.memory_space<semaphore_mem>>) src(%dma_wait3A_834 : memref<401408x16xf32, #tpu.memory_space<hbm>>) dst(%dma_wait3A_828 : memref<128x16xf32, #tpu.memory_space<vmem>>)
      %run_scoped3A_835 = arith.constant 3 : i32
      %run_scoped3A_836 = arith.constant 3 : i32
      "tpu.region"() ({
        %run_scoped3A_893 = tpu.sem_alloc : memref<!tpu.dma_semaphore, #tpu.memory_space<semaphore_mem>>
        %dma_start3A_894 = arith.constant 0 : i32
        %dma_start3A_895 = arith.constant 0 : i32
        %dma_start3A_896 = tpu.memref_slice %arg9[%run_scoped3A_835, %dma_start3A_894, %dma_start3A_895] : memref<8x128x16xf32, #tpu.memory_space<vmem>> -> memref<1x128x16xf32, #tpu.memory_space<vmem>>
        %dma_start3A_897 = tpu.memref_squeeze %dma_start3A_896 : memref<1x128x16xf32, #tpu.memory_space<vmem>> -> memref<128x16xf32, #tpu.memory_space<vmem>>
        %dma_start3A_898 = arith.constant 0 : i32
        %dma_start3A_899 = tpu.memref_slice %arg8[%run_scoped3A_836, %dma_start3A_898] : memref<8x128xi32, #tpu.memory_space<vmem>> -> memref<1x128xi32, #tpu.memory_space<vmem>>
        %dma_start3A_900 = tpu.memref_squeeze %dma_start3A_899 : memref<1x128xi32, #tpu.memory_space<vmem>> -> memref<128xi32, #tpu.memory_space<vmem>>
        %dma_start3A_901 = arith.constant 0 : i32
        %dma_start3A_902 = arith.constant 0 : i32
        %dma_start3A_903 = tpu.memref_slice %arg6[%dma_start3A_901, %dma_start3A_902] : memref<100352x16xf32, #tpu.memory_space<vmem_shared>> -> memref<100352x16xf32, #tpu.memory_space<vmem_shared>>
        tpu.enqueue_indirect_dma source(%dma_start3A_897 : memref<128x16xf32, #tpu.memory_space<vmem>>) target(%dma_start3A_903 : memref<100352x16xf32, #tpu.memory_space<vmem_shared>>) offsets(%dma_start3A_900 : memref<128xi32, #tpu.memory_space<vmem>>) semaphore(%run_scoped3A_893 : memref<!tpu.dma_semaphore, #tpu.memory_space<semaphore_mem>>) {add = true}
        %dma_wait3A_904 = arith.constant 0 : i32
        %dma_wait3A_905 = arith.constant 0 : i32
        %dma_wait3A_906 = tpu.memref_slice %arg9[%run_scoped3A_835, %dma_wait3A_904, %dma_wait3A_905] : memref<8x128x16xf32, #tpu.memory_space<vmem>> -> memref<1x128x16xf32, #tpu.memory_space<vmem>>
        %dma_wait3A_907 = tpu.memref_squeeze %dma_wait3A_906 : memref<1x128x16xf32, #tpu.memory_space<vmem>> -> memref<128x16xf32, #tpu.memory_space<vmem>>
        %dma_wait3A_908 = arith.constant 0 : i32
        %dma_wait3A_909 = tpu.memref_slice %arg8[%run_scoped3A_836, %dma_wait3A_908] : memref<8x128xi32, #tpu.memory_space<vmem>> -> memref<1x128xi32, #tpu.memory_space<vmem>>
        %dma_wait3A_910 = tpu.memref_squeeze %dma_wait3A_909 : memref<1x128xi32, #tpu.memory_space<vmem>> -> memref<128xi32, #tpu.memory_space<vmem>>
        %dma_wait3A_911 = arith.constant 0 : i32
        %dma_wait3A_912 = arith.constant 0 : i32
        %dma_wait3A_913 = tpu.memref_slice %arg6[%dma_wait3A_911, %dma_wait3A_912] : memref<100352x16xf32, #tpu.memory_space<vmem_shared>> -> memref<100352x16xf32, #tpu.memory_space<vmem_shared>>
        tpu.wait_indirect_dma semaphore(%run_scoped3A_893 : memref<!tpu.dma_semaphore, #tpu.memory_space<semaphore_mem>>) src(%dma_wait3A_907 : memref<128x16xf32, #tpu.memory_space<vmem>>) dst(%dma_wait3A_913 : memref<100352x16xf32, #tpu.memory_space<vmem_shared>>)
        tpu.yield
      }) : () -> ()
      %dma_wait3A_837 = arith.constant 4 : i32
      %dma_wait3A_838 = arith.constant 4 : i32
      %dma_wait3A_839 = arith.constant 0 : i32
      %dma_wait3A_840 = arith.constant 0 : i32
      %dma_wait3A_841 = tpu.memref_slice %arg9[%dma_wait3A_838, %dma_wait3A_839, %dma_wait3A_840] : memref<8x128x16xf32, #tpu.memory_space<vmem>> -> memref<1x128x16xf32, #tpu.memory_space<vmem>>
      %dma_wait3A_842 = tpu.memref_squeeze %dma_wait3A_841 : memref<1x128x16xf32, #tpu.memory_space<vmem>> -> memref<128x16xf32, #tpu.memory_space<vmem>>
      %dma_wait3A_843 = arith.constant 0 : i32
      %dma_wait3A_844 = tpu.memref_slice %arg7[%dma_wait3A_837, %dma_wait3A_843] : memref<8x128xi32, #tpu.memory_space<vmem>> -> memref<1x128xi32, #tpu.memory_space<vmem>>
      %dma_wait3A_845 = tpu.memref_squeeze %dma_wait3A_844 : memref<1x128xi32, #tpu.memory_space<vmem>> -> memref<128xi32, #tpu.memory_space<vmem>>
      %dma_wait3A_846 = arith.constant 0 : i32
      %dma_wait3A_847 = arith.constant 0 : i32
      %dma_wait3A_848 = tpu.memref_slice %arg2[%dma_wait3A_846, %dma_wait3A_847] : memref<401408x16xf32, #tpu.memory_space<hbm>> -> memref<401408x16xf32, #tpu.memory_space<hbm>>
      tpu.wait_indirect_dma semaphore(%arg10 : memref<!tpu.dma_semaphore, #tpu.memory_space<semaphore_mem>>) src(%dma_wait3A_848 : memref<401408x16xf32, #tpu.memory_space<hbm>>) dst(%dma_wait3A_842 : memref<128x16xf32, #tpu.memory_space<vmem>>)
      %run_scoped3A_849 = arith.constant 4 : i32
      %run_scoped3A_850 = arith.constant 4 : i32
      "tpu.region"() ({
        %run_scoped3A_893 = tpu.sem_alloc : memref<!tpu.dma_semaphore, #tpu.memory_space<semaphore_mem>>
        %dma_start3A_894 = arith.constant 0 : i32
        %dma_start3A_895 = arith.constant 0 : i32
        %dma_start3A_896 = tpu.memref_slice %arg9[%run_scoped3A_849, %dma_start3A_894, %dma_start3A_895] : memref<8x128x16xf32, #tpu.memory_space<vmem>> -> memref<1x128x16xf32, #tpu.memory_space<vmem>>
        %dma_start3A_897 = tpu.memref_squeeze %dma_start3A_896 : memref<1x128x16xf32, #tpu.memory_space<vmem>> -> memref<128x16xf32, #tpu.memory_space<vmem>>
        %dma_start3A_898 = arith.constant 0 : i32
        %dma_start3A_899 = tpu.memref_slice %arg8[%run_scoped3A_850, %dma_start3A_898] : memref<8x128xi32, #tpu.memory_space<vmem>> -> memref<1x128xi32, #tpu.memory_space<vmem>>
        %dma_start3A_900 = tpu.memref_squeeze %dma_start3A_899 : memref<1x128xi32, #tpu.memory_space<vmem>> -> memref<128xi32, #tpu.memory_space<vmem>>
        %dma_start3A_901 = arith.constant 0 : i32
        %dma_start3A_902 = arith.constant 0 : i32
        %dma_start3A_903 = tpu.memref_slice %arg6[%dma_start3A_901, %dma_start3A_902] : memref<100352x16xf32, #tpu.memory_space<vmem_shared>> -> memref<100352x16xf32, #tpu.memory_space<vmem_shared>>
        tpu.enqueue_indirect_dma source(%dma_start3A_897 : memref<128x16xf32, #tpu.memory_space<vmem>>) target(%dma_start3A_903 : memref<100352x16xf32, #tpu.memory_space<vmem_shared>>) offsets(%dma_start3A_900 : memref<128xi32, #tpu.memory_space<vmem>>) semaphore(%run_scoped3A_893 : memref<!tpu.dma_semaphore, #tpu.memory_space<semaphore_mem>>) {add = true}
        %dma_wait3A_904 = arith.constant 0 : i32
        %dma_wait3A_905 = arith.constant 0 : i32
        %dma_wait3A_906 = tpu.memref_slice %arg9[%run_scoped3A_849, %dma_wait3A_904, %dma_wait3A_905] : memref<8x128x16xf32, #tpu.memory_space<vmem>> -> memref<1x128x16xf32, #tpu.memory_space<vmem>>
        %dma_wait3A_907 = tpu.memref_squeeze %dma_wait3A_906 : memref<1x128x16xf32, #tpu.memory_space<vmem>> -> memref<128x16xf32, #tpu.memory_space<vmem>>
        %dma_wait3A_908 = arith.constant 0 : i32
        %dma_wait3A_909 = tpu.memref_slice %arg8[%run_scoped3A_850, %dma_wait3A_908] : memref<8x128xi32, #tpu.memory_space<vmem>> -> memref<1x128xi32, #tpu.memory_space<vmem>>
        %dma_wait3A_910 = tpu.memref_squeeze %dma_wait3A_909 : memref<1x128xi32, #tpu.memory_space<vmem>> -> memref<128xi32, #tpu.memory_space<vmem>>
        %dma_wait3A_911 = arith.constant 0 : i32
        %dma_wait3A_912 = arith.constant 0 : i32
        %dma_wait3A_913 = tpu.memref_slice %arg6[%dma_wait3A_911, %dma_wait3A_912] : memref<100352x16xf32, #tpu.memory_space<vmem_shared>> -> memref<100352x16xf32, #tpu.memory_space<vmem_shared>>
        tpu.wait_indirect_dma semaphore(%run_scoped3A_893 : memref<!tpu.dma_semaphore, #tpu.memory_space<semaphore_mem>>) src(%dma_wait3A_907 : memref<128x16xf32, #tpu.memory_space<vmem>>) dst(%dma_wait3A_913 : memref<100352x16xf32, #tpu.memory_space<vmem_shared>>)
        tpu.yield
      }) : () -> ()
      %dma_wait3A_851 = arith.constant 5 : i32
      %dma_wait3A_852 = arith.constant 5 : i32
      %dma_wait3A_853 = arith.constant 0 : i32
      %dma_wait3A_854 = arith.constant 0 : i32
      %dma_wait3A_855 = tpu.memref_slice %arg9[%dma_wait3A_852, %dma_wait3A_853, %dma_wait3A_854] : memref<8x128x16xf32, #tpu.memory_space<vmem>> -> memref<1x128x16xf32, #tpu.memory_space<vmem>>
      %dma_wait3A_856 = tpu.memref_squeeze %dma_wait3A_855 : memref<1x128x16xf32, #tpu.memory_space<vmem>> -> memref<128x16xf32, #tpu.memory_space<vmem>>
      %dma_wait3A_857 = arith.constant 0 : i32
      %dma_wait3A_858 = tpu.memref_slice %arg7[%dma_wait3A_851, %dma_wait3A_857] : memref<8x128xi32, #tpu.memory_space<vmem>> -> memref<1x128xi32, #tpu.memory_space<vmem>>
      %dma_wait3A_859 = tpu.memref_squeeze %dma_wait3A_858 : memref<1x128xi32, #tpu.memory_space<vmem>> -> memref<128xi32, #tpu.memory_space<vmem>>
      %dma_wait3A_860 = arith.constant 0 : i32
      %dma_wait3A_861 = arith.constant 0 : i32
      %dma_wait3A_862 = tpu.memref_slice %arg2[%dma_wait3A_860, %dma_wait3A_861] : memref<401408x16xf32, #tpu.memory_space<hbm>> -> memref<401408x16xf32, #tpu.memory_space<hbm>>
      tpu.wait_indirect_dma semaphore(%arg10 : memref<!tpu.dma_semaphore, #tpu.memory_space<semaphore_mem>>) src(%dma_wait3A_862 : memref<401408x16xf32, #tpu.memory_space<hbm>>) dst(%dma_wait3A_856 : memref<128x16xf32, #tpu.memory_space<vmem>>)
      %run_scoped3A_863 = arith.constant 5 : i32
      %run_scoped3A_864 = arith.constant 5 : i32
      "tpu.region"() ({
        %run_scoped3A_893 = tpu.sem_alloc : memref<!tpu.dma_semaphore, #tpu.memory_space<semaphore_mem>>
        %dma_start3A_894 = arith.constant 0 : i32
        %dma_start3A_895 = arith.constant 0 : i32
        %dma_start3A_896 = tpu.memref_slice %arg9[%run_scoped3A_863, %dma_start3A_894, %dma_start3A_895] : memref<8x128x16xf32, #tpu.memory_space<vmem>> -> memref<1x128x16xf32, #tpu.memory_space<vmem>>
        %dma_start3A_897 = tpu.memref_squeeze %dma_start3A_896 : memref<1x128x16xf32, #tpu.memory_space<vmem>> -> memref<128x16xf32, #tpu.memory_space<vmem>>
        %dma_start3A_898 = arith.constant 0 : i32
        %dma_start3A_899 = tpu.memref_slice %arg8[%run_scoped3A_864, %dma_start3A_898] : memref<8x128xi32, #tpu.memory_space<vmem>> -> memref<1x128xi32, #tpu.memory_space<vmem>>
        %dma_start3A_900 = tpu.memref_squeeze %dma_start3A_899 : memref<1x128xi32, #tpu.memory_space<vmem>> -> memref<128xi32, #tpu.memory_space<vmem>>
        %dma_start3A_901 = arith.constant 0 : i32
        %dma_start3A_902 = arith.constant 0 : i32
        %dma_start3A_903 = tpu.memref_slice %arg6[%dma_start3A_901, %dma_start3A_902] : memref<100352x16xf32, #tpu.memory_space<vmem_shared>> -> memref<100352x16xf32, #tpu.memory_space<vmem_shared>>
        tpu.enqueue_indirect_dma source(%dma_start3A_897 : memref<128x16xf32, #tpu.memory_space<vmem>>) target(%dma_start3A_903 : memref<100352x16xf32, #tpu.memory_space<vmem_shared>>) offsets(%dma_start3A_900 : memref<128xi32, #tpu.memory_space<vmem>>) semaphore(%run_scoped3A_893 : memref<!tpu.dma_semaphore, #tpu.memory_space<semaphore_mem>>) {add = true}
        %dma_wait3A_904 = arith.constant 0 : i32
        %dma_wait3A_905 = arith.constant 0 : i32
        %dma_wait3A_906 = tpu.memref_slice %arg9[%run_scoped3A_863, %dma_wait3A_904, %dma_wait3A_905] : memref<8x128x16xf32, #tpu.memory_space<vmem>> -> memref<1x128x16xf32, #tpu.memory_space<vmem>>
        %dma_wait3A_907 = tpu.memref_squeeze %dma_wait3A_906 : memref<1x128x16xf32, #tpu.memory_space<vmem>> -> memref<128x16xf32, #tpu.memory_space<vmem>>
        %dma_wait3A_908 = arith.constant 0 : i32
        %dma_wait3A_909 = tpu.memref_slice %arg8[%run_scoped3A_864, %dma_wait3A_908] : memref<8x128xi32, #tpu.memory_space<vmem>> -> memref<1x128xi32, #tpu.memory_space<vmem>>
        %dma_wait3A_910 = tpu.memref_squeeze %dma_wait3A_909 : memref<1x128xi32, #tpu.memory_space<vmem>> -> memref<128xi32, #tpu.memory_space<vmem>>
        %dma_wait3A_911 = arith.constant 0 : i32
        %dma_wait3A_912 = arith.constant 0 : i32
        %dma_wait3A_913 = tpu.memref_slice %arg6[%dma_wait3A_911, %dma_wait3A_912] : memref<100352x16xf32, #tpu.memory_space<vmem_shared>> -> memref<100352x16xf32, #tpu.memory_space<vmem_shared>>
        tpu.wait_indirect_dma semaphore(%run_scoped3A_893 : memref<!tpu.dma_semaphore, #tpu.memory_space<semaphore_mem>>) src(%dma_wait3A_907 : memref<128x16xf32, #tpu.memory_space<vmem>>) dst(%dma_wait3A_913 : memref<100352x16xf32, #tpu.memory_space<vmem_shared>>)
        tpu.yield
      }) : () -> ()
      %dma_wait3A_865 = arith.constant 6 : i32
      %dma_wait3A_866 = arith.constant 6 : i32
      %dma_wait3A_867 = arith.constant 0 : i32
      %dma_wait3A_868 = arith.constant 0 : i32
      %dma_wait3A_869 = tpu.memref_slice %arg9[%dma_wait3A_866, %dma_wait3A_867, %dma_wait3A_868] : memref<8x128x16xf32, #tpu.memory_space<vmem>> -> memref<1x128x16xf32, #tpu.memory_space<vmem>>
      %dma_wait3A_870 = tpu.memref_squeeze %dma_wait3A_869 : memref<1x128x16xf32, #tpu.memory_space<vmem>> -> memref<128x16xf32, #tpu.memory_space<vmem>>
      %dma_wait3A_871 = arith.constant 0 : i32
      %dma_wait3A_872 = tpu.memref_slice %arg7[%dma_wait3A_865, %dma_wait3A_871] : memref<8x128xi32, #tpu.memory_space<vmem>> -> memref<1x128xi32, #tpu.memory_space<vmem>>
      %dma_wait3A_873 = tpu.memref_squeeze %dma_wait3A_872 : memref<1x128xi32, #tpu.memory_space<vmem>> -> memref<128xi32, #tpu.memory_space<vmem>>
      %dma_wait3A_874 = arith.constant 0 : i32
      %dma_wait3A_875 = arith.constant 0 : i32
      %dma_wait3A_876 = tpu.memref_slice %arg2[%dma_wait3A_874, %dma_wait3A_875] : memref<401408x16xf32, #tpu.memory_space<hbm>> -> memref<401408x16xf32, #tpu.memory_space<hbm>>
      tpu.wait_indirect_dma semaphore(%arg10 : memref<!tpu.dma_semaphore, #tpu.memory_space<semaphore_mem>>) src(%dma_wait3A_876 : memref<401408x16xf32, #tpu.memory_space<hbm>>) dst(%dma_wait3A_870 : memref<128x16xf32, #tpu.memory_space<vmem>>)
      %run_scoped3A_877 = arith.constant 6 : i32
      %run_scoped3A_878 = arith.constant 6 : i32
      "tpu.region"() ({
        %run_scoped3A_893 = tpu.sem_alloc : memref<!tpu.dma_semaphore, #tpu.memory_space<semaphore_mem>>
        %dma_start3A_894 = arith.constant 0 : i32
        %dma_start3A_895 = arith.constant 0 : i32
        %dma_start3A_896 = tpu.memref_slice %arg9[%run_scoped3A_877, %dma_start3A_894, %dma_start3A_895] : memref<8x128x16xf32, #tpu.memory_space<vmem>> -> memref<1x128x16xf32, #tpu.memory_space<vmem>>
        %dma_start3A_897 = tpu.memref_squeeze %dma_start3A_896 : memref<1x128x16xf32, #tpu.memory_space<vmem>> -> memref<128x16xf32, #tpu.memory_space<vmem>>
        %dma_start3A_898 = arith.constant 0 : i32
        %dma_start3A_899 = tpu.memref_slice %arg8[%run_scoped3A_878, %dma_start3A_898] : memref<8x128xi32, #tpu.memory_space<vmem>> -> memref<1x128xi32, #tpu.memory_space<vmem>>
        %dma_start3A_900 = tpu.memref_squeeze %dma_start3A_899 : memref<1x128xi32, #tpu.memory_space<vmem>> -> memref<128xi32, #tpu.memory_space<vmem>>
        %dma_start3A_901 = arith.constant 0 : i32
        %dma_start3A_902 = arith.constant 0 : i32
        %dma_start3A_903 = tpu.memref_slice %arg6[%dma_start3A_901, %dma_start3A_902] : memref<100352x16xf32, #tpu.memory_space<vmem_shared>> -> memref<100352x16xf32, #tpu.memory_space<vmem_shared>>
        tpu.enqueue_indirect_dma source(%dma_start3A_897 : memref<128x16xf32, #tpu.memory_space<vmem>>) target(%dma_start3A_903 : memref<100352x16xf32, #tpu.memory_space<vmem_shared>>) offsets(%dma_start3A_900 : memref<128xi32, #tpu.memory_space<vmem>>) semaphore(%run_scoped3A_893 : memref<!tpu.dma_semaphore, #tpu.memory_space<semaphore_mem>>) {add = true}
        %dma_wait3A_904 = arith.constant 0 : i32
        %dma_wait3A_905 = arith.constant 0 : i32
        %dma_wait3A_906 = tpu.memref_slice %arg9[%run_scoped3A_877, %dma_wait3A_904, %dma_wait3A_905] : memref<8x128x16xf32, #tpu.memory_space<vmem>> -> memref<1x128x16xf32, #tpu.memory_space<vmem>>
        %dma_wait3A_907 = tpu.memref_squeeze %dma_wait3A_906 : memref<1x128x16xf32, #tpu.memory_space<vmem>> -> memref<128x16xf32, #tpu.memory_space<vmem>>
        %dma_wait3A_908 = arith.constant 0 : i32
        %dma_wait3A_909 = tpu.memref_slice %arg8[%run_scoped3A_878, %dma_wait3A_908] : memref<8x128xi32, #tpu.memory_space<vmem>> -> memref<1x128xi32, #tpu.memory_space<vmem>>
        %dma_wait3A_910 = tpu.memref_squeeze %dma_wait3A_909 : memref<1x128xi32, #tpu.memory_space<vmem>> -> memref<128xi32, #tpu.memory_space<vmem>>
        %dma_wait3A_911 = arith.constant 0 : i32
        %dma_wait3A_912 = arith.constant 0 : i32
        %dma_wait3A_913 = tpu.memref_slice %arg6[%dma_wait3A_911, %dma_wait3A_912] : memref<100352x16xf32, #tpu.memory_space<vmem_shared>> -> memref<100352x16xf32, #tpu.memory_space<vmem_shared>>
        tpu.wait_indirect_dma semaphore(%run_scoped3A_893 : memref<!tpu.dma_semaphore, #tpu.memory_space<semaphore_mem>>) src(%dma_wait3A_907 : memref<128x16xf32, #tpu.memory_space<vmem>>) dst(%dma_wait3A_913 : memref<100352x16xf32, #tpu.memory_space<vmem_shared>>)
        tpu.yield
      }) : () -> ()
      %dma_wait3A_879 = arith.constant 7 : i32
      %dma_wait3A_880 = arith.constant 7 : i32
      %dma_wait3A_881 = arith.constant 0 : i32
      %dma_wait3A_882 = arith.constant 0 : i32
      %dma_wait3A_883 = tpu.memref_slice %arg9[%dma_wait3A_880, %dma_wait3A_881, %dma_wait3A_882] : memref<8x128x16xf32, #tpu.memory_space<vmem>> -> memref<1x128x16xf32, #tpu.memory_space<vmem>>
      %dma_wait3A_884 = tpu.memref_squeeze %dma_wait3A_883 : memref<1x128x16xf32, #tpu.memory_space<vmem>> -> memref<128x16xf32, #tpu.memory_space<vmem>>
      %dma_wait3A_885 = arith.constant 0 : i32
      %dma_wait3A_886 = tpu.memref_slice %arg7[%dma_wait3A_879, %dma_wait3A_885] : memref<8x128xi32, #tpu.memory_space<vmem>> -> memref<1x128xi32, #tpu.memory_space<vmem>>
      %dma_wait3A_887 = tpu.memref_squeeze %dma_wait3A_886 : memref<1x128xi32, #tpu.memory_space<vmem>> -> memref<128xi32, #tpu.memory_space<vmem>>
      %dma_wait3A_888 = arith.constant 0 : i32
      %dma_wait3A_889 = arith.constant 0 : i32
      %dma_wait3A_890 = tpu.memref_slice %arg2[%dma_wait3A_888, %dma_wait3A_889] : memref<401408x16xf32, #tpu.memory_space<hbm>> -> memref<401408x16xf32, #tpu.memory_space<hbm>>
      tpu.wait_indirect_dma semaphore(%arg10 : memref<!tpu.dma_semaphore, #tpu.memory_space<semaphore_mem>>) src(%dma_wait3A_890 : memref<401408x16xf32, #tpu.memory_space<hbm>>) dst(%dma_wait3A_884 : memref<128x16xf32, #tpu.memory_space<vmem>>)
      %run_scoped3A_891 = arith.constant 7 : i32
      %run_scoped3A_892 = arith.constant 7 : i32
      "tpu.region"() ({
        %run_scoped3A_893 = tpu.sem_alloc : memref<!tpu.dma_semaphore, #tpu.memory_space<semaphore_mem>>
        %dma_start3A_894 = arith.constant 0 : i32
        %dma_start3A_895 = arith.constant 0 : i32
        %dma_start3A_896 = tpu.memref_slice %arg9[%run_scoped3A_891, %dma_start3A_894, %dma_start3A_895] : memref<8x128x16xf32, #tpu.memory_space<vmem>> -> memref<1x128x16xf32, #tpu.memory_space<vmem>>
        %dma_start3A_897 = tpu.memref_squeeze %dma_start3A_896 : memref<1x128x16xf32, #tpu.memory_space<vmem>> -> memref<128x16xf32, #tpu.memory_space<vmem>>
        %dma_start3A_898 = arith.constant 0 : i32
        %dma_start3A_899 = tpu.memref_slice %arg8[%run_scoped3A_892, %dma_start3A_898] : memref<8x128xi32, #tpu.memory_space<vmem>> -> memref<1x128xi32, #tpu.memory_space<vmem>>
        %dma_start3A_900 = tpu.memref_squeeze %dma_start3A_899 : memref<1x128xi32, #tpu.memory_space<vmem>> -> memref<128xi32, #tpu.memory_space<vmem>>
        %dma_start3A_901 = arith.constant 0 : i32
        %dma_start3A_902 = arith.constant 0 : i32
        %dma_start3A_903 = tpu.memref_slice %arg6[%dma_start3A_901, %dma_start3A_902] : memref<100352x16xf32, #tpu.memory_space<vmem_shared>> -> memref<100352x16xf32, #tpu.memory_space<vmem_shared>>
        tpu.enqueue_indirect_dma source(%dma_start3A_897 : memref<128x16xf32, #tpu.memory_space<vmem>>) target(%dma_start3A_903 : memref<100352x16xf32, #tpu.memory_space<vmem_shared>>) offsets(%dma_start3A_900 : memref<128xi32, #tpu.memory_space<vmem>>) semaphore(%run_scoped3A_893 : memref<!tpu.dma_semaphore, #tpu.memory_space<semaphore_mem>>) {add = true}
        %dma_wait3A_904 = arith.constant 0 : i32
        %dma_wait3A_905 = arith.constant 0 : i32
        %dma_wait3A_906 = tpu.memref_slice %arg9[%run_scoped3A_891, %dma_wait3A_904, %dma_wait3A_905] : memref<8x128x16xf32, #tpu.memory_space<vmem>> -> memref<1x128x16xf32, #tpu.memory_space<vmem>>
        %dma_wait3A_907 = tpu.memref_squeeze %dma_wait3A_906 : memref<1x128x16xf32, #tpu.memory_space<vmem>> -> memref<128x16xf32, #tpu.memory_space<vmem>>
        %dma_wait3A_908 = arith.constant 0 : i32
        %dma_wait3A_909 = tpu.memref_slice %arg8[%run_scoped3A_892, %dma_wait3A_908] : memref<8x128xi32, #tpu.memory_space<vmem>> -> memref<1x128xi32, #tpu.memory_space<vmem>>
        %dma_wait3A_910 = tpu.memref_squeeze %dma_wait3A_909 : memref<1x128xi32, #tpu.memory_space<vmem>> -> memref<128xi32, #tpu.memory_space<vmem>>
        %dma_wait3A_911 = arith.constant 0 : i32
        %dma_wait3A_912 = arith.constant 0 : i32
        %dma_wait3A_913 = tpu.memref_slice %arg6[%dma_wait3A_911, %dma_wait3A_912] : memref<100352x16xf32, #tpu.memory_space<vmem_shared>> -> memref<100352x16xf32, #tpu.memory_space<vmem_shared>>
        tpu.wait_indirect_dma semaphore(%run_scoped3A_893 : memref<!tpu.dma_semaphore, #tpu.memory_space<semaphore_mem>>) src(%dma_wait3A_907 : memref<128x16xf32, #tpu.memory_space<vmem>>) dst(%dma_wait3A_913 : memref<100352x16xf32, #tpu.memory_space<vmem_shared>>)
        tpu.yield
      }) : () -> ()
    }
    %scan3A_12 = arith.constant 98 : i32
    %barrier3A_13 = arith.constant 0 : index
    tpu.barrier barrier_id(%barrier3A_13)
    %mul3A_14 = arith.constant 6272 : i32
    %mul3A_15 = arith.muli %arg1, %mul3A_14 : i32
    %mul3A_16 = arith.constant 6272 : i32
    %mul3A_17 = arith.muli %arg1, %mul3A_16 : i32
    %add3A_18 = arith.addi %mul3A_3, %mul3A_17 : i32
    "tpu.region"() ({
      %run_scoped3A = tpu.sem_alloc : memref<!tpu.dma_semaphore, #tpu.memory_space<semaphore_mem>>
      %dma_start3A = arith.constant 0 : i32
      %dma_start3A_44 = tpu.memref_slice %arg5[%add3A_18, %dma_start3A] : memref<401408x16xf32, #tpu.memory_space<hbm>> -> memref<6272x16xf32, #tpu.memory_space<hbm>>
      %dma_start3A_45 = arith.constant 0 : i32
      %dma_start3A_46 = tpu.memref_slice %arg6[%mul3A_15, %dma_start3A_45] : memref<100352x16xf32, #tpu.memory_space<vmem_shared>> -> memref<6272x16xf32, #tpu.memory_space<vmem_shared>>
      tpu.enqueue_dma source(%dma_start3A_46 : memref<6272x16xf32, #tpu.memory_space<vmem_shared>>) target(%dma_start3A_44 : memref<6272x16xf32, #tpu.memory_space<hbm>>) target_semaphore(%run_scoped3A : memref<!tpu.dma_semaphore, #tpu.memory_space<semaphore_mem>>)
      %dma_wait3A = arith.constant 0 : i32
      %dma_wait3A_47 = tpu.memref_slice %arg5[%add3A_18, %dma_wait3A] : memref<401408x16xf32, #tpu.memory_space<hbm>> -> memref<6272x16xf32, #tpu.memory_space<hbm>>
      %dma_wait3A_48 = arith.constant 0 : i32
      %dma_wait3A_49 = tpu.memref_slice %arg6[%mul3A_15, %dma_wait3A_48] : memref<100352x16xf32, #tpu.memory_space<vmem_shared>> -> memref<6272x16xf32, #tpu.memory_space<vmem_shared>>
      tpu.wait_dma2 semaphore(%run_scoped3A : memref<!tpu.dma_semaphore, #tpu.memory_space<semaphore_mem>>) src(%dma_wait3A_49 : memref<6272x16xf32, #tpu.memory_space<vmem_shared>>) dst(%dma_wait3A_47 : memref<6272x16xf32, #tpu.memory_space<hbm>>)
      tpu.yield
    }) : () -> ()
    %barrier3A_19 = arith.constant 0 : index
    tpu.barrier barrier_id(%barrier3A_19)
    %mul3A_20 = arith.constant 2 : i32
    %mul3A_21 = arith.muli %arg0, %mul3A_20 : i32
    %add3A_22 = arith.constant 1 : i32
    %add3A_23 = arith.addi %mul3A_21, %add3A_22 : i32
    %mul3A_24 = arith.constant 100352 : i32
    %mul3A_25 = arith.muli %add3A_23, %mul3A_24 : i32
    %mul3A_26 = arith.constant 6272 : i32
    %mul3A_27 = arith.muli %arg1, %mul3A_26 : i32
    %add3A_28 = arith.addi %mul3A_25, %mul3A_27 : i32
    %mul3A_29 = arith.constant 6272 : i32
    %mul3A_30 = arith.muli %arg1, %mul3A_29 : i32
    "tpu.region"() ({
      %run_scoped3A = tpu.sem_alloc : memref<!tpu.dma_semaphore, #tpu.memory_space<semaphore_mem>>
      %dma_start3A = arith.constant 0 : i32
      %dma_start3A_44 = tpu.memref_slice %arg6[%mul3A_30, %dma_start3A] : memref<100352x16xf32, #tpu.memory_space<vmem_shared>> -> memref<6272x16xf32, #tpu.memory_space<vmem_shared>>
      %dma_start3A_45 = arith.constant 0 : i32
      %dma_start3A_46 = tpu.memref_slice %arg2[%add3A_28, %dma_start3A_45] : memref<401408x16xf32, #tpu.memory_space<hbm>> -> memref<6272x16xf32, #tpu.memory_space<hbm>>
      tpu.enqueue_dma source(%dma_start3A_46 : memref<6272x16xf32, #tpu.memory_space<hbm>>) target(%dma_start3A_44 : memref<6272x16xf32, #tpu.memory_space<vmem_shared>>) target_semaphore(%run_scoped3A : memref<!tpu.dma_semaphore, #tpu.memory_space<semaphore_mem>>)
      %dma_wait3A = arith.constant 0 : i32
      %dma_wait3A_47 = tpu.memref_slice %arg6[%mul3A_30, %dma_wait3A] : memref<100352x16xf32, #tpu.memory_space<vmem_shared>> -> memref<6272x16xf32, #tpu.memory_space<vmem_shared>>
      %dma_wait3A_48 = arith.constant 0 : i32
      %dma_wait3A_49 = tpu.memref_slice %arg2[%add3A_28, %dma_wait3A_48] : memref<401408x16xf32, #tpu.memory_space<hbm>> -> memref<6272x16xf32, #tpu.memory_space<hbm>>
      tpu.wait_dma2 semaphore(%run_scoped3A : memref<!tpu.dma_semaphore, #tpu.memory_space<semaphore_mem>>) src(%dma_wait3A_49 : memref<6272x16xf32, #tpu.memory_space<hbm>>) dst(%dma_wait3A_47 : memref<6272x16xf32, #tpu.memory_space<vmem_shared>>)
      tpu.yield
    }) : () -> ()
    %barrier3A_31 = arith.constant 0 : index
    tpu.barrier barrier_id(%barrier3A_31)
    %scan3A_32 = arith.constant 0 : i32
    %scan3A_33 = arith.constant 98 : i32
    %scan3A_34 = arith.addi %scan3A_32, %scan3A_33 : i32
    %scan3A_35 = arith.constant 1 : i32
    scf.for %scan3A_44 = %scan3A_32 to %scan3A_34 step %scan3A_35  : i32 {
      %mul3A_45 = arith.constant 784 : i32
      %mul3A_46 = arith.muli %arg1, %mul3A_45 : i32
      %mul3A_47 = arith.constant 8 : i32
      %mul3A_48 = arith.muli %scan3A_44, %mul3A_47 : i32
      %add3A_49 = arith.addi %mul3A_46, %mul3A_48 : i32
      "tpu.region"() ({
        %run_scoped3A_893 = tpu.sem_alloc : memref<!tpu.dma_semaphore, #tpu.memory_space<semaphore_mem>>
        %dma_start3A_894 = arith.constant 0 : i32
        %dma_start3A_895 = tpu.memref_slice %arg3[%add3A_49, %dma_start3A_894] : memref<12544x128xi32, #tpu.memory_space<hbm>> -> memref<8x128xi32, #tpu.memory_space<hbm>>
        %dma_start3A_896 = arith.constant 0 : i32
        %dma_start3A_897 = tpu.memref_slice %arg3[%add3A_49, %dma_start3A_896] : memref<12544x128xi32, #tpu.memory_space<hbm>> -> memref<8x128xi32, #tpu.memory_space<hbm>>
        tpu.enqueue_dma source(%dma_start3A_897 : memref<8x128xi32, #tpu.memory_space<hbm>>) target(%arg7 : memref<8x128xi32, #tpu.memory_space<vmem>>) target_semaphore(%run_scoped3A_893 : memref<!tpu.dma_semaphore, #tpu.memory_space<semaphore_mem>>)
        %dma_wait3A_898 = arith.constant 0 : i32
        %dma_wait3A_899 = tpu.memref_slice %arg3[%add3A_49, %dma_wait3A_898] : memref<12544x128xi32, #tpu.memory_space<hbm>> -> memref<8x128xi32, #tpu.memory_space<hbm>>
        %dma_wait3A_900 = arith.constant 0 : i32
        %dma_wait3A_901 = tpu.memref_slice %arg3[%add3A_49, %dma_wait3A_900] : memref<12544x128xi32, #tpu.memory_space<hbm>> -> memref<8x128xi32, #tpu.memory_space<hbm>>
        tpu.wait_dma2 semaphore(%run_scoped3A_893 : memref<!tpu.dma_semaphore, #tpu.memory_space<semaphore_mem>>) src(%dma_wait3A_901 : memref<8x128xi32, #tpu.memory_space<hbm>>) dst(%arg7 : memref<8x128xi32, #tpu.memory_space<vmem>>)
        tpu.yield
      }) : () -> ()
      "tpu.region"() ({
        %run_scoped3A_893 = tpu.sem_alloc : memref<!tpu.dma_semaphore, #tpu.memory_space<semaphore_mem>>
        %dma_start3A_894 = arith.constant 0 : i32
        %dma_start3A_895 = tpu.memref_slice %arg4[%add3A_49, %dma_start3A_894] : memref<12544x128xi32, #tpu.memory_space<hbm>> -> memref<8x128xi32, #tpu.memory_space<hbm>>
        %dma_start3A_896 = arith.constant 0 : i32
        %dma_start3A_897 = tpu.memref_slice %arg4[%add3A_49, %dma_start3A_896] : memref<12544x128xi32, #tpu.memory_space<hbm>> -> memref<8x128xi32, #tpu.memory_space<hbm>>
        tpu.enqueue_dma source(%dma_start3A_897 : memref<8x128xi32, #tpu.memory_space<hbm>>) target(%arg8 : memref<8x128xi32, #tpu.memory_space<vmem>>) target_semaphore(%run_scoped3A_893 : memref<!tpu.dma_semaphore, #tpu.memory_space<semaphore_mem>>)
        %dma_wait3A_898 = arith.constant 0 : i32
        %dma_wait3A_899 = tpu.memref_slice %arg4[%add3A_49, %dma_wait3A_898] : memref<12544x128xi32, #tpu.memory_space<hbm>> -> memref<8x128xi32, #tpu.memory_space<hbm>>
        %dma_wait3A_900 = arith.constant 0 : i32
        %dma_wait3A_901 = tpu.memref_slice %arg4[%add3A_49, %dma_wait3A_900] : memref<12544x128xi32, #tpu.memory_space<hbm>> -> memref<8x128xi32, #tpu.memory_space<hbm>>
        tpu.wait_dma2 semaphore(%run_scoped3A_893 : memref<!tpu.dma_semaphore, #tpu.memory_space<semaphore_mem>>) src(%dma_wait3A_901 : memref<8x128xi32, #tpu.memory_space<hbm>>) dst(%arg8 : memref<8x128xi32, #tpu.memory_space<vmem>>)
        tpu.yield
      }) : () -> ()
      %get3A = arith.constant 0 : i32
      %get3A_50 = arith.index_cast %get3A : i32 to index
      %get3A_51 = arith.constant 0 : index
      %get3A_52 = tpu.vector_load %arg7[%get3A_50, %get3A_51] {strides = array<i32>} : memref<8x128xi32, #tpu.memory_space<vmem>>, vector<16xi32>,
      %add3A_53 = vector.broadcast %mul3A_25 : i32 to vector<16xi32>
      %add3A_54 = arith.addi %get3A_52, %add3A_53 : vector<16xi32>
      %swap3A = arith.constant 0 : i32
      %swap3A_55 = arith.index_cast %swap3A : i32 to index
      %swap3A_56 = arith.constant 0 : index
      %swap3A_57 = tpu.vector_load %arg7[%swap3A_55, %swap3A_56] {strides = array<i32>} : memref<8x128xi32, #tpu.memory_space<vmem>>, vector<16xi32>,
      tpu.vector_store %arg7[%swap3A_55, %swap3A_56], %add3A_54 {strides = array<i32>} : memref<8x128xi32, #tpu.memory_space<vmem>>, vector<16xi32>,
      %get3A_58 = arith.constant 0 : i32
      %get3A_59 = arith.index_cast %get3A_58 : i32 to index
      %get3A_60 = arith.constant 16 : index
      %get3A_61 = tpu.vector_load %arg7[%get3A_59, %get3A_60] {strides = array<i32>} : memref<8x128xi32, #tpu.memory_space<vmem>>, vector<16xi32>,
      %add3A_62 = vector.broadcast %mul3A_25 : i32 to vector<16xi32>
      %add3A_63 = arith.addi %get3A_61, %add3A_62 : vector<16xi32>
      %swap3A_64 = arith.constant 0 : i32
      %swap3A_65 = arith.index_cast %swap3A_64 : i32 to index
      %swap3A_66 = arith.constant 16 : index
      %swap3A_67 = tpu.vector_load %arg7[%swap3A_65, %swap3A_66] {strides = array<i32>} : memref<8x128xi32, #tpu.memory_space<vmem>>, vector<16xi32>,
      tpu.vector_store %arg7[%swap3A_65, %swap3A_66], %add3A_63 {strides = array<i32>} : memref<8x128xi32, #tpu.memory_space<vmem>>, vector<16xi32>,
      %get3A_68 = arith.constant 0 : i32
      %get3A_69 = arith.index_cast %get3A_68 : i32 to index
      %get3A_70 = arith.constant 32 : index
      %get3A_71 = tpu.vector_load %arg7[%get3A_69, %get3A_70] {strides = array<i32>} : memref<8x128xi32, #tpu.memory_space<vmem>>, vector<16xi32>,
      %add3A_72 = vector.broadcast %mul3A_25 : i32 to vector<16xi32>
      %add3A_73 = arith.addi %get3A_71, %add3A_72 : vector<16xi32>
      %swap3A_74 = arith.constant 0 : i32
      %swap3A_75 = arith.index_cast %swap3A_74 : i32 to index
      %swap3A_76 = arith.constant 32 : index
      %swap3A_77 = tpu.vector_load %arg7[%swap3A_75, %swap3A_76] {strides = array<i32>} : memref<8x128xi32, #tpu.memory_space<vmem>>, vector<16xi32>,
      tpu.vector_store %arg7[%swap3A_75, %swap3A_76], %add3A_73 {strides = array<i32>} : memref<8x128xi32, #tpu.memory_space<vmem>>, vector<16xi32>,
      %get3A_78 = arith.constant 0 : i32
      %get3A_79 = arith.index_cast %get3A_78 : i32 to index
      %get3A_80 = arith.constant 48 : index
      %get3A_81 = tpu.vector_load %arg7[%get3A_79, %get3A_80] {strides = array<i32>} : memref<8x128xi32, #tpu.memory_space<vmem>>, vector<16xi32>,
      %add3A_82 = vector.broadcast %mul3A_25 : i32 to vector<16xi32>
      %add3A_83 = arith.addi %get3A_81, %add3A_82 : vector<16xi32>
      %swap3A_84 = arith.constant 0 : i32
      %swap3A_85 = arith.index_cast %swap3A_84 : i32 to index
      %swap3A_86 = arith.constant 48 : index
      %swap3A_87 = tpu.vector_load %arg7[%swap3A_85, %swap3A_86] {strides = array<i32>} : memref<8x128xi32, #tpu.memory_space<vmem>>, vector<16xi32>,
      tpu.vector_store %arg7[%swap3A_85, %swap3A_86], %add3A_83 {strides = array<i32>} : memref<8x128xi32, #tpu.memory_space<vmem>>, vector<16xi32>,
      %get3A_88 = arith.constant 0 : i32
      %get3A_89 = arith.index_cast %get3A_88 : i32 to index
      %get3A_90 = arith.constant 64 : index
      %get3A_91 = tpu.vector_load %arg7[%get3A_89, %get3A_90] {strides = array<i32>} : memref<8x128xi32, #tpu.memory_space<vmem>>, vector<16xi32>,
      %add3A_92 = vector.broadcast %mul3A_25 : i32 to vector<16xi32>
      %add3A_93 = arith.addi %get3A_91, %add3A_92 : vector<16xi32>
      %swap3A_94 = arith.constant 0 : i32
      %swap3A_95 = arith.index_cast %swap3A_94 : i32 to index
      %swap3A_96 = arith.constant 64 : index
      %swap3A_97 = tpu.vector_load %arg7[%swap3A_95, %swap3A_96] {strides = array<i32>} : memref<8x128xi32, #tpu.memory_space<vmem>>, vector<16xi32>,
      tpu.vector_store %arg7[%swap3A_95, %swap3A_96], %add3A_93 {strides = array<i32>} : memref<8x128xi32, #tpu.memory_space<vmem>>, vector<16xi32>,
      %get3A_98 = arith.constant 0 : i32
      %get3A_99 = arith.index_cast %get3A_98 : i32 to index
      %get3A_100 = arith.constant 80 : index
      %get3A_101 = tpu.vector_load %arg7[%get3A_99, %get3A_100] {strides = array<i32>} : memref<8x128xi32, #tpu.memory_space<vmem>>, vector<16xi32>,
      %add3A_102 = vector.broadcast %mul3A_25 : i32 to vector<16xi32>
      %add3A_103 = arith.addi %get3A_101, %add3A_102 : vector<16xi32>
      %swap3A_104 = arith.constant 0 : i32
      %swap3A_105 = arith.index_cast %swap3A_104 : i32 to index
      %swap3A_106 = arith.constant 80 : index
      %swap3A_107 = tpu.vector_load %arg7[%swap3A_105, %swap3A_106] {strides = array<i32>} : memref<8x128xi32, #tpu.memory_space<vmem>>, vector<16xi32>,
      tpu.vector_store %arg7[%swap3A_105, %swap3A_106], %add3A_103 {strides = array<i32>} : memref<8x128xi32, #tpu.memory_space<vmem>>, vector<16xi32>,
      %get3A_108 = arith.constant 0 : i32
      %get3A_109 = arith.index_cast %get3A_108 : i32 to index
      %get3A_110 = arith.constant 96 : index
      %get3A_111 = tpu.vector_load %arg7[%get3A_109, %get3A_110] {strides = array<i32>} : memref<8x128xi32, #tpu.memory_space<vmem>>, vector<16xi32>,
      %add3A_112 = vector.broadcast %mul3A_25 : i32 to vector<16xi32>
      %add3A_113 = arith.addi %get3A_111, %add3A_112 : vector<16xi32>
      %swap3A_114 = arith.constant 0 : i32
      %swap3A_115 = arith.index_cast %swap3A_114 : i32 to index
      %swap3A_116 = arith.constant 96 : index
      %swap3A_117 = tpu.vector_load %arg7[%swap3A_115, %swap3A_116] {strides = array<i32>} : memref<8x128xi32, #tpu.memory_space<vmem>>, vector<16xi32>,
      tpu.vector_store %arg7[%swap3A_115, %swap3A_116], %add3A_113 {strides = array<i32>} : memref<8x128xi32, #tpu.memory_space<vmem>>, vector<16xi32>,
      %get3A_118 = arith.constant 0 : i32
      %get3A_119 = arith.index_cast %get3A_118 : i32 to index
      %get3A_120 = arith.constant 112 : index
      %get3A_121 = tpu.vector_load %arg7[%get3A_119, %get3A_120] {strides = array<i32>} : memref<8x128xi32, #tpu.memory_space<vmem>>, vector<16xi32>,
      %add3A_122 = vector.broadcast %mul3A_25 : i32 to vector<16xi32>
      %add3A_123 = arith.addi %get3A_121, %add3A_122 : vector<16xi32>
      %swap3A_124 = arith.constant 0 : i32
      %swap3A_125 = arith.index_cast %swap3A_124 : i32 to index
      %swap3A_126 = arith.constant 112 : index
      %swap3A_127 = tpu.vector_load %arg7[%swap3A_125, %swap3A_126] {strides = array<i32>} : memref<8x128xi32, #tpu.memory_space<vmem>>, vector<16xi32>,
      tpu.vector_store %arg7[%swap3A_125, %swap3A_126], %add3A_123 {strides = array<i32>} : memref<8x128xi32, #tpu.memory_space<vmem>>, vector<16xi32>,
      %get3A_128 = arith.constant 1 : i32
      %get3A_129 = arith.index_cast %get3A_128 : i32 to index
      %get3A_130 = arith.constant 0 : index
      %get3A_131 = tpu.vector_load %arg7[%get3A_129, %get3A_130] {strides = array<i32>} : memref<8x128xi32, #tpu.memory_space<vmem>>, vector<16xi32>,
      %add3A_132 = vector.broadcast %mul3A_25 : i32 to vector<16xi32>
      %add3A_133 = arith.addi %get3A_131, %add3A_132 : vector<16xi32>
      %swap3A_134 = arith.constant 1 : i32
      %swap3A_135 = arith.index_cast %swap3A_134 : i32 to index
      %swap3A_136 = arith.constant 0 : index
      %swap3A_137 = tpu.vector_load %arg7[%swap3A_135, %swap3A_136] {strides = array<i32>} : memref<8x128xi32, #tpu.memory_space<vmem>>, vector<16xi32>,
      tpu.vector_store %arg7[%swap3A_135, %swap3A_136], %add3A_133 {strides = array<i32>} : memref<8x128xi32, #tpu.memory_space<vmem>>, vector<16xi32>,
      %get3A_138 = arith.constant 1 : i32
      %get3A_139 = arith.index_cast %get3A_138 : i32 to index
      %get3A_140 = arith.constant 16 : index
      %get3A_141 = tpu.vector_load %arg7[%get3A_139, %get3A_140] {strides = array<i32>} : memref<8x128xi32, #tpu.memory_space<vmem>>, vector<16xi32>,
      %add3A_142 = vector.broadcast %mul3A_25 : i32 to vector<16xi32>
      %add3A_143 = arith.addi %get3A_141, %add3A_142 : vector<16xi32>
      %swap3A_144 = arith.constant 1 : i32
      %swap3A_145 = arith.index_cast %swap3A_144 : i32 to index
      %swap3A_146 = arith.constant 16 : index
      %swap3A_147 = tpu.vector_load %arg7[%swap3A_145, %swap3A_146] {strides = array<i32>} : memref<8x128xi32, #tpu.memory_space<vmem>>, vector<16xi32>,
      tpu.vector_store %arg7[%swap3A_145, %swap3A_146], %add3A_143 {strides = array<i32>} : memref<8x128xi32, #tpu.memory_space<vmem>>, vector<16xi32>,
      %get3A_148 = arith.constant 1 : i32
      %get3A_149 = arith.index_cast %get3A_148 : i32 to index
      %get3A_150 = arith.constant 32 : index
      %get3A_151 = tpu.vector_load %arg7[%get3A_149, %get3A_150] {strides = array<i32>} : memref<8x128xi32, #tpu.memory_space<vmem>>, vector<16xi32>,
      %add3A_152 = vector.broadcast %mul3A_25 : i32 to vector<16xi32>
      %add3A_153 = arith.addi %get3A_151, %add3A_152 : vector<16xi32>
      %swap3A_154 = arith.constant 1 : i32
      %swap3A_155 = arith.index_cast %swap3A_154 : i32 to index
      %swap3A_156 = arith.constant 32 : index
      %swap3A_157 = tpu.vector_load %arg7[%swap3A_155, %swap3A_156] {strides = array<i32>} : memref<8x128xi32, #tpu.memory_space<vmem>>, vector<16xi32>,
      tpu.vector_store %arg7[%swap3A_155, %swap3A_156], %add3A_153 {strides = array<i32>} : memref<8x128xi32, #tpu.memory_space<vmem>>, vector<16xi32>,
      %get3A_158 = arith.constant 1 : i32
      %get3A_159 = arith.index_cast %get3A_158 : i32 to index
      %get3A_160 = arith.constant 48 : index
      %get3A_161 = tpu.vector_load %arg7[%get3A_159, %get3A_160] {strides = array<i32>} : memref<8x128xi32, #tpu.memory_space<vmem>>, vector<16xi32>,
      %add3A_162 = vector.broadcast %mul3A_25 : i32 to vector<16xi32>
      %add3A_163 = arith.addi %get3A_161, %add3A_162 : vector<16xi32>
      %swap3A_164 = arith.constant 1 : i32
      %swap3A_165 = arith.index_cast %swap3A_164 : i32 to index
      %swap3A_166 = arith.constant 48 : index
      %swap3A_167 = tpu.vector_load %arg7[%swap3A_165, %swap3A_166] {strides = array<i32>} : memref<8x128xi32, #tpu.memory_space<vmem>>, vector<16xi32>,
      tpu.vector_store %arg7[%swap3A_165, %swap3A_166], %add3A_163 {strides = array<i32>} : memref<8x128xi32, #tpu.memory_space<vmem>>, vector<16xi32>,
      %get3A_168 = arith.constant 1 : i32
      %get3A_169 = arith.index_cast %get3A_168 : i32 to index
      %get3A_170 = arith.constant 64 : index
      %get3A_171 = tpu.vector_load %arg7[%get3A_169, %get3A_170] {strides = array<i32>} : memref<8x128xi32, #tpu.memory_space<vmem>>, vector<16xi32>,
      %add3A_172 = vector.broadcast %mul3A_25 : i32 to vector<16xi32>
      %add3A_173 = arith.addi %get3A_171, %add3A_172 : vector<16xi32>
      %swap3A_174 = arith.constant 1 : i32
      %swap3A_175 = arith.index_cast %swap3A_174 : i32 to index
      %swap3A_176 = arith.constant 64 : index
      %swap3A_177 = tpu.vector_load %arg7[%swap3A_175, %swap3A_176] {strides = array<i32>} : memref<8x128xi32, #tpu.memory_space<vmem>>, vector<16xi32>,
      tpu.vector_store %arg7[%swap3A_175, %swap3A_176], %add3A_173 {strides = array<i32>} : memref<8x128xi32, #tpu.memory_space<vmem>>, vector<16xi32>,
      %get3A_178 = arith.constant 1 : i32
      %get3A_179 = arith.index_cast %get3A_178 : i32 to index
      %get3A_180 = arith.constant 80 : index
      %get3A_181 = tpu.vector_load %arg7[%get3A_179, %get3A_180] {strides = array<i32>} : memref<8x128xi32, #tpu.memory_space<vmem>>, vector<16xi32>,
      %add3A_182 = vector.broadcast %mul3A_25 : i32 to vector<16xi32>
      %add3A_183 = arith.addi %get3A_181, %add3A_182 : vector<16xi32>
      %swap3A_184 = arith.constant 1 : i32
      %swap3A_185 = arith.index_cast %swap3A_184 : i32 to index
      %swap3A_186 = arith.constant 80 : index
      %swap3A_187 = tpu.vector_load %arg7[%swap3A_185, %swap3A_186] {strides = array<i32>} : memref<8x128xi32, #tpu.memory_space<vmem>>, vector<16xi32>,
      tpu.vector_store %arg7[%swap3A_185, %swap3A_186], %add3A_183 {strides = array<i32>} : memref<8x128xi32, #tpu.memory_space<vmem>>, vector<16xi32>,
      %get3A_188 = arith.constant 1 : i32
      %get3A_189 = arith.index_cast %get3A_188 : i32 to index
      %get3A_190 = arith.constant 96 : index
      %get3A_191 = tpu.vector_load %arg7[%get3A_189, %get3A_190] {strides = array<i32>} : memref<8x128xi32, #tpu.memory_space<vmem>>, vector<16xi32>,
      %add3A_192 = vector.broadcast %mul3A_25 : i32 to vector<16xi32>
      %add3A_193 = arith.addi %get3A_191, %add3A_192 : vector<16xi32>
      %swap3A_194 = arith.constant 1 : i32
      %swap3A_195 = arith.index_cast %swap3A_194 : i32 to index
      %swap3A_196 = arith.constant 96 : index
      %swap3A_197 = tpu.vector_load %arg7[%swap3A_195, %swap3A_196] {strides = array<i32>} : memref<8x128xi32, #tpu.memory_space<vmem>>, vector<16xi32>,
      tpu.vector_store %arg7[%swap3A_195, %swap3A_196], %add3A_193 {strides = array<i32>} : memref<8x128xi32, #tpu.memory_space<vmem>>, vector<16xi32>,
      %get3A_198 = arith.constant 1 : i32
      %get3A_199 = arith.index_cast %get3A_198 : i32 to index
      %get3A_200 = arith.constant 112 : index
      %get3A_201 = tpu.vector_load %arg7[%get3A_199, %get3A_200] {strides = array<i32>} : memref<8x128xi32, #tpu.memory_space<vmem>>, vector<16xi32>,
      %add3A_202 = vector.broadcast %mul3A_25 : i32 to vector<16xi32>
      %add3A_203 = arith.addi %get3A_201, %add3A_202 : vector<16xi32>
      %swap3A_204 = arith.constant 1 : i32
      %swap3A_205 = arith.index_cast %swap3A_204 : i32 to index
      %swap3A_206 = arith.constant 112 : index
      %swap3A_207 = tpu.vector_load %arg7[%swap3A_205, %swap3A_206] {strides = array<i32>} : memref<8x128xi32, #tpu.memory_space<vmem>>, vector<16xi32>,
      tpu.vector_store %arg7[%swap3A_205, %swap3A_206], %add3A_203 {strides = array<i32>} : memref<8x128xi32, #tpu.memory_space<vmem>>, vector<16xi32>,
      %get3A_208 = arith.constant 2 : i32
      %get3A_209 = arith.index_cast %get3A_208 : i32 to index
      %get3A_210 = arith.constant 0 : index
      %get3A_211 = tpu.vector_load %arg7[%get3A_209, %get3A_210] {strides = array<i32>} : memref<8x128xi32, #tpu.memory_space<vmem>>, vector<16xi32>,
      %add3A_212 = vector.broadcast %mul3A_25 : i32 to vector<16xi32>
      %add3A_213 = arith.addi %get3A_211, %add3A_212 : vector<16xi32>
      %swap3A_214 = arith.constant 2 : i32
      %swap3A_215 = arith.index_cast %swap3A_214 : i32 to index
      %swap3A_216 = arith.constant 0 : index
      %swap3A_217 = tpu.vector_load %arg7[%swap3A_215, %swap3A_216] {strides = array<i32>} : memref<8x128xi32, #tpu.memory_space<vmem>>, vector<16xi32>,
      tpu.vector_store %arg7[%swap3A_215, %swap3A_216], %add3A_213 {strides = array<i32>} : memref<8x128xi32, #tpu.memory_space<vmem>>, vector<16xi32>,
      %get3A_218 = arith.constant 2 : i32
      %get3A_219 = arith.index_cast %get3A_218 : i32 to index
      %get3A_220 = arith.constant 16 : index
      %get3A_221 = tpu.vector_load %arg7[%get3A_219, %get3A_220] {strides = array<i32>} : memref<8x128xi32, #tpu.memory_space<vmem>>, vector<16xi32>,
      %add3A_222 = vector.broadcast %mul3A_25 : i32 to vector<16xi32>
      %add3A_223 = arith.addi %get3A_221, %add3A_222 : vector<16xi32>
      %swap3A_224 = arith.constant 2 : i32
      %swap3A_225 = arith.index_cast %swap3A_224 : i32 to index
      %swap3A_226 = arith.constant 16 : index
      %swap3A_227 = tpu.vector_load %arg7[%swap3A_225, %swap3A_226] {strides = array<i32>} : memref<8x128xi32, #tpu.memory_space<vmem>>, vector<16xi32>,
      tpu.vector_store %arg7[%swap3A_225, %swap3A_226], %add3A_223 {strides = array<i32>} : memref<8x128xi32, #tpu.memory_space<vmem>>, vector<16xi32>,
      %get3A_228 = arith.constant 2 : i32
      %get3A_229 = arith.index_cast %get3A_228 : i32 to index
      %get3A_230 = arith.constant 32 : index
      %get3A_231 = tpu.vector_load %arg7[%get3A_229, %get3A_230] {strides = array<i32>} : memref<8x128xi32, #tpu.memory_space<vmem>>, vector<16xi32>,
      %add3A_232 = vector.broadcast %mul3A_25 : i32 to vector<16xi32>
      %add3A_233 = arith.addi %get3A_231, %add3A_232 : vector<16xi32>
      %swap3A_234 = arith.constant 2 : i32
      %swap3A_235 = arith.index_cast %swap3A_234 : i32 to index
      %swap3A_236 = arith.constant 32 : index
      %swap3A_237 = tpu.vector_load %arg7[%swap3A_235, %swap3A_236] {strides = array<i32>} : memref<8x128xi32, #tpu.memory_space<vmem>>, vector<16xi32>,
      tpu.vector_store %arg7[%swap3A_235, %swap3A_236], %add3A_233 {strides = array<i32>} : memref<8x128xi32, #tpu.memory_space<vmem>>, vector<16xi32>,
      %get3A_238 = arith.constant 2 : i32
      %get3A_239 = arith.index_cast %get3A_238 : i32 to index
      %get3A_240 = arith.constant 48 : index
      %get3A_241 = tpu.vector_load %arg7[%get3A_239, %get3A_240] {strides = array<i32>} : memref<8x128xi32, #tpu.memory_space<vmem>>, vector<16xi32>,
      %add3A_242 = vector.broadcast %mul3A_25 : i32 to vector<16xi32>
      %add3A_243 = arith.addi %get3A_241, %add3A_242 : vector<16xi32>
      %swap3A_244 = arith.constant 2 : i32
      %swap3A_245 = arith.index_cast %swap3A_244 : i32 to index
      %swap3A_246 = arith.constant 48 : index
      %swap3A_247 = tpu.vector_load %arg7[%swap3A_245, %swap3A_246] {strides = array<i32>} : memref<8x128xi32, #tpu.memory_space<vmem>>, vector<16xi32>,
      tpu.vector_store %arg7[%swap3A_245, %swap3A_246], %add3A_243 {strides = array<i32>} : memref<8x128xi32, #tpu.memory_space<vmem>>, vector<16xi32>,
      %get3A_248 = arith.constant 2 : i32
      %get3A_249 = arith.index_cast %get3A_248 : i32 to index
      %get3A_250 = arith.constant 64 : index
      %get3A_251 = tpu.vector_load %arg7[%get3A_249, %get3A_250] {strides = array<i32>} : memref<8x128xi32, #tpu.memory_space<vmem>>, vector<16xi32>,
      %add3A_252 = vector.broadcast %mul3A_25 : i32 to vector<16xi32>
      %add3A_253 = arith.addi %get3A_251, %add3A_252 : vector<16xi32>
      %swap3A_254 = arith.constant 2 : i32
      %swap3A_255 = arith.index_cast %swap3A_254 : i32 to index
      %swap3A_256 = arith.constant 64 : index
      %swap3A_257 = tpu.vector_load %arg7[%swap3A_255, %swap3A_256] {strides = array<i32>} : memref<8x128xi32, #tpu.memory_space<vmem>>, vector<16xi32>,
      tpu.vector_store %arg7[%swap3A_255, %swap3A_256], %add3A_253 {strides = array<i32>} : memref<8x128xi32, #tpu.memory_space<vmem>>, vector<16xi32>,
      %get3A_258 = arith.constant 2 : i32
      %get3A_259 = arith.index_cast %get3A_258 : i32 to index
      %get3A_260 = arith.constant 80 : index
      %get3A_261 = tpu.vector_load %arg7[%get3A_259, %get3A_260] {strides = array<i32>} : memref<8x128xi32, #tpu.memory_space<vmem>>, vector<16xi32>,
      %add3A_262 = vector.broadcast %mul3A_25 : i32 to vector<16xi32>
      %add3A_263 = arith.addi %get3A_261, %add3A_262 : vector<16xi32>
      %swap3A_264 = arith.constant 2 : i32
      %swap3A_265 = arith.index_cast %swap3A_264 : i32 to index
      %swap3A_266 = arith.constant 80 : index
      %swap3A_267 = tpu.vector_load %arg7[%swap3A_265, %swap3A_266] {strides = array<i32>} : memref<8x128xi32, #tpu.memory_space<vmem>>, vector<16xi32>,
      tpu.vector_store %arg7[%swap3A_265, %swap3A_266], %add3A_263 {strides = array<i32>} : memref<8x128xi32, #tpu.memory_space<vmem>>, vector<16xi32>,
      %get3A_268 = arith.constant 2 : i32
      %get3A_269 = arith.index_cast %get3A_268 : i32 to index
      %get3A_270 = arith.constant 96 : index
      %get3A_271 = tpu.vector_load %arg7[%get3A_269, %get3A_270] {strides = array<i32>} : memref<8x128xi32, #tpu.memory_space<vmem>>, vector<16xi32>,
      %add3A_272 = vector.broadcast %mul3A_25 : i32 to vector<16xi32>
      %add3A_273 = arith.addi %get3A_271, %add3A_272 : vector<16xi32>
      %swap3A_274 = arith.constant 2 : i32
      %swap3A_275 = arith.index_cast %swap3A_274 : i32 to index
      %swap3A_276 = arith.constant 96 : index
      %swap3A_277 = tpu.vector_load %arg7[%swap3A_275, %swap3A_276] {strides = array<i32>} : memref<8x128xi32, #tpu.memory_space<vmem>>, vector<16xi32>,
      tpu.vector_store %arg7[%swap3A_275, %swap3A_276], %add3A_273 {strides = array<i32>} : memref<8x128xi32, #tpu.memory_space<vmem>>, vector<16xi32>,
      %get3A_278 = arith.constant 2 : i32
      %get3A_279 = arith.index_cast %get3A_278 : i32 to index
      %get3A_280 = arith.constant 112 : index
      %get3A_281 = tpu.vector_load %arg7[%get3A_279, %get3A_280] {strides = array<i32>} : memref<8x128xi32, #tpu.memory_space<vmem>>, vector<16xi32>,
      %add3A_282 = vector.broadcast %mul3A_25 : i32 to vector<16xi32>
      %add3A_283 = arith.addi %get3A_281, %add3A_282 : vector<16xi32>
      %swap3A_284 = arith.constant 2 : i32
      %swap3A_285 = arith.index_cast %swap3A_284 : i32 to index
      %swap3A_286 = arith.constant 112 : index
      %swap3A_287 = tpu.vector_load %arg7[%swap3A_285, %swap3A_286] {strides = array<i32>} : memref<8x128xi32, #tpu.memory_space<vmem>>, vector<16xi32>,
      tpu.vector_store %arg7[%swap3A_285, %swap3A_286], %add3A_283 {strides = array<i32>} : memref<8x128xi32, #tpu.memory_space<vmem>>, vector<16xi32>,
      %get3A_288 = arith.constant 3 : i32
      %get3A_289 = arith.index_cast %get3A_288 : i32 to index
      %get3A_290 = arith.constant 0 : index
      %get3A_291 = tpu.vector_load %arg7[%get3A_289, %get3A_290] {strides = array<i32>} : memref<8x128xi32, #tpu.memory_space<vmem>>, vector<16xi32>,
      %add3A_292 = vector.broadcast %mul3A_25 : i32 to vector<16xi32>
      %add3A_293 = arith.addi %get3A_291, %add3A_292 : vector<16xi32>
      %swap3A_294 = arith.constant 3 : i32
      %swap3A_295 = arith.index_cast %swap3A_294 : i32 to index
      %swap3A_296 = arith.constant 0 : index
      %swap3A_297 = tpu.vector_load %arg7[%swap3A_295, %swap3A_296] {strides = array<i32>} : memref<8x128xi32, #tpu.memory_space<vmem>>, vector<16xi32>,
      tpu.vector_store %arg7[%swap3A_295, %swap3A_296], %add3A_293 {strides = array<i32>} : memref<8x128xi32, #tpu.memory_space<vmem>>, vector<16xi32>,
      %get3A_298 = arith.constant 3 : i32
      %get3A_299 = arith.index_cast %get3A_298 : i32 to index
      %get3A_300 = arith.constant 16 : index
      %get3A_301 = tpu.vector_load %arg7[%get3A_299, %get3A_300] {strides = array<i32>} : memref<8x128xi32, #tpu.memory_space<vmem>>, vector<16xi32>,
      %add3A_302 = vector.broadcast %mul3A_25 : i32 to vector<16xi32>
      %add3A_303 = arith.addi %get3A_301, %add3A_302 : vector<16xi32>
      %swap3A_304 = arith.constant 3 : i32
      %swap3A_305 = arith.index_cast %swap3A_304 : i32 to index
      %swap3A_306 = arith.constant 16 : index
      %swap3A_307 = tpu.vector_load %arg7[%swap3A_305, %swap3A_306] {strides = array<i32>} : memref<8x128xi32, #tpu.memory_space<vmem>>, vector<16xi32>,
      tpu.vector_store %arg7[%swap3A_305, %swap3A_306], %add3A_303 {strides = array<i32>} : memref<8x128xi32, #tpu.memory_space<vmem>>, vector<16xi32>,
      %get3A_308 = arith.constant 3 : i32
      %get3A_309 = arith.index_cast %get3A_308 : i32 to index
      %get3A_310 = arith.constant 32 : index
      %get3A_311 = tpu.vector_load %arg7[%get3A_309, %get3A_310] {strides = array<i32>} : memref<8x128xi32, #tpu.memory_space<vmem>>, vector<16xi32>,
      %add3A_312 = vector.broadcast %mul3A_25 : i32 to vector<16xi32>
      %add3A_313 = arith.addi %get3A_311, %add3A_312 : vector<16xi32>
      %swap3A_314 = arith.constant 3 : i32
      %swap3A_315 = arith.index_cast %swap3A_314 : i32 to index
      %swap3A_316 = arith.constant 32 : index
      %swap3A_317 = tpu.vector_load %arg7[%swap3A_315, %swap3A_316] {strides = array<i32>} : memref<8x128xi32, #tpu.memory_space<vmem>>, vector<16xi32>,
      tpu.vector_store %arg7[%swap3A_315, %swap3A_316], %add3A_313 {strides = array<i32>} : memref<8x128xi32, #tpu.memory_space<vmem>>, vector<16xi32>,
      %get3A_318 = arith.constant 3 : i32
      %get3A_319 = arith.index_cast %get3A_318 : i32 to index
      %get3A_320 = arith.constant 48 : index
      %get3A_321 = tpu.vector_load %arg7[%get3A_319, %get3A_320] {strides = array<i32>} : memref<8x128xi32, #tpu.memory_space<vmem>>, vector<16xi32>,
      %add3A_322 = vector.broadcast %mul3A_25 : i32 to vector<16xi32>
      %add3A_323 = arith.addi %get3A_321, %add3A_322 : vector<16xi32>
      %swap3A_324 = arith.constant 3 : i32
      %swap3A_325 = arith.index_cast %swap3A_324 : i32 to index
      %swap3A_326 = arith.constant 48 : index
      %swap3A_327 = tpu.vector_load %arg7[%swap3A_325, %swap3A_326] {strides = array<i32>} : memref<8x128xi32, #tpu.memory_space<vmem>>, vector<16xi32>,
      tpu.vector_store %arg7[%swap3A_325, %swap3A_326], %add3A_323 {strides = array<i32>} : memref<8x128xi32, #tpu.memory_space<vmem>>, vector<16xi32>,
      %get3A_328 = arith.constant 3 : i32
      %get3A_329 = arith.index_cast %get3A_328 : i32 to index
      %get3A_330 = arith.constant 64 : index
      %get3A_331 = tpu.vector_load %arg7[%get3A_329, %get3A_330] {strides = array<i32>} : memref<8x128xi32, #tpu.memory_space<vmem>>, vector<16xi32>,
      %add3A_332 = vector.broadcast %mul3A_25 : i32 to vector<16xi32>
      %add3A_333 = arith.addi %get3A_331, %add3A_332 : vector<16xi32>
      %swap3A_334 = arith.constant 3 : i32
      %swap3A_335 = arith.index_cast %swap3A_334 : i32 to index
      %swap3A_336 = arith.constant 64 : index
      %swap3A_337 = tpu.vector_load %arg7[%swap3A_335, %swap3A_336] {strides = array<i32>} : memref<8x128xi32, #tpu.memory_space<vmem>>, vector<16xi32>,
      tpu.vector_store %arg7[%swap3A_335, %swap3A_336], %add3A_333 {strides = array<i32>} : memref<8x128xi32, #tpu.memory_space<vmem>>, vector<16xi32>,
      %get3A_338 = arith.constant 3 : i32
      %get3A_339 = arith.index_cast %get3A_338 : i32 to index
      %get3A_340 = arith.constant 80 : index
      %get3A_341 = tpu.vector_load %arg7[%get3A_339, %get3A_340] {strides = array<i32>} : memref<8x128xi32, #tpu.memory_space<vmem>>, vector<16xi32>,
      %add3A_342 = vector.broadcast %mul3A_25 : i32 to vector<16xi32>
      %add3A_343 = arith.addi %get3A_341, %add3A_342 : vector<16xi32>
      %swap3A_344 = arith.constant 3 : i32
      %swap3A_345 = arith.index_cast %swap3A_344 : i32 to index
      %swap3A_346 = arith.constant 80 : index
      %swap3A_347 = tpu.vector_load %arg7[%swap3A_345, %swap3A_346] {strides = array<i32>} : memref<8x128xi32, #tpu.memory_space<vmem>>, vector<16xi32>,
      tpu.vector_store %arg7[%swap3A_345, %swap3A_346], %add3A_343 {strides = array<i32>} : memref<8x128xi32, #tpu.memory_space<vmem>>, vector<16xi32>,
      %get3A_348 = arith.constant 3 : i32
      %get3A_349 = arith.index_cast %get3A_348 : i32 to index
      %get3A_350 = arith.constant 96 : index
      %get3A_351 = tpu.vector_load %arg7[%get3A_349, %get3A_350] {strides = array<i32>} : memref<8x128xi32, #tpu.memory_space<vmem>>, vector<16xi32>,
      %add3A_352 = vector.broadcast %mul3A_25 : i32 to vector<16xi32>
      %add3A_353 = arith.addi %get3A_351, %add3A_352 : vector<16xi32>
      %swap3A_354 = arith.constant 3 : i32
      %swap3A_355 = arith.index_cast %swap3A_354 : i32 to index
      %swap3A_356 = arith.constant 96 : index
      %swap3A_357 = tpu.vector_load %arg7[%swap3A_355, %swap3A_356] {strides = array<i32>} : memref<8x128xi32, #tpu.memory_space<vmem>>, vector<16xi32>,
      tpu.vector_store %arg7[%swap3A_355, %swap3A_356], %add3A_353 {strides = array<i32>} : memref<8x128xi32, #tpu.memory_space<vmem>>, vector<16xi32>,
      %get3A_358 = arith.constant 3 : i32
      %get3A_359 = arith.index_cast %get3A_358 : i32 to index
      %get3A_360 = arith.constant 112 : index
      %get3A_361 = tpu.vector_load %arg7[%get3A_359, %get3A_360] {strides = array<i32>} : memref<8x128xi32, #tpu.memory_space<vmem>>, vector<16xi32>,
      %add3A_362 = vector.broadcast %mul3A_25 : i32 to vector<16xi32>
      %add3A_363 = arith.addi %get3A_361, %add3A_362 : vector<16xi32>
      %swap3A_364 = arith.constant 3 : i32
      %swap3A_365 = arith.index_cast %swap3A_364 : i32 to index
      %swap3A_366 = arith.constant 112 : index
      %swap3A_367 = tpu.vector_load %arg7[%swap3A_365, %swap3A_366] {strides = array<i32>} : memref<8x128xi32, #tpu.memory_space<vmem>>, vector<16xi32>,
      tpu.vector_store %arg7[%swap3A_365, %swap3A_366], %add3A_363 {strides = array<i32>} : memref<8x128xi32, #tpu.memory_space<vmem>>, vector<16xi32>,
      %get3A_368 = arith.constant 4 : i32
      %get3A_369 = arith.index_cast %get3A_368 : i32 to index
      %get3A_370 = arith.constant 0 : index
      %get3A_371 = tpu.vector_load %arg7[%get3A_369, %get3A_370] {strides = array<i32>} : memref<8x128xi32, #tpu.memory_space<vmem>>, vector<16xi32>,
      %add3A_372 = vector.broadcast %mul3A_25 : i32 to vector<16xi32>
      %add3A_373 = arith.addi %get3A_371, %add3A_372 : vector<16xi32>
      %swap3A_374 = arith.constant 4 : i32
      %swap3A_375 = arith.index_cast %swap3A_374 : i32 to index
      %swap3A_376 = arith.constant 0 : index
      %swap3A_377 = tpu.vector_load %arg7[%swap3A_375, %swap3A_376] {strides = array<i32>} : memref<8x128xi32, #tpu.memory_space<vmem>>, vector<16xi32>,
      tpu.vector_store %arg7[%swap3A_375, %swap3A_376], %add3A_373 {strides = array<i32>} : memref<8x128xi32, #tpu.memory_space<vmem>>, vector<16xi32>,
      %get3A_378 = arith.constant 4 : i32
      %get3A_379 = arith.index_cast %get3A_378 : i32 to index
      %get3A_380 = arith.constant 16 : index
      %get3A_381 = tpu.vector_load %arg7[%get3A_379, %get3A_380] {strides = array<i32>} : memref<8x128xi32, #tpu.memory_space<vmem>>, vector<16xi32>,
      %add3A_382 = vector.broadcast %mul3A_25 : i32 to vector<16xi32>
      %add3A_383 = arith.addi %get3A_381, %add3A_382 : vector<16xi32>
      %swap3A_384 = arith.constant 4 : i32
      %swap3A_385 = arith.index_cast %swap3A_384 : i32 to index
      %swap3A_386 = arith.constant 16 : index
      %swap3A_387 = tpu.vector_load %arg7[%swap3A_385, %swap3A_386] {strides = array<i32>} : memref<8x128xi32, #tpu.memory_space<vmem>>, vector<16xi32>,
      tpu.vector_store %arg7[%swap3A_385, %swap3A_386], %add3A_383 {strides = array<i32>} : memref<8x128xi32, #tpu.memory_space<vmem>>, vector<16xi32>,
      %get3A_388 = arith.constant 4 : i32
      %get3A_389 = arith.index_cast %get3A_388 : i32 to index
      %get3A_390 = arith.constant 32 : index
      %get3A_391 = tpu.vector_load %arg7[%get3A_389, %get3A_390] {strides = array<i32>} : memref<8x128xi32, #tpu.memory_space<vmem>>, vector<16xi32>,
      %add3A_392 = vector.broadcast %mul3A_25 : i32 to vector<16xi32>
      %add3A_393 = arith.addi %get3A_391, %add3A_392 : vector<16xi32>
      %swap3A_394 = arith.constant 4 : i32
      %swap3A_395 = arith.index_cast %swap3A_394 : i32 to index
      %swap3A_396 = arith.constant 32 : index
      %swap3A_397 = tpu.vector_load %arg7[%swap3A_395, %swap3A_396] {strides = array<i32>} : memref<8x128xi32, #tpu.memory_space<vmem>>, vector<16xi32>,
      tpu.vector_store %arg7[%swap3A_395, %swap3A_396], %add3A_393 {strides = array<i32>} : memref<8x128xi32, #tpu.memory_space<vmem>>, vector<16xi32>,
      %get3A_398 = arith.constant 4 : i32
      %get3A_399 = arith.index_cast %get3A_398 : i32 to index
      %get3A_400 = arith.constant 48 : index
      %get3A_401 = tpu.vector_load %arg7[%get3A_399, %get3A_400] {strides = array<i32>} : memref<8x128xi32, #tpu.memory_space<vmem>>, vector<16xi32>,
      %add3A_402 = vector.broadcast %mul3A_25 : i32 to vector<16xi32>
      %add3A_403 = arith.addi %get3A_401, %add3A_402 : vector<16xi32>
      %swap3A_404 = arith.constant 4 : i32
      %swap3A_405 = arith.index_cast %swap3A_404 : i32 to index
      %swap3A_406 = arith.constant 48 : index
      %swap3A_407 = tpu.vector_load %arg7[%swap3A_405, %swap3A_406] {strides = array<i32>} : memref<8x128xi32, #tpu.memory_space<vmem>>, vector<16xi32>,
      tpu.vector_store %arg7[%swap3A_405, %swap3A_406], %add3A_403 {strides = array<i32>} : memref<8x128xi32, #tpu.memory_space<vmem>>, vector<16xi32>,
      %get3A_408 = arith.constant 4 : i32
      %get3A_409 = arith.index_cast %get3A_408 : i32 to index
      %get3A_410 = arith.constant 64 : index
      %get3A_411 = tpu.vector_load %arg7[%get3A_409, %get3A_410] {strides = array<i32>} : memref<8x128xi32, #tpu.memory_space<vmem>>, vector<16xi32>,
      %add3A_412 = vector.broadcast %mul3A_25 : i32 to vector<16xi32>
      %add3A_413 = arith.addi %get3A_411, %add3A_412 : vector<16xi32>
      %swap3A_414 = arith.constant 4 : i32
      %swap3A_415 = arith.index_cast %swap3A_414 : i32 to index
      %swap3A_416 = arith.constant 64 : index
      %swap3A_417 = tpu.vector_load %arg7[%swap3A_415, %swap3A_416] {strides = array<i32>} : memref<8x128xi32, #tpu.memory_space<vmem>>, vector<16xi32>,
      tpu.vector_store %arg7[%swap3A_415, %swap3A_416], %add3A_413 {strides = array<i32>} : memref<8x128xi32, #tpu.memory_space<vmem>>, vector<16xi32>,
      %get3A_418 = arith.constant 4 : i32
      %get3A_419 = arith.index_cast %get3A_418 : i32 to index
      %get3A_420 = arith.constant 80 : index
      %get3A_421 = tpu.vector_load %arg7[%get3A_419, %get3A_420] {strides = array<i32>} : memref<8x128xi32, #tpu.memory_space<vmem>>, vector<16xi32>,
      %add3A_422 = vector.broadcast %mul3A_25 : i32 to vector<16xi32>
      %add3A_423 = arith.addi %get3A_421, %add3A_422 : vector<16xi32>
      %swap3A_424 = arith.constant 4 : i32
      %swap3A_425 = arith.index_cast %swap3A_424 : i32 to index
      %swap3A_426 = arith.constant 80 : index
      %swap3A_427 = tpu.vector_load %arg7[%swap3A_425, %swap3A_426] {strides = array<i32>} : memref<8x128xi32, #tpu.memory_space<vmem>>, vector<16xi32>,
      tpu.vector_store %arg7[%swap3A_425, %swap3A_426], %add3A_423 {strides = array<i32>} : memref<8x128xi32, #tpu.memory_space<vmem>>, vector<16xi32>,
      %get3A_428 = arith.constant 4 : i32
      %get3A_429 = arith.index_cast %get3A_428 : i32 to index
      %get3A_430 = arith.constant 96 : index
      %get3A_431 = tpu.vector_load %arg7[%get3A_429, %get3A_430] {strides = array<i32>} : memref<8x128xi32, #tpu.memory_space<vmem>>, vector<16xi32>,
      %add3A_432 = vector.broadcast %mul3A_25 : i32 to vector<16xi32>
      %add3A_433 = arith.addi %get3A_431, %add3A_432 : vector<16xi32>
      %swap3A_434 = arith.constant 4 : i32
      %swap3A_435 = arith.index_cast %swap3A_434 : i32 to index
      %swap3A_436 = arith.constant 96 : index
      %swap3A_437 = tpu.vector_load %arg7[%swap3A_435, %swap3A_436] {strides = array<i32>} : memref<8x128xi32, #tpu.memory_space<vmem>>, vector<16xi32>,
      tpu.vector_store %arg7[%swap3A_435, %swap3A_436], %add3A_433 {strides = array<i32>} : memref<8x128xi32, #tpu.memory_space<vmem>>, vector<16xi32>,
      %get3A_438 = arith.constant 4 : i32
      %get3A_439 = arith.index_cast %get3A_438 : i32 to index
      %get3A_440 = arith.constant 112 : index
      %get3A_441 = tpu.vector_load %arg7[%get3A_439, %get3A_440] {strides = array<i32>} : memref<8x128xi32, #tpu.memory_space<vmem>>, vector<16xi32>,
      %add3A_442 = vector.broadcast %mul3A_25 : i32 to vector<16xi32>
      %add3A_443 = arith.addi %get3A_441, %add3A_442 : vector<16xi32>
      %swap3A_444 = arith.constant 4 : i32
      %swap3A_445 = arith.index_cast %swap3A_444 : i32 to index
      %swap3A_446 = arith.constant 112 : index
      %swap3A_447 = tpu.vector_load %arg7[%swap3A_445, %swap3A_446] {strides = array<i32>} : memref<8x128xi32, #tpu.memory_space<vmem>>, vector<16xi32>,
      tpu.vector_store %arg7[%swap3A_445, %swap3A_446], %add3A_443 {strides = array<i32>} : memref<8x128xi32, #tpu.memory_space<vmem>>, vector<16xi32>,
      %get3A_448 = arith.constant 5 : i32
      %get3A_449 = arith.index_cast %get3A_448 : i32 to index
      %get3A_450 = arith.constant 0 : index
      %get3A_451 = tpu.vector_load %arg7[%get3A_449, %get3A_450] {strides = array<i32>} : memref<8x128xi32, #tpu.memory_space<vmem>>, vector<16xi32>,
      %add3A_452 = vector.broadcast %mul3A_25 : i32 to vector<16xi32>
      %add3A_453 = arith.addi %get3A_451, %add3A_452 : vector<16xi32>
      %swap3A_454 = arith.constant 5 : i32
      %swap3A_455 = arith.index_cast %swap3A_454 : i32 to index
      %swap3A_456 = arith.constant 0 : index
      %swap3A_457 = tpu.vector_load %arg7[%swap3A_455, %swap3A_456] {strides = array<i32>} : memref<8x128xi32, #tpu.memory_space<vmem>>, vector<16xi32>,
      tpu.vector_store %arg7[%swap3A_455, %swap3A_456], %add3A_453 {strides = array<i32>} : memref<8x128xi32, #tpu.memory_space<vmem>>, vector<16xi32>,
      %get3A_458 = arith.constant 5 : i32
      %get3A_459 = arith.index_cast %get3A_458 : i32 to index
      %get3A_460 = arith.constant 16 : index
      %get3A_461 = tpu.vector_load %arg7[%get3A_459, %get3A_460] {strides = array<i32>} : memref<8x128xi32, #tpu.memory_space<vmem>>, vector<16xi32>,
      %add3A_462 = vector.broadcast %mul3A_25 : i32 to vector<16xi32>
      %add3A_463 = arith.addi %get3A_461, %add3A_462 : vector<16xi32>
      %swap3A_464 = arith.constant 5 : i32
      %swap3A_465 = arith.index_cast %swap3A_464 : i32 to index
      %swap3A_466 = arith.constant 16 : index
      %swap3A_467 = tpu.vector_load %arg7[%swap3A_465, %swap3A_466] {strides = array<i32>} : memref<8x128xi32, #tpu.memory_space<vmem>>, vector<16xi32>,
      tpu.vector_store %arg7[%swap3A_465, %swap3A_466], %add3A_463 {strides = array<i32>} : memref<8x128xi32, #tpu.memory_space<vmem>>, vector<16xi32>,
      %get3A_468 = arith.constant 5 : i32
      %get3A_469 = arith.index_cast %get3A_468 : i32 to index
      %get3A_470 = arith.constant 32 : index
      %get3A_471 = tpu.vector_load %arg7[%get3A_469, %get3A_470] {strides = array<i32>} : memref<8x128xi32, #tpu.memory_space<vmem>>, vector<16xi32>,
      %add3A_472 = vector.broadcast %mul3A_25 : i32 to vector<16xi32>
      %add3A_473 = arith.addi %get3A_471, %add3A_472 : vector<16xi32>
      %swap3A_474 = arith.constant 5 : i32
      %swap3A_475 = arith.index_cast %swap3A_474 : i32 to index
      %swap3A_476 = arith.constant 32 : index
      %swap3A_477 = tpu.vector_load %arg7[%swap3A_475, %swap3A_476] {strides = array<i32>} : memref<8x128xi32, #tpu.memory_space<vmem>>, vector<16xi32>,
      tpu.vector_store %arg7[%swap3A_475, %swap3A_476], %add3A_473 {strides = array<i32>} : memref<8x128xi32, #tpu.memory_space<vmem>>, vector<16xi32>,
      %get3A_478 = arith.constant 5 : i32
      %get3A_479 = arith.index_cast %get3A_478 : i32 to index
      %get3A_480 = arith.constant 48 : index
      %get3A_481 = tpu.vector_load %arg7[%get3A_479, %get3A_480] {strides = array<i32>} : memref<8x128xi32, #tpu.memory_space<vmem>>, vector<16xi32>,
      %add3A_482 = vector.broadcast %mul3A_25 : i32 to vector<16xi32>
      %add3A_483 = arith.addi %get3A_481, %add3A_482 : vector<16xi32>
      %swap3A_484 = arith.constant 5 : i32
      %swap3A_485 = arith.index_cast %swap3A_484 : i32 to index
      %swap3A_486 = arith.constant 48 : index
      %swap3A_487 = tpu.vector_load %arg7[%swap3A_485, %swap3A_486] {strides = array<i32>} : memref<8x128xi32, #tpu.memory_space<vmem>>, vector<16xi32>,
      tpu.vector_store %arg7[%swap3A_485, %swap3A_486], %add3A_483 {strides = array<i32>} : memref<8x128xi32, #tpu.memory_space<vmem>>, vector<16xi32>,
      %get3A_488 = arith.constant 5 : i32
      %get3A_489 = arith.index_cast %get3A_488 : i32 to index
      %get3A_490 = arith.constant 64 : index
      %get3A_491 = tpu.vector_load %arg7[%get3A_489, %get3A_490] {strides = array<i32>} : memref<8x128xi32, #tpu.memory_space<vmem>>, vector<16xi32>,
      %add3A_492 = vector.broadcast %mul3A_25 : i32 to vector<16xi32>
      %add3A_493 = arith.addi %get3A_491, %add3A_492 : vector<16xi32>
      %swap3A_494 = arith.constant 5 : i32
      %swap3A_495 = arith.index_cast %swap3A_494 : i32 to index
      %swap3A_496 = arith.constant 64 : index
      %swap3A_497 = tpu.vector_load %arg7[%swap3A_495, %swap3A_496] {strides = array<i32>} : memref<8x128xi32, #tpu.memory_space<vmem>>, vector<16xi32>,
      tpu.vector_store %arg7[%swap3A_495, %swap3A_496], %add3A_493 {strides = array<i32>} : memref<8x128xi32, #tpu.memory_space<vmem>>, vector<16xi32>,
      %get3A_498 = arith.constant 5 : i32
      %get3A_499 = arith.index_cast %get3A_498 : i32 to index
      %get3A_500 = arith.constant 80 : index
      %get3A_501 = tpu.vector_load %arg7[%get3A_499, %get3A_500] {strides = array<i32>} : memref<8x128xi32, #tpu.memory_space<vmem>>, vector<16xi32>,
      %add3A_502 = vector.broadcast %mul3A_25 : i32 to vector<16xi32>
      %add3A_503 = arith.addi %get3A_501, %add3A_502 : vector<16xi32>
      %swap3A_504 = arith.constant 5 : i32
      %swap3A_505 = arith.index_cast %swap3A_504 : i32 to index
      %swap3A_506 = arith.constant 80 : index
      %swap3A_507 = tpu.vector_load %arg7[%swap3A_505, %swap3A_506] {strides = array<i32>} : memref<8x128xi32, #tpu.memory_space<vmem>>, vector<16xi32>,
      tpu.vector_store %arg7[%swap3A_505, %swap3A_506], %add3A_503 {strides = array<i32>} : memref<8x128xi32, #tpu.memory_space<vmem>>, vector<16xi32>,
      %get3A_508 = arith.constant 5 : i32
      %get3A_509 = arith.index_cast %get3A_508 : i32 to index
      %get3A_510 = arith.constant 96 : index
      %get3A_511 = tpu.vector_load %arg7[%get3A_509, %get3A_510] {strides = array<i32>} : memref<8x128xi32, #tpu.memory_space<vmem>>, vector<16xi32>,
      %add3A_512 = vector.broadcast %mul3A_25 : i32 to vector<16xi32>
      %add3A_513 = arith.addi %get3A_511, %add3A_512 : vector<16xi32>
      %swap3A_514 = arith.constant 5 : i32
      %swap3A_515 = arith.index_cast %swap3A_514 : i32 to index
      %swap3A_516 = arith.constant 96 : index
      %swap3A_517 = tpu.vector_load %arg7[%swap3A_515, %swap3A_516] {strides = array<i32>} : memref<8x128xi32, #tpu.memory_space<vmem>>, vector<16xi32>,
      tpu.vector_store %arg7[%swap3A_515, %swap3A_516], %add3A_513 {strides = array<i32>} : memref<8x128xi32, #tpu.memory_space<vmem>>, vector<16xi32>,
      %get3A_518 = arith.constant 5 : i32
      %get3A_519 = arith.index_cast %get3A_518 : i32 to index
      %get3A_520 = arith.constant 112 : index
      %get3A_521 = tpu.vector_load %arg7[%get3A_519, %get3A_520] {strides = array<i32>} : memref<8x128xi32, #tpu.memory_space<vmem>>, vector<16xi32>,
      %add3A_522 = vector.broadcast %mul3A_25 : i32 to vector<16xi32>
      %add3A_523 = arith.addi %get3A_521, %add3A_522 : vector<16xi32>
      %swap3A_524 = arith.constant 5 : i32
      %swap3A_525 = arith.index_cast %swap3A_524 : i32 to index
      %swap3A_526 = arith.constant 112 : index
      %swap3A_527 = tpu.vector_load %arg7[%swap3A_525, %swap3A_526] {strides = array<i32>} : memref<8x128xi32, #tpu.memory_space<vmem>>, vector<16xi32>,
      tpu.vector_store %arg7[%swap3A_525, %swap3A_526], %add3A_523 {strides = array<i32>} : memref<8x128xi32, #tpu.memory_space<vmem>>, vector<16xi32>,
      %get3A_528 = arith.constant 6 : i32
      %get3A_529 = arith.index_cast %get3A_528 : i32 to index
      %get3A_530 = arith.constant 0 : index
      %get3A_531 = tpu.vector_load %arg7[%get3A_529, %get3A_530] {strides = array<i32>} : memref<8x128xi32, #tpu.memory_space<vmem>>, vector<16xi32>,
      %add3A_532 = vector.broadcast %mul3A_25 : i32 to vector<16xi32>
      %add3A_533 = arith.addi %get3A_531, %add3A_532 : vector<16xi32>
      %swap3A_534 = arith.constant 6 : i32
      %swap3A_535 = arith.index_cast %swap3A_534 : i32 to index
      %swap3A_536 = arith.constant 0 : index
      %swap3A_537 = tpu.vector_load %arg7[%swap3A_535, %swap3A_536] {strides = array<i32>} : memref<8x128xi32, #tpu.memory_space<vmem>>, vector<16xi32>,
      tpu.vector_store %arg7[%swap3A_535, %swap3A_536], %add3A_533 {strides = array<i32>} : memref<8x128xi32, #tpu.memory_space<vmem>>, vector<16xi32>,
      %get3A_538 = arith.constant 6 : i32
      %get3A_539 = arith.index_cast %get3A_538 : i32 to index
      %get3A_540 = arith.constant 16 : index
      %get3A_541 = tpu.vector_load %arg7[%get3A_539, %get3A_540] {strides = array<i32>} : memref<8x128xi32, #tpu.memory_space<vmem>>, vector<16xi32>,
      %add3A_542 = vector.broadcast %mul3A_25 : i32 to vector<16xi32>
      %add3A_543 = arith.addi %get3A_541, %add3A_542 : vector<16xi32>
      %swap3A_544 = arith.constant 6 : i32
      %swap3A_545 = arith.index_cast %swap3A_544 : i32 to index
      %swap3A_546 = arith.constant 16 : index
      %swap3A_547 = tpu.vector_load %arg7[%swap3A_545, %swap3A_546] {strides = array<i32>} : memref<8x128xi32, #tpu.memory_space<vmem>>, vector<16xi32>,
      tpu.vector_store %arg7[%swap3A_545, %swap3A_546], %add3A_543 {strides = array<i32>} : memref<8x128xi32, #tpu.memory_space<vmem>>, vector<16xi32>,
      %get3A_548 = arith.constant 6 : i32
      %get3A_549 = arith.index_cast %get3A_548 : i32 to index
      %get3A_550 = arith.constant 32 : index
      %get3A_551 = tpu.vector_load %arg7[%get3A_549, %get3A_550] {strides = array<i32>} : memref<8x128xi32, #tpu.memory_space<vmem>>, vector<16xi32>,
      %add3A_552 = vector.broadcast %mul3A_25 : i32 to vector<16xi32>
      %add3A_553 = arith.addi %get3A_551, %add3A_552 : vector<16xi32>
      %swap3A_554 = arith.constant 6 : i32
      %swap3A_555 = arith.index_cast %swap3A_554 : i32 to index
      %swap3A_556 = arith.constant 32 : index
      %swap3A_557 = tpu.vector_load %arg7[%swap3A_555, %swap3A_556] {strides = array<i32>} : memref<8x128xi32, #tpu.memory_space<vmem>>, vector<16xi32>,
      tpu.vector_store %arg7[%swap3A_555, %swap3A_556], %add3A_553 {strides = array<i32>} : memref<8x128xi32, #tpu.memory_space<vmem>>, vector<16xi32>,
      %get3A_558 = arith.constant 6 : i32
      %get3A_559 = arith.index_cast %get3A_558 : i32 to index
      %get3A_560 = arith.constant 48 : index
      %get3A_561 = tpu.vector_load %arg7[%get3A_559, %get3A_560] {strides = array<i32>} : memref<8x128xi32, #tpu.memory_space<vmem>>, vector<16xi32>,
      %add3A_562 = vector.broadcast %mul3A_25 : i32 to vector<16xi32>
      %add3A_563 = arith.addi %get3A_561, %add3A_562 : vector<16xi32>
      %swap3A_564 = arith.constant 6 : i32
      %swap3A_565 = arith.index_cast %swap3A_564 : i32 to index
      %swap3A_566 = arith.constant 48 : index
      %swap3A_567 = tpu.vector_load %arg7[%swap3A_565, %swap3A_566] {strides = array<i32>} : memref<8x128xi32, #tpu.memory_space<vmem>>, vector<16xi32>,
      tpu.vector_store %arg7[%swap3A_565, %swap3A_566], %add3A_563 {strides = array<i32>} : memref<8x128xi32, #tpu.memory_space<vmem>>, vector<16xi32>,
      %get3A_568 = arith.constant 6 : i32
      %get3A_569 = arith.index_cast %get3A_568 : i32 to index
      %get3A_570 = arith.constant 64 : index
      %get3A_571 = tpu.vector_load %arg7[%get3A_569, %get3A_570] {strides = array<i32>} : memref<8x128xi32, #tpu.memory_space<vmem>>, vector<16xi32>,
      %add3A_572 = vector.broadcast %mul3A_25 : i32 to vector<16xi32>
      %add3A_573 = arith.addi %get3A_571, %add3A_572 : vector<16xi32>
      %swap3A_574 = arith.constant 6 : i32
      %swap3A_575 = arith.index_cast %swap3A_574 : i32 to index
      %swap3A_576 = arith.constant 64 : index
      %swap3A_577 = tpu.vector_load %arg7[%swap3A_575, %swap3A_576] {strides = array<i32>} : memref<8x128xi32, #tpu.memory_space<vmem>>, vector<16xi32>,
      tpu.vector_store %arg7[%swap3A_575, %swap3A_576], %add3A_573 {strides = array<i32>} : memref<8x128xi32, #tpu.memory_space<vmem>>, vector<16xi32>,
      %get3A_578 = arith.constant 6 : i32
      %get3A_579 = arith.index_cast %get3A_578 : i32 to index
      %get3A_580 = arith.constant 80 : index
      %get3A_581 = tpu.vector_load %arg7[%get3A_579, %get3A_580] {strides = array<i32>} : memref<8x128xi32, #tpu.memory_space<vmem>>, vector<16xi32>,
      %add3A_582 = vector.broadcast %mul3A_25 : i32 to vector<16xi32>
      %add3A_583 = arith.addi %get3A_581, %add3A_582 : vector<16xi32>
      %swap3A_584 = arith.constant 6 : i32
      %swap3A_585 = arith.index_cast %swap3A_584 : i32 to index
      %swap3A_586 = arith.constant 80 : index
      %swap3A_587 = tpu.vector_load %arg7[%swap3A_585, %swap3A_586] {strides = array<i32>} : memref<8x128xi32, #tpu.memory_space<vmem>>, vector<16xi32>,
      tpu.vector_store %arg7[%swap3A_585, %swap3A_586], %add3A_583 {strides = array<i32>} : memref<8x128xi32, #tpu.memory_space<vmem>>, vector<16xi32>,
      %get3A_588 = arith.constant 6 : i32
      %get3A_589 = arith.index_cast %get3A_588 : i32 to index
      %get3A_590 = arith.constant 96 : index
      %get3A_591 = tpu.vector_load %arg7[%get3A_589, %get3A_590] {strides = array<i32>} : memref<8x128xi32, #tpu.memory_space<vmem>>, vector<16xi32>,
      %add3A_592 = vector.broadcast %mul3A_25 : i32 to vector<16xi32>
      %add3A_593 = arith.addi %get3A_591, %add3A_592 : vector<16xi32>
      %swap3A_594 = arith.constant 6 : i32
      %swap3A_595 = arith.index_cast %swap3A_594 : i32 to index
      %swap3A_596 = arith.constant 96 : index
      %swap3A_597 = tpu.vector_load %arg7[%swap3A_595, %swap3A_596] {strides = array<i32>} : memref<8x128xi32, #tpu.memory_space<vmem>>, vector<16xi32>,
      tpu.vector_store %arg7[%swap3A_595, %swap3A_596], %add3A_593 {strides = array<i32>} : memref<8x128xi32, #tpu.memory_space<vmem>>, vector<16xi32>,
      %get3A_598 = arith.constant 6 : i32
      %get3A_599 = arith.index_cast %get3A_598 : i32 to index
      %get3A_600 = arith.constant 112 : index
      %get3A_601 = tpu.vector_load %arg7[%get3A_599, %get3A_600] {strides = array<i32>} : memref<8x128xi32, #tpu.memory_space<vmem>>, vector<16xi32>,
      %add3A_602 = vector.broadcast %mul3A_25 : i32 to vector<16xi32>
      %add3A_603 = arith.addi %get3A_601, %add3A_602 : vector<16xi32>
      %swap3A_604 = arith.constant 6 : i32
      %swap3A_605 = arith.index_cast %swap3A_604 : i32 to index
      %swap3A_606 = arith.constant 112 : index
      %swap3A_607 = tpu.vector_load %arg7[%swap3A_605, %swap3A_606] {strides = array<i32>} : memref<8x128xi32, #tpu.memory_space<vmem>>, vector<16xi32>,
      tpu.vector_store %arg7[%swap3A_605, %swap3A_606], %add3A_603 {strides = array<i32>} : memref<8x128xi32, #tpu.memory_space<vmem>>, vector<16xi32>,
      %get3A_608 = arith.constant 7 : i32
      %get3A_609 = arith.index_cast %get3A_608 : i32 to index
      %get3A_610 = arith.constant 0 : index
      %get3A_611 = tpu.vector_load %arg7[%get3A_609, %get3A_610] {strides = array<i32>} : memref<8x128xi32, #tpu.memory_space<vmem>>, vector<16xi32>,
      %add3A_612 = vector.broadcast %mul3A_25 : i32 to vector<16xi32>
      %add3A_613 = arith.addi %get3A_611, %add3A_612 : vector<16xi32>
      %swap3A_614 = arith.constant 7 : i32
      %swap3A_615 = arith.index_cast %swap3A_614 : i32 to index
      %swap3A_616 = arith.constant 0 : index
      %swap3A_617 = tpu.vector_load %arg7[%swap3A_615, %swap3A_616] {strides = array<i32>} : memref<8x128xi32, #tpu.memory_space<vmem>>, vector<16xi32>,
      tpu.vector_store %arg7[%swap3A_615, %swap3A_616], %add3A_613 {strides = array<i32>} : memref<8x128xi32, #tpu.memory_space<vmem>>, vector<16xi32>,
      %get3A_618 = arith.constant 7 : i32
      %get3A_619 = arith.index_cast %get3A_618 : i32 to index
      %get3A_620 = arith.constant 16 : index
      %get3A_621 = tpu.vector_load %arg7[%get3A_619, %get3A_620] {strides = array<i32>} : memref<8x128xi32, #tpu.memory_space<vmem>>, vector<16xi32>,
      %add3A_622 = vector.broadcast %mul3A_25 : i32 to vector<16xi32>
      %add3A_623 = arith.addi %get3A_621, %add3A_622 : vector<16xi32>
      %swap3A_624 = arith.constant 7 : i32
      %swap3A_625 = arith.index_cast %swap3A_624 : i32 to index
      %swap3A_626 = arith.constant 16 : index
      %swap3A_627 = tpu.vector_load %arg7[%swap3A_625, %swap3A_626] {strides = array<i32>} : memref<8x128xi32, #tpu.memory_space<vmem>>, vector<16xi32>,
      tpu.vector_store %arg7[%swap3A_625, %swap3A_626], %add3A_623 {strides = array<i32>} : memref<8x128xi32, #tpu.memory_space<vmem>>, vector<16xi32>,
      %get3A_628 = arith.constant 7 : i32
      %get3A_629 = arith.index_cast %get3A_628 : i32 to index
      %get3A_630 = arith.constant 32 : index
      %get3A_631 = tpu.vector_load %arg7[%get3A_629, %get3A_630] {strides = array<i32>} : memref<8x128xi32, #tpu.memory_space<vmem>>, vector<16xi32>,
      %add3A_632 = vector.broadcast %mul3A_25 : i32 to vector<16xi32>
      %add3A_633 = arith.addi %get3A_631, %add3A_632 : vector<16xi32>
      %swap3A_634 = arith.constant 7 : i32
      %swap3A_635 = arith.index_cast %swap3A_634 : i32 to index
      %swap3A_636 = arith.constant 32 : index
      %swap3A_637 = tpu.vector_load %arg7[%swap3A_635, %swap3A_636] {strides = array<i32>} : memref<8x128xi32, #tpu.memory_space<vmem>>, vector<16xi32>,
      tpu.vector_store %arg7[%swap3A_635, %swap3A_636], %add3A_633 {strides = array<i32>} : memref<8x128xi32, #tpu.memory_space<vmem>>, vector<16xi32>,
      %get3A_638 = arith.constant 7 : i32
      %get3A_639 = arith.index_cast %get3A_638 : i32 to index
      %get3A_640 = arith.constant 48 : index
      %get3A_641 = tpu.vector_load %arg7[%get3A_639, %get3A_640] {strides = array<i32>} : memref<8x128xi32, #tpu.memory_space<vmem>>, vector<16xi32>,
      %add3A_642 = vector.broadcast %mul3A_25 : i32 to vector<16xi32>
      %add3A_643 = arith.addi %get3A_641, %add3A_642 : vector<16xi32>
      %swap3A_644 = arith.constant 7 : i32
      %swap3A_645 = arith.index_cast %swap3A_644 : i32 to index
      %swap3A_646 = arith.constant 48 : index
      %swap3A_647 = tpu.vector_load %arg7[%swap3A_645, %swap3A_646] {strides = array<i32>} : memref<8x128xi32, #tpu.memory_space<vmem>>, vector<16xi32>,
      tpu.vector_store %arg7[%swap3A_645, %swap3A_646], %add3A_643 {strides = array<i32>} : memref<8x128xi32, #tpu.memory_space<vmem>>, vector<16xi32>,
      %get3A_648 = arith.constant 7 : i32
      %get3A_649 = arith.index_cast %get3A_648 : i32 to index
      %get3A_650 = arith.constant 64 : index
      %get3A_651 = tpu.vector_load %arg7[%get3A_649, %get3A_650] {strides = array<i32>} : memref<8x128xi32, #tpu.memory_space<vmem>>, vector<16xi32>,
      %add3A_652 = vector.broadcast %mul3A_25 : i32 to vector<16xi32>
      %add3A_653 = arith.addi %get3A_651, %add3A_652 : vector<16xi32>
      %swap3A_654 = arith.constant 7 : i32
      %swap3A_655 = arith.index_cast %swap3A_654 : i32 to index
      %swap3A_656 = arith.constant 64 : index
      %swap3A_657 = tpu.vector_load %arg7[%swap3A_655, %swap3A_656] {strides = array<i32>} : memref<8x128xi32, #tpu.memory_space<vmem>>, vector<16xi32>,
      tpu.vector_store %arg7[%swap3A_655, %swap3A_656], %add3A_653 {strides = array<i32>} : memref<8x128xi32, #tpu.memory_space<vmem>>, vector<16xi32>,
      %get3A_658 = arith.constant 7 : i32
      %get3A_659 = arith.index_cast %get3A_658 : i32 to index
      %get3A_660 = arith.constant 80 : index
      %get3A_661 = tpu.vector_load %arg7[%get3A_659, %get3A_660] {strides = array<i32>} : memref<8x128xi32, #tpu.memory_space<vmem>>, vector<16xi32>,
      %add3A_662 = vector.broadcast %mul3A_25 : i32 to vector<16xi32>
      %add3A_663 = arith.addi %get3A_661, %add3A_662 : vector<16xi32>
      %swap3A_664 = arith.constant 7 : i32
      %swap3A_665 = arith.index_cast %swap3A_664 : i32 to index
      %swap3A_666 = arith.constant 80 : index
      %swap3A_667 = tpu.vector_load %arg7[%swap3A_665, %swap3A_666] {strides = array<i32>} : memref<8x128xi32, #tpu.memory_space<vmem>>, vector<16xi32>,
      tpu.vector_store %arg7[%swap3A_665, %swap3A_666], %add3A_663 {strides = array<i32>} : memref<8x128xi32, #tpu.memory_space<vmem>>, vector<16xi32>,
      %get3A_668 = arith.constant 7 : i32
      %get3A_669 = arith.index_cast %get3A_668 : i32 to index
      %get3A_670 = arith.constant 96 : index
      %get3A_671 = tpu.vector_load %arg7[%get3A_669, %get3A_670] {strides = array<i32>} : memref<8x128xi32, #tpu.memory_space<vmem>>, vector<16xi32>,
      %add3A_672 = vector.broadcast %mul3A_25 : i32 to vector<16xi32>
      %add3A_673 = arith.addi %get3A_671, %add3A_672 : vector<16xi32>
      %swap3A_674 = arith.constant 7 : i32
      %swap3A_675 = arith.index_cast %swap3A_674 : i32 to index
      %swap3A_676 = arith.constant 96 : index
      %swap3A_677 = tpu.vector_load %arg7[%swap3A_675, %swap3A_676] {strides = array<i32>} : memref<8x128xi32, #tpu.memory_space<vmem>>, vector<16xi32>,
      tpu.vector_store %arg7[%swap3A_675, %swap3A_676], %add3A_673 {strides = array<i32>} : memref<8x128xi32, #tpu.memory_space<vmem>>, vector<16xi32>,
      %get3A_678 = arith.constant 7 : i32
      %get3A_679 = arith.index_cast %get3A_678 : i32 to index
      %get3A_680 = arith.constant 112 : index
      %get3A_681 = tpu.vector_load %arg7[%get3A_679, %get3A_680] {strides = array<i32>} : memref<8x128xi32, #tpu.memory_space<vmem>>, vector<16xi32>,
      %add3A_682 = vector.broadcast %mul3A_25 : i32 to vector<16xi32>
      %add3A_683 = arith.addi %get3A_681, %add3A_682 : vector<16xi32>
      %swap3A_684 = arith.constant 7 : i32
      %swap3A_685 = arith.index_cast %swap3A_684 : i32 to index
      %swap3A_686 = arith.constant 112 : index
      %swap3A_687 = tpu.vector_load %arg7[%swap3A_685, %swap3A_686] {strides = array<i32>} : memref<8x128xi32, #tpu.memory_space<vmem>>, vector<16xi32>,
      tpu.vector_store %arg7[%swap3A_685, %swap3A_686], %add3A_683 {strides = array<i32>} : memref<8x128xi32, #tpu.memory_space<vmem>>, vector<16xi32>,
      %dma_start3A = arith.constant 0 : i32
      %dma_start3A_688 = arith.constant 0 : i32
      %dma_start3A_689 = arith.constant 0 : i32
      %dma_start3A_690 = arith.constant 0 : i32
      %dma_start3A_691 = tpu.memref_slice %arg9[%dma_start3A_688, %dma_start3A_689, %dma_start3A_690] : memref<8x128x16xf32, #tpu.memory_space<vmem>> -> memref<1x128x16xf32, #tpu.memory_space<vmem>>
      %dma_start3A_692 = tpu.memref_squeeze %dma_start3A_691 : memref<1x128x16xf32, #tpu.memory_space<vmem>> -> memref<128x16xf32, #tpu.memory_space<vmem>>
      %dma_start3A_693 = arith.constant 0 : i32
      %dma_start3A_694 = tpu.memref_slice %arg7[%dma_start3A, %dma_start3A_693] : memref<8x128xi32, #tpu.memory_space<vmem>> -> memref<1x128xi32, #tpu.memory_space<vmem>>
      %dma_start3A_695 = tpu.memref_squeeze %dma_start3A_694 : memref<1x128xi32, #tpu.memory_space<vmem>> -> memref<128xi32, #tpu.memory_space<vmem>>
      %dma_start3A_696 = arith.constant 0 : i32
      %dma_start3A_697 = arith.constant 0 : i32
      %dma_start3A_698 = tpu.memref_slice %arg2[%dma_start3A_696, %dma_start3A_697] : memref<401408x16xf32, #tpu.memory_space<hbm>> -> memref<401408x16xf32, #tpu.memory_space<hbm>>
      tpu.enqueue_indirect_dma source(%dma_start3A_698 : memref<401408x16xf32, #tpu.memory_space<hbm>>) target(%dma_start3A_692 : memref<128x16xf32, #tpu.memory_space<vmem>>) offsets(%dma_start3A_695 : memref<128xi32, #tpu.memory_space<vmem>>) semaphore(%arg10 : memref<!tpu.dma_semaphore, #tpu.memory_space<semaphore_mem>>)
      %dma_start3A_699 = arith.constant 1 : i32
      %dma_start3A_700 = arith.constant 1 : i32
      %dma_start3A_701 = arith.constant 0 : i32
      %dma_start3A_702 = arith.constant 0 : i32
      %dma_start3A_703 = tpu.memref_slice %arg9[%dma_start3A_700, %dma_start3A_701, %dma_start3A_702] : memref<8x128x16xf32, #tpu.memory_space<vmem>> -> memref<1x128x16xf32, #tpu.memory_space<vmem>>
      %dma_start3A_704 = tpu.memref_squeeze %dma_start3A_703 : memref<1x128x16xf32, #tpu.memory_space<vmem>> -> memref<128x16xf32, #tpu.memory_space<vmem>>
      %dma_start3A_705 = arith.constant 0 : i32
      %dma_start3A_706 = tpu.memref_slice %arg7[%dma_start3A_699, %dma_start3A_705] : memref<8x128xi32, #tpu.memory_space<vmem>> -> memref<1x128xi32, #tpu.memory_space<vmem>>
      %dma_start3A_707 = tpu.memref_squeeze %dma_start3A_706 : memref<1x128xi32, #tpu.memory_space<vmem>> -> memref<128xi32, #tpu.memory_space<vmem>>
      %dma_start3A_708 = arith.constant 0 : i32
      %dma_start3A_709 = arith.constant 0 : i32
      %dma_start3A_710 = tpu.memref_slice %arg2[%dma_start3A_708, %dma_start3A_709] : memref<401408x16xf32, #tpu.memory_space<hbm>> -> memref<401408x16xf32, #tpu.memory_space<hbm>>
      tpu.enqueue_indirect_dma source(%dma_start3A_710 : memref<401408x16xf32, #tpu.memory_space<hbm>>) target(%dma_start3A_704 : memref<128x16xf32, #tpu.memory_space<vmem>>) offsets(%dma_start3A_707 : memref<128xi32, #tpu.memory_space<vmem>>) semaphore(%arg10 : memref<!tpu.dma_semaphore, #tpu.memory_space<semaphore_mem>>)
      %dma_start3A_711 = arith.constant 2 : i32
      %dma_start3A_712 = arith.constant 2 : i32
      %dma_start3A_713 = arith.constant 0 : i32
      %dma_start3A_714 = arith.constant 0 : i32
      %dma_start3A_715 = tpu.memref_slice %arg9[%dma_start3A_712, %dma_start3A_713, %dma_start3A_714] : memref<8x128x16xf32, #tpu.memory_space<vmem>> -> memref<1x128x16xf32, #tpu.memory_space<vmem>>
      %dma_start3A_716 = tpu.memref_squeeze %dma_start3A_715 : memref<1x128x16xf32, #tpu.memory_space<vmem>> -> memref<128x16xf32, #tpu.memory_space<vmem>>
      %dma_start3A_717 = arith.constant 0 : i32
      %dma_start3A_718 = tpu.memref_slice %arg7[%dma_start3A_711, %dma_start3A_717] : memref<8x128xi32, #tpu.memory_space<vmem>> -> memref<1x128xi32, #tpu.memory_space<vmem>>
      %dma_start3A_719 = tpu.memref_squeeze %dma_start3A_718 : memref<1x128xi32, #tpu.memory_space<vmem>> -> memref<128xi32, #tpu.memory_space<vmem>>
      %dma_start3A_720 = arith.constant 0 : i32
      %dma_start3A_721 = arith.constant 0 : i32
      %dma_start3A_722 = tpu.memref_slice %arg2[%dma_start3A_720, %dma_start3A_721] : memref<401408x16xf32, #tpu.memory_space<hbm>> -> memref<401408x16xf32, #tpu.memory_space<hbm>>
      tpu.enqueue_indirect_dma source(%dma_start3A_722 : memref<401408x16xf32, #tpu.memory_space<hbm>>) target(%dma_start3A_716 : memref<128x16xf32, #tpu.memory_space<vmem>>) offsets(%dma_start3A_719 : memref<128xi32, #tpu.memory_space<vmem>>) semaphore(%arg10 : memref<!tpu.dma_semaphore, #tpu.memory_space<semaphore_mem>>)
      %dma_start3A_723 = arith.constant 3 : i32
      %dma_start3A_724 = arith.constant 3 : i32
      %dma_start3A_725 = arith.constant 0 : i32
      %dma_start3A_726 = arith.constant 0 : i32
      %dma_start3A_727 = tpu.memref_slice %arg9[%dma_start3A_724, %dma_start3A_725, %dma_start3A_726] : memref<8x128x16xf32, #tpu.memory_space<vmem>> -> memref<1x128x16xf32, #tpu.memory_space<vmem>>
      %dma_start3A_728 = tpu.memref_squeeze %dma_start3A_727 : memref<1x128x16xf32, #tpu.memory_space<vmem>> -> memref<128x16xf32, #tpu.memory_space<vmem>>
      %dma_start3A_729 = arith.constant 0 : i32
      %dma_start3A_730 = tpu.memref_slice %arg7[%dma_start3A_723, %dma_start3A_729] : memref<8x128xi32, #tpu.memory_space<vmem>> -> memref<1x128xi32, #tpu.memory_space<vmem>>
      %dma_start3A_731 = tpu.memref_squeeze %dma_start3A_730 : memref<1x128xi32, #tpu.memory_space<vmem>> -> memref<128xi32, #tpu.memory_space<vmem>>
      %dma_start3A_732 = arith.constant 0 : i32
      %dma_start3A_733 = arith.constant 0 : i32
      %dma_start3A_734 = tpu.memref_slice %arg2[%dma_start3A_732, %dma_start3A_733] : memref<401408x16xf32, #tpu.memory_space<hbm>> -> memref<401408x16xf32, #tpu.memory_space<hbm>>
      tpu.enqueue_indirect_dma source(%dma_start3A_734 : memref<401408x16xf32, #tpu.memory_space<hbm>>) target(%dma_start3A_728 : memref<128x16xf32, #tpu.memory_space<vmem>>) offsets(%dma_start3A_731 : memref<128xi32, #tpu.memory_space<vmem>>) semaphore(%arg10 : memref<!tpu.dma_semaphore, #tpu.memory_space<semaphore_mem>>)
      %dma_start3A_735 = arith.constant 4 : i32
      %dma_start3A_736 = arith.constant 4 : i32
      %dma_start3A_737 = arith.constant 0 : i32
      %dma_start3A_738 = arith.constant 0 : i32
      %dma_start3A_739 = tpu.memref_slice %arg9[%dma_start3A_736, %dma_start3A_737, %dma_start3A_738] : memref<8x128x16xf32, #tpu.memory_space<vmem>> -> memref<1x128x16xf32, #tpu.memory_space<vmem>>
      %dma_start3A_740 = tpu.memref_squeeze %dma_start3A_739 : memref<1x128x16xf32, #tpu.memory_space<vmem>> -> memref<128x16xf32, #tpu.memory_space<vmem>>
      %dma_start3A_741 = arith.constant 0 : i32
      %dma_start3A_742 = tpu.memref_slice %arg7[%dma_start3A_735, %dma_start3A_741] : memref<8x128xi32, #tpu.memory_space<vmem>> -> memref<1x128xi32, #tpu.memory_space<vmem>>
      %dma_start3A_743 = tpu.memref_squeeze %dma_start3A_742 : memref<1x128xi32, #tpu.memory_space<vmem>> -> memref<128xi32, #tpu.memory_space<vmem>>
      %dma_start3A_744 = arith.constant 0 : i32
      %dma_start3A_745 = arith.constant 0 : i32
      %dma_start3A_746 = tpu.memref_slice %arg2[%dma_start3A_744, %dma_start3A_745] : memref<401408x16xf32, #tpu.memory_space<hbm>> -> memref<401408x16xf32, #tpu.memory_space<hbm>>
      tpu.enqueue_indirect_dma source(%dma_start3A_746 : memref<401408x16xf32, #tpu.memory_space<hbm>>) target(%dma_start3A_740 : memref<128x16xf32, #tpu.memory_space<vmem>>) offsets(%dma_start3A_743 : memref<128xi32, #tpu.memory_space<vmem>>) semaphore(%arg10 : memref<!tpu.dma_semaphore, #tpu.memory_space<semaphore_mem>>)
      %dma_start3A_747 = arith.constant 5 : i32
      %dma_start3A_748 = arith.constant 5 : i32
      %dma_start3A_749 = arith.constant 0 : i32
      %dma_start3A_750 = arith.constant 0 : i32
      %dma_start3A_751 = tpu.memref_slice %arg9[%dma_start3A_748, %dma_start3A_749, %dma_start3A_750] : memref<8x128x16xf32, #tpu.memory_space<vmem>> -> memref<1x128x16xf32, #tpu.memory_space<vmem>>
      %dma_start3A_752 = tpu.memref_squeeze %dma_start3A_751 : memref<1x128x16xf32, #tpu.memory_space<vmem>> -> memref<128x16xf32, #tpu.memory_space<vmem>>
      %dma_start3A_753 = arith.constant 0 : i32
      %dma_start3A_754 = tpu.memref_slice %arg7[%dma_start3A_747, %dma_start3A_753] : memref<8x128xi32, #tpu.memory_space<vmem>> -> memref<1x128xi32, #tpu.memory_space<vmem>>
      %dma_start3A_755 = tpu.memref_squeeze %dma_start3A_754 : memref<1x128xi32, #tpu.memory_space<vmem>> -> memref<128xi32, #tpu.memory_space<vmem>>
      %dma_start3A_756 = arith.constant 0 : i32
      %dma_start3A_757 = arith.constant 0 : i32
      %dma_start3A_758 = tpu.memref_slice %arg2[%dma_start3A_756, %dma_start3A_757] : memref<401408x16xf32, #tpu.memory_space<hbm>> -> memref<401408x16xf32, #tpu.memory_space<hbm>>
      tpu.enqueue_indirect_dma source(%dma_start3A_758 : memref<401408x16xf32, #tpu.memory_space<hbm>>) target(%dma_start3A_752 : memref<128x16xf32, #tpu.memory_space<vmem>>) offsets(%dma_start3A_755 : memref<128xi32, #tpu.memory_space<vmem>>) semaphore(%arg10 : memref<!tpu.dma_semaphore, #tpu.memory_space<semaphore_mem>>)
      %dma_start3A_759 = arith.constant 6 : i32
      %dma_start3A_760 = arith.constant 6 : i32
      %dma_start3A_761 = arith.constant 0 : i32
      %dma_start3A_762 = arith.constant 0 : i32
      %dma_start3A_763 = tpu.memref_slice %arg9[%dma_start3A_760, %dma_start3A_761, %dma_start3A_762] : memref<8x128x16xf32, #tpu.memory_space<vmem>> -> memref<1x128x16xf32, #tpu.memory_space<vmem>>
      %dma_start3A_764 = tpu.memref_squeeze %dma_start3A_763 : memref<1x128x16xf32, #tpu.memory_space<vmem>> -> memref<128x16xf32, #tpu.memory_space<vmem>>
      %dma_start3A_765 = arith.constant 0 : i32
      %dma_start3A_766 = tpu.memref_slice %arg7[%dma_start3A_759, %dma_start3A_765] : memref<8x128xi32, #tpu.memory_space<vmem>> -> memref<1x128xi32, #tpu.memory_space<vmem>>
      %dma_start3A_767 = tpu.memref_squeeze %dma_start3A_766 : memref<1x128xi32, #tpu.memory_space<vmem>> -> memref<128xi32, #tpu.memory_space<vmem>>
      %dma_start3A_768 = arith.constant 0 : i32
      %dma_start3A_769 = arith.constant 0 : i32
      %dma_start3A_770 = tpu.memref_slice %arg2[%dma_start3A_768, %dma_start3A_769] : memref<401408x16xf32, #tpu.memory_space<hbm>> -> memref<401408x16xf32, #tpu.memory_space<hbm>>
      tpu.enqueue_indirect_dma source(%dma_start3A_770 : memref<401408x16xf32, #tpu.memory_space<hbm>>) target(%dma_start3A_764 : memref<128x16xf32, #tpu.memory_space<vmem>>) offsets(%dma_start3A_767 : memref<128xi32, #tpu.memory_space<vmem>>) semaphore(%arg10 : memref<!tpu.dma_semaphore, #tpu.memory_space<semaphore_mem>>)
      %dma_start3A_771 = arith.constant 7 : i32
      %dma_start3A_772 = arith.constant 7 : i32
      %dma_start3A_773 = arith.constant 0 : i32
      %dma_start3A_774 = arith.constant 0 : i32
      %dma_start3A_775 = tpu.memref_slice %arg9[%dma_start3A_772, %dma_start3A_773, %dma_start3A_774] : memref<8x128x16xf32, #tpu.memory_space<vmem>> -> memref<1x128x16xf32, #tpu.memory_space<vmem>>
      %dma_start3A_776 = tpu.memref_squeeze %dma_start3A_775 : memref<1x128x16xf32, #tpu.memory_space<vmem>> -> memref<128x16xf32, #tpu.memory_space<vmem>>
      %dma_start3A_777 = arith.constant 0 : i32
      %dma_start3A_778 = tpu.memref_slice %arg7[%dma_start3A_771, %dma_start3A_777] : memref<8x128xi32, #tpu.memory_space<vmem>> -> memref<1x128xi32, #tpu.memory_space<vmem>>
      %dma_start3A_779 = tpu.memref_squeeze %dma_start3A_778 : memref<1x128xi32, #tpu.memory_space<vmem>> -> memref<128xi32, #tpu.memory_space<vmem>>
      %dma_start3A_780 = arith.constant 0 : i32
      %dma_start3A_781 = arith.constant 0 : i32
      %dma_start3A_782 = tpu.memref_slice %arg2[%dma_start3A_780, %dma_start3A_781] : memref<401408x16xf32, #tpu.memory_space<hbm>> -> memref<401408x16xf32, #tpu.memory_space<hbm>>
      tpu.enqueue_indirect_dma source(%dma_start3A_782 : memref<401408x16xf32, #tpu.memory_space<hbm>>) target(%dma_start3A_776 : memref<128x16xf32, #tpu.memory_space<vmem>>) offsets(%dma_start3A_779 : memref<128xi32, #tpu.memory_space<vmem>>) semaphore(%arg10 : memref<!tpu.dma_semaphore, #tpu.memory_space<semaphore_mem>>)
      %dma_wait3A = arith.constant 0 : i32
      %dma_wait3A_783 = arith.constant 0 : i32
      %dma_wait3A_784 = arith.constant 0 : i32
      %dma_wait3A_785 = arith.constant 0 : i32
      %dma_wait3A_786 = tpu.memref_slice %arg9[%dma_wait3A_783, %dma_wait3A_784, %dma_wait3A_785] : memref<8x128x16xf32, #tpu.memory_space<vmem>> -> memref<1x128x16xf32, #tpu.memory_space<vmem>>
      %dma_wait3A_787 = tpu.memref_squeeze %dma_wait3A_786 : memref<1x128x16xf32, #tpu.memory_space<vmem>> -> memref<128x16xf32, #tpu.memory_space<vmem>>
      %dma_wait3A_788 = arith.constant 0 : i32
      %dma_wait3A_789 = tpu.memref_slice %arg7[%dma_wait3A, %dma_wait3A_788] : memref<8x128xi32, #tpu.memory_space<vmem>> -> memref<1x128xi32, #tpu.memory_space<vmem>>
      %dma_wait3A_790 = tpu.memref_squeeze %dma_wait3A_789 : memref<1x128xi32, #tpu.memory_space<vmem>> -> memref<128xi32, #tpu.memory_space<vmem>>
      %dma_wait3A_791 = arith.constant 0 : i32
      %dma_wait3A_792 = arith.constant 0 : i32
      %dma_wait3A_793 = tpu.memref_slice %arg2[%dma_wait3A_791, %dma_wait3A_792] : memref<401408x16xf32, #tpu.memory_space<hbm>> -> memref<401408x16xf32, #tpu.memory_space<hbm>>
      tpu.wait_indirect_dma semaphore(%arg10 : memref<!tpu.dma_semaphore, #tpu.memory_space<semaphore_mem>>) src(%dma_wait3A_793 : memref<401408x16xf32, #tpu.memory_space<hbm>>) dst(%dma_wait3A_787 : memref<128x16xf32, #tpu.memory_space<vmem>>)
      %run_scoped3A = arith.constant 0 : i32
      %run_scoped3A_794 = arith.constant 0 : i32
      "tpu.region"() ({
        %run_scoped3A_893 = tpu.sem_alloc : memref<!tpu.dma_semaphore, #tpu.memory_space<semaphore_mem>>
        %dma_start3A_894 = arith.constant 0 : i32
        %dma_start3A_895 = arith.constant 0 : i32
        %dma_start3A_896 = tpu.memref_slice %arg9[%run_scoped3A, %dma_start3A_894, %dma_start3A_895] : memref<8x128x16xf32, #tpu.memory_space<vmem>> -> memref<1x128x16xf32, #tpu.memory_space<vmem>>
        %dma_start3A_897 = tpu.memref_squeeze %dma_start3A_896 : memref<1x128x16xf32, #tpu.memory_space<vmem>> -> memref<128x16xf32, #tpu.memory_space<vmem>>
        %dma_start3A_898 = arith.constant 0 : i32
        %dma_start3A_899 = tpu.memref_slice %arg8[%run_scoped3A_794, %dma_start3A_898] : memref<8x128xi32, #tpu.memory_space<vmem>> -> memref<1x128xi32, #tpu.memory_space<vmem>>
        %dma_start3A_900 = tpu.memref_squeeze %dma_start3A_899 : memref<1x128xi32, #tpu.memory_space<vmem>> -> memref<128xi32, #tpu.memory_space<vmem>>
        %dma_start3A_901 = arith.constant 0 : i32
        %dma_start3A_902 = arith.constant 0 : i32
        %dma_start3A_903 = tpu.memref_slice %arg6[%dma_start3A_901, %dma_start3A_902] : memref<100352x16xf32, #tpu.memory_space<vmem_shared>> -> memref<100352x16xf32, #tpu.memory_space<vmem_shared>>
        tpu.enqueue_indirect_dma source(%dma_start3A_897 : memref<128x16xf32, #tpu.memory_space<vmem>>) target(%dma_start3A_903 : memref<100352x16xf32, #tpu.memory_space<vmem_shared>>) offsets(%dma_start3A_900 : memref<128xi32, #tpu.memory_space<vmem>>) semaphore(%run_scoped3A_893 : memref<!tpu.dma_semaphore, #tpu.memory_space<semaphore_mem>>) {add = true}
        %dma_wait3A_904 = arith.constant 0 : i32
        %dma_wait3A_905 = arith.constant 0 : i32
        %dma_wait3A_906 = tpu.memref_slice %arg9[%run_scoped3A, %dma_wait3A_904, %dma_wait3A_905] : memref<8x128x16xf32, #tpu.memory_space<vmem>> -> memref<1x128x16xf32, #tpu.memory_space<vmem>>
        %dma_wait3A_907 = tpu.memref_squeeze %dma_wait3A_906 : memref<1x128x16xf32, #tpu.memory_space<vmem>> -> memref<128x16xf32, #tpu.memory_space<vmem>>
        %dma_wait3A_908 = arith.constant 0 : i32
        %dma_wait3A_909 = tpu.memref_slice %arg8[%run_scoped3A_794, %dma_wait3A_908] : memref<8x128xi32, #tpu.memory_space<vmem>> -> memref<1x128xi32, #tpu.memory_space<vmem>>
        %dma_wait3A_910 = tpu.memref_squeeze %dma_wait3A_909 : memref<1x128xi32, #tpu.memory_space<vmem>> -> memref<128xi32, #tpu.memory_space<vmem>>
        %dma_wait3A_911 = arith.constant 0 : i32
        %dma_wait3A_912 = arith.constant 0 : i32
        %dma_wait3A_913 = tpu.memref_slice %arg6[%dma_wait3A_911, %dma_wait3A_912] : memref<100352x16xf32, #tpu.memory_space<vmem_shared>> -> memref<100352x16xf32, #tpu.memory_space<vmem_shared>>
        tpu.wait_indirect_dma semaphore(%run_scoped3A_893 : memref<!tpu.dma_semaphore, #tpu.memory_space<semaphore_mem>>) src(%dma_wait3A_907 : memref<128x16xf32, #tpu.memory_space<vmem>>) dst(%dma_wait3A_913 : memref<100352x16xf32, #tpu.memory_space<vmem_shared>>)
        tpu.yield
      }) : () -> ()
      %dma_wait3A_795 = arith.constant 1 : i32
      %dma_wait3A_796 = arith.constant 1 : i32
      %dma_wait3A_797 = arith.constant 0 : i32
      %dma_wait3A_798 = arith.constant 0 : i32
      %dma_wait3A_799 = tpu.memref_slice %arg9[%dma_wait3A_796, %dma_wait3A_797, %dma_wait3A_798] : memref<8x128x16xf32, #tpu.memory_space<vmem>> -> memref<1x128x16xf32, #tpu.memory_space<vmem>>
      %dma_wait3A_800 = tpu.memref_squeeze %dma_wait3A_799 : memref<1x128x16xf32, #tpu.memory_space<vmem>> -> memref<128x16xf32, #tpu.memory_space<vmem>>
      %dma_wait3A_801 = arith.constant 0 : i32
      %dma_wait3A_802 = tpu.memref_slice %arg7[%dma_wait3A_795, %dma_wait3A_801] : memref<8x128xi32, #tpu.memory_space<vmem>> -> memref<1x128xi32, #tpu.memory_space<vmem>>
      %dma_wait3A_803 = tpu.memref_squeeze %dma_wait3A_802 : memref<1x128xi32, #tpu.memory_space<vmem>> -> memref<128xi32, #tpu.memory_space<vmem>>
      %dma_wait3A_804 = arith.constant 0 : i32
      %dma_wait3A_805 = arith.constant 0 : i32
      %dma_wait3A_806 = tpu.memref_slice %arg2[%dma_wait3A_804, %dma_wait3A_805] : memref<401408x16xf32, #tpu.memory_space<hbm>> -> memref<401408x16xf32, #tpu.memory_space<hbm>>
      tpu.wait_indirect_dma semaphore(%arg10 : memref<!tpu.dma_semaphore, #tpu.memory_space<semaphore_mem>>) src(%dma_wait3A_806 : memref<401408x16xf32, #tpu.memory_space<hbm>>) dst(%dma_wait3A_800 : memref<128x16xf32, #tpu.memory_space<vmem>>)
      %run_scoped3A_807 = arith.constant 1 : i32
      %run_scoped3A_808 = arith.constant 1 : i32
      "tpu.region"() ({
        %run_scoped3A_893 = tpu.sem_alloc : memref<!tpu.dma_semaphore, #tpu.memory_space<semaphore_mem>>
        %dma_start3A_894 = arith.constant 0 : i32
        %dma_start3A_895 = arith.constant 0 : i32
        %dma_start3A_896 = tpu.memref_slice %arg9[%run_scoped3A_807, %dma_start3A_894, %dma_start3A_895] : memref<8x128x16xf32, #tpu.memory_space<vmem>> -> memref<1x128x16xf32, #tpu.memory_space<vmem>>
        %dma_start3A_897 = tpu.memref_squeeze %dma_start3A_896 : memref<1x128x16xf32, #tpu.memory_space<vmem>> -> memref<128x16xf32, #tpu.memory_space<vmem>>
        %dma_start3A_898 = arith.constant 0 : i32
        %dma_start3A_899 = tpu.memref_slice %arg8[%run_scoped3A_808, %dma_start3A_898] : memref<8x128xi32, #tpu.memory_space<vmem>> -> memref<1x128xi32, #tpu.memory_space<vmem>>
        %dma_start3A_900 = tpu.memref_squeeze %dma_start3A_899 : memref<1x128xi32, #tpu.memory_space<vmem>> -> memref<128xi32, #tpu.memory_space<vmem>>
        %dma_start3A_901 = arith.constant 0 : i32
        %dma_start3A_902 = arith.constant 0 : i32
        %dma_start3A_903 = tpu.memref_slice %arg6[%dma_start3A_901, %dma_start3A_902] : memref<100352x16xf32, #tpu.memory_space<vmem_shared>> -> memref<100352x16xf32, #tpu.memory_space<vmem_shared>>
        tpu.enqueue_indirect_dma source(%dma_start3A_897 : memref<128x16xf32, #tpu.memory_space<vmem>>) target(%dma_start3A_903 : memref<100352x16xf32, #tpu.memory_space<vmem_shared>>) offsets(%dma_start3A_900 : memref<128xi32, #tpu.memory_space<vmem>>) semaphore(%run_scoped3A_893 : memref<!tpu.dma_semaphore, #tpu.memory_space<semaphore_mem>>) {add = true}
        %dma_wait3A_904 = arith.constant 0 : i32
        %dma_wait3A_905 = arith.constant 0 : i32
        %dma_wait3A_906 = tpu.memref_slice %arg9[%run_scoped3A_807, %dma_wait3A_904, %dma_wait3A_905] : memref<8x128x16xf32, #tpu.memory_space<vmem>> -> memref<1x128x16xf32, #tpu.memory_space<vmem>>
        %dma_wait3A_907 = tpu.memref_squeeze %dma_wait3A_906 : memref<1x128x16xf32, #tpu.memory_space<vmem>> -> memref<128x16xf32, #tpu.memory_space<vmem>>
        %dma_wait3A_908 = arith.constant 0 : i32
        %dma_wait3A_909 = tpu.memref_slice %arg8[%run_scoped3A_808, %dma_wait3A_908] : memref<8x128xi32, #tpu.memory_space<vmem>> -> memref<1x128xi32, #tpu.memory_space<vmem>>
        %dma_wait3A_910 = tpu.memref_squeeze %dma_wait3A_909 : memref<1x128xi32, #tpu.memory_space<vmem>> -> memref<128xi32, #tpu.memory_space<vmem>>
        %dma_wait3A_911 = arith.constant 0 : i32
        %dma_wait3A_912 = arith.constant 0 : i32
        %dma_wait3A_913 = tpu.memref_slice %arg6[%dma_wait3A_911, %dma_wait3A_912] : memref<100352x16xf32, #tpu.memory_space<vmem_shared>> -> memref<100352x16xf32, #tpu.memory_space<vmem_shared>>
        tpu.wait_indirect_dma semaphore(%run_scoped3A_893 : memref<!tpu.dma_semaphore, #tpu.memory_space<semaphore_mem>>) src(%dma_wait3A_907 : memref<128x16xf32, #tpu.memory_space<vmem>>) dst(%dma_wait3A_913 : memref<100352x16xf32, #tpu.memory_space<vmem_shared>>)
        tpu.yield
      }) : () -> ()
      %dma_wait3A_809 = arith.constant 2 : i32
      %dma_wait3A_810 = arith.constant 2 : i32
      %dma_wait3A_811 = arith.constant 0 : i32
      %dma_wait3A_812 = arith.constant 0 : i32
      %dma_wait3A_813 = tpu.memref_slice %arg9[%dma_wait3A_810, %dma_wait3A_811, %dma_wait3A_812] : memref<8x128x16xf32, #tpu.memory_space<vmem>> -> memref<1x128x16xf32, #tpu.memory_space<vmem>>
      %dma_wait3A_814 = tpu.memref_squeeze %dma_wait3A_813 : memref<1x128x16xf32, #tpu.memory_space<vmem>> -> memref<128x16xf32, #tpu.memory_space<vmem>>
      %dma_wait3A_815 = arith.constant 0 : i32
      %dma_wait3A_816 = tpu.memref_slice %arg7[%dma_wait3A_809, %dma_wait3A_815] : memref<8x128xi32, #tpu.memory_space<vmem>> -> memref<1x128xi32, #tpu.memory_space<vmem>>
      %dma_wait3A_817 = tpu.memref_squeeze %dma_wait3A_816 : memref<1x128xi32, #tpu.memory_space<vmem>> -> memref<128xi32, #tpu.memory_space<vmem>>
      %dma_wait3A_818 = arith.constant 0 : i32
      %dma_wait3A_819 = arith.constant 0 : i32
      %dma_wait3A_820 = tpu.memref_slice %arg2[%dma_wait3A_818, %dma_wait3A_819] : memref<401408x16xf32, #tpu.memory_space<hbm>> -> memref<401408x16xf32, #tpu.memory_space<hbm>>
      tpu.wait_indirect_dma semaphore(%arg10 : memref<!tpu.dma_semaphore, #tpu.memory_space<semaphore_mem>>) src(%dma_wait3A_820 : memref<401408x16xf32, #tpu.memory_space<hbm>>) dst(%dma_wait3A_814 : memref<128x16xf32, #tpu.memory_space<vmem>>)
      %run_scoped3A_821 = arith.constant 2 : i32
      %run_scoped3A_822 = arith.constant 2 : i32
      "tpu.region"() ({
        %run_scoped3A_893 = tpu.sem_alloc : memref<!tpu.dma_semaphore, #tpu.memory_space<semaphore_mem>>
        %dma_start3A_894 = arith.constant 0 : i32
        %dma_start3A_895 = arith.constant 0 : i32
        %dma_start3A_896 = tpu.memref_slice %arg9[%run_scoped3A_821, %dma_start3A_894, %dma_start3A_895] : memref<8x128x16xf32, #tpu.memory_space<vmem>> -> memref<1x128x16xf32, #tpu.memory_space<vmem>>
        %dma_start3A_897 = tpu.memref_squeeze %dma_start3A_896 : memref<1x128x16xf32, #tpu.memory_space<vmem>> -> memref<128x16xf32, #tpu.memory_space<vmem>>
        %dma_start3A_898 = arith.constant 0 : i32
        %dma_start3A_899 = tpu.memref_slice %arg8[%run_scoped3A_822, %dma_start3A_898] : memref<8x128xi32, #tpu.memory_space<vmem>> -> memref<1x128xi32, #tpu.memory_space<vmem>>
        %dma_start3A_900 = tpu.memref_squeeze %dma_start3A_899 : memref<1x128xi32, #tpu.memory_space<vmem>> -> memref<128xi32, #tpu.memory_space<vmem>>
        %dma_start3A_901 = arith.constant 0 : i32
        %dma_start3A_902 = arith.constant 0 : i32
        %dma_start3A_903 = tpu.memref_slice %arg6[%dma_start3A_901, %dma_start3A_902] : memref<100352x16xf32, #tpu.memory_space<vmem_shared>> -> memref<100352x16xf32, #tpu.memory_space<vmem_shared>>
        tpu.enqueue_indirect_dma source(%dma_start3A_897 : memref<128x16xf32, #tpu.memory_space<vmem>>) target(%dma_start3A_903 : memref<100352x16xf32, #tpu.memory_space<vmem_shared>>) offsets(%dma_start3A_900 : memref<128xi32, #tpu.memory_space<vmem>>) semaphore(%run_scoped3A_893 : memref<!tpu.dma_semaphore, #tpu.memory_space<semaphore_mem>>) {add = true}
        %dma_wait3A_904 = arith.constant 0 : i32
        %dma_wait3A_905 = arith.constant 0 : i32
        %dma_wait3A_906 = tpu.memref_slice %arg9[%run_scoped3A_821, %dma_wait3A_904, %dma_wait3A_905] : memref<8x128x16xf32, #tpu.memory_space<vmem>> -> memref<1x128x16xf32, #tpu.memory_space<vmem>>
        %dma_wait3A_907 = tpu.memref_squeeze %dma_wait3A_906 : memref<1x128x16xf32, #tpu.memory_space<vmem>> -> memref<128x16xf32, #tpu.memory_space<vmem>>
        %dma_wait3A_908 = arith.constant 0 : i32
        %dma_wait3A_909 = tpu.memref_slice %arg8[%run_scoped3A_822, %dma_wait3A_908] : memref<8x128xi32, #tpu.memory_space<vmem>> -> memref<1x128xi32, #tpu.memory_space<vmem>>
        %dma_wait3A_910 = tpu.memref_squeeze %dma_wait3A_909 : memref<1x128xi32, #tpu.memory_space<vmem>> -> memref<128xi32, #tpu.memory_space<vmem>>
        %dma_wait3A_911 = arith.constant 0 : i32
        %dma_wait3A_912 = arith.constant 0 : i32
        %dma_wait3A_913 = tpu.memref_slice %arg6[%dma_wait3A_911, %dma_wait3A_912] : memref<100352x16xf32, #tpu.memory_space<vmem_shared>> -> memref<100352x16xf32, #tpu.memory_space<vmem_shared>>
        tpu.wait_indirect_dma semaphore(%run_scoped3A_893 : memref<!tpu.dma_semaphore, #tpu.memory_space<semaphore_mem>>) src(%dma_wait3A_907 : memref<128x16xf32, #tpu.memory_space<vmem>>) dst(%dma_wait3A_913 : memref<100352x16xf32, #tpu.memory_space<vmem_shared>>)
        tpu.yield
      }) : () -> ()
      %dma_wait3A_823 = arith.constant 3 : i32
      %dma_wait3A_824 = arith.constant 3 : i32
      %dma_wait3A_825 = arith.constant 0 : i32
      %dma_wait3A_826 = arith.constant 0 : i32
      %dma_wait3A_827 = tpu.memref_slice %arg9[%dma_wait3A_824, %dma_wait3A_825, %dma_wait3A_826] : memref<8x128x16xf32, #tpu.memory_space<vmem>> -> memref<1x128x16xf32, #tpu.memory_space<vmem>>
      %dma_wait3A_828 = tpu.memref_squeeze %dma_wait3A_827 : memref<1x128x16xf32, #tpu.memory_space<vmem>> -> memref<128x16xf32, #tpu.memory_space<vmem>>
      %dma_wait3A_829 = arith.constant 0 : i32
      %dma_wait3A_830 = tpu.memref_slice %arg7[%dma_wait3A_823, %dma_wait3A_829] : memref<8x128xi32, #tpu.memory_space<vmem>> -> memref<1x128xi32, #tpu.memory_space<vmem>>
      %dma_wait3A_831 = tpu.memref_squeeze %dma_wait3A_830 : memref<1x128xi32, #tpu.memory_space<vmem>> -> memref<128xi32, #tpu.memory_space<vmem>>
      %dma_wait3A_832 = arith.constant 0 : i32
      %dma_wait3A_833 = arith.constant 0 : i32
      %dma_wait3A_834 = tpu.memref_slice %arg2[%dma_wait3A_832, %dma_wait3A_833] : memref<401408x16xf32, #tpu.memory_space<hbm>> -> memref<401408x16xf32, #tpu.memory_space<hbm>>
      tpu.wait_indirect_dma semaphore(%arg10 : memref<!tpu.dma_semaphore, #tpu.memory_space<semaphore_mem>>) src(%dma_wait3A_834 : memref<401408x16xf32, #tpu.memory_space<hbm>>) dst(%dma_wait3A_828 : memref<128x16xf32, #tpu.memory_space<vmem>>)
      %run_scoped3A_835 = arith.constant 3 : i32
      %run_scoped3A_836 = arith.constant 3 : i32
      "tpu.region"() ({
        %run_scoped3A_893 = tpu.sem_alloc : memref<!tpu.dma_semaphore, #tpu.memory_space<semaphore_mem>>
        %dma_start3A_894 = arith.constant 0 : i32
        %dma_start3A_895 = arith.constant 0 : i32
        %dma_start3A_896 = tpu.memref_slice %arg9[%run_scoped3A_835, %dma_start3A_894, %dma_start3A_895] : memref<8x128x16xf32, #tpu.memory_space<vmem>> -> memref<1x128x16xf32, #tpu.memory_space<vmem>>
        %dma_start3A_897 = tpu.memref_squeeze %dma_start3A_896 : memref<1x128x16xf32, #tpu.memory_space<vmem>> -> memref<128x16xf32, #tpu.memory_space<vmem>>
        %dma_start3A_898 = arith.constant 0 : i32
        %dma_start3A_899 = tpu.memref_slice %arg8[%run_scoped3A_836, %dma_start3A_898] : memref<8x128xi32, #tpu.memory_space<vmem>> -> memref<1x128xi32, #tpu.memory_space<vmem>>
        %dma_start3A_900 = tpu.memref_squeeze %dma_start3A_899 : memref<1x128xi32, #tpu.memory_space<vmem>> -> memref<128xi32, #tpu.memory_space<vmem>>
        %dma_start3A_901 = arith.constant 0 : i32
        %dma_start3A_902 = arith.constant 0 : i32
        %dma_start3A_903 = tpu.memref_slice %arg6[%dma_start3A_901, %dma_start3A_902] : memref<100352x16xf32, #tpu.memory_space<vmem_shared>> -> memref<100352x16xf32, #tpu.memory_space<vmem_shared>>
        tpu.enqueue_indirect_dma source(%dma_start3A_897 : memref<128x16xf32, #tpu.memory_space<vmem>>) target(%dma_start3A_903 : memref<100352x16xf32, #tpu.memory_space<vmem_shared>>) offsets(%dma_start3A_900 : memref<128xi32, #tpu.memory_space<vmem>>) semaphore(%run_scoped3A_893 : memref<!tpu.dma_semaphore, #tpu.memory_space<semaphore_mem>>) {add = true}
        %dma_wait3A_904 = arith.constant 0 : i32
        %dma_wait3A_905 = arith.constant 0 : i32
        %dma_wait3A_906 = tpu.memref_slice %arg9[%run_scoped3A_835, %dma_wait3A_904, %dma_wait3A_905] : memref<8x128x16xf32, #tpu.memory_space<vmem>> -> memref<1x128x16xf32, #tpu.memory_space<vmem>>
        %dma_wait3A_907 = tpu.memref_squeeze %dma_wait3A_906 : memref<1x128x16xf32, #tpu.memory_space<vmem>> -> memref<128x16xf32, #tpu.memory_space<vmem>>
        %dma_wait3A_908 = arith.constant 0 : i32
        %dma_wait3A_909 = tpu.memref_slice %arg8[%run_scoped3A_836, %dma_wait3A_908] : memref<8x128xi32, #tpu.memory_space<vmem>> -> memref<1x128xi32, #tpu.memory_space<vmem>>
        %dma_wait3A_910 = tpu.memref_squeeze %dma_wait3A_909 : memref<1x128xi32, #tpu.memory_space<vmem>> -> memref<128xi32, #tpu.memory_space<vmem>>
        %dma_wait3A_911 = arith.constant 0 : i32
        %dma_wait3A_912 = arith.constant 0 : i32
        %dma_wait3A_913 = tpu.memref_slice %arg6[%dma_wait3A_911, %dma_wait3A_912] : memref<100352x16xf32, #tpu.memory_space<vmem_shared>> -> memref<100352x16xf32, #tpu.memory_space<vmem_shared>>
        tpu.wait_indirect_dma semaphore(%run_scoped3A_893 : memref<!tpu.dma_semaphore, #tpu.memory_space<semaphore_mem>>) src(%dma_wait3A_907 : memref<128x16xf32, #tpu.memory_space<vmem>>) dst(%dma_wait3A_913 : memref<100352x16xf32, #tpu.memory_space<vmem_shared>>)
        tpu.yield
      }) : () -> ()
      %dma_wait3A_837 = arith.constant 4 : i32
      %dma_wait3A_838 = arith.constant 4 : i32
      %dma_wait3A_839 = arith.constant 0 : i32
      %dma_wait3A_840 = arith.constant 0 : i32
      %dma_wait3A_841 = tpu.memref_slice %arg9[%dma_wait3A_838, %dma_wait3A_839, %dma_wait3A_840] : memref<8x128x16xf32, #tpu.memory_space<vmem>> -> memref<1x128x16xf32, #tpu.memory_space<vmem>>
      %dma_wait3A_842 = tpu.memref_squeeze %dma_wait3A_841 : memref<1x128x16xf32, #tpu.memory_space<vmem>> -> memref<128x16xf32, #tpu.memory_space<vmem>>
      %dma_wait3A_843 = arith.constant 0 : i32
      %dma_wait3A_844 = tpu.memref_slice %arg7[%dma_wait3A_837, %dma_wait3A_843] : memref<8x128xi32, #tpu.memory_space<vmem>> -> memref<1x128xi32, #tpu.memory_space<vmem>>
      %dma_wait3A_845 = tpu.memref_squeeze %dma_wait3A_844 : memref<1x128xi32, #tpu.memory_space<vmem>> -> memref<128xi32, #tpu.memory_space<vmem>>
      %dma_wait3A_846 = arith.constant 0 : i32
      %dma_wait3A_847 = arith.constant 0 : i32
      %dma_wait3A_848 = tpu.memref_slice %arg2[%dma_wait3A_846, %dma_wait3A_847] : memref<401408x16xf32, #tpu.memory_space<hbm>> -> memref<401408x16xf32, #tpu.memory_space<hbm>>
      tpu.wait_indirect_dma semaphore(%arg10 : memref<!tpu.dma_semaphore, #tpu.memory_space<semaphore_mem>>) src(%dma_wait3A_848 : memref<401408x16xf32, #tpu.memory_space<hbm>>) dst(%dma_wait3A_842 : memref<128x16xf32, #tpu.memory_space<vmem>>)
      %run_scoped3A_849 = arith.constant 4 : i32
      %run_scoped3A_850 = arith.constant 4 : i32
      "tpu.region"() ({
        %run_scoped3A_893 = tpu.sem_alloc : memref<!tpu.dma_semaphore, #tpu.memory_space<semaphore_mem>>
        %dma_start3A_894 = arith.constant 0 : i32
        %dma_start3A_895 = arith.constant 0 : i32
        %dma_start3A_896 = tpu.memref_slice %arg9[%run_scoped3A_849, %dma_start3A_894, %dma_start3A_895] : memref<8x128x16xf32, #tpu.memory_space<vmem>> -> memref<1x128x16xf32, #tpu.memory_space<vmem>>
        %dma_start3A_897 = tpu.memref_squeeze %dma_start3A_896 : memref<1x128x16xf32, #tpu.memory_space<vmem>> -> memref<128x16xf32, #tpu.memory_space<vmem>>
        %dma_start3A_898 = arith.constant 0 : i32
        %dma_start3A_899 = tpu.memref_slice %arg8[%run_scoped3A_850, %dma_start3A_898] : memref<8x128xi32, #tpu.memory_space<vmem>> -> memref<1x128xi32, #tpu.memory_space<vmem>>
        %dma_start3A_900 = tpu.memref_squeeze %dma_start3A_899 : memref<1x128xi32, #tpu.memory_space<vmem>> -> memref<128xi32, #tpu.memory_space<vmem>>
        %dma_start3A_901 = arith.constant 0 : i32
        %dma_start3A_902 = arith.constant 0 : i32
        %dma_start3A_903 = tpu.memref_slice %arg6[%dma_start3A_901, %dma_start3A_902] : memref<100352x16xf32, #tpu.memory_space<vmem_shared>> -> memref<100352x16xf32, #tpu.memory_space<vmem_shared>>
        tpu.enqueue_indirect_dma source(%dma_start3A_897 : memref<128x16xf32, #tpu.memory_space<vmem>>) target(%dma_start3A_903 : memref<100352x16xf32, #tpu.memory_space<vmem_shared>>) offsets(%dma_start3A_900 : memref<128xi32, #tpu.memory_space<vmem>>) semaphore(%run_scoped3A_893 : memref<!tpu.dma_semaphore, #tpu.memory_space<semaphore_mem>>) {add = true}
        %dma_wait3A_904 = arith.constant 0 : i32
        %dma_wait3A_905 = arith.constant 0 : i32
        %dma_wait3A_906 = tpu.memref_slice %arg9[%run_scoped3A_849, %dma_wait3A_904, %dma_wait3A_905] : memref<8x128x16xf32, #tpu.memory_space<vmem>> -> memref<1x128x16xf32, #tpu.memory_space<vmem>>
        %dma_wait3A_907 = tpu.memref_squeeze %dma_wait3A_906 : memref<1x128x16xf32, #tpu.memory_space<vmem>> -> memref<128x16xf32, #tpu.memory_space<vmem>>
        %dma_wait3A_908 = arith.constant 0 : i32
        %dma_wait3A_909 = tpu.memref_slice %arg8[%run_scoped3A_850, %dma_wait3A_908] : memref<8x128xi32, #tpu.memory_space<vmem>> -> memref<1x128xi32, #tpu.memory_space<vmem>>
        %dma_wait3A_910 = tpu.memref_squeeze %dma_wait3A_909 : memref<1x128xi32, #tpu.memory_space<vmem>> -> memref<128xi32, #tpu.memory_space<vmem>>
        %dma_wait3A_911 = arith.constant 0 : i32
        %dma_wait3A_912 = arith.constant 0 : i32
        %dma_wait3A_913 = tpu.memref_slice %arg6[%dma_wait3A_911, %dma_wait3A_912] : memref<100352x16xf32, #tpu.memory_space<vmem_shared>> -> memref<100352x16xf32, #tpu.memory_space<vmem_shared>>
        tpu.wait_indirect_dma semaphore(%run_scoped3A_893 : memref<!tpu.dma_semaphore, #tpu.memory_space<semaphore_mem>>) src(%dma_wait3A_907 : memref<128x16xf32, #tpu.memory_space<vmem>>) dst(%dma_wait3A_913 : memref<100352x16xf32, #tpu.memory_space<vmem_shared>>)
        tpu.yield
      }) : () -> ()
      %dma_wait3A_851 = arith.constant 5 : i32
      %dma_wait3A_852 = arith.constant 5 : i32
      %dma_wait3A_853 = arith.constant 0 : i32
      %dma_wait3A_854 = arith.constant 0 : i32
      %dma_wait3A_855 = tpu.memref_slice %arg9[%dma_wait3A_852, %dma_wait3A_853, %dma_wait3A_854] : memref<8x128x16xf32, #tpu.memory_space<vmem>> -> memref<1x128x16xf32, #tpu.memory_space<vmem>>
      %dma_wait3A_856 = tpu.memref_squeeze %dma_wait3A_855 : memref<1x128x16xf32, #tpu.memory_space<vmem>> -> memref<128x16xf32, #tpu.memory_space<vmem>>
      %dma_wait3A_857 = arith.constant 0 : i32
      %dma_wait3A_858 = tpu.memref_slice %arg7[%dma_wait3A_851, %dma_wait3A_857] : memref<8x128xi32, #tpu.memory_space<vmem>> -> memref<1x128xi32, #tpu.memory_space<vmem>>
      %dma_wait3A_859 = tpu.memref_squeeze %dma_wait3A_858 : memref<1x128xi32, #tpu.memory_space<vmem>> -> memref<128xi32, #tpu.memory_space<vmem>>
      %dma_wait3A_860 = arith.constant 0 : i32
      %dma_wait3A_861 = arith.constant 0 : i32
      %dma_wait3A_862 = tpu.memref_slice %arg2[%dma_wait3A_860, %dma_wait3A_861] : memref<401408x16xf32, #tpu.memory_space<hbm>> -> memref<401408x16xf32, #tpu.memory_space<hbm>>
      tpu.wait_indirect_dma semaphore(%arg10 : memref<!tpu.dma_semaphore, #tpu.memory_space<semaphore_mem>>) src(%dma_wait3A_862 : memref<401408x16xf32, #tpu.memory_space<hbm>>) dst(%dma_wait3A_856 : memref<128x16xf32, #tpu.memory_space<vmem>>)
      %run_scoped3A_863 = arith.constant 5 : i32
      %run_scoped3A_864 = arith.constant 5 : i32
      "tpu.region"() ({
        %run_scoped3A_893 = tpu.sem_alloc : memref<!tpu.dma_semaphore, #tpu.memory_space<semaphore_mem>>
        %dma_start3A_894 = arith.constant 0 : i32
        %dma_start3A_895 = arith.constant 0 : i32
        %dma_start3A_896 = tpu.memref_slice %arg9[%run_scoped3A_863, %dma_start3A_894, %dma_start3A_895] : memref<8x128x16xf32, #tpu.memory_space<vmem>> -> memref<1x128x16xf32, #tpu.memory_space<vmem>>
        %dma_start3A_897 = tpu.memref_squeeze %dma_start3A_896 : memref<1x128x16xf32, #tpu.memory_space<vmem>> -> memref<128x16xf32, #tpu.memory_space<vmem>>
        %dma_start3A_898 = arith.constant 0 : i32
        %dma_start3A_899 = tpu.memref_slice %arg8[%run_scoped3A_864, %dma_start3A_898] : memref<8x128xi32, #tpu.memory_space<vmem>> -> memref<1x128xi32, #tpu.memory_space<vmem>>
        %dma_start3A_900 = tpu.memref_squeeze %dma_start3A_899 : memref<1x128xi32, #tpu.memory_space<vmem>> -> memref<128xi32, #tpu.memory_space<vmem>>
        %dma_start3A_901 = arith.constant 0 : i32
        %dma_start3A_902 = arith.constant 0 : i32
        %dma_start3A_903 = tpu.memref_slice %arg6[%dma_start3A_901, %dma_start3A_902] : memref<100352x16xf32, #tpu.memory_space<vmem_shared>> -> memref<100352x16xf32, #tpu.memory_space<vmem_shared>>
        tpu.enqueue_indirect_dma source(%dma_start3A_897 : memref<128x16xf32, #tpu.memory_space<vmem>>) target(%dma_start3A_903 : memref<100352x16xf32, #tpu.memory_space<vmem_shared>>) offsets(%dma_start3A_900 : memref<128xi32, #tpu.memory_space<vmem>>) semaphore(%run_scoped3A_893 : memref<!tpu.dma_semaphore, #tpu.memory_space<semaphore_mem>>) {add = true}
        %dma_wait3A_904 = arith.constant 0 : i32
        %dma_wait3A_905 = arith.constant 0 : i32
        %dma_wait3A_906 = tpu.memref_slice %arg9[%run_scoped3A_863, %dma_wait3A_904, %dma_wait3A_905] : memref<8x128x16xf32, #tpu.memory_space<vmem>> -> memref<1x128x16xf32, #tpu.memory_space<vmem>>
        %dma_wait3A_907 = tpu.memref_squeeze %dma_wait3A_906 : memref<1x128x16xf32, #tpu.memory_space<vmem>> -> memref<128x16xf32, #tpu.memory_space<vmem>>
        %dma_wait3A_908 = arith.constant 0 : i32
        %dma_wait3A_909 = tpu.memref_slice %arg8[%run_scoped3A_864, %dma_wait3A_908] : memref<8x128xi32, #tpu.memory_space<vmem>> -> memref<1x128xi32, #tpu.memory_space<vmem>>
        %dma_wait3A_910 = tpu.memref_squeeze %dma_wait3A_909 : memref<1x128xi32, #tpu.memory_space<vmem>> -> memref<128xi32, #tpu.memory_space<vmem>>
        %dma_wait3A_911 = arith.constant 0 : i32
        %dma_wait3A_912 = arith.constant 0 : i32
        %dma_wait3A_913 = tpu.memref_slice %arg6[%dma_wait3A_911, %dma_wait3A_912] : memref<100352x16xf32, #tpu.memory_space<vmem_shared>> -> memref<100352x16xf32, #tpu.memory_space<vmem_shared>>
        tpu.wait_indirect_dma semaphore(%run_scoped3A_893 : memref<!tpu.dma_semaphore, #tpu.memory_space<semaphore_mem>>) src(%dma_wait3A_907 : memref<128x16xf32, #tpu.memory_space<vmem>>) dst(%dma_wait3A_913 : memref<100352x16xf32, #tpu.memory_space<vmem_shared>>)
        tpu.yield
      }) : () -> ()
      %dma_wait3A_865 = arith.constant 6 : i32
      %dma_wait3A_866 = arith.constant 6 : i32
      %dma_wait3A_867 = arith.constant 0 : i32
      %dma_wait3A_868 = arith.constant 0 : i32
      %dma_wait3A_869 = tpu.memref_slice %arg9[%dma_wait3A_866, %dma_wait3A_867, %dma_wait3A_868] : memref<8x128x16xf32, #tpu.memory_space<vmem>> -> memref<1x128x16xf32, #tpu.memory_space<vmem>>
      %dma_wait3A_870 = tpu.memref_squeeze %dma_wait3A_869 : memref<1x128x16xf32, #tpu.memory_space<vmem>> -> memref<128x16xf32, #tpu.memory_space<vmem>>
      %dma_wait3A_871 = arith.constant 0 : i32
      %dma_wait3A_872 = tpu.memref_slice %arg7[%dma_wait3A_865, %dma_wait3A_871] : memref<8x128xi32, #tpu.memory_space<vmem>> -> memref<1x128xi32, #tpu.memory_space<vmem>>
      %dma_wait3A_873 = tpu.memref_squeeze %dma_wait3A_872 : memref<1x128xi32, #tpu.memory_space<vmem>> -> memref<128xi32, #tpu.memory_space<vmem>>
      %dma_wait3A_874 = arith.constant 0 : i32
      %dma_wait3A_875 = arith.constant 0 : i32
      %dma_wait3A_876 = tpu.memref_slice %arg2[%dma_wait3A_874, %dma_wait3A_875] : memref<401408x16xf32, #tpu.memory_space<hbm>> -> memref<401408x16xf32, #tpu.memory_space<hbm>>
      tpu.wait_indirect_dma semaphore(%arg10 : memref<!tpu.dma_semaphore, #tpu.memory_space<semaphore_mem>>) src(%dma_wait3A_876 : memref<401408x16xf32, #tpu.memory_space<hbm>>) dst(%dma_wait3A_870 : memref<128x16xf32, #tpu.memory_space<vmem>>)
      %run_scoped3A_877 = arith.constant 6 : i32
      %run_scoped3A_878 = arith.constant 6 : i32
      "tpu.region"() ({
        %run_scoped3A_893 = tpu.sem_alloc : memref<!tpu.dma_semaphore, #tpu.memory_space<semaphore_mem>>
        %dma_start3A_894 = arith.constant 0 : i32
        %dma_start3A_895 = arith.constant 0 : i32
        %dma_start3A_896 = tpu.memref_slice %arg9[%run_scoped3A_877, %dma_start3A_894, %dma_start3A_895] : memref<8x128x16xf32, #tpu.memory_space<vmem>> -> memref<1x128x16xf32, #tpu.memory_space<vmem>>
        %dma_start3A_897 = tpu.memref_squeeze %dma_start3A_896 : memref<1x128x16xf32, #tpu.memory_space<vmem>> -> memref<128x16xf32, #tpu.memory_space<vmem>>
        %dma_start3A_898 = arith.constant 0 : i32
        %dma_start3A_899 = tpu.memref_slice %arg8[%run_scoped3A_878, %dma_start3A_898] : memref<8x128xi32, #tpu.memory_space<vmem>> -> memref<1x128xi32, #tpu.memory_space<vmem>>
        %dma_start3A_900 = tpu.memref_squeeze %dma_start3A_899 : memref<1x128xi32, #tpu.memory_space<vmem>> -> memref<128xi32, #tpu.memory_space<vmem>>
        %dma_start3A_901 = arith.constant 0 : i32
        %dma_start3A_902 = arith.constant 0 : i32
        %dma_start3A_903 = tpu.memref_slice %arg6[%dma_start3A_901, %dma_start3A_902] : memref<100352x16xf32, #tpu.memory_space<vmem_shared>> -> memref<100352x16xf32, #tpu.memory_space<vmem_shared>>
        tpu.enqueue_indirect_dma source(%dma_start3A_897 : memref<128x16xf32, #tpu.memory_space<vmem>>) target(%dma_start3A_903 : memref<100352x16xf32, #tpu.memory_space<vmem_shared>>) offsets(%dma_start3A_900 : memref<128xi32, #tpu.memory_space<vmem>>) semaphore(%run_scoped3A_893 : memref<!tpu.dma_semaphore, #tpu.memory_space<semaphore_mem>>) {add = true}
        %dma_wait3A_904 = arith.constant 0 : i32
        %dma_wait3A_905 = arith.constant 0 : i32
        %dma_wait3A_906 = tpu.memref_slice %arg9[%run_scoped3A_877, %dma_wait3A_904, %dma_wait3A_905] : memref<8x128x16xf32, #tpu.memory_space<vmem>> -> memref<1x128x16xf32, #tpu.memory_space<vmem>>
        %dma_wait3A_907 = tpu.memref_squeeze %dma_wait3A_906 : memref<1x128x16xf32, #tpu.memory_space<vmem>> -> memref<128x16xf32, #tpu.memory_space<vmem>>
        %dma_wait3A_908 = arith.constant 0 : i32
        %dma_wait3A_909 = tpu.memref_slice %arg8[%run_scoped3A_878, %dma_wait3A_908] : memref<8x128xi32, #tpu.memory_space<vmem>> -> memref<1x128xi32, #tpu.memory_space<vmem>>
        %dma_wait3A_910 = tpu.memref_squeeze %dma_wait3A_909 : memref<1x128xi32, #tpu.memory_space<vmem>> -> memref<128xi32, #tpu.memory_space<vmem>>
        %dma_wait3A_911 = arith.constant 0 : i32
        %dma_wait3A_912 = arith.constant 0 : i32
        %dma_wait3A_913 = tpu.memref_slice %arg6[%dma_wait3A_911, %dma_wait3A_912] : memref<100352x16xf32, #tpu.memory_space<vmem_shared>> -> memref<100352x16xf32, #tpu.memory_space<vmem_shared>>
        tpu.wait_indirect_dma semaphore(%run_scoped3A_893 : memref<!tpu.dma_semaphore, #tpu.memory_space<semaphore_mem>>) src(%dma_wait3A_907 : memref<128x16xf32, #tpu.memory_space<vmem>>) dst(%dma_wait3A_913 : memref<100352x16xf32, #tpu.memory_space<vmem_shared>>)
        tpu.yield
      }) : () -> ()
      %dma_wait3A_879 = arith.constant 7 : i32
      %dma_wait3A_880 = arith.constant 7 : i32
      %dma_wait3A_881 = arith.constant 0 : i32
      %dma_wait3A_882 = arith.constant 0 : i32
      %dma_wait3A_883 = tpu.memref_slice %arg9[%dma_wait3A_880, %dma_wait3A_881, %dma_wait3A_882] : memref<8x128x16xf32, #tpu.memory_space<vmem>> -> memref<1x128x16xf32, #tpu.memory_space<vmem>>
      %dma_wait3A_884 = tpu.memref_squeeze %dma_wait3A_883 : memref<1x128x16xf32, #tpu.memory_space<vmem>> -> memref<128x16xf32, #tpu.memory_space<vmem>>
      %dma_wait3A_885 = arith.constant 0 : i32
      %dma_wait3A_886 = tpu.memref_slice %arg7[%dma_wait3A_879, %dma_wait3A_885] : memref<8x128xi32, #tpu.memory_space<vmem>> -> memref<1x128xi32, #tpu.memory_space<vmem>>
      %dma_wait3A_887 = tpu.memref_squeeze %dma_wait3A_886 : memref<1x128xi32, #tpu.memory_space<vmem>> -> memref<128xi32, #tpu.memory_space<vmem>>
      %dma_wait3A_888 = arith.constant 0 : i32
      %dma_wait3A_889 = arith.constant 0 : i32
      %dma_wait3A_890 = tpu.memref_slice %arg2[%dma_wait3A_888, %dma_wait3A_889] : memref<401408x16xf32, #tpu.memory_space<hbm>> -> memref<401408x16xf32, #tpu.memory_space<hbm>>
      tpu.wait_indirect_dma semaphore(%arg10 : memref<!tpu.dma_semaphore, #tpu.memory_space<semaphore_mem>>) src(%dma_wait3A_890 : memref<401408x16xf32, #tpu.memory_space<hbm>>) dst(%dma_wait3A_884 : memref<128x16xf32, #tpu.memory_space<vmem>>)
      %run_scoped3A_891 = arith.constant 7 : i32
      %run_scoped3A_892 = arith.constant 7 : i32
      "tpu.region"() ({
        %run_scoped3A_893 = tpu.sem_alloc : memref<!tpu.dma_semaphore, #tpu.memory_space<semaphore_mem>>
        %dma_start3A_894 = arith.constant 0 : i32
        %dma_start3A_895 = arith.constant 0 : i32
        %dma_start3A_896 = tpu.memref_slice %arg9[%run_scoped3A_891, %dma_start3A_894, %dma_start3A_895] : memref<8x128x16xf32, #tpu.memory_space<vmem>> -> memref<1x128x16xf32, #tpu.memory_space<vmem>>
        %dma_start3A_897 = tpu.memref_squeeze %dma_start3A_896 : memref<1x128x16xf32, #tpu.memory_space<vmem>> -> memref<128x16xf32, #tpu.memory_space<vmem>>
        %dma_start3A_898 = arith.constant 0 : i32
        %dma_start3A_899 = tpu.memref_slice %arg8[%run_scoped3A_892, %dma_start3A_898] : memref<8x128xi32, #tpu.memory_space<vmem>> -> memref<1x128xi32, #tpu.memory_space<vmem>>
        %dma_start3A_900 = tpu.memref_squeeze %dma_start3A_899 : memref<1x128xi32, #tpu.memory_space<vmem>> -> memref<128xi32, #tpu.memory_space<vmem>>
        %dma_start3A_901 = arith.constant 0 : i32
        %dma_start3A_902 = arith.constant 0 : i32
        %dma_start3A_903 = tpu.memref_slice %arg6[%dma_start3A_901, %dma_start3A_902] : memref<100352x16xf32, #tpu.memory_space<vmem_shared>> -> memref<100352x16xf32, #tpu.memory_space<vmem_shared>>
        tpu.enqueue_indirect_dma source(%dma_start3A_897 : memref<128x16xf32, #tpu.memory_space<vmem>>) target(%dma_start3A_903 : memref<100352x16xf32, #tpu.memory_space<vmem_shared>>) offsets(%dma_start3A_900 : memref<128xi32, #tpu.memory_space<vmem>>) semaphore(%run_scoped3A_893 : memref<!tpu.dma_semaphore, #tpu.memory_space<semaphore_mem>>) {add = true}
        %dma_wait3A_904 = arith.constant 0 : i32
        %dma_wait3A_905 = arith.constant 0 : i32
        %dma_wait3A_906 = tpu.memref_slice %arg9[%run_scoped3A_891, %dma_wait3A_904, %dma_wait3A_905] : memref<8x128x16xf32, #tpu.memory_space<vmem>> -> memref<1x128x16xf32, #tpu.memory_space<vmem>>
        %dma_wait3A_907 = tpu.memref_squeeze %dma_wait3A_906 : memref<1x128x16xf32, #tpu.memory_space<vmem>> -> memref<128x16xf32, #tpu.memory_space<vmem>>
        %dma_wait3A_908 = arith.constant 0 : i32
        %dma_wait3A_909 = tpu.memref_slice %arg8[%run_scoped3A_892, %dma_wait3A_908] : memref<8x128xi32, #tpu.memory_space<vmem>> -> memref<1x128xi32, #tpu.memory_space<vmem>>
        %dma_wait3A_910 = tpu.memref_squeeze %dma_wait3A_909 : memref<1x128xi32, #tpu.memory_space<vmem>> -> memref<128xi32, #tpu.memory_space<vmem>>
        %dma_wait3A_911 = arith.constant 0 : i32
        %dma_wait3A_912 = arith.constant 0 : i32
        %dma_wait3A_913 = tpu.memref_slice %arg6[%dma_wait3A_911, %dma_wait3A_912] : memref<100352x16xf32, #tpu.memory_space<vmem_shared>> -> memref<100352x16xf32, #tpu.memory_space<vmem_shared>>
        tpu.wait_indirect_dma semaphore(%run_scoped3A_893 : memref<!tpu.dma_semaphore, #tpu.memory_space<semaphore_mem>>) src(%dma_wait3A_907 : memref<128x16xf32, #tpu.memory_space<vmem>>) dst(%dma_wait3A_913 : memref<100352x16xf32, #tpu.memory_space<vmem_shared>>)
        tpu.yield
      }) : () -> ()
    }
    %scan3A_36 = arith.constant 98 : i32
    %barrier3A_37 = arith.constant 0 : index
    tpu.barrier barrier_id(%barrier3A_37)
    %mul3A_38 = arith.constant 6272 : i32
    %mul3A_39 = arith.muli %arg1, %mul3A_38 : i32
    %mul3A_40 = arith.constant 6272 : i32
    %mul3A_41 = arith.muli %arg1, %mul3A_40 : i32
    %add3A_42 = arith.addi %mul3A_25, %mul3A_41 : i32
    "tpu.region"() ({
      %run_scoped3A = tpu.sem_alloc : memref<!tpu.dma_semaphore, #tpu.memory_space<semaphore_mem>>
      %dma_start3A = arith.constant 0 : i32
      %dma_start3A_44 = tpu.memref_slice %arg5[%add3A_42, %dma_start3A] : memref<401408x16xf32, #tpu.memory_space<hbm>> -> memref<6272x16xf32, #tpu.memory_space<hbm>>
      %dma_start3A_45 = arith.constant 0 : i32
      %dma_start3A_46 = tpu.memref_slice %arg6[%mul3A_39, %dma_start3A_45] : memref<100352x16xf32, #tpu.memory_space<vmem_shared>> -> memref<6272x16xf32, #tpu.memory_space<vmem_shared>>
      tpu.enqueue_dma source(%dma_start3A_46 : memref<6272x16xf32, #tpu.memory_space<vmem_shared>>) target(%dma_start3A_44 : memref<6272x16xf32, #tpu.memory_space<hbm>>) target_semaphore(%run_scoped3A : memref<!tpu.dma_semaphore, #tpu.memory_space<semaphore_mem>>)
      %dma_wait3A = arith.constant 0 : i32
      %dma_wait3A_47 = tpu.memref_slice %arg5[%add3A_42, %dma_wait3A] : memref<401408x16xf32, #tpu.memory_space<hbm>> -> memref<6272x16xf32, #tpu.memory_space<hbm>>
      %dma_wait3A_48 = arith.constant 0 : i32
      %dma_wait3A_49 = tpu.memref_slice %arg6[%mul3A_39, %dma_wait3A_48] : memref<100352x16xf32, #tpu.memory_space<vmem_shared>> -> memref<6272x16xf32, #tpu.memory_space<vmem_shared>>
      tpu.wait_dma2 semaphore(%run_scoped3A : memref<!tpu.dma_semaphore, #tpu.memory_space<semaphore_mem>>) src(%dma_wait3A_49 : memref<6272x16xf32, #tpu.memory_space<vmem_shared>>) dst(%dma_wait3A_47 : memref<6272x16xf32, #tpu.memory_space<hbm>>)
      tpu.yield
    }) : () -> ()
    %barrier3A_43 = arith.constant 0 : index
    tpu.barrier barrier_id(%barrier3A_43)
    return
  }
}

module attributes {stable_mosaic.version = 14 : i64} {
  func.func @_scale_body(%arg0: i32, %arg1: memref<6272x64xf32, #tpu.memory_space<vmem>>, %arg2: memref<784x128xf32, #tpu.memory_space<vmem>>, %arg3: memref<4x784x128xf32, #tpu.memory_space<vmem>>) attributes {dimension_semantics = [#tpu.dimension_semantics<arbitrary>], iteration_bounds = array<i64: 16>, scalar_prefetch = 0 : i64, scratch_operands = 0 : i64, tpu.core_type = #tpu.core_type<tc>, window_params = [{transform_indices = @transform_0, window_bounds = array<i64: 6272, 64>}, {transform_indices = @transform_1, window_bounds = array<i64: 784, 128>}, {transform_indices = @transform_2, window_bounds = array<i64: 4, 784, 128>}]} {
    %get3A = arith.constant 0 : index
    %get3A_0 = arith.constant 0 : index
    %get3A_1 = vector.load %arg2[%get3A, %get3A_0] : memref<784x128xf32, #tpu.memory_space<vmem>>, vector<784x128xf32>
    %slice3A = vector.extract_strided_slice %get3A_1 {offsets = [0, 0], sizes = [784, 16], strides = [1, 1]} : vector<784x128xf32> to vector<784x16xf32>
    %slice3A_2 = vector.extract_strided_slice %get3A_1 {offsets = [0, 16], sizes = [784, 16], strides = [1, 1]} : vector<784x128xf32> to vector<784x16xf32>
    %slice3A_3 = vector.extract_strided_slice %get3A_1 {offsets = [0, 32], sizes = [784, 16], strides = [1, 1]} : vector<784x128xf32> to vector<784x16xf32>
    %slice3A_4 = vector.extract_strided_slice %get3A_1 {offsets = [0, 48], sizes = [784, 16], strides = [1, 1]} : vector<784x128xf32> to vector<784x16xf32>
    %slice3A_5 = vector.extract_strided_slice %get3A_1 {offsets = [0, 64], sizes = [784, 16], strides = [1, 1]} : vector<784x128xf32> to vector<784x16xf32>
    %slice3A_6 = vector.extract_strided_slice %get3A_1 {offsets = [0, 80], sizes = [784, 16], strides = [1, 1]} : vector<784x128xf32> to vector<784x16xf32>
    %slice3A_7 = vector.extract_strided_slice %get3A_1 {offsets = [0, 96], sizes = [784, 16], strides = [1, 1]} : vector<784x128xf32> to vector<784x16xf32>
    %slice3A_8 = vector.extract_strided_slice %get3A_1 {offsets = [0, 112], sizes = [784, 16], strides = [1, 1]} : vector<784x128xf32> to vector<784x16xf32>
    %concatenate3A = tpu.concatenate %slice3A, %slice3A_2, %slice3A_3, %slice3A_4, %slice3A_5, %slice3A_6, %slice3A_7, %slice3A_8 in 0 : vector<784x16xf32>, vector<784x16xf32>, vector<784x16xf32>, vector<784x16xf32>, vector<784x16xf32>, vector<784x16xf32>, vector<784x16xf32>, vector<784x16xf32> -> vector<6272x16xf32>
    %slice3A_9 = vector.extract_strided_slice %concatenate3A {offsets = [0, 0], sizes = [6272, 1], strides = [1, 1]} : vector<6272x16xf32> to vector<6272x1xf32>
    %get3A_10 = arith.constant 0 : index
    %get3A_11 = arith.constant 0 : index
    %get3A_12 = vector.load %arg1[%get3A_10, %get3A_11] : memref<6272x64xf32, #tpu.memory_space<vmem>>, vector<6272x64xf32>
    %mul3A = vector.broadcast %slice3A_9 : vector<6272x1xf32> to vector<6272x64xf32>
    %mul3A_13 = arith.mulf %get3A_12, %mul3A : vector<6272x64xf32>
    %slice3A_14 = vector.extract_strided_slice %mul3A_13 {offsets = [0, 0], sizes = [6272, 16], strides = [1, 1]} : vector<6272x64xf32> to vector<6272x16xf32>
    %slice3A_15 = vector.extract_strided_slice %slice3A_14 {offsets = [0, 0], sizes = [784, 16], strides = [1, 1]} : vector<6272x16xf32> to vector<784x16xf32>
    %slice3A_16 = vector.extract_strided_slice %slice3A_14 {offsets = [784, 0], sizes = [784, 16], strides = [1, 1]} : vector<6272x16xf32> to vector<784x16xf32>
    %slice3A_17 = vector.extract_strided_slice %slice3A_14 {offsets = [1568, 0], sizes = [784, 16], strides = [1, 1]} : vector<6272x16xf32> to vector<784x16xf32>
    %slice3A_18 = vector.extract_strided_slice %slice3A_14 {offsets = [2352, 0], sizes = [784, 16], strides = [1, 1]} : vector<6272x16xf32> to vector<784x16xf32>
    %slice3A_19 = vector.extract_strided_slice %slice3A_14 {offsets = [3136, 0], sizes = [784, 16], strides = [1, 1]} : vector<6272x16xf32> to vector<784x16xf32>
    %slice3A_20 = vector.extract_strided_slice %slice3A_14 {offsets = [3920, 0], sizes = [784, 16], strides = [1, 1]} : vector<6272x16xf32> to vector<784x16xf32>
    %slice3A_21 = vector.extract_strided_slice %slice3A_14 {offsets = [4704, 0], sizes = [784, 16], strides = [1, 1]} : vector<6272x16xf32> to vector<784x16xf32>
    %slice3A_22 = vector.extract_strided_slice %slice3A_14 {offsets = [5488, 0], sizes = [784, 16], strides = [1, 1]} : vector<6272x16xf32> to vector<784x16xf32>
    %concatenate3A_23 = tpu.concatenate %slice3A_15, %slice3A_16, %slice3A_17, %slice3A_18, %slice3A_19, %slice3A_20, %slice3A_21, %slice3A_22 in 1 : vector<784x16xf32>, vector<784x16xf32>, vector<784x16xf32>, vector<784x16xf32>, vector<784x16xf32>, vector<784x16xf32>, vector<784x16xf32>, vector<784x16xf32> -> vector<784x128xf32>
    %swap3A = arith.constant 0 : index
    %swap3A_24 = arith.constant 0 : index
    %swap3A_25 = arith.constant 0 : index
    %swap3A_26 = vector.load %arg3[%swap3A, %swap3A_24, %swap3A_25] : memref<4x784x128xf32, #tpu.memory_space<vmem>>, vector<1x784x128xf32>
    %swap3A_27 = vector.shape_cast %swap3A_26 : vector<1x784x128xf32> to vector<784x128xf32>
    %swap3A_28 = vector.shape_cast %concatenate3A_23 : vector<784x128xf32> to vector<1x784x128xf32>
    tpu.vector_store %arg3[%swap3A, %swap3A_24, %swap3A_25], %swap3A_28 {strides = array<i32>} : memref<4x784x128xf32, #tpu.memory_space<vmem>>, vector<1x784x128xf32>,
    %slice3A_29 = vector.extract_strided_slice %mul3A_13 {offsets = [0, 16], sizes = [6272, 16], strides = [1, 1]} : vector<6272x64xf32> to vector<6272x16xf32>
    %slice3A_30 = vector.extract_strided_slice %slice3A_29 {offsets = [0, 0], sizes = [784, 16], strides = [1, 1]} : vector<6272x16xf32> to vector<784x16xf32>
    %slice3A_31 = vector.extract_strided_slice %slice3A_29 {offsets = [784, 0], sizes = [784, 16], strides = [1, 1]} : vector<6272x16xf32> to vector<784x16xf32>
    %slice3A_32 = vector.extract_strided_slice %slice3A_29 {offsets = [1568, 0], sizes = [784, 16], strides = [1, 1]} : vector<6272x16xf32> to vector<784x16xf32>
    %slice3A_33 = vector.extract_strided_slice %slice3A_29 {offsets = [2352, 0], sizes = [784, 16], strides = [1, 1]} : vector<6272x16xf32> to vector<784x16xf32>
    %slice3A_34 = vector.extract_strided_slice %slice3A_29 {offsets = [3136, 0], sizes = [784, 16], strides = [1, 1]} : vector<6272x16xf32> to vector<784x16xf32>
    %slice3A_35 = vector.extract_strided_slice %slice3A_29 {offsets = [3920, 0], sizes = [784, 16], strides = [1, 1]} : vector<6272x16xf32> to vector<784x16xf32>
    %slice3A_36 = vector.extract_strided_slice %slice3A_29 {offsets = [4704, 0], sizes = [784, 16], strides = [1, 1]} : vector<6272x16xf32> to vector<784x16xf32>
    %slice3A_37 = vector.extract_strided_slice %slice3A_29 {offsets = [5488, 0], sizes = [784, 16], strides = [1, 1]} : vector<6272x16xf32> to vector<784x16xf32>
    %concatenate3A_38 = tpu.concatenate %slice3A_30, %slice3A_31, %slice3A_32, %slice3A_33, %slice3A_34, %slice3A_35, %slice3A_36, %slice3A_37 in 1 : vector<784x16xf32>, vector<784x16xf32>, vector<784x16xf32>, vector<784x16xf32>, vector<784x16xf32>, vector<784x16xf32>, vector<784x16xf32>, vector<784x16xf32> -> vector<784x128xf32>
    %swap3A_39 = arith.constant 1 : index
    %swap3A_40 = arith.constant 0 : index
    %swap3A_41 = arith.constant 0 : index
    %swap3A_42 = vector.load %arg3[%swap3A_39, %swap3A_40, %swap3A_41] : memref<4x784x128xf32, #tpu.memory_space<vmem>>, vector<1x784x128xf32>
    %swap3A_43 = vector.shape_cast %swap3A_42 : vector<1x784x128xf32> to vector<784x128xf32>
    %swap3A_44 = vector.shape_cast %concatenate3A_38 : vector<784x128xf32> to vector<1x784x128xf32>
    tpu.vector_store %arg3[%swap3A_39, %swap3A_40, %swap3A_41], %swap3A_44 {strides = array<i32>} : memref<4x784x128xf32, #tpu.memory_space<vmem>>, vector<1x784x128xf32>,
    %slice3A_45 = vector.extract_strided_slice %mul3A_13 {offsets = [0, 32], sizes = [6272, 16], strides = [1, 1]} : vector<6272x64xf32> to vector<6272x16xf32>
    %slice3A_46 = vector.extract_strided_slice %slice3A_45 {offsets = [0, 0], sizes = [784, 16], strides = [1, 1]} : vector<6272x16xf32> to vector<784x16xf32>
    %slice3A_47 = vector.extract_strided_slice %slice3A_45 {offsets = [784, 0], sizes = [784, 16], strides = [1, 1]} : vector<6272x16xf32> to vector<784x16xf32>
    %slice3A_48 = vector.extract_strided_slice %slice3A_45 {offsets = [1568, 0], sizes = [784, 16], strides = [1, 1]} : vector<6272x16xf32> to vector<784x16xf32>
    %slice3A_49 = vector.extract_strided_slice %slice3A_45 {offsets = [2352, 0], sizes = [784, 16], strides = [1, 1]} : vector<6272x16xf32> to vector<784x16xf32>
    %slice3A_50 = vector.extract_strided_slice %slice3A_45 {offsets = [3136, 0], sizes = [784, 16], strides = [1, 1]} : vector<6272x16xf32> to vector<784x16xf32>
    %slice3A_51 = vector.extract_strided_slice %slice3A_45 {offsets = [3920, 0], sizes = [784, 16], strides = [1, 1]} : vector<6272x16xf32> to vector<784x16xf32>
    %slice3A_52 = vector.extract_strided_slice %slice3A_45 {offsets = [4704, 0], sizes = [784, 16], strides = [1, 1]} : vector<6272x16xf32> to vector<784x16xf32>
    %slice3A_53 = vector.extract_strided_slice %slice3A_45 {offsets = [5488, 0], sizes = [784, 16], strides = [1, 1]} : vector<6272x16xf32> to vector<784x16xf32>
    %concatenate3A_54 = tpu.concatenate %slice3A_46, %slice3A_47, %slice3A_48, %slice3A_49, %slice3A_50, %slice3A_51, %slice3A_52, %slice3A_53 in 1 : vector<784x16xf32>, vector<784x16xf32>, vector<784x16xf32>, vector<784x16xf32>, vector<784x16xf32>, vector<784x16xf32>, vector<784x16xf32>, vector<784x16xf32> -> vector<784x128xf32>
    %swap3A_55 = arith.constant 2 : index
    %swap3A_56 = arith.constant 0 : index
    %swap3A_57 = arith.constant 0 : index
    %swap3A_58 = vector.load %arg3[%swap3A_55, %swap3A_56, %swap3A_57] : memref<4x784x128xf32, #tpu.memory_space<vmem>>, vector<1x784x128xf32>
    %swap3A_59 = vector.shape_cast %swap3A_58 : vector<1x784x128xf32> to vector<784x128xf32>
    %swap3A_60 = vector.shape_cast %concatenate3A_54 : vector<784x128xf32> to vector<1x784x128xf32>
    tpu.vector_store %arg3[%swap3A_55, %swap3A_56, %swap3A_57], %swap3A_60 {strides = array<i32>} : memref<4x784x128xf32, #tpu.memory_space<vmem>>, vector<1x784x128xf32>,
    %slice3A_61 = vector.extract_strided_slice %mul3A_13 {offsets = [0, 48], sizes = [6272, 16], strides = [1, 1]} : vector<6272x64xf32> to vector<6272x16xf32>
    %slice3A_62 = vector.extract_strided_slice %slice3A_61 {offsets = [0, 0], sizes = [784, 16], strides = [1, 1]} : vector<6272x16xf32> to vector<784x16xf32>
    %slice3A_63 = vector.extract_strided_slice %slice3A_61 {offsets = [784, 0], sizes = [784, 16], strides = [1, 1]} : vector<6272x16xf32> to vector<784x16xf32>
    %slice3A_64 = vector.extract_strided_slice %slice3A_61 {offsets = [1568, 0], sizes = [784, 16], strides = [1, 1]} : vector<6272x16xf32> to vector<784x16xf32>
    %slice3A_65 = vector.extract_strided_slice %slice3A_61 {offsets = [2352, 0], sizes = [784, 16], strides = [1, 1]} : vector<6272x16xf32> to vector<784x16xf32>
    %slice3A_66 = vector.extract_strided_slice %slice3A_61 {offsets = [3136, 0], sizes = [784, 16], strides = [1, 1]} : vector<6272x16xf32> to vector<784x16xf32>
    %slice3A_67 = vector.extract_strided_slice %slice3A_61 {offsets = [3920, 0], sizes = [784, 16], strides = [1, 1]} : vector<6272x16xf32> to vector<784x16xf32>
    %slice3A_68 = vector.extract_strided_slice %slice3A_61 {offsets = [4704, 0], sizes = [784, 16], strides = [1, 1]} : vector<6272x16xf32> to vector<784x16xf32>
    %slice3A_69 = vector.extract_strided_slice %slice3A_61 {offsets = [5488, 0], sizes = [784, 16], strides = [1, 1]} : vector<6272x16xf32> to vector<784x16xf32>
    %concatenate3A_70 = tpu.concatenate %slice3A_62, %slice3A_63, %slice3A_64, %slice3A_65, %slice3A_66, %slice3A_67, %slice3A_68, %slice3A_69 in 1 : vector<784x16xf32>, vector<784x16xf32>, vector<784x16xf32>, vector<784x16xf32>, vector<784x16xf32>, vector<784x16xf32>, vector<784x16xf32>, vector<784x16xf32> -> vector<784x128xf32>
    %swap3A_71 = arith.constant 3 : index
    %swap3A_72 = arith.constant 0 : index
    %swap3A_73 = arith.constant 0 : index
    %swap3A_74 = vector.load %arg3[%swap3A_71, %swap3A_72, %swap3A_73] : memref<4x784x128xf32, #tpu.memory_space<vmem>>, vector<1x784x128xf32>
    %swap3A_75 = vector.shape_cast %swap3A_74 : vector<1x784x128xf32> to vector<784x128xf32>
    %swap3A_76 = vector.shape_cast %concatenate3A_70 : vector<784x128xf32> to vector<1x784x128xf32>
    tpu.vector_store %arg3[%swap3A_71, %swap3A_72, %swap3A_73], %swap3A_76 {strides = array<i32>} : memref<4x784x128xf32, #tpu.memory_space<vmem>>, vector<1x784x128xf32>,
    return
  }
  func.func @transform_0(%arg0: i32) -> (i32, i32) {
    %c0_i32 = arith.constant 0 : i32
    %c0_i32_0 = arith.constant 0 : i32
    return %arg0, %c0_i32 : i32, i32
  }
  func.func @transform_1(%arg0: i32) -> (i32, i32) {
    %c0_i32 = arith.constant 0 : i32
    %c0_i32_0 = arith.constant 0 : i32
    return %arg0, %c0_i32 : i32, i32
  }
  func.func @transform_2(%arg0: i32) -> (i32, i32, i32) {
    %c0_i32 = arith.constant 0 : i32
    %c0_i32_0 = arith.constant 0 : i32
    %c0_i32_1 = arith.constant 0 : i32
    return %c0_i32, %arg0, %c0_i32_0 : i32, i32, i32
  }
}

module attributes {stable_mosaic.version = 14 : i64} {
  func.func @_head_body(%arg0: i32, %arg1: memref<4x784x128xf32, #tpu.memory_space<vmem>>, %arg2: memref<784x128xf32, #tpu.memory_space<vmem>>, %arg3: memref<4x16x128xf32, #tpu.memory_space<vmem>>, %arg4: memref<1x128xf32, #tpu.memory_space<vmem>>, %arg5: memref<128x128xf32, #tpu.memory_space<vmem>>, %arg6: memref<1x128xf32, #tpu.memory_space<vmem>>, %arg7: memref<1x128xf32, #tpu.memory_space<vmem>>, %arg8: memref<8x128xf32, #tpu.memory_space<vmem>>) attributes {dimension_semantics = [#tpu.dimension_semantics<arbitrary>], iteration_bounds = array<i64: 16>, scalar_prefetch = 0 : i64, scratch_operands = 1 : i64, tpu.core_type = #tpu.core_type<tc>, window_params = [{transform_indices = @transform_0, window_bounds = array<i64: 4, 784, 128>}, {transform_indices = @transform_1, window_bounds = array<i64: 784, 128>}, {pipeline_mode = #tpu.pipeline_mode<synchronous>, transform_indices = @transform_2, window_bounds = array<i64: 4, 16, 128>}, {pipeline_mode = #tpu.pipeline_mode<synchronous>, transform_indices = @transform_3, window_bounds = array<i64: 1, 128>}, {pipeline_mode = #tpu.pipeline_mode<synchronous>, transform_indices = @transform_4, window_bounds = array<i64: 128, 128>}, {pipeline_mode = #tpu.pipeline_mode<synchronous>, transform_indices = @transform_5, window_bounds = array<i64: 1, 128>}, {pipeline_mode = #tpu.pipeline_mode<synchronous>, transform_indices = @transform_6, window_bounds = array<i64: 1, 128>}]} {
    %get3A = arith.constant 0 : index
    %get3A_0 = arith.constant 0 : index
    %get3A_1 = arith.constant 0 : index
    %get3A_2 = vector.load %arg1[%get3A, %get3A_0, %get3A_1] : memref<4x784x128xf32, #tpu.memory_space<vmem>>, vector<1x784x128xf32>
    %get3A_3 = vector.shape_cast %get3A_2 : vector<1x784x128xf32> to vector<784x128xf32>
    %slice3A = vector.extract_strided_slice %get3A_3 {offsets = [0, 0], sizes = [784, 16], strides = [1, 1]} : vector<784x128xf32> to vector<784x16xf32>
    %slice3A_4 = vector.extract_strided_slice %get3A_3 {offsets = [0, 16], sizes = [784, 16], strides = [1, 1]} : vector<784x128xf32> to vector<784x16xf32>
    %slice3A_5 = vector.extract_strided_slice %get3A_3 {offsets = [0, 32], sizes = [784, 16], strides = [1, 1]} : vector<784x128xf32> to vector<784x16xf32>
    %slice3A_6 = vector.extract_strided_slice %get3A_3 {offsets = [0, 48], sizes = [784, 16], strides = [1, 1]} : vector<784x128xf32> to vector<784x16xf32>
    %slice3A_7 = vector.extract_strided_slice %get3A_3 {offsets = [0, 64], sizes = [784, 16], strides = [1, 1]} : vector<784x128xf32> to vector<784x16xf32>
    %slice3A_8 = vector.extract_strided_slice %get3A_3 {offsets = [0, 80], sizes = [784, 16], strides = [1, 1]} : vector<784x128xf32> to vector<784x16xf32>
    %slice3A_9 = vector.extract_strided_slice %get3A_3 {offsets = [0, 96], sizes = [784, 16], strides = [1, 1]} : vector<784x128xf32> to vector<784x16xf32>
    %slice3A_10 = vector.extract_strided_slice %get3A_3 {offsets = [0, 112], sizes = [784, 16], strides = [1, 1]} : vector<784x128xf32> to vector<784x16xf32>
    %concatenate3A = tpu.concatenate %slice3A, %slice3A_4, %slice3A_5, %slice3A_6, %slice3A_7, %slice3A_8, %slice3A_9, %slice3A_10 in 0 : vector<784x16xf32>, vector<784x16xf32>, vector<784x16xf32>, vector<784x16xf32>, vector<784x16xf32>, vector<784x16xf32>, vector<784x16xf32>, vector<784x16xf32> -> vector<6272x16xf32>
    %get3A_11 = arith.constant 0 : index
    %get3A_12 = arith.constant 0 : index
    %get3A_13 = arith.constant 0 : index
    %get3A_14 = vector.load %arg3[%get3A_11, %get3A_12, %get3A_13] : memref<4x16x128xf32, #tpu.memory_space<vmem>>, vector<1x16x128xf32>
    %get3A_15 = vector.shape_cast %get3A_14 : vector<1x16x128xf32> to vector<16x128xf32>
    %dot_general3A = arith.constant dense<0.000000e+00> : vector<6272x128xf32>
    %dot_general3A_16 = tpu.matmul %concatenate3A, %get3A_15, %dot_general3A {dimension_numbers = #tpu.dot_dimension_numbers<[1], [0], [0], [1], [0, 0, 1, 1], [], []>, transpose_lhs_hint = false} : vector<6272x16xf32>, vector<16x128xf32>, vector<6272x128xf32> -> vector<6272x128xf32>
    %get3A_17 = arith.constant 1 : index
    %get3A_18 = arith.constant 0 : index
    %get3A_19 = arith.constant 0 : index
    %get3A_20 = vector.load %arg1[%get3A_17, %get3A_18, %get3A_19] : memref<4x784x128xf32, #tpu.memory_space<vmem>>, vector<1x784x128xf32>
    %get3A_21 = vector.shape_cast %get3A_20 : vector<1x784x128xf32> to vector<784x128xf32>
    %slice3A_22 = vector.extract_strided_slice %get3A_21 {offsets = [0, 0], sizes = [784, 16], strides = [1, 1]} : vector<784x128xf32> to vector<784x16xf32>
    %slice3A_23 = vector.extract_strided_slice %get3A_21 {offsets = [0, 16], sizes = [784, 16], strides = [1, 1]} : vector<784x128xf32> to vector<784x16xf32>
    %slice3A_24 = vector.extract_strided_slice %get3A_21 {offsets = [0, 32], sizes = [784, 16], strides = [1, 1]} : vector<784x128xf32> to vector<784x16xf32>
    %slice3A_25 = vector.extract_strided_slice %get3A_21 {offsets = [0, 48], sizes = [784, 16], strides = [1, 1]} : vector<784x128xf32> to vector<784x16xf32>
    %slice3A_26 = vector.extract_strided_slice %get3A_21 {offsets = [0, 64], sizes = [784, 16], strides = [1, 1]} : vector<784x128xf32> to vector<784x16xf32>
    %slice3A_27 = vector.extract_strided_slice %get3A_21 {offsets = [0, 80], sizes = [784, 16], strides = [1, 1]} : vector<784x128xf32> to vector<784x16xf32>
    %slice3A_28 = vector.extract_strided_slice %get3A_21 {offsets = [0, 96], sizes = [784, 16], strides = [1, 1]} : vector<784x128xf32> to vector<784x16xf32>
    %slice3A_29 = vector.extract_strided_slice %get3A_21 {offsets = [0, 112], sizes = [784, 16], strides = [1, 1]} : vector<784x128xf32> to vector<784x16xf32>
    %concatenate3A_30 = tpu.concatenate %slice3A_22, %slice3A_23, %slice3A_24, %slice3A_25, %slice3A_26, %slice3A_27, %slice3A_28, %slice3A_29 in 0 : vector<784x16xf32>, vector<784x16xf32>, vector<784x16xf32>, vector<784x16xf32>, vector<784x16xf32>, vector<784x16xf32>, vector<784x16xf32>, vector<784x16xf32> -> vector<6272x16xf32>
    %get3A_31 = arith.constant 1 : index
    %get3A_32 = arith.constant 0 : index
    %get3A_33 = arith.constant 0 : index
    %get3A_34 = vector.load %arg3[%get3A_31, %get3A_32, %get3A_33] : memref<4x16x128xf32, #tpu.memory_space<vmem>>, vector<1x16x128xf32>
    %get3A_35 = vector.shape_cast %get3A_34 : vector<1x16x128xf32> to vector<16x128xf32>
    %dot_general3A_36 = arith.constant dense<0.000000e+00> : vector<6272x128xf32>
    %dot_general3A_37 = tpu.matmul %concatenate3A_30, %get3A_35, %dot_general3A_36 {dimension_numbers = #tpu.dot_dimension_numbers<[1], [0], [0], [1], [0, 0, 1, 1], [], []>, transpose_lhs_hint = false} : vector<6272x16xf32>, vector<16x128xf32>, vector<6272x128xf32> -> vector<6272x128xf32>
    %add3A = arith.addf %dot_general3A_16, %dot_general3A_37 : vector<6272x128xf32>
    %get3A_38 = arith.constant 2 : index
    %get3A_39 = arith.constant 0 : index
    %get3A_40 = arith.constant 0 : index
    %get3A_41 = vector.load %arg1[%get3A_38, %get3A_39, %get3A_40] : memref<4x784x128xf32, #tpu.memory_space<vmem>>, vector<1x784x128xf32>
    %get3A_42 = vector.shape_cast %get3A_41 : vector<1x784x128xf32> to vector<784x128xf32>
    %slice3A_43 = vector.extract_strided_slice %get3A_42 {offsets = [0, 0], sizes = [784, 16], strides = [1, 1]} : vector<784x128xf32> to vector<784x16xf32>
    %slice3A_44 = vector.extract_strided_slice %get3A_42 {offsets = [0, 16], sizes = [784, 16], strides = [1, 1]} : vector<784x128xf32> to vector<784x16xf32>
    %slice3A_45 = vector.extract_strided_slice %get3A_42 {offsets = [0, 32], sizes = [784, 16], strides = [1, 1]} : vector<784x128xf32> to vector<784x16xf32>
    %slice3A_46 = vector.extract_strided_slice %get3A_42 {offsets = [0, 48], sizes = [784, 16], strides = [1, 1]} : vector<784x128xf32> to vector<784x16xf32>
    %slice3A_47 = vector.extract_strided_slice %get3A_42 {offsets = [0, 64], sizes = [784, 16], strides = [1, 1]} : vector<784x128xf32> to vector<784x16xf32>
    %slice3A_48 = vector.extract_strided_slice %get3A_42 {offsets = [0, 80], sizes = [784, 16], strides = [1, 1]} : vector<784x128xf32> to vector<784x16xf32>
    %slice3A_49 = vector.extract_strided_slice %get3A_42 {offsets = [0, 96], sizes = [784, 16], strides = [1, 1]} : vector<784x128xf32> to vector<784x16xf32>
    %slice3A_50 = vector.extract_strided_slice %get3A_42 {offsets = [0, 112], sizes = [784, 16], strides = [1, 1]} : vector<784x128xf32> to vector<784x16xf32>
    %concatenate3A_51 = tpu.concatenate %slice3A_43, %slice3A_44, %slice3A_45, %slice3A_46, %slice3A_47, %slice3A_48, %slice3A_49, %slice3A_50 in 0 : vector<784x16xf32>, vector<784x16xf32>, vector<784x16xf32>, vector<784x16xf32>, vector<784x16xf32>, vector<784x16xf32>, vector<784x16xf32>, vector<784x16xf32> -> vector<6272x16xf32>
    %get3A_52 = arith.constant 2 : index
    %get3A_53 = arith.constant 0 : index
    %get3A_54 = arith.constant 0 : index
    %get3A_55 = vector.load %arg3[%get3A_52, %get3A_53, %get3A_54] : memref<4x16x128xf32, #tpu.memory_space<vmem>>, vector<1x16x128xf32>
    %get3A_56 = vector.shape_cast %get3A_55 : vector<1x16x128xf32> to vector<16x128xf32>
    %dot_general3A_57 = arith.constant dense<0.000000e+00> : vector<6272x128xf32>
    %dot_general3A_58 = tpu.matmul %concatenate3A_51, %get3A_56, %dot_general3A_57 {dimension_numbers = #tpu.dot_dimension_numbers<[1], [0], [0], [1], [0, 0, 1, 1], [], []>, transpose_lhs_hint = false} : vector<6272x16xf32>, vector<16x128xf32>, vector<6272x128xf32> -> vector<6272x128xf32>
    %add3A_59 = arith.addf %add3A, %dot_general3A_58 : vector<6272x128xf32>
    %get3A_60 = arith.constant 3 : index
    %get3A_61 = arith.constant 0 : index
    %get3A_62 = arith.constant 0 : index
    %get3A_63 = vector.load %arg1[%get3A_60, %get3A_61, %get3A_62] : memref<4x784x128xf32, #tpu.memory_space<vmem>>, vector<1x784x128xf32>
    %get3A_64 = vector.shape_cast %get3A_63 : vector<1x784x128xf32> to vector<784x128xf32>
    %slice3A_65 = vector.extract_strided_slice %get3A_64 {offsets = [0, 0], sizes = [784, 16], strides = [1, 1]} : vector<784x128xf32> to vector<784x16xf32>
    %slice3A_66 = vector.extract_strided_slice %get3A_64 {offsets = [0, 16], sizes = [784, 16], strides = [1, 1]} : vector<784x128xf32> to vector<784x16xf32>
    %slice3A_67 = vector.extract_strided_slice %get3A_64 {offsets = [0, 32], sizes = [784, 16], strides = [1, 1]} : vector<784x128xf32> to vector<784x16xf32>
    %slice3A_68 = vector.extract_strided_slice %get3A_64 {offsets = [0, 48], sizes = [784, 16], strides = [1, 1]} : vector<784x128xf32> to vector<784x16xf32>
    %slice3A_69 = vector.extract_strided_slice %get3A_64 {offsets = [0, 64], sizes = [784, 16], strides = [1, 1]} : vector<784x128xf32> to vector<784x16xf32>
    %slice3A_70 = vector.extract_strided_slice %get3A_64 {offsets = [0, 80], sizes = [784, 16], strides = [1, 1]} : vector<784x128xf32> to vector<784x16xf32>
    %slice3A_71 = vector.extract_strided_slice %get3A_64 {offsets = [0, 96], sizes = [784, 16], strides = [1, 1]} : vector<784x128xf32> to vector<784x16xf32>
    %slice3A_72 = vector.extract_strided_slice %get3A_64 {offsets = [0, 112], sizes = [784, 16], strides = [1, 1]} : vector<784x128xf32> to vector<784x16xf32>
    %concatenate3A_73 = tpu.concatenate %slice3A_65, %slice3A_66, %slice3A_67, %slice3A_68, %slice3A_69, %slice3A_70, %slice3A_71, %slice3A_72 in 0 : vector<784x16xf32>, vector<784x16xf32>, vector<784x16xf32>, vector<784x16xf32>, vector<784x16xf32>, vector<784x16xf32>, vector<784x16xf32>, vector<784x16xf32> -> vector<6272x16xf32>
    %get3A_74 = arith.constant 3 : index
    %get3A_75 = arith.constant 0 : index
    %get3A_76 = arith.constant 0 : index
    %get3A_77 = vector.load %arg3[%get3A_74, %get3A_75, %get3A_76] : memref<4x16x128xf32, #tpu.memory_space<vmem>>, vector<1x16x128xf32>
    %get3A_78 = vector.shape_cast %get3A_77 : vector<1x16x128xf32> to vector<16x128xf32>
    %dot_general3A_79 = arith.constant dense<0.000000e+00> : vector<6272x128xf32>
    %dot_general3A_80 = tpu.matmul %concatenate3A_73, %get3A_78, %dot_general3A_79 {dimension_numbers = #tpu.dot_dimension_numbers<[1], [0], [0], [1], [0, 0, 1, 1], [], []>, transpose_lhs_hint = false} : vector<6272x16xf32>, vector<16x128xf32>, vector<6272x128xf32> -> vector<6272x128xf32>
    %add3A_81 = arith.addf %add3A_59, %dot_general3A_80 : vector<6272x128xf32>
    %get3A_82 = arith.constant 0 : index
    %get3A_83 = arith.constant 0 : index
    %get3A_84 = vector.load %arg2[%get3A_82, %get3A_83] : memref<784x128xf32, #tpu.memory_space<vmem>>, vector<784x128xf32>
    %slice3A_85 = vector.extract_strided_slice %get3A_84 {offsets = [0, 0], sizes = [784, 16], strides = [1, 1]} : vector<784x128xf32> to vector<784x16xf32>
    %slice3A_86 = vector.extract_strided_slice %get3A_84 {offsets = [0, 16], sizes = [784, 16], strides = [1, 1]} : vector<784x128xf32> to vector<784x16xf32>
    %slice3A_87 = vector.extract_strided_slice %get3A_84 {offsets = [0, 32], sizes = [784, 16], strides = [1, 1]} : vector<784x128xf32> to vector<784x16xf32>
    %slice3A_88 = vector.extract_strided_slice %get3A_84 {offsets = [0, 48], sizes = [784, 16], strides = [1, 1]} : vector<784x128xf32> to vector<784x16xf32>
    %slice3A_89 = vector.extract_strided_slice %get3A_84 {offsets = [0, 64], sizes = [784, 16], strides = [1, 1]} : vector<784x128xf32> to vector<784x16xf32>
    %slice3A_90 = vector.extract_strided_slice %get3A_84 {offsets = [0, 80], sizes = [784, 16], strides = [1, 1]} : vector<784x128xf32> to vector<784x16xf32>
    %slice3A_91 = vector.extract_strided_slice %get3A_84 {offsets = [0, 96], sizes = [784, 16], strides = [1, 1]} : vector<784x128xf32> to vector<784x16xf32>
    %slice3A_92 = vector.extract_strided_slice %get3A_84 {offsets = [0, 112], sizes = [784, 16], strides = [1, 1]} : vector<784x128xf32> to vector<784x16xf32>
    %concatenate3A_93 = tpu.concatenate %slice3A_85, %slice3A_86, %slice3A_87, %slice3A_88, %slice3A_89, %slice3A_90, %slice3A_91, %slice3A_92 in 0 : vector<784x16xf32>, vector<784x16xf32>, vector<784x16xf32>, vector<784x16xf32>, vector<784x16xf32>, vector<784x16xf32>, vector<784x16xf32>, vector<784x16xf32> -> vector<6272x16xf32>
    %slice3A_94 = vector.extract_strided_slice %concatenate3A_93 {offsets = [0, 0], sizes = [6272, 1], strides = [1, 1]} : vector<6272x16xf32> to vector<6272x1xf32>
    %mul3A = vector.broadcast %slice3A_94 : vector<6272x1xf32> to vector<6272x128xf32>
    %mul3A_95 = arith.mulf %add3A_81, %mul3A : vector<6272x128xf32>
    %get3A_96 = arith.constant 0 : index
    %get3A_97 = arith.constant 0 : index
    %get3A_98 = vector.load %arg4[%get3A_96, %get3A_97] : memref<1x128xf32, #tpu.memory_space<vmem>>, vector<1x128xf32>
    %add3A_99 = vector.broadcast %get3A_98 : vector<1x128xf32> to vector<6272x128xf32>
    %add3A_100 = arith.addf %mul3A_95, %add3A_99 : vector<6272x128xf32>
    %max3A = arith.constant 0.000000e+00 : f32
    %max3A_101 = vector.broadcast %max3A : f32 to vector<6272x128xf32>
    %max3A_102 = arith.maximumf %add3A_100, %max3A_101 : vector<6272x128xf32>
    %iota3A = tpu.iota {dimensions = array<i32: 0>} : vector<6272x1xi32>
    %mul3A_103 = arith.constant 6272 : i32
    %mul3A_104 = arith.muli %arg0, %mul3A_103 : i32
    %add3A_105 = vector.broadcast %mul3A_104 : i32 to vector<6272x1xi32>
    %add3A_106 = arith.addi %iota3A, %add3A_105 : vector<6272x1xi32>
    %lt3A = arith.constant 100000 : i32
    %lt3A_107 = vector.broadcast %lt3A : i32 to vector<6272x1xi32>
    %lt3A_108 = arith.cmpi slt, %add3A_106, %lt3A_107 : vector<6272x1xi32>
    %jit3A = arith.constant 0.000000e+00 : f32
    %broadcast_in_dim3A = vector.shape_cast %lt3A_108 : vector<6272x1xi1> to vector<6272x1xi1>
    %broadcast_in_dim3A_109 = vector.broadcast %broadcast_in_dim3A : vector<6272x1xi1> to vector<6272x128xi1>
    %broadcast_in_dim3A_110 = vector.broadcast %jit3A : f32 to vector<6272x128xf32>
    %select_n3A = arith.select %broadcast_in_dim3A_109, %max3A_102, %broadcast_in_dim3A_110 : vector<6272x128xi1>, vector<6272x128xf32>
    %reshape3A = vector.shape_cast %select_n3A : vector<6272x128xf32> to vector<784x8x128xf32>
    %reduce_sum3A = arith.constant dense<0.000000e+00> : vector<8x128xf32>
    %reduce_sum3A_111 = vector.multi_reduction <add>, %reshape3A, %reduce_sum3A [0] : vector<784x8x128xf32> to vector<8x128xf32>
    %eq3A = arith.constant 0 : i32
    %eq3A_112 = arith.cmpi eq, %arg0, %eq3A : i32
    %convert_element_type3A = arith.extui %eq3A_112 : i1 to i32
    %cond3A = arith.constant 0 : i32
    %cond3A_113 = arith.cmpi ne, %convert_element_type3A, %cond3A : i32
    scf.if %cond3A_113 {
      %swap3A = arith.constant 0 : index
      %swap3A_123 = arith.constant 0 : index
      %swap3A_124 = vector.load %arg8[%swap3A, %swap3A_123] : memref<8x128xf32, #tpu.memory_space<vmem>>, vector<8x128xf32>
      tpu.vector_store %arg8[%swap3A, %swap3A_123], %reduce_sum3A_111 {strides = array<i32>} : memref<8x128xf32, #tpu.memory_space<vmem>>, vector<8x128xf32>,
    } else {
    }
    %gt3A = arith.constant 0 : i32
    %gt3A_114 = arith.cmpi sgt, %arg0, %gt3A : i32
    %convert_element_type3A_115 = arith.extui %gt3A_114 : i1 to i32
    %cond3A_116 = arith.constant 0 : i32
    %cond3A_117 = arith.cmpi ne, %convert_element_type3A_115, %cond3A_116 : i32
    scf.if %cond3A_117 {
      %get3A_123 = arith.constant 0 : index
      %get3A_124 = arith.constant 0 : index
      %get3A_125 = vector.load %arg8[%get3A_123, %get3A_124] : memref<8x128xf32, #tpu.memory_space<vmem>>, vector<8x128xf32>
      %add3A_126 = arith.addf %get3A_125, %reduce_sum3A_111 : vector<8x128xf32>
      %swap3A = arith.constant 0 : index
      %swap3A_127 = arith.constant 0 : index
      %swap3A_128 = vector.load %arg8[%swap3A, %swap3A_127] : memref<8x128xf32, #tpu.memory_space<vmem>>, vector<8x128xf32>
      tpu.vector_store %arg8[%swap3A, %swap3A_127], %add3A_126 {strides = array<i32>} : memref<8x128xf32, #tpu.memory_space<vmem>>, vector<8x128xf32>,
    } else {
    }
    %eq3A_118 = arith.constant 15 : i32
    %eq3A_119 = arith.cmpi eq, %arg0, %eq3A_118 : i32
    %convert_element_type3A_120 = arith.extui %eq3A_119 : i1 to i32
    %cond3A_121 = arith.constant 0 : i32
    %cond3A_122 = arith.cmpi ne, %convert_element_type3A_120, %cond3A_121 : i32
    scf.if %cond3A_122 {
      %get3A_123 = arith.constant 0 : index
      %get3A_124 = arith.constant 0 : index
      %get3A_125 = vector.load %arg8[%get3A_123, %get3A_124] : memref<8x128xf32, #tpu.memory_space<vmem>>, vector<8x128xf32>
      %reduce_sum3A_126 = arith.constant dense<0.000000e+00> : vector<128xf32>
      %reduce_sum3A_127 = vector.multi_reduction <add>, %get3A_125, %reduce_sum3A_126 [0] : vector<8x128xf32> to vector<128xf32>
      %broadcast_in_dim3A_128 = vector.shape_cast %reduce_sum3A_127 : vector<128xf32> to vector<1x128xf32>
      %mul3A_129 = arith.constant 9.99999974E-6 : f32
      %mul3A_130 = vector.broadcast %mul3A_129 : f32 to vector<1x128xf32>
      %mul3A_131 = arith.mulf %broadcast_in_dim3A_128, %mul3A_130 : vector<1x128xf32>
      %get3A_132 = arith.constant 0 : index
      %get3A_133 = arith.constant 0 : index
      %get3A_134 = vector.load %arg5[%get3A_132, %get3A_133] : memref<128x128xf32, #tpu.memory_space<vmem>>, vector<128x128xf32>
      %dot_general3A_135 = arith.constant dense<0.000000e+00> : vector<1x128xf32>
      %dot_general3A_136 = tpu.matmul %mul3A_131, %get3A_134, %dot_general3A_135 {dimension_numbers = #tpu.dot_dimension_numbers<[1], [0], [0], [1], [0, 0, 1, 1], [], []>, transpose_lhs_hint = false} : vector<1x128xf32>, vector<128x128xf32>, vector<1x128xf32> -> vector<1x128xf32>
      %get3A_137 = arith.constant 0 : index
      %get3A_138 = arith.constant 0 : index
      %get3A_139 = vector.load %arg6[%get3A_137, %get3A_138] : memref<1x128xf32, #tpu.memory_space<vmem>>, vector<1x128xf32>
      %add3A_140 = arith.addf %dot_general3A_136, %get3A_139 : vector<1x128xf32>
      %tanh3A = math.tanh %add3A_140 : vector<1x128xf32>
      %swap3A = arith.constant 0 : index
      %swap3A_141 = arith.constant 0 : index
      %swap3A_142 = vector.load %arg7[%swap3A, %swap3A_141] : memref<1x128xf32, #tpu.memory_space<vmem>>, vector<1x128xf32>
      tpu.vector_store %arg7[%swap3A, %swap3A_141], %tanh3A {strides = array<i32>} : memref<1x128xf32, #tpu.memory_space<vmem>>, vector<1x128xf32>,
    } else {
    }
    return
  }
  func.func @transform_0(%arg0: i32) -> (i32, i32, i32) {
    %c0_i32 = arith.constant 0 : i32
    %c0_i32_0 = arith.constant 0 : i32
    %c0_i32_1 = arith.constant 0 : i32
    return %c0_i32, %arg0, %c0_i32_0 : i32, i32, i32
  }
  func.func @transform_1(%arg0: i32) -> (i32, i32) {
    %c0_i32 = arith.constant 0 : i32
    %c0_i32_0 = arith.constant 0 : i32
    return %arg0, %c0_i32 : i32, i32
  }
  func.func @transform_2(%arg0: i32) -> (i32, i32, i32) {
    %c0_i32 = arith.constant 0 : i32
    %c0_i32_0 = arith.constant 0 : i32
    %c0_i32_1 = arith.constant 0 : i32
    %c0_i32_2 = arith.constant 0 : i32
    return %c0_i32, %c0_i32_0, %c0_i32_1 : i32, i32, i32
  }
  func.func @transform_3(%arg0: i32) -> (i32, i32) {
    %c0_i32 = arith.constant 0 : i32
    %c0_i32_0 = arith.constant 0 : i32
    %c0_i32_1 = arith.constant 0 : i32
    return %c0_i32, %c0_i32_0 : i32, i32
  }
  func.func @transform_4(%arg0: i32) -> (i32, i32) {
    %c0_i32 = arith.constant 0 : i32
    %c0_i32_0 = arith.constant 0 : i32
    %c0_i32_1 = arith.constant 0 : i32
    return %c0_i32, %c0_i32_0 : i32, i32
  }
  func.func @transform_5(%arg0: i32) -> (i32, i32) {
    %c0_i32 = arith.constant 0 : i32
    %c0_i32_0 = arith.constant 0 : i32
    %c0_i32_1 = arith.constant 0 : i32
    return %c0_i32, %c0_i32_0 : i32, i32
  }
  func.func @transform_6(%arg0: i32) -> (i32, i32) {
    %c0_i32 = arith.constant 0 : i32
    %c0_i32_0 = arith.constant 0 : i32
    %c0_i32_1 = arith.constant 0 : i32
    return %c0_i32, %c0_i32_0 : i32, i32
  }
}

</mosaic_0001>

<sc_bundles>
// kernel: kernel.6.cloned.1.call-start
scs
__scs_entry_jumppad:
0x0: {  	(pc) =	sbr.rel $0x88, $3  }
0x1: {  	(tag) =	ssettag $0x0;
	lr =	simm.s32 $0x1  }
0x2: {  	[smem:$0x3F9C] =	sst lr;
	_ =	strace $0xD0000000  }
0x3: {  	_ = 	snop  }
0x4: {  	_ = 	snop  }
0x5: {  	_ = 	snop  }
0x6: {  	_ = 	snop  }
0x7: {  	_ = 	snop  }
__scs_overlays_trampoline_lowered:
0x8: {  	[smem:$0x3FAB] =	sst s0  }
0x9: {  	[smem:$0x3FAC] =	sst s1  }
0xa: {  	[smem:$0x3FAD] =	sst s2  }
0xb: {  	[smem:$0x3FAE] =	sst s3  }
0xc: {  	[smem:$0x3FAF] =	sst s4  }
0xd: {  	[smem:$0x3FB0] =	sst s5  }
0xe: {  	[smem:$0x3FB1] =	sst s6  }
0xf: {  	[smem:$0x3FB2] =	sst s7  }
0x10: {  	[smem:$0x3FB3] =	sst s8  }
0x11: {  	[smem:$0x3FB4] =	sst s9;
	s0 =	simm.s32 @!p0 $0x0  }
0x12: {  	s1 =	sld [smem:$0x3F9A];
	s0 =	simm.s32 @p0 $0x1  }
0x13: {  	[smem:$0x3FB5] =	sst s0;
	s0 =	simm.s32 @!p1 $0x0  }
0x14: {  	s2 =	sld [smem:$0x3F99];
	s0 =	simm.s32 @p1 $0x1  }
0x15: {  	[smem:$0x3FB6] =	sst s0;
	s0 =	simm.s32 @!p2 $0x0  }
0x16: {  	s3 =	sld [smem:$0x3FDB];
	s0 =	simm.s32 @p2 $0x1  }
0x17: {  	s4 =	simm.s32 $0x1BF5;
	[smem:$0x3FB8] =	sst s0  }
0x18: {  	s0 =	sld [smem:$0x3F9B];
	_ =	swait.ge [sflag:s4], $0x0  }
0x19: {  	s7 =	sld [smem:$0x3F9C]  }
0x1a: {  	s8 =	sadd.s32 $0xFFFFE003, lr  }
0x1b: {  	s9 =	sadd.s32 $0xFFFFFEF7, lr;
	s5 =	simm.s32 $0xFFFFFFFF;
	p2 =	slt.u32 s8, $0xFFFFF086  }
0x1c: {  	p1 =	slt.u32 s9, $0xF7A;
	s5 =	simm.s32 @!p2 $0x0  }
0x1d: {  	s5 =	simm.s32 @p1 $0x1;
	p0 =	seq.s32 s7, s2  }
0x1e: {  	s7 =	smul.u32 @!p0 $0xF7A, s2;
	p2 =	seq.s32 @!p0 s5, $0x0  }
0x1f: {  	s9 =	smul.u32 $0xF7A, s1;
	s8 =	simm.s32 @!p0 $0x1BF5;
	p2 =	por !p2, p0  }
0x20: {  	[sflag:s8] =	ssyncset.s32 @!p0 $0xFFFFF086;
	s6 =	sadd.s32 @!p0 s3, s7;
	s7 =	simm.s32 @!p0 $0x108  }
0x21: {  	s3 =	sadd.s32 s3, s9;
	s6 =	sadd.s32 @!p0 $0x88, s6;
	s7 =	simm.s32 @p2 $0x1082  }
0x22: {  	[simem:s7], [sflag:s8] =	dma.local @!p0 [hbm:s6], $0xF7A  }
0x23: {  	s9 =	sor.u32 $0xD0000000, s2;
	s6 =	simm.s32 $0x108;
	_ =	swait.ge @!p0 [sflag:s8], $0x0  }
0x24: {  	s3 =	sadd.s32 $0x88, s3;
	s6 =	simm.s32 @!p1 $0x1082;
	[sflag:s4] =	ssyncset.s32 $0xFFFFF086  }
0x25: {  	[simem:s6], [sflag:s4] =	dma.local [hbm:s3], $0xF7A  }
0x26: {  	[smem:$0x3F9C] =	sst s1;
	(tag) =	ssettag s2;
	_ =	strace s9  }
0x27: {  	s1 =	sld [smem:$0x3FAC]  }
0x28: {  	s2 =	sld [smem:$0x3FAD]  }
0x29: {  	s4 =	sld [smem:$0x3FAF]  }
0x2a: {  	p0 =	seq.s32 s5, $0x0;
	s5 =	sld [smem:$0x3FB0]  }
0x2b: {  	s6 =	sld [smem:$0x3FB1]  }
0x2c: {  	s7 =	sld [smem:$0x3FB2]  }
0x2d: {  	s3 =	simm.s32 $0x108;
	s8 =	sld [smem:$0x3FB3]  }
0x2e: {  	s3 =	simm.s32 @!p0 $0x1082;
	s9 =	sld [smem:$0x3FB4]  }
0x2f: {  	lr =	sadd.s32 s0, s3;
	s0 =	sld [smem:$0x3FAB]  }
0x30: {  	s3 =	sld [smem:$0x3FAE]  }
0x31: {  	[smem:$0x3FB7] =	sst s10  }
0x32: {  	s10 =	sld [smem:$0x3FB5];
	_ =	sdelay $0x3  }
0x33: {  	p0 =	seq.s32 s10, $0x1;
	s10 =	sld [smem:$0x3FB7];
	_ =	sdelay $0x3  }
0x34: {  	[smem:$0x3FB7] =	sst s10  }
0x35: {  	s10 =	sld [smem:$0x3FB6];
	_ =	sdelay $0x3  }
0x36: {  	p1 =	seq.s32 s10, $0x1;
	s10 =	sld [smem:$0x3FB7];
	_ =	sdelay $0x3  }
0x37: {  	[smem:$0x3FB7] =	sst s10  }
0x38: {  	s10 =	sld [smem:$0x3FB8]  }
0x39: {  	_ = 	snop;
	(pc) =	sbr.ind lr, $3  }
0x3a: {  	_ = 	snop  }
0x3b: {  	_ = 	snop  }
0x3c: {  	p2 =	seq.s32 s10, $0x1;
	s10 =	sld [smem:$0x3FB7]  }
0x3d: {  	_ =	shalt  }
0x3e: {  	_ =	shalt  }
0x3f: {  	_ =	shalt  }
0x40: {  	_ =	shalt  }
0x41: {  	_ =	shalt  }
0x42: {  	_ =	shalt  }
0x43: {  	_ =	shalt  }
0x44: {  	_ =	shalt  }
0x45: {  	_ =	shalt  }
0x46: {  	_ =	shalt  }
0x47: {  	_ =	shalt  }
0x48: {  	_ =	shalt  }
0x49: {  	_ =	shalt  }
0x4a: {  	_ =	shalt  }
0x4b: {  	_ =	shalt  }
0x4c: {  	_ =	shalt  }
0x4d: {  	_ =	shalt  }
0x4e: {  	_ =	shalt  }
0x4f: {  	_ =	shalt  }
0x50: {  	_ =	shalt  }
0x51: {  	_ =	shalt  }
0x52: {  	_ =	shalt  }
0x53: {  	_ =	shalt  }
0x54: {  	_ =	shalt  }
0x55: {  	_ =	shalt  }
0x56: {  	_ =	shalt  }
0x57: {  	_ =	shalt  }
0x58: {  	_ =	shalt  }
0x59: {  	_ =	shalt  }
0x5a: {  	_ =	shalt  }
0x5b: {  	_ =	shalt  }
0x5c: {  	_ =	shalt  }
0x5d: {  	_ =	shalt  }
0x5e: {  	_ =	shalt  }
0x5f: {  	_ =	shalt  }
0x60: {  	_ =	shalt  }
0x61: {  	_ =	shalt  }
0x62: {  	_ =	shalt  }
0x63: {  	_ =	shalt  }
0x64: {  	_ =	shalt  }
0x65: {  	_ =	shalt  }
0x66: {  	_ =	shalt  }
0x67: {  	_ =	shalt  }
0x68: {  	_ =	shalt  }
0x69: {  	_ =	shalt  }
0x6a: {  	_ =	shalt  }
0x6b: {  	_ =	shalt  }
0x6c: {  	_ =	shalt  }
0x6d: {  	_ =	shalt  }
0x6e: {  	_ =	shalt  }
0x6f: {  	_ =	shalt  }
0x70: {  	_ =	shalt  }
0x71: {  	_ =	shalt  }
0x72: {  	_ =	shalt  }
0x73: {  	_ =	shalt  }
0x74: {  	_ =	shalt  }
0x75: {  	_ =	shalt  }
0x76: {  	_ =	shalt  }
0x77: {  	_ =	shalt  }
0x78: {  	_ =	shalt  }
0x79: {  	_ =	shalt  }
0x7a: {  	_ =	shalt  }
0x7b: {  	_ =	shalt  }
0x7c: {  	_ =	shalt  }
0x7d: {  	_ =	shalt  }
0x7e: {  	_ =	shalt  }
0x7f: {  	_ =	shalt  }
0x80: {  	_ =	shalt  }
0x81: {  	_ =	shalt  }
0x82: {  	_ =	shalt  }
0x83: {  	_ =	shalt  }
0x84: {  	_ =	shalt  }
0x85: {  	_ =	shalt  }
0x86: {  	_ =	shalt  }
0x87: {  	_ =	shalt  }
.Lfunc_end0:
.L_simem_size_0:
called_computation_lowered:
.L_overlay_start_0:
0x88: {  	s2 =	sld [smem:$0x3FD9]  }
0x89: {  	s3 =	sld [smem:$0x3FFE];
	_ =	sdelay $0x1  }
0x8a: {  	s1 =	srdreg.scid  }
0x8b: {  	s0 =	sand.u32 $0x1, s1  }
0x8c: {  	s16 =	sshll.u32 s0, $0xA;
	s2 =	sadd.s32 s3, s2  }
0x8d: {  	s2 =	sadd.s32 s2, s16  }
0x8e: {  	[smem:$0x3FC3] =	sst s2  }
0x8f: {  	_ = 	snop  }
0x90: {  	(tm) =	ssettm $0x1  }
0x91: {  	s17 =	sld [smem:$0x3FFB];
	_ =	sdelay $0x3  }
0x92: {  	_ =	strace s17  }
0x93: {  	s2 =	sld [smem:$0x3FFC];
	_ =	sdelay $0x3  }
0x94: {  	_ =	strace s2  }
0x95: {  	s2 =	sld [smem:$0x3FFD];
	_ =	sdelay $0x3  }
0x96: {  	_ =	strace s2  }
0x97: {  	_ =	strace $0x8FFFFFFF  }
0x98: {  	s18 =	sld [smem:$0x3FDB];
	_ =	sdelay $0x1  }
0x99: {  	s19 =	simm.s32 $_scs_section_size  }
0x9a: {  	s4 =	simm.s32 $_size__tile_overlayer_lowered;
	s5 =	simm.s32 $_tile_overlayer_lowered  }
0x9b: {  	s22 =	simm.s32 $0x1BFF;
	s21 =	sshll.u32 s5, $0x1;
	s2 =	sadd.s32 s19, s18  }
0x9c: {  	s6 =	simm.s32 $0x0;
	s20 =	sshll.u32 s4, $0x1;
	s4 =	sadd.s32 s21, s2  }
0x9d: {  	[timem:s6], [sflag:s22] =	dma.local [hbm:s4], s20  }
0x9e: {  	_ =	swait.ge [sflag:s22], s20  }
0x9f: {  	s3 =	ssub.s32 $0x0, s20;
	[sflag:s22] =	ssyncset.done $0x0  }
0xa0: {  	[sflag:s22] =	ssyncadd.s32 s3;
	_ =	sdelay $0x1  }
0xa1: {  	s23 =	simm.s32 $0x1B8B  }
0xa2: {  	_ =	swait.ge [sflag:s23], $0x1  }
0xa3: {  	[sflag:s23] =	ssyncset.done $0x0  }
0xa4: {  	s25 =	simm.s32 $0x1B8E;
	s24 =	sld [smem:$0x3FFE];
	[sflag:s23] =	ssyncadd.s32 $0xFFFFFFFF  }
0xa5: {  	s26 =	simm.s32 $execute0_lowered;
	[smem:$0x3FD2] =	sst s25  }
0xa6: {  	s4 =	sshll.u32 s26, $0x1;
	_ =	strace $0x80000046;
	[dreg:$0x1] =	wrdreg $0xFFFFFFFF  }
0xa7: {  	s28 =	simm.s32 $_size_execute0_lowered;
	s2 =	sadd.s32 s2, s4;
	[dreg:$0x0] =	wrdreg $0x0  }
0xa8: {  	s4 =	sshll.u32 s28, $0x1;
	[dreg:$0x2] =	wrdreg s2  }
0xa9: {  	[dreg:$0x3] =	wrdreg s4  }
0xaa: {  	[dreg:$0x4] =	wrdreg $0xC0  }
0xab: {  	_ =	task [dreg:s6], $0x5FFFF  }
0xac: {  	[dreg:$0x1] =	wrdreg $0xFFFFFFFF  }
0xad: {  	[dreg:$0x0] =	wrdreg $0x60  }
0xae: {  	[dreg:$0x2] =	wrdreg s24  }
0xaf: {  	[dreg:$0x3] =	wrdreg $0x0  }
0xb0: {  	[dreg:$0x4] =	wrdreg $0x9  }
0xb1: {  	_ =	task.clear_ibuf [dreg:s6], $0x5FFFF;
	_ =	strace $0x90000046  }
0xb2: {  	s29 =	simm.s32 $0x9;
	_ =	strace $0x80000048  }
0xb3: {  	_ =	swait.ge [sflag:s29], $0x1  }
0xb4: {  	[sflag:s29] =	ssyncadd.s32 $0xFFFFFFFF  }
0xb5: {  	_ =	strace $0x90000048  }
0xb6: {  	_ =	sfence  }
0xb7: {  	s30 =	sld [smem:$0x0];
	_ =	sdelay $0x2  }
0xb8: {  	s31 =	sshll.u32 s1, $0xD;
	s1 =	sshrl.u32 s1, $0x2  }
0xb9: {  	s3 =	sand.u32 $0x4000, s31;
	s1 =	sadd.s32 s1, s30  }
0xba: {  	s0 =	sor.u32 s3, s0;
	s1 =	sshll.u32 s1, $0x11  }
0xbb: {  	s0 =	sor.u32 s1, s0  }
0xbc: {  	s0 =	sadd.s32 $0x8F2B, s0  }
0xbd: {  	[sflag:s0] =	ssyncadd.remote.s32 $0x1  }
0xbe: {  	_ =	sfence.sel $0xFFFF  }
0xbf: {  	[dreg:$0x0] =	wrdreg $0xFFFFFFFF;
	(pc) =	sbr.abs _section_cstart, $3  }
0xc0: {  	[dreg:$0x1] =	wrdreg $0xFFFFFFFF  }
0xc1: {  	_ =	task.clear_ibuf [dreg:s6], $0x2FFFF;
	_ =	strace $0x9FFFFFFF  }
0xc2: {  	(tm) =	ssettm $0x7FFFFFFF  }
0xc3: {  	_ =	shalt  }
tec
execute0_lowered:
.L_overlay_start_1:
0x0: {  	(tag) =	ssettag $0x1  }
0x1: {  	s1 =	srdreg.scid;
	s4 =	rddreg [dreg:$0x0]  }
0x2: {  	s0 =	stileid.u32;
	s2 =	rddreg [dreg:$0x1]  }
0x3: {  	s3 =	simm.s32 $0x0;
	s15 =	simm.s32 $0x18800;
	s16 =	simm.s32 $0x1  }
0x4: {  	s17 =	simm.s32 $0x1D180;
	s18 =	simm.s32 $0x80;
	s19 =	simm.s32 $0x1D200  }
0x5: {  	s20 =	simm.s32 $0x1D280;
	s21 =	simm.s32 $0x1D300;
	s22 =	simm.s32 $0x1D380  }
0x6: {  	s23 =	simm.s32 $0x1D400;
	s24 =	simm.s32 $0x1D480;
	s6 =	smul.u32 $0x1880, s0  }
0x7: {  	s25 =	simm.s32 $0x1D500;
	s5 =	sand.u32 $0x1, s1;
	s30 =	smul.u32 $0x62000, s0  }
0x8: {  	s26 =	simm.s32 $0x1B900;
	[smem:$0x7FF] =	sst s3;
	s7 =	smul.u32 $0x18800, s5  }
0x9: {  	s28 =	simm.s32 $0x0;
	_ =	strace $0x80000047;
	s5 =	ssub.s32 $0x2, s5  }
0xa: {  	s31 =	sshrl.u32 s5, $0x1;
	s6 =	sadd.s32 s6, s7;
	s7 =	sshrl.u32 s30, $0x2  }
0xb: {  	s13 =	ssub.s32 s5, s31;
	s14 =	sadd.s32 s6, s4;
	s6 =	sshrl.u32 s6, $0x3  }
0xc: {  	s13 =	smax.u32 s13, $0x1;
	s12 =	sadd.s32 s6, s4;
	s4 =	sadd.s32 s7, s2  }
0xd: {  	s14 =	sadd.s32 $0x600, s14;
	s5 =	sadd.s32 $0x3100, s4;
	s6 =	sadd.s32 $0x6200, s4  }
0xe: {  	v1 =	vlaneseq.u32;
	s7 =	sadd.s32 $0x9300, s4;
	s8 =	sadd.s32 $0xC400, s4;
	s9 =	sadd.s32 $0xF500, s4  }
0xf: {  	v0 =	vimm.f32 $1.000000000e+00;
	v1 =	vmul.u32 $0x10, v1;
	s10 =	sadd.s32 $0x12600, s4;
	s11 =	sadd.s32 $0x15700, s4;
	s12 =	sadd.s32 $0x62600, s12  }
.LBB2_1:
0x10: {  	s29 =	simm.s32 $0x40;
	s30 =	simm.s32 $0x0  }
.LBB2_2:
0x11: {  	p0 =	sne.s32 s29, $0xC3C0;
	[tilespmem:s30+$0x18800] =	vst v0;
	s30 =	smov.u32 s29;
	s29 =	sadd.s32 $0x40, s29  }
.Ltmp0:
0x12: {  	(pc) =	sbr.rel @p0 .LBB2_2-.Ltmp0, $2  }
0x13: {  	_ =	sdelay $0x2  }
0x14: {  	s30 =	sshra.s32 s30, $0x2  }
0x15: {  	[tilespmem:s30+$0x18800] =	vst v0  }
0x16: {  	[spmem:s4] =	stream.linear.scatter [tilespmem:s15], [sflag:$0x1], $0x3100, $0x38;
	[tilespmem:$0x1D580] =	vst v63  }
0x17: {  	_ =	swait.ge [sflag:s16], $0x3100  }
0x18: {  	[sflag:s16] =	ssyncset.done $0x0  }
0x19: {  	[sflag:s16] =	ssyncadd.s32 $0xFFFFCF00  }
0x1a: {  	[spmem:s5] =	stream.linear.scatter [tilespmem:s15], [sflag:$0x1], $0x3100, $0x38;
	[tilespmem:$0x1D580] =	vst v63  }
0x1b: {  	_ =	swait.ge [sflag:s16], $0x3100  }
0x1c: {  	[sflag:s16] =	ssyncset.done $0x0  }
0x1d: {  	[sflag:s16] =	ssyncadd.s32 $0xFFFFCF00  }
0x1e: {  	[spmem:s6] =	stream.linear.scatter [tilespmem:s15], [sflag:$0x1], $0x3100, $0x38;
	[tilespmem:$0x1D580] =	vst v63  }
0x1f: {  	_ =	swait.ge [sflag:s16], $0x3100  }
0x20: {  	[sflag:s16] =	ssyncset.done $0x0  }
0x21: {  	[sflag:s16] =	ssyncadd.s32 $0xFFFFCF00  }
0x22: {  	[spmem:s7] =	stream.linear.scatter [tilespmem:s15], [sflag:$0x1], $0x3100, $0x38;
	[tilespmem:$0x1D580] =	vst v63  }
0x23: {  	_ =	swait.ge [sflag:s16], $0x3100  }
0x24: {  	[sflag:s16] =	ssyncset.done $0x0  }
0x25: {  	[sflag:s16] =	ssyncadd.s32 $0xFFFFCF00  }
0x26: {  	[spmem:s8] =	stream.linear.scatter [tilespmem:s15], [sflag:$0x1], $0x3100, $0x38;
	[tilespmem:$0x1D580] =	vst v63  }
0x27: {  	_ =	swait.ge [sflag:s16], $0x3100  }
0x28: {  	[sflag:s16] =	ssyncset.done $0x0  }
0x29: {  	[sflag:s16] =	ssyncadd.s32 $0xFFFFCF00  }
0x2a: {  	[spmem:s9] =	stream.linear.scatter [tilespmem:s15], [sflag:$0x1], $0x3100, $0x38;
	[tilespmem:$0x1D580] =	vst v63  }
0x2b: {  	_ =	swait.ge [sflag:s16], $0x3100  }
0x2c: {  	[sflag:s16] =	ssyncset.done $0x0  }
0x2d: {  	[sflag:s16] =	ssyncadd.s32 $0xFFFFCF00  }
0x2e: {  	[spmem:s10] =	stream.linear.scatter [tilespmem:s15], [sflag:$0x1], $0x3100, $0x38;
	[tilespmem:$0x1D580] =	vst v63  }
0x2f: {  	_ =	swait.ge [sflag:s16], $0x3100  }
0x30: {  	[sflag:s16] =	ssyncset.done $0x0  }
0x31: {  	[sflag:s16] =	ssyncadd.s32 $0xFFFFCF00  }
0x32: {  	[spmem:s11] =	stream.linear.scatter [tilespmem:s15], [sflag:$0x1], $0x3100, $0x38;
	[tilespmem:$0x1D580] =	vst v63  }
0x33: {  	_ =	swait.ge [sflag:s16], $0x3100  }
0x34: {  	[sflag:s16] =	ssyncset.done $0x0  }
0x35: {  	[sflag:s16] =	ssyncadd.s32 $0xFFFFCF00  }
0x36: {  	s29 =	sadd.s32 $0x0, s14;
	[bflag:$0x0] =	sbarrier.arrive $0xFFFF  }
0x37: {  	[tilespmem:s17], [sflag:$0x1] =	stream.linear.gather [hbm4b:s29+s3], $0x400, $0x38;
	[tilespmem:$0x1D580] =	vst v63  }
0x38: {  	_ =	swait.ge [sflag:s16], $0x400  }
0x39: {  	[sflag:s16] =	ssyncset.done $0x0  }
0x3a: {  	[sflag:s16] =	ssyncadd.s32 $0xFFFFFC00  }
0x3b: {  	[spmem:s2] =	stream.indirect.scatter.add.f32 [tilespmem:s15], [sflag:$0x1], $0x10, s17, s18, $0xb8;
	[tilespmem:$0x1D580] =	vst v63  }
0x3c: {  	_ =	swait.ge [sflag:s16], $0x800  }
0x3d: {  	[sflag:s16] =	ssyncset.done $0x0  }
0x3e: {  	[sflag:s16] =	ssyncadd.s32 $0xFFFFF800  }
0x3f: {  	[spmem:s2] =	stream.indirect.scatter.add.f32 [tilespmem:s15], [sflag:$0x1], $0x10, s19, s18, $0xb8;
	[tilespmem:$0x1D580] =	vst v63  }
0x40: {  	_ =	swait.ge [sflag:s16], $0x800  }
0x41: {  	[sflag:s16] =	ssyncset.done $0x0  }
0x42: {  	[sflag:s16] =	ssyncadd.s32 $0xFFFFF800  }
0x43: {  	[spmem:s2] =	stream.indirect.scatter.add.f32 [tilespmem:s15], [sflag:$0x1], $0x10, s20, s18, $0xb8;
	[tilespmem:$0x1D580] =	vst v63  }
0x44: {  	_ =	swait.ge [sflag:s16], $0x800  }
0x45: {  	[sflag:s16] =	ssyncset.done $0x0  }
0x46: {  	[sflag:s16] =	ssyncadd.s32 $0xFFFFF800  }
0x47: {  	[spmem:s2] =	stream.indirect.scatter.add.f32 [tilespmem:s15], [sflag:$0x1], $0x10, s21, s18, $0xb8;
	[tilespmem:$0x1D580] =	vst v63  }
0x48: {  	_ =	swait.ge [sflag:s16], $0x800  }
0x49: {  	[sflag:s16] =	ssyncset.done $0x0  }
0x4a: {  	[sflag:s16] =	ssyncadd.s32 $0xFFFFF800  }
0x4b: {  	[spmem:s2] =	stream.indirect.scatter.add.f32 [tilespmem:s15], [sflag:$0x1], $0x10, s22, s18, $0xb8;
	[tilespmem:$0x1D580] =	vst v63  }
0x4c: {  	_ =	swait.ge [sflag:s16], $0x800  }
0x4d: {  	[sflag:s16] =	ssyncset.done $0x0  }
0x4e: {  	[sflag:s16] =	ssyncadd.s32 $0xFFFFF800  }
0x4f: {  	[spmem:s2] =	stream.indirect.scatter.add.f32 [tilespmem:s15], [sflag:$0x1], $0x10, s23, s18, $0xb8;
	[tilespmem:$0x1D580] =	vst v63  }
0x50: {  	_ =	swait.ge [sflag:s16], $0x800  }
0x51: {  	[sflag:s16] =	ssyncset.done $0x0  }
0x52: {  	[sflag:s16] =	ssyncadd.s32 $0xFFFFF800  }
0x53: {  	[spmem:s2] =	stream.indirect.scatter.add.f32 [tilespmem:s15], [sflag:$0x1], $0x10, s24, s18, $0xb8;
	[tilespmem:$0x1D580] =	vst v63  }
0x54: {  	_ =	swait.ge [sflag:s16], $0x800  }
0x55: {  	[sflag:s16] =	ssyncset.done $0x0  }
0x56: {  	[sflag:s16] =	ssyncadd.s32 $0xFFFFF800  }
0x57: {  	[spmem:s2] =	stream.indirect.scatter.add.f32 [tilespmem:s15], [sflag:$0x1], $0x10, s25, s18, $0xb8;
	[tilespmem:$0x1D580] =	vst v63  }
0x58: {  	_ =	swait.ge [sflag:s16], $0x800  }
0x59: {  	s31 =	simm.s32 $0x100;
	s29 =	simm.s32 $0x80;
	[sflag:s16] =	ssyncset.done $0x0  }
.LBB2_4:
0x5a: {  	s1 =	sadd.s32 s29, s14  }
0x5b: {  	[sflag:s16] =	ssyncadd.s32 $0xFFFFF800;
	s29 =	smov.u32 s31;
	s30 =	sadd.s32 $0x80, s31  }
0x5c: {  	[tilespmem:s17], [sflag:$0x1] =	stream.linear.gather [hbm4b:s1+s3], $0x400, $0x38;
	[tilespmem:$0x1D580] =	vst v63  }
0x5d: {  	p0 =	sne.s32 s31, $0x1800;
	_ =	swait.ge [sflag:s16], $0x400  }
0x5e: {  	[sflag:s16] =	ssyncset.done $0x0  }
0x5f: {  	[sflag:s16] =	ssyncadd.s32 $0xFFFFFC00  }
0x60: {  	[spmem:s2] =	stream.indirect.scatter.add.f32 [tilespmem:s15], [sflag:$0x1], $0x10, s17, s18, $0xb8;
	[tilespmem:$0x1D580] =	vst v63  }
0x61: {  	_ =	swait.ge [sflag:s16], $0x800  }
0x62: {  	[sflag:s16] =	ssyncset.done $0x0  }
0x63: {  	[sflag:s16] =	ssyncadd.s32 $0xFFFFF800  }
0x64: {  	[spmem:s2] =	stream.indirect.scatter.add.f32 [tilespmem:s15], [sflag:$0x1], $0x10, s19, s18, $0xb8;
	[tilespmem:$0x1D580] =	vst v63  }
0x65: {  	_ =	swait.ge [sflag:s16], $0x800  }
0x66: {  	[sflag:s16] =	ssyncset.done $0x0  }
0x67: {  	[sflag:s16] =	ssyncadd.s32 $0xFFFFF800  }
0x68: {  	[spmem:s2] =	stream.indirect.scatter.add.f32 [tilespmem:s15], [sflag:$0x1], $0x10, s20, s18, $0xb8;
	[tilespmem:$0x1D580] =	vst v63  }
0x69: {  	_ =	swait.ge [sflag:s16], $0x800  }
0x6a: {  	[sflag:s16] =	ssyncset.done $0x0  }
0x6b: {  	[sflag:s16] =	ssyncadd.s32 $0xFFFFF800  }
0x6c: {  	[spmem:s2] =	stream.indirect.scatter.add.f32 [tilespmem:s15], [sflag:$0x1], $0x10, s21, s18, $0xb8;
	[tilespmem:$0x1D580] =	vst v63  }
0x6d: {  	_ =	swait.ge [sflag:s16], $0x800  }
0x6e: {  	[sflag:s16] =	ssyncset.done $0x0  }
0x6f: {  	[sflag:s16] =	ssyncadd.s32 $0xFFFFF800  }
0x70: {  	[spmem:s2] =	stream.indirect.scatter.add.f32 [tilespmem:s15], [sflag:$0x1], $0x10, s22, s18, $0xb8;
	[tilespmem:$0x1D580] =	vst v63  }
0x71: {  	_ =	swait.ge [sflag:s16], $0x800  }
0x72: {  	[sflag:s16] =	ssyncset.done $0x0  }
0x73: {  	[sflag:s16] =	ssyncadd.s32 $0xFFFFF800  }
0x74: {  	[spmem:s2] =	stream.indirect.scatter.add.f32 [tilespmem:s15], [sflag:$0x1], $0x10, s23, s18, $0xb8;
	[tilespmem:$0x1D580] =	vst v63  }
0x75: {  	_ =	swait.ge [sflag:s16], $0x800  }
0x76: {  	[sflag:s16] =	ssyncset.done $0x0  }
0x77: {  	[sflag:s16] =	ssyncadd.s32 $0xFFFFF800  }
0x78: {  	[spmem:s2] =	stream.indirect.scatter.add.f32 [tilespmem:s15], [sflag:$0x1], $0x10, s24, s18, $0xb8;
	[tilespmem:$0x1D580] =	vst v63  }
0x79: {  	_ =	swait.ge [sflag:s16], $0x800  }
.Ltmp1:
0x7a: {  	[sflag:s16] =	ssyncset.done $0x0;
	(pc) =	sbr.rel @p0 .LBB2_4-.Ltmp1, $4  }
0x7b: {  	[sflag:s16] =	ssyncadd.s32 $0xFFFFF800  }
0x7c: {  	[spmem:s2] =	stream.indirect.scatter.add.f32 [tilespmem:s15], [sflag:$0x1], $0x10, s25, s18, $0xb8;
	[tilespmem:$0x1D580] =	vst v63  }
0x7d: {  	_ =	swait.ge [sflag:s16], $0x800  }
0x7e: {  	s31 =	smov.u32 s30;
	[sflag:s16] =	ssyncset.done $0x0  }
0x7f: {  	s1 =	sadd.s32 s29, s14;
	[sflag:s16] =	ssyncadd.s32 $0xFFFFF800  }
0x80: {  	[tilespmem:s17], [sflag:$0x1] =	stream.linear.gather [hbm4b:s1+s3], $0x400, $0x38;
	[tilespmem:$0x1D580] =	vst v63  }
0x81: {  	_ =	swait.ge [sflag:s16], $0x400  }
0x82: {  	[sflag:s16] =	ssyncset.done $0x0  }
0x83: {  	[sflag:s16] =	ssyncadd.s32 $0xFFFFFC00  }
0x84: {  	[spmem:s2] =	stream.indirect.scatter.add.f32 [tilespmem:s15], [sflag:$0x1], $0x10, s17, s18, $0xb8;
	[tilespmem:$0x1D580] =	vst v63  }
0x85: {  	_ =	swait.ge [sflag:s16], $0x800  }
0x86: {  	[sflag:s16] =	ssyncset.done $0x0  }
0x87: {  	[sflag:s16] =	ssyncadd.s32 $0xFFFFF800  }
0x88: {  	[spmem:s2] =	stream.indirect.scatter.add.f32 [tilespmem:s15], [sflag:$0x1], $0x10, s19, s18, $0xb8;
	[tilespmem:$0x1D580] =	vst v63  }
0x89: {  	_ =	swait.ge [sflag:s16], $0x800  }
0x8a: {  	[sflag:s16] =	ssyncset.done $0x0  }
0x8b: {  	[sflag:s16] =	ssyncadd.s32 $0xFFFFF800  }
0x8c: {  	[spmem:s2] =	stream.indirect.scatter.add.f32 [tilespmem:s15], [sflag:$0x1], $0x10, s20, s18, $0xb8;
	[tilespmem:$0x1D580] =	vst v63  }
0x8d: {  	_ =	swait.ge [sflag:s16], $0x800  }
0x8e: {  	[sflag:s16] =	ssyncset.done $0x0  }
0x8f: {  	[sflag:s16] =	ssyncadd.s32 $0xFFFFF800  }
0x90: {  	[spmem:s2] =	stream.indirect.scatter.add.f32 [tilespmem:s15], [sflag:$0x1], $0x10, s21, s18, $0xb8;
	[tilespmem:$0x1D580] =	vst v63  }
0x91: {  	_ =	swait.ge [sflag:s16], $0x800  }
0x92: {  	[sflag:s16] =	ssyncset.done $0x0  }
0x93: {  	[sflag:s16] =	ssyncadd.s32 $0xFFFFF800  }
0x94: {  	[spmem:s2] =	stream.indirect.scatter.add.f32 [tilespmem:s15], [sflag:$0x1], $0x10, s22, s18, $0xb8;
	[tilespmem:$0x1D580] =	vst v63  }
0x95: {  	_ =	swait.ge [sflag:s16], $0x800  }
0x96: {  	[sflag:s16] =	ssyncset.done $0x0  }
0x97: {  	[sflag:s16] =	ssyncadd.s32 $0xFFFFF800  }
0x98: {  	[spmem:s2] =	stream.indirect.scatter.add.f32 [tilespmem:s15], [sflag:$0x1], $0x10, s23, s18, $0xb8;
	[tilespmem:$0x1D580] =	vst v63  }
0x99: {  	_ =	swait.ge [sflag:s16], $0x800  }
0x9a: {  	[sflag:s16] =	ssyncset.done $0x0  }
0x9b: {  	[sflag:s16] =	ssyncadd.s32 $0xFFFFF800  }
0x9c: {  	[spmem:s2] =	stream.indirect.scatter.add.f32 [tilespmem:s15], [sflag:$0x1], $0x10, s24, s18, $0xb8;
	[tilespmem:$0x1D580] =	vst v63  }
0x9d: {  	_ =	swait.ge [sflag:s16], $0x800  }
0x9e: {  	[sflag:s16] =	ssyncset.done $0x0  }
0x9f: {  	[sflag:s16] =	ssyncadd.s32 $0xFFFFF800  }
0xa0: {  	[spmem:s2] =	stream.indirect.scatter.add.f32 [tilespmem:s15], [sflag:$0x1], $0x10, s25, s18, $0xb8;
	[tilespmem:$0x1D580] =	vst v63  }
0xa1: {  	s31 =	simm.s32 $0x0;
	_ =	swait.ge [sflag:s16], $0x800  }
0xa2: {  	v2 =	vmov s31;
	[sflag:s16] =	ssyncset.done $0x0  }
0xa3: {  	v2 =	vshll.u32 v2, $0x4;
	[sflag:s16] =	ssyncadd.s32 $0xFFFFF800  }
0xa4: {  	v2 =	vor.u32 v1, v2;
	[bflag:$0x0] =	sbarrier.arrive $0xFFFF  }
0xa5: {  	[tilespmem:s15], [sflag:$0x1] =	stream.linear.gather [spmem:s4], $0x3100, $0x38;
	[tilespmem:$0x1D580] =	vst v63  }
0xa6: {  	_ =	swait.ge [sflag:s16], $0x3100  }
0xa7: {  	s31 =	simm.s32 $0x10;
	[sflag:s16] =	ssyncset.done $0x0  }
0xa8: {  	v3 =	vmov s31;
	[sflag:s16] =	ssyncadd.s32 $0xFFFFCF00  }
0xa9: {  	v3 =	vshll.u32 v3, $0x4;
	v2 =	vld.idx.msk [tilespmem:v2+s15+$0x0], $0xffff  }
0xaa: {  	v4 =	vor.u32 v1, v3;
	_ =	sdelay $0x2  }
0xab: {  	s29 =	simm.s32 $0x1B900  }
0xac: {  	s31 =	simm.s32 $0x20;
	[tilespmem:s29+$0x0] =	vst v2  }
0xad: {  	s30 =	simm.s32 $0x30;
	v3 =	vmov s31;
	v2 =	vld.idx.msk [tilespmem:v4+s15+$0x0], $0xffff  }
.LBB2_6:
0xae: {  	p0 =	sne.s32 s30, $0x300;
	v3 =	vshll.u32 v3, $0x4  }
0xaf: {  	v4 =	vor.u32 v1, v3  }
.Ltmp2:
0xb0: {  	(pc) =	sbr.rel @p0 .LBB2_6-.Ltmp2, $4  }
0xb1: {  	_ = 	snop  }
0xb2: {  	s29 =	sadd.s32 $0x10, s29  }
0xb3: {  	[tilespmem:s29+$0x0] =	vst v2  }
0xb4: {  	v3 =	vmov s30;
	s30 =	sadd.s32 $0x10, s30;
	v2 =	vld.idx.msk [tilespmem:v4+s15+$0x0], $0xffff  }
0xb5: {  	v3 =	vshll.u32 v3, $0x4  }
0xb6: {  	v3 =	vor.u32 v1, v3;
	_ =	sdelay $0x2  }
0xb7: {  	s1 =	sadd.s32 $0x10, s29  }
0xb8: {  	[tilespmem:s1+$0x0] =	vst v2  }
0xb9: {  	v2 =	vld.idx.msk [tilespmem:v3+s15+$0x0], $0xffff;
	_ =	sdelay $0x1  }
0xba: {  	s29 =	simm.s32 $0x0  }
0xbb: {  	v3 =	vmov s29  }
0xbc: {  	s1 =	sadd.s32 $0x10, s1;
	v3 =	vshll.u32 v3, $0x4  }
0xbd: {  	[tilespmem:s1+$0x0] =	vst v2;
	v2 =	vor.u32 v1, v3  }
0xbe: {  	[tilespmem:s15], [sflag:$0x1] =	stream.linear.gather [spmem:s5], $0x3100, $0x38;
	[tilespmem:$0x1D580] =	vst v63  }
0xbf: {  	_ =	swait.ge [sflag:s16], $0x3100  }
0xc0: {  	s31 =	simm.s32 $0x10;
	[sflag:s16] =	ssyncset.done $0x0  }
0xc1: {  	v3 =	vmov s31;
	[sflag:s16] =	ssyncadd.s32 $0xFFFFCF00  }
0xc2: {  	v3 =	vshll.u32 v3, $0x4;
	v2 =	vld.idx.msk [tilespmem:v2+s15+$0x0], $0xffff  }
0xc3: {  	v4 =	vor.u32 v1, v3;
	_ =	sdelay $0x2  }
0xc4: {  	s29 =	simm.s32 $0x1BC10  }
0xc5: {  	s31 =	simm.s32 $0x20;
	[tilespmem:s29+$0x0] =	vst v2  }
0xc6: {  	s30 =	simm.s32 $0x30;
	v3 =	vmov s31;
	v2 =	vld.idx.msk [tilespmem:v4+s15+$0x0], $0xffff  }
.LBB2_8:
0xc7: {  	p0 =	sne.s32 s30, $0x300;
	v3 =	vshll.u32 v3, $0x4  }
0xc8: {  	v4 =	vor.u32 v1, v3  }
.Ltmp3:
0xc9: {  	(pc) =	sbr.rel @p0 .LBB2_8-.Ltmp3, $4  }
0xca: {  	_ = 	snop  }
0xcb: {  	s29 =	sadd.s32 $0x10, s29  }
0xcc: {  	[tilespmem:s29+$0x0] =	vst v2  }
0xcd: {  	v3 =	vmov s30;
	s30 =	sadd.s32 $0x10, s30;
	v2 =	vld.idx.msk [tilespmem:v4+s15+$0x0], $0xffff  }
0xce: {  	v3 =	vshll.u32 v3, $0x4  }
0xcf: {  	v3 =	vor.u32 v1, v3;
	_ =	sdelay $0x2  }
0xd0: {  	s1 =	sadd.s32 $0x10, s29  }
0xd1: {  	[tilespmem:s1+$0x0] =	vst v2  }
0xd2: {  	v2 =	vld.idx.msk [tilespmem:v3+s15+$0x0], $0xffff;
	_ =	sdelay $0x1  }
0xd3: {  	s29 =	simm.s32 $0x0  }
0xd4: {  	v3 =	vmov s29  }
0xd5: {  	s1 =	sadd.s32 $0x10, s1;
	v3 =	vshll.u32 v3, $0x4  }
0xd6: {  	[tilespmem:s1+$0x0] =	vst v2;
	v2 =	vor.u32 v1, v3  }
0xd7: {  	[tilespmem:s15], [sflag:$0x1] =	stream.linear.gather [spmem:s6], $0x3100, $0x38;
	[tilespmem:$0x1D580] =	vst v63  }
0xd8: {  	_ =	swait.ge [sflag:s16], $0x3100  }
0xd9: {  	s31 =	simm.s32 $0x10;
	[sflag:s16] =	ssyncset.done $0x0  }
0xda: {  	v3 =	vmov s31;
	[sflag:s16] =	ssyncadd.s32 $0xFFFFCF00  }
0xdb: {  	v3 =	vshll.u32 v3, $0x4;
	v2 =	vld.idx.msk [tilespmem:v2+s15+$0x0], $0xffff  }
0xdc: {  	v4 =	vor.u32 v1, v3;
	_ =	sdelay $0x2  }
0xdd: {  	s29 =	simm.s32 $0x1BF20  }
0xde: {  	s31 =	simm.s32 $0x20;
	[tilespmem:s29+$0x0] =	vst v2  }
0xdf: {  	s30 =	simm.s32 $0x30;
	v3 =	vmov s31;
	v2 =	vld.idx.msk [tilespmem:v4+s15+$0x0], $0xffff  }
.LBB2_10:
0xe0: {  	p0 =	sne.s32 s30, $0x300;
	v3 =	vshll.u32 v3, $0x4  }
0xe1: {  	v4 =	vor.u32 v1, v3  }
.Ltmp4:
0xe2: {  	(pc) =	sbr.rel @p0 .LBB2_10-.Ltmp4, $4  }
0xe3: {  	_ = 	snop  }
0xe4: {  	s29 =	sadd.s32 $0x10, s29  }
0xe5: {  	[tilespmem:s29+$0x0] =	vst v2  }
0xe6: {  	v3 =	vmov s30;
	s30 =	sadd.s32 $0x10, s30;
	v2 =	vld.idx.msk [tilespmem:v4+s15+$0x0], $0xffff  }
0xe7: {  	v3 =	vshll.u32 v3, $0x4  }
0xe8: {  	v3 =	vor.u32 v1, v3;
	_ =	sdelay $0x2  }
0xe9: {  	s1 =	sadd.s32 $0x10, s29  }
0xea: {  	[tilespmem:s1+$0x0] =	vst v2  }
0xeb: {  	v2 =	vld.idx.msk [tilespmem:v3+s15+$0x0], $0xffff;
	_ =	sdelay $0x1  }
0xec: {  	s29 =	simm.s32 $0x0  }
0xed: {  	v3 =	vmov s29  }
0xee: {  	s1 =	sadd.s32 $0x10, s1;
	v3 =	vshll.u32 v3, $0x4  }
0xef: {  	[tilespmem:s1+$0x0] =	vst v2;
	v2 =	vor.u32 v1, v3  }
0xf0: {  	[tilespmem:s15], [sflag:$0x1] =	stream.linear.gather [spmem:s7], $0x3100, $0x38;
	[tilespmem:$0x1D580] =	vst v63  }
0xf1: {  	_ =	swait.ge [sflag:s16], $0x3100  }
0xf2: {  	s31 =	simm.s32 $0x10;
	[sflag:s16] =	ssyncset.done $0x0  }
0xf3: {  	v3 =	vmov s31;
	[sflag:s16] =	ssyncadd.s32 $0xFFFFCF00  }
0xf4: {  	v3 =	vshll.u32 v3, $0x4;
	v2 =	vld.idx.msk [tilespmem:v2+s15+$0x0], $0xffff  }
0xf5: {  	v4 =	vor.u32 v1, v3;
	_ =	sdelay $0x2  }
0xf6: {  	s29 =	simm.s32 $0x1C230  }
0xf7: {  	s31 =	simm.s32 $0x20;
	[tilespmem:s29+$0x0] =	vst v2  }
0xf8: {  	s30 =	simm.s32 $0x30;
	v3 =	vmov s31;
	v2 =	vld.idx.msk [tilespmem:v4+s15+$0x0], $0xffff  }
.LBB2_12:
0xf9: {  	p0 =	sne.s32 s30, $0x300;
	v3 =	vshll.u32 v3, $0x4  }
0xfa: {  	v4 =	vor.u32 v1, v3  }
.Ltmp5:
0xfb: {  	(pc) =	sbr.rel @p0 .LBB2_12-.Ltmp5, $4  }
0xfc: {  	_ = 	snop  }
0xfd: {  	s29 =	sadd.s32 $0x10, s29  }
0xfe: {  	[tilespmem:s29+$0x0] =	vst v2  }
0xff: {  	v3 =	vmov s30;
	s30 =	sadd.s32 $0x10, s30;
	v2 =	vld.idx.msk [tilespmem:v4+s15+$0x0], $0xffff  }
0x100: {  	v3 =	vshll.u32 v3, $0x4  }
0x101: {  	v3 =	vor.u32 v1, v3;
	_ =	sdelay $0x2  }
0x102: {  	s1 =	sadd.s32 $0x10, s29  }
0x103: {  	[tilespmem:s1+$0x0] =	vst v2  }
0x104: {  	v2 =	vld.idx.msk [tilespmem:v3+s15+$0x0], $0xffff;
	_ =	sdelay $0x1  }
0x105: {  	s29 =	simm.s32 $0x0  }
0x106: {  	v3 =	vmov s29  }
0x107: {  	s1 =	sadd.s32 $0x10, s1;
	v3 =	vshll.u32 v3, $0x4  }
0x108: {  	[tilespmem:s1+$0x0] =	vst v2;
	v2 =	vor.u32 v1, v3  }
0x109: {  	[tilespmem:s15], [sflag:$0x1] =	stream.linear.gather [spmem:s8], $0x3100, $0x38;
	[tilespmem:$0x1D580] =	vst v63  }
0x10a: {  	_ =	swait.ge [sflag:s16], $0x3100  }
0x10b: {  	s31 =	simm.s32 $0x10;
	[sflag:s16] =	ssyncset.done $0x0  }
0x10c: {  	v3 =	vmov s31;
	[sflag:s16] =	ssyncadd.s32 $0xFFFFCF00  }
0x10d: {  	v3 =	vshll.u32 v3, $0x4;
	v2 =	vld.idx.msk [tilespmem:v2+s15+$0x0], $0xffff  }
0x10e: {  	v4 =	vor.u32 v1, v3;
	_ =	sdelay $0x2  }
0x10f: {  	s29 =	simm.s32 $0x1C540  }
0x110: {  	s31 =	simm.s32 $0x20;
	[tilespmem:s29+$0x0] =	vst v2  }
0x111: {  	s30 =	simm.s32 $0x30;
	v3 =	vmov s31;
	v2 =	vld.idx.msk [tilespmem:v4+s15+$0x0], $0xffff  }
.LBB2_14:
0x112: {  	p0 =	sne.s32 s30, $0x300;
	v3 =	vshll.u32 v3, $0x4  }
0x113: {  	v4 =	vor.u32 v1, v3  }
.Ltmp6:
0x114: {  	(pc) =	sbr.rel @p0 .LBB2_14-.Ltmp6, $4  }
0x115: {  	_ = 	snop  }
0x116: {  	s29 =	sadd.s32 $0x10, s29  }
0x117: {  	[tilespmem:s29+$0x0] =	vst v2  }
0x118: {  	v3 =	vmov s30;
	s30 =	sadd.s32 $0x10, s30;
	v2 =	vld.idx.msk [tilespmem:v4+s15+$0x0], $0xffff  }
0x119: {  	v3 =	vshll.u32 v3, $0x4  }
0x11a: {  	v3 =	vor.u32 v1, v3;
	_ =	sdelay $0x2  }
0x11b: {  	s1 =	sadd.s32 $0x10, s29  }
0x11c: {  	[tilespmem:s1+$0x0] =	vst v2  }
0x11d: {  	v2 =	vld.idx.msk [tilespmem:v3+s15+$0x0], $0xffff;
	_ =	sdelay $0x1  }
0x11e: {  	s29 =	simm.s32 $0x0  }
0x11f: {  	v3 =	vmov s29  }
0x120: {  	s1 =	sadd.s32 $0x10, s1;
	v3 =	vshll.u32 v3, $0x4  }
0x121: {  	[tilespmem:s1+$0x0] =	vst v2;
	v2 =	vor.u32 v1, v3  }
0x122: {  	[tilespmem:s15], [sflag:$0x1] =	stream.linear.gather [spmem:s9], $0x3100, $0x38;
	[tilespmem:$0x1D580] =	vst v63  }
0x123: {  	_ =	swait.ge [sflag:s16], $0x3100  }
0x124: {  	s31 =	simm.s32 $0x10;
	[sflag:s16] =	ssyncset.done $0x0  }
0x125: {  	v3 =	vmov s31;
	[sflag:s16] =	ssyncadd.s32 $0xFFFFCF00  }
0x126: {  	v3 =	vshll.u32 v3, $0x4;
	v2 =	vld.idx.msk [tilespmem:v2+s15+$0x0], $0xffff  }
0x127: {  	v4 =	vor.u32 v1, v3;
	_ =	sdelay $0x2  }
0x128: {  	s29 =	simm.s32 $0x1C850  }
0x129: {  	s31 =	simm.s32 $0x20;
	[tilespmem:s29+$0x0] =	vst v2  }
0x12a: {  	s30 =	simm.s32 $0x30;
	v3 =	vmov s31;
	v2 =	vld.idx.msk [tilespmem:v4+s15+$0x0], $0xffff  }
.LBB2_16:
0x12b: {  	p0 =	sne.s32 s30, $0x300;
	v3 =	vshll.u32 v3, $0x4  }
0x12c: {  	v4 =	vor.u32 v1, v3  }
.Ltmp7:
0x12d: {  	(pc) =	sbr.rel @p0 .LBB2_16-.Ltmp7, $4  }
0x12e: {  	_ = 	snop  }
0x12f: {  	s29 =	sadd.s32 $0x10, s29  }
0x130: {  	[tilespmem:s29+$0x0] =	vst v2  }
0x131: {  	v3 =	vmov s30;
	s30 =	sadd.s32 $0x10, s30;
	v2 =	vld.idx.msk [tilespmem:v4+s15+$0x0], $0xffff  }
0x132: {  	v3 =	vshll.u32 v3, $0x4  }
0x133: {  	v3 =	vor.u32 v1, v3;
	_ =	sdelay $0x2  }
0x134: {  	s1 =	sadd.s32 $0x10, s29  }
0x135: {  	[tilespmem:s1+$0x0] =	vst v2  }
0x136: {  	v2 =	vld.idx.msk [tilespmem:v3+s15+$0x0], $0xffff;
	_ =	sdelay $0x1  }
0x137: {  	s29 =	simm.s32 $0x0  }
0x138: {  	v3 =	vmov s29  }
0x139: {  	s1 =	sadd.s32 $0x10, s1;
	v3 =	vshll.u32 v3, $0x4  }
0x13a: {  	[tilespmem:s1+$0x0] =	vst v2;
	v2 =	vor.u32 v1, v3  }
0x13b: {  	[tilespmem:s15], [sflag:$0x1] =	stream.linear.gather [spmem:s10], $0x3100, $0x38;
	[tilespmem:$0x1D580] =	vst v63  }
0x13c: {  	_ =	swait.ge [sflag:s16], $0x3100  }
0x13d: {  	s31 =	simm.s32 $0x10;
	[sflag:s16] =	ssyncset.done $0x0  }
0x13e: {  	v3 =	vmov s31;
	[sflag:s16] =	ssyncadd.s32 $0xFFFFCF00  }
0x13f: {  	v3 =	vshll.u32 v3, $0x4;
	v2 =	vld.idx.msk [tilespmem:v2+s15+$0x0], $0xffff  }
0x140: {  	v4 =	vor.u32 v1, v3;
	_ =	sdelay $0x2  }
0x141: {  	s29 =	simm.s32 $0x1CB60  }
0x142: {  	s31 =	simm.s32 $0x20;
	[tilespmem:s29+$0x0] =	vst v2  }
0x143: {  	s30 =	simm.s32 $0x30;
	v3 =	vmov s31;
	v2 =	vld.idx.msk [tilespmem:v4+s15+$0x0], $0xffff  }
.LBB2_18:
0x144: {  	p0 =	sne.s32 s30, $0x300;
	v3 =	vshll.u32 v3, $0x4  }
0x145: {  	v4 =	vor.u32 v1, v3  }
.Ltmp8:
0x146: {  	(pc) =	sbr.rel @p0 .LBB2_18-.Ltmp8, $4  }
0x147: {  	_ = 	snop  }
0x148: {  	s29 =	sadd.s32 $0x10, s29  }
0x149: {  	[tilespmem:s29+$0x0] =	vst v2  }
0x14a: {  	v3 =	vmov s30;
	s30 =	sadd.s32 $0x10, s30;
	v2 =	vld.idx.msk [tilespmem:v4+s15+$0x0], $0xffff  }
0x14b: {  	v3 =	vshll.u32 v3, $0x4  }
0x14c: {  	v3 =	vor.u32 v1, v3;
	_ =	sdelay $0x2  }
0x14d: {  	s1 =	sadd.s32 $0x10, s29  }
0x14e: {  	[tilespmem:s1+$0x0] =	vst v2  }
0x14f: {  	v2 =	vld.idx.msk [tilespmem:v3+s15+$0x0], $0xffff;
	_ =	sdelay $0x1  }
0x150: {  	s29 =	simm.s32 $0x0  }
0x151: {  	v3 =	vmov s29  }
0x152: {  	s1 =	sadd.s32 $0x10, s1;
	v3 =	vshll.u32 v3, $0x4  }
0x153: {  	[tilespmem:s1+$0x0] =	vst v2;
	v2 =	vor.u32 v1, v3  }
0x154: {  	[tilespmem:s15], [sflag:$0x1] =	stream.linear.gather [spmem:s11], $0x3100, $0x38;
	[tilespmem:$0x1D580] =	vst v63  }
0x155: {  	_ =	swait.ge [sflag:s16], $0x3100  }
0x156: {  	s31 =	simm.s32 $0x10;
	[sflag:s16] =	ssyncset.done $0x0  }
0x157: {  	v3 =	vmov s31;
	[sflag:s16] =	ssyncadd.s32 $0xFFFFCF00  }
0x158: {  	v3 =	vshll.u32 v3, $0x4;
	v2 =	vld.idx.msk [tilespmem:v2+s15+$0x0], $0xffff  }
0x159: {  	v4 =	vor.u32 v1, v3;
	_ =	sdelay $0x2  }
0x15a: {  	s29 =	simm.s32 $0x1CE70  }
0x15b: {  	s31 =	simm.s32 $0x20;
	[tilespmem:s29+$0x0] =	vst v2  }
0x15c: {  	s30 =	simm.s32 $0x30;
	v3 =	vmov s31;
	v2 =	vld.idx.msk [tilespmem:v4+s15+$0x0], $0xffff  }
.LBB2_20:
0x15d: {  	p0 =	sne.s32 s30, $0x300;
	v3 =	vshll.u32 v3, $0x4  }
0x15e: {  	v4 =	vor.u32 v1, v3  }
.Ltmp9:
0x15f: {  	(pc) =	sbr.rel @p0 .LBB2_20-.Ltmp9, $4  }
0x160: {  	_ = 	snop  }
0x161: {  	s29 =	sadd.s32 $0x10, s29  }
0x162: {  	[tilespmem:s29+$0x0] =	vst v2  }
0x163: {  	v3 =	vmov s30;
	s30 =	sadd.s32 $0x10, s30;
	v2 =	vld.idx.msk [tilespmem:v4+s15+$0x0], $0xffff  }
0x164: {  	v3 =	vshll.u32 v3, $0x4  }
0x165: {  	v3 =	vor.u32 v1, v3;
	_ =	sdelay $0x2  }
0x166: {  	s1 =	sadd.s32 $0x10, s29  }
0x167: {  	[tilespmem:s1+$0x0] =	vst v2  }
0x168: {  	v2 =	vld.idx.msk [tilespmem:v3+s15+$0x0], $0xffff;
	_ =	sdelay $0x2  }
0x169: {  	s28 =	sadd.s32 $0x1, s28  }
0x16a: {  	p0 =	sne.s32 s28, s13;
	s1 =	sadd.s32 $0x10, s1  }
.Ltmp10:
0x16b: {  	[tilespmem:s1+$0x0] =	vst v2;
	(pc) =	sbr.rel @p0 .LBB2_1-.Ltmp10, $4  }
0x16c: {  	[hbm4b:s12+s3] =	stream.linear.scatter [tilespmem:s26], [sflag:$0x1], $0x1880, $0x38;
	[tilespmem:$0x1D580] =	vst v63  }
0x16d: {  	_ =	swait.ge [sflag:s16], $0x1880  }
0x16e: {  	[sflag:s16] =	ssyncset.done $0x0  }
0x16f: {  	[sflag:s16] =	ssyncadd.s32 $0xFFFFE780  }
0x170: {  	_ =	sfence.sel $0x180000  }
0x171: {  	[bflag:$0x0] =	sbarrier.arrive $0xFFFF  }
0x172: {  	_ =	strace $0x90000047  }
0x173: {  	[bflag:$0x2] =	sbarrier.arrive $0xFFFF  }
0x174: {  	p0 =	sne.s32 s0, $0x0;
	s0 =	rddreg [dreg:$0x2]  }
0x175: {  	s0 =	sadd.s32 @!p0 $0x100000, s0  }
0x176: {  	[sflag:s0] =	ssyncadd.tile.s32 @!p0 $0x1;
	_ =	shalt  }
.Lfunc_end2:
_tile_overlayer_lowered:
.L_overlay_start_2:
0x177: {  	(tag) =	ssettag $0x2  }
0x178: {  	s0 =	rddreg [dreg:$0x0];
	s2 =	stileid.u32  }
0x179: {  	s1 =	rddreg [dreg:$0x1];
	p0 =	sne.s32 s2, $0x0  }
0x17a: {  	s3 =	rddreg [dreg:$0x2];
	[bflag:$0x3] =	sbarrier.arrive $0xFFFF;
	s2 =	simm.s32 @!p0 $0x1C01  }
0x17b: {  	[timem:s3], [sflag:s2] =	dma.local @!p0 [hbm:s0], s1  }
0x17c: {  	s0 =	simm.s32 @!p0 $0x1  }
0x17d: {  	_ =	swait.ge @!p0 [sflag:s0], s1  }
0x17e: {  	s1 =	ssub.s32 @!p0 $0x0, s1;
	[sflag:s0] =	ssyncset.done @!p0 $0x0  }
0x17f: {  	[sflag:s0] =	ssyncadd.s32 @!p0 s1  }
0x180: {  	[bflag:$0x3] =	sbarrier.arrive $0xFFFF  }
0x181: {  	_ =	shalt  }

// kernel: kernel.9.cloned.1.call-start
scs
__scs_entry_jumppad:
0x0: {  	(pc) =	sbr.rel $0x88, $3  }
0x1: {  	(tag) =	ssettag $0x0;
	lr =	simm.s32 $0x1  }
0x2: {  	[smem:$0x3F9C] =	sst lr;
	_ =	strace $0xD0000000  }
0x3: {  	_ = 	snop  }
0x4: {  	_ = 	snop  }
0x5: {  	_ = 	snop  }
0x6: {  	_ = 	snop  }
0x7: {  	_ = 	snop  }
__scs_overlays_trampoline_lowered:
0x8: {  	[smem:$0x3FAB] =	sst s0  }
0x9: {  	[smem:$0x3FAC] =	sst s1  }
0xa: {  	[smem:$0x3FAD] =	sst s2  }
0xb: {  	[smem:$0x3FAE] =	sst s3  }
0xc: {  	[smem:$0x3FAF] =	sst s4  }
0xd: {  	[smem:$0x3FB0] =	sst s5  }
0xe: {  	[smem:$0x3FB1] =	sst s6  }
0xf: {  	[smem:$0x3FB2] =	sst s7  }
0x10: {  	[smem:$0x3FB3] =	sst s8  }
0x11: {  	[smem:$0x3FB4] =	sst s9;
	s0 =	simm.s32 @!p0 $0x0  }
0x12: {  	s1 =	sld [smem:$0x3F9A];
	s0 =	simm.s32 @p0 $0x1  }
0x13: {  	[smem:$0x3FB5] =	sst s0;
	s0 =	simm.s32 @!p1 $0x0  }
0x14: {  	s2 =	sld [smem:$0x3F99];
	s0 =	simm.s32 @p1 $0x1  }
0x15: {  	[smem:$0x3FB6] =	sst s0;
	s0 =	simm.s32 @!p2 $0x0  }
0x16: {  	s3 =	sld [smem:$0x3FDB];
	s0 =	simm.s32 @p2 $0x1  }
0x17: {  	s4 =	simm.s32 $0x1BF5;
	[smem:$0x3FB8] =	sst s0  }
0x18: {  	s0 =	sld [smem:$0x3F9B];
	_ =	swait.ge [sflag:s4], $0x0  }
0x19: {  	s7 =	sld [smem:$0x3F9C]  }
0x1a: {  	s8 =	sadd.s32 $0xFFFFE003, lr  }
0x1b: {  	s9 =	sadd.s32 $0xFFFFFEF7, lr;
	s5 =	simm.s32 $0xFFFFFFFF;
	p2 =	slt.u32 s8, $0xFFFFF086  }
0x1c: {  	p1 =	slt.u32 s9, $0xF7A;
	s5 =	simm.s32 @!p2 $0x0  }
0x1d: {  	s5 =	simm.s32 @p1 $0x1;
	p0 =	seq.s32 s7, s2  }
0x1e: {  	s7 =	smul.u32 @!p0 $0xF7A, s2;
	p2 =	seq.s32 @!p0 s5, $0x0  }
0x1f: {  	s9 =	smul.u32 $0xF7A, s1;
	s8 =	simm.s32 @!p0 $0x1BF5;
	p2 =	por !p2, p0  }
0x20: {  	[sflag:s8] =	ssyncset.s32 @!p0 $0xFFFFF086;
	s6 =	sadd.s32 @!p0 s3, s7;
	s7 =	simm.s32 @!p0 $0x108  }
0x21: {  	s3 =	sadd.s32 s3, s9;
	s6 =	sadd.s32 @!p0 $0x88, s6;
	s7 =	simm.s32 @p2 $0x1082  }
0x22: {  	[simem:s7], [sflag:s8] =	dma.local @!p0 [hbm:s6], $0xF7A  }
0x23: {  	s9 =	sor.u32 $0xD0000000, s2;
	s6 =	simm.s32 $0x108;
	_ =	swait.ge @!p0 [sflag:s8], $0x0  }
0x24: {  	s3 =	sadd.s32 $0x88, s3;
	s6 =	simm.s32 @!p1 $0x1082;
	[sflag:s4] =	ssyncset.s32 $0xFFFFF086  }
0x25: {  	[simem:s6], [sflag:s4] =	dma.local [hbm:s3], $0xF7A  }
0x26: {  	[smem:$0x3F9C] =	sst s1;
	(tag) =	ssettag s2;
	_ =	strace s9  }
0x27: {  	s1 =	sld [smem:$0x3FAC]  }
0x28: {  	s2 =	sld [smem:$0x3FAD]  }
0x29: {  	s4 =	sld [smem:$0x3FAF]  }
0x2a: {  	p0 =	seq.s32 s5, $0x0;
	s5 =	sld [smem:$0x3FB0]  }
0x2b: {  	s6 =	sld [smem:$0x3FB1]  }
0x2c: {  	s7 =	sld [smem:$0x3FB2]  }
0x2d: {  	s3 =	simm.s32 $0x108;
	s8 =	sld [smem:$0x3FB3]  }
0x2e: {  	s3 =	simm.s32 @!p0 $0x1082;
	s9 =	sld [smem:$0x3FB4]  }
0x2f: {  	lr =	sadd.s32 s0, s3;
	s0 =	sld [smem:$0x3FAB]  }
0x30: {  	s3 =	sld [smem:$0x3FAE]  }
0x31: {  	[smem:$0x3FB7] =	sst s10  }
0x32: {  	s10 =	sld [smem:$0x3FB5];
	_ =	sdelay $0x3  }
0x33: {  	p0 =	seq.s32 s10, $0x1;
	s10 =	sld [smem:$0x3FB7];
	_ =	sdelay $0x3  }
0x34: {  	[smem:$0x3FB7] =	sst s10  }
0x35: {  	s10 =	sld [smem:$0x3FB6];
	_ =	sdelay $0x3  }
0x36: {  	p1 =	seq.s32 s10, $0x1;
	s10 =	sld [smem:$0x3FB7];
	_ =	sdelay $0x3  }
0x37: {  	[smem:$0x3FB7] =	sst s10  }
0x38: {  	s10 =	sld [smem:$0x3FB8]  }
0x39: {  	_ = 	snop;
	(pc) =	sbr.ind lr, $3  }
0x3a: {  	_ = 	snop  }
0x3b: {  	_ = 	snop  }
0x3c: {  	p2 =	seq.s32 s10, $0x1;
	s10 =	sld [smem:$0x3FB7]  }
0x3d: {  	_ =	shalt  }
0x3e: {  	_ =	shalt  }
0x3f: {  	_ =	shalt  }
0x40: {  	_ =	shalt  }
0x41: {  	_ =	shalt  }
0x42: {  	_ =	shalt  }
0x43: {  	_ =	shalt  }
0x44: {  	_ =	shalt  }
0x45: {  	_ =	shalt  }
0x46: {  	_ =	shalt  }
0x47: {  	_ =	shalt  }
0x48: {  	_ =	shalt  }
0x49: {  	_ =	shalt  }
0x4a: {  	_ =	shalt  }
0x4b: {  	_ =	shalt  }
0x4c: {  	_ =	shalt  }
0x4d: {  	_ =	shalt  }
0x4e: {  	_ =	shalt  }
0x4f: {  	_ =	shalt  }
0x50: {  	_ =	shalt  }
0x51: {  	_ =	shalt  }
0x52: {  	_ =	shalt  }
0x53: {  	_ =	shalt  }
0x54: {  	_ =	shalt  }
0x55: {  	_ =	shalt  }
0x56: {  	_ =	shalt  }
0x57: {  	_ =	shalt  }
0x58: {  	_ =	shalt  }
0x59: {  	_ =	shalt  }
0x5a: {  	_ =	shalt  }
0x5b: {  	_ =	shalt  }
0x5c: {  	_ =	shalt  }
0x5d: {  	_ =	shalt  }
0x5e: {  	_ =	shalt  }
0x5f: {  	_ =	shalt  }
0x60: {  	_ =	shalt  }
0x61: {  	_ =	shalt  }
0x62: {  	_ =	shalt  }
0x63: {  	_ =	shalt  }
0x64: {  	_ =	shalt  }
0x65: {  	_ =	shalt  }
0x66: {  	_ =	shalt  }
0x67: {  	_ =	shalt  }
0x68: {  	_ =	shalt  }
0x69: {  	_ =	shalt  }
0x6a: {  	_ =	shalt  }
0x6b: {  	_ =	shalt  }
0x6c: {  	_ =	shalt  }
0x6d: {  	_ =	shalt  }
0x6e: {  	_ =	shalt  }
0x6f: {  	_ =	shalt  }
0x70: {  	_ =	shalt  }
0x71: {  	_ =	shalt  }
0x72: {  	_ =	shalt  }
0x73: {  	_ =	shalt  }
0x74: {  	_ =	shalt  }
0x75: {  	_ =	shalt  }
0x76: {  	_ =	shalt  }
0x77: {  	_ =	shalt  }
0x78: {  	_ =	shalt  }
0x79: {  	_ =	shalt  }
0x7a: {  	_ =	shalt  }
0x7b: {  	_ =	shalt  }
0x7c: {  	_ =	shalt  }
0x7d: {  	_ =	shalt  }
0x7e: {  	_ =	shalt  }
0x7f: {  	_ =	shalt  }
0x80: {  	_ =	shalt  }
0x81: {  	_ =	shalt  }
0x82: {  	_ =	shalt  }
0x83: {  	_ =	shalt  }
0x84: {  	_ =	shalt  }
0x85: {  	_ =	shalt  }
0x86: {  	_ =	shalt  }
0x87: {  	_ =	shalt  }
.Lfunc_end0:
.L_simem_size_0:
called_computation.1_lowered:
.L_overlay_start_0:
0x88: {  	s2 =	sld [smem:$0x3FD9]  }
0x89: {  	s3 =	sld [smem:$0x3FFE];
	_ =	sdelay $0x1  }
0x8a: {  	s1 =	srdreg.scid  }
0x8b: {  	s0 =	sand.u32 $0x1, s1  }
0x8c: {  	s16 =	sshll.u32 s0, $0xA;
	s2 =	sadd.s32 s3, s2  }
0x8d: {  	s2 =	sadd.s32 s2, s16  }
0x8e: {  	[smem:$0x3FC3] =	sst s2  }
0x8f: {  	_ = 	snop  }
0x90: {  	(tm) =	ssettm $0x1  }
0x91: {  	s17 =	sld [smem:$0x3FFB];
	_ =	sdelay $0x3  }
0x92: {  	_ =	strace s17  }
0x93: {  	s2 =	sld [smem:$0x3FFC];
	_ =	sdelay $0x3  }
0x94: {  	_ =	strace s2  }
0x95: {  	s2 =	sld [smem:$0x3FFD];
	_ =	sdelay $0x3  }
0x96: {  	_ =	strace s2  }
0x97: {  	_ =	strace $0x8FFFFFFF  }
0x98: {  	s18 =	sld [smem:$0x3FDB];
	_ =	sdelay $0x1  }
0x99: {  	s19 =	simm.s32 $_scs_section_size  }
0x9a: {  	s4 =	simm.s32 $_size__tile_overlayer_lowered;
	s5 =	simm.s32 $_tile_overlayer_lowered  }
0x9b: {  	s22 =	simm.s32 $0x1BFF;
	s21 =	sshll.u32 s5, $0x1;
	s2 =	sadd.s32 s19, s18  }
0x9c: {  	s6 =	simm.s32 $0x0;
	s20 =	sshll.u32 s4, $0x1;
	s4 =	sadd.s32 s21, s2  }
0x9d: {  	[timem:s6], [sflag:s22] =	dma.local [hbm:s4], s20  }
0x9e: {  	_ =	swait.ge [sflag:s22], s20  }
0x9f: {  	s3 =	ssub.s32 $0x0, s20;
	[sflag:s22] =	ssyncset.done $0x0  }
0xa0: {  	[sflag:s22] =	ssyncadd.s32 s3;
	_ =	sdelay $0x1  }
0xa1: {  	s23 =	simm.s32 $0x1B8B  }
0xa2: {  	_ =	swait.ge [sflag:s23], $0x1  }
0xa3: {  	[sflag:s23] =	ssyncset.done $0x0  }
0xa4: {  	s25 =	simm.s32 $0x1B8E;
	s24 =	sld [smem:$0x3FFE];
	[sflag:s23] =	ssyncadd.s32 $0xFFFFFFFF  }
0xa5: {  	s26 =	simm.s32 $execute0_lowered;
	[smem:$0x3FD2] =	sst s25  }
0xa6: {  	s4 =	sshll.u32 s26, $0x1;
	_ =	strace $0x80000049;
	[dreg:$0x1] =	wrdreg $0xFFFFFFFF  }
0xa7: {  	s28 =	simm.s32 $_size_execute0_lowered;
	s2 =	sadd.s32 s2, s4;
	[dreg:$0x0] =	wrdreg $0x0  }
0xa8: {  	s4 =	sshll.u32 s28, $0x1;
	[dreg:$0x2] =	wrdreg s2  }
0xa9: {  	[dreg:$0x3] =	wrdreg s4  }
0xaa: {  	[dreg:$0x4] =	wrdreg $0xC0  }
0xab: {  	_ =	task [dreg:s6], $0x5FFFF  }
0xac: {  	[dreg:$0x1] =	wrdreg $0xFFFFFFFF  }
0xad: {  	[dreg:$0x0] =	wrdreg $0x60  }
0xae: {  	[dreg:$0x2] =	wrdreg s24  }
0xaf: {  	[dreg:$0x3] =	wrdreg $0x0  }
0xb0: {  	[dreg:$0x4] =	wrdreg $0x9  }
0xb1: {  	_ =	task.clear_ibuf [dreg:s6], $0x5FFFF;
	_ =	strace $0x90000049  }
0xb2: {  	s29 =	simm.s32 $0x9;
	_ =	strace $0x8000004B  }
0xb3: {  	_ =	swait.ge [sflag:s29], $0x1  }
0xb4: {  	[sflag:s29] =	ssyncadd.s32 $0xFFFFFFFF  }
0xb5: {  	_ =	strace $0x9000004B  }
0xb6: {  	_ =	sfence  }
0xb7: {  	s30 =	sld [smem:$0x0];
	_ =	sdelay $0x2  }
0xb8: {  	s31 =	sshll.u32 s1, $0xD;
	s1 =	sshrl.u32 s1, $0x2  }
0xb9: {  	s3 =	sand.u32 $0x4000, s31;
	s1 =	sadd.s32 s1, s30  }
0xba: {  	s0 =	sor.u32 s3, s0;
	s1 =	sshll.u32 s1, $0x11  }
0xbb: {  	s0 =	sor.u32 s1, s0  }
0xbc: {  	s0 =	sadd.s32 $0x8F2B, s0  }
0xbd: {  	[sflag:s0] =	ssyncadd.remote.s32 $0x1  }
0xbe: {  	_ =	sfence.sel $0xFFFF  }
0xbf: {  	[dreg:$0x0] =	wrdreg $0xFFFFFFFF;
	(pc) =	sbr.abs _section_cstart, $3  }
0xc0: {  	[dreg:$0x1] =	wrdreg $0xFFFFFFFF  }
0xc1: {  	_ =	task.clear_ibuf [dreg:s6], $0x2FFFF;
	_ =	strace $0x9FFFFFFF  }
0xc2: {  	(tm) =	ssettm $0x7FFFFFFF  }
0xc3: {  	_ =	shalt  }
tec
execute0_lowered:
.L_overlay_start_1:
0x0: {  	(tag) =	ssettag $0x1  }
0x1: {  	s0 =	rddreg [dreg:$0x0]  }
0x2: {  	s2 =	rddreg [dreg:$0x1]  }
0x3: {  	s9 =	stileid.u32;
	s1 =	srdreg.scid;
	s3 =	simm.s32 $0x0  }
0x4: {  	s14 =	simm.s32 $0x2;
	s15 =	simm.s32 $0x18800;
	s16 =	simm.s32 $0x18C00  }
0x5: {  	s17 =	simm.s32 $0x80;
	s18 =	simm.s32 $0x19000;
	s20 =	simm.s32 $0x19800  }
0x6: {  	s22 =	simm.s32 $0x1A000;
	s29 =	simm.s32 $0x1B800;
	s31 =	simm.s32 $0x1C000  }
0x7: {  	s28 =	simm.s32 $0x18E80;
	s30 =	simm.s32 $0x18F00;
	s5 =	smul.u32 $0x3100, s9  }
0x8: {  	s1 =	sand.u32 $0x1, s1;
	[smem:$0x7FF] =	sst s3;
	s6 =	smul.u32 $0x1880, s9  }
0x9: {  	s4 =	sadd.s32 $0x99800, s0;
	s8 =	smul.u32 $0x62000, s9;
	s9 =	sshll.u32 s9, $0x6  }
0xa: {  	s13 =	smul.u32 $0x31000, s1;
	_ =	strace $0x8000004A;
	s1 =	ssub.s32 $0x2, s1  }
0xb: {  	s7 =	sshrl.u32 s1, $0x1;
	s5 =	sadd.s32 s5, s0;
	s0 =	sadd.s32 $0x15D800, s0  }
0xc: {  	s23 =	sshrl.u32 s8, $0x2;
	s1 =	ssub.s32 s1, s7;
	s24 =	sadd.s32 s6, s13  }
0xd: {  	s19 =	sadd.s32 $0x18800, s13;
	s7 =	sadd.s32 s23, s2;
	s23 =	sor.u32 $0x1C02, s9  }
0xe: {  	s11 =	sadd.s32 $0x31600, s5;
	s12 =	sadd.s32 $0x68800, s5;
	s5 =	simm.s32 $0x1  }
0xf: {  	v0 =	vmov s13;
	s9 =	simm.s32 $0x18B80;
	s13 =	simm.s32 $0x18D80;
	s8 =	sshll.u32 s24, $0x1  }
0x10: {  	s6 =	sadd.s32 s6, s19;
	s26 =	smax.u32 s1, $0x1;
	s24 =	simm.s32 $0x1A800  }
0x11: {  	s1 =	simm.s32 $0x1C800;
	v1 =	vmov s19;
	[dreg:$0x4] =	wrdreg s23;
	s19 =	simm.s32 $0x18E00  }
0x12: {  	s10 =	sadd.s32 s4, s8;
	s6 =	sshll.u32 s6, $0x1;
	[dreg:$0x8] =	wrdreg s26  }
0x13: {  	s8 =	sadd.s32 s0, s8;
	s26 =	simm.s32 $0x1B000;
	[dreg:$0x3] =	wrdreg s10  }
0x14: {  	[dreg:$0x5] =	wrdreg s8;
	s25 =	sadd.s32 s4, s6;
	s0 =	sadd.s32 s0, s6  }
0x15: {  	s8 =	simm.s32 $0x18B00;
	s10 =	simm.s32 $0x18C80;
	[dreg:$0x6] =	wrdreg s25  }
0x16: {  	s6 =	simm.s32 $0x18D00;
	[dreg:$0x7] =	wrdreg s0;
	s25 =	sshrl.u32 s7, $0x3  }
0x17: {  	s0 =	simm.s32 $0x0;
	s7 =	simm.s32 $0x18A80;
	[dreg:$0x9] =	wrdreg s25  }
.LBB2_1:
0x18: {  	[dreg:$0xa] =	wrdreg s0  }
0x19: {  	s21 =	rddreg [dreg:$0x3]  }
0x1a: {  	[spmem:s25], [sflag:s23] =	dma.local [hbm:s21], $0x3100  }
0x1b: {  	_ =	swait.ge [sflag:s14], $0x3100  }
0x1c: {  	[sflag:s14] =	ssyncset.done $0x0  }
0x1d: {  	s0 =	simm.s32 $0x18F80;
	[sflag:s14] =	ssyncadd.s32 $0xFFFFCF00  }
0x1e: {  	s21 =	simm.s32 $0x0;
	s25 =	simm.s32 $0x18880;
	[bflag:$0x0] =	sbarrier.arrive $0xFFFF  }
.LBB2_2:
0x1f: {  	s23 =	sadd.s32 s21, s12  }
0x20: {  	[tilespmem:s15], [sflag:$0x2] =	stream.linear.gather [hbm4b:s23+s3], $0x400, $0x38;
	[tilespmem:$0x1D000] =	vst v63  }
0x21: {  	_ =	swait.ge [sflag:s14], $0x400  }
0x22: {  	[sflag:s14] =	ssyncset.done $0x0  }
0x23: {  	s23 =	sadd.s32 s21, s11;
	[sflag:s14] =	ssyncadd.s32 $0xFFFFFC00  }
0x24: {  	[tilespmem:s16], [sflag:$0x2] =	stream.linear.gather [hbm4b:s23+s3], $0x400, $0x38;
	[tilespmem:$0x1D000] =	vst v63  }
0x25: {  	_ =	swait.ge [sflag:s14], $0x400  }
0x26: {  	[sflag:s14] =	ssyncset.done $0x0  }
0x27: {  	[sflag:s14] =	ssyncadd.s32 $0xFFFFFC00  }
0x28: {  	v2 =	vld [tilespmem:$0x18800]  }
0x29: {  	v3 =	vld [tilespmem:$0x18810]  }
0x2a: {  	v4 =	vld [tilespmem:$0x18820]  }
0x2b: {  	v5 =	vld [tilespmem:$0x18830]  }
0x2c: {  	v6 =	vld [tilespmem:$0x18840]  }
0x2d: {  	v7 =	vld [tilespmem:$0x18850];
	v2 =	vadd.s32 v0, v2  }
0x2e: {  	[tilespmem:$0x18800] =	vst v2;
	v2 =	vadd.s32 v0, v3;
	v3 =	vld [tilespmem:$0x18860]  }
0x2f: {  	v18 =	vld [tilespmem:$0x18870];
	[tilespmem:$0x18810] =	vst v2;
	v2 =	vadd.s32 v0, v4  }
0x30: {  	v19 =	vld [tilespmem:$0x18880];
	[tilespmem:$0x18820] =	vst v2;
	v2 =	vadd.s32 v0, v5  }
0x31: {  	v20 =	vld [tilespmem:$0x18890];
	[tilespmem:$0x18830] =	vst v2;
	v2 =	vadd.s32 v0, v6  }
0x32: {  	v21 =	vld [tilespmem:$0x188A0];
	[tilespmem:$0x18840] =	vst v2;
	v2 =	vadd.s32 v0, v7  }
0x33: {  	[tilespmem:$0x18850] =	vst v2;
	v2 =	vadd.s32 v0, v3;
	v3 =	vld [tilespmem:$0x188B0]  }
0x34: {  	v22 =	vld [tilespmem:$0x188C0];
	[tilespmem:$0x18860] =	vst v2;
	v2 =	vadd.s32 v0, v18  }
0x35: {  	v23 =	vld [tilespmem:$0x188D0];
	[tilespmem:$0x18870] =	vst v2;
	v2 =	vadd.s32 v0, v19  }
0x36: {  	v24 =	vld [tilespmem:$0x188E0];
	[tilespmem:$0x18880] =	vst v2;
	v2 =	vadd.s32 v0, v20  }
0x37: {  	v25 =	vld [tilespmem:$0x188F0];
	[tilespmem:$0x18890] =	vst v2;
	v2 =	vadd.s32 v0, v21  }
0x38: {  	[tilespmem:$0x188A0] =	vst v2;
	v2 =	vadd.s32 v0, v3;
	v3 =	vld [tilespmem:$0x18900]  }
0x39: {  	v26 =	vld [tilespmem:$0x18910];
	[tilespmem:$0x188B0] =	vst v2;
	v2 =	vadd.s32 v0, v22  }
0x3a: {  	v27 =	vld [tilespmem:$0x18920];
	[tilespmem:$0x188C0] =	vst v2;
	v2 =	vadd.s32 v0, v23  }
0x3b: {  	v28 =	vld [tilespmem:$0x18930];
	[tilespmem:$0x188D0] =	vst v2;
	v2 =	vadd.s32 v0, v24  }
0x3c: {  	v29 =	vld [tilespmem:$0x18940];
	[tilespmem:$0x188E0] =	vst v2;
	v2 =	vadd.s32 v0, v25  }
0x3d: {  	[tilespmem:$0x188F0] =	vst v2;
	v2 =	vadd.s32 v0, v3;
	v3 =	vld [tilespmem:$0x18950]  }
0x3e: {  	v30 =	vld [tilespmem:$0x18960];
	[tilespmem:$0x18900] =	vst v2;
	v2 =	vadd.s32 v0, v26  }
0x3f: {  	v31 =	vld [tilespmem:$0x18970];
	[tilespmem:$0x18910] =	vst v2;
	v2 =	vadd.s32 v0, v27  }
0x40: {  	v32 =	vld [tilespmem:$0x18980];
	[tilespmem:$0x18920] =	vst v2;
	v2 =	vadd.s32 v0, v28  }
0x41: {  	v33 =	vld [tilespmem:$0x18990];
	[tilespmem:$0x18930] =	vst v2;
	v2 =	vadd.s32 v0, v29  }
0x42: {  	[tilespmem:$0x18940] =	vst v2;
	v2 =	vadd.s32 v0, v3;
	v3 =	vld [tilespmem:$0x189A0]  }
0x43: {  	v34 =	vld [tilespmem:$0x189B0];
	[tilespmem:$0x18950] =	vst v2;
	v2 =	vadd.s32 v0, v30  }
0x44: {  	v35 =	vld [tilespmem:$0x189C0];
	[tilespmem:$0x18960] =	vst v2;
	v2 =	vadd.s32 v0, v31  }
0x45: {  	v36 =	vld [tilespmem:$0x189D0];
	[tilespmem:$0x18970] =	vst v2;
	v2 =	vadd.s32 v0, v32  }
0x46: {  	v37 =	vld [tilespmem:$0x189E0];
	[tilespmem:$0x18980] =	vst v2;
	v2 =	vadd.s32 v0, v33  }
0x47: {  	[tilespmem:$0x18990] =	vst v2;
	v2 =	vadd.s32 v0, v3;
	v3 =	vld [tilespmem:$0x189F0]  }
0x48: {  	v38 =	vld [tilespmem:$0x18A00];
	[tilespmem:$0x189A0] =	vst v2;
	v2 =	vadd.s32 v0, v34  }
0x49: {  	v39 =	vld [tilespmem:$0x18A10];
	[tilespmem:$0x189B0] =	vst v2;
	v2 =	vadd.s32 v0, v35  }
0x4a: {  	v40 =	vld [tilespmem:$0x18A20];
	[tilespmem:$0x189C0] =	vst v2;
	v2 =	vadd.s32 v0, v36  }
0x4b: {  	v41 =	vld [tilespmem:$0x18A30];
	[tilespmem:$0x189D0] =	vst v2;
	v2 =	vadd.s32 v0, v37  }
0x4c: {  	[tilespmem:$0x189E0] =	vst v2;
	v2 =	vadd.s32 v0, v3;
	v3 =	vld [tilespmem:$0x18A40]  }
0x4d: {  	v42 =	vld [tilespmem:$0x18A50];
	[tilespmem:$0x189F0] =	vst v2;
	v2 =	vadd.s32 v0, v38  }
0x4e: {  	v43 =	vld [tilespmem:$0x18A60];
	[tilespmem:$0x18A00] =	vst v2;
	v2 =	vadd.s32 v0, v39  }
0x4f: {  	v44 =	vld [tilespmem:$0x18A70];
	[tilespmem:$0x18A10] =	vst v2;
	v2 =	vadd.s32 v0, v40  }
0x50: {  	v45 =	vld [tilespmem:$0x18A80];
	[tilespmem:$0x18A20] =	vst v2;
	v2 =	vadd.s32 v0, v41  }
0x51: {  	[tilespmem:$0x18A30] =	vst v2;
	v2 =	vadd.s32 v0, v3;
	v3 =	vld [tilespmem:$0x18A90]  }
0x52: {  	v46 =	vld [tilespmem:$0x18AA0];
	[tilespmem:$0x18A40] =	vst v2;
	v2 =	vadd.s32 v0, v42  }
0x53: {  	v47 =	vld [tilespmem:$0x18AB0];
	[tilespmem:$0x18A50] =	vst v2;
	v2 =	vadd.s32 v0, v43  }
0x54: {  	v48 =	vld [tilespmem:$0x18AC0];
	[tilespmem:$0x18A60] =	vst v2;
	v2 =	vadd.s32 v0, v44  }
0x55: {  	v49 =	vld [tilespmem:$0x18AD0];
	[tilespmem:$0x18A70] =	vst v2;
	v2 =	vadd.s32 v0, v45  }
0x56: {  	[tilespmem:$0x18A80] =	vst v2;
	v2 =	vadd.s32 v0, v3;
	v3 =	vld [tilespmem:$0x18AE0]  }
0x57: {  	v50 =	vld [tilespmem:$0x18AF0];
	[tilespmem:$0x18A90] =	vst v2;
	v2 =	vadd.s32 v0, v46  }
0x58: {  	v51 =	vld [tilespmem:$0x18B00];
	[tilespmem:$0x18AA0] =	vst v2;
	v2 =	vadd.s32 v0, v47  }
0x59: {  	v52 =	vld [tilespmem:$0x18B10];
	[tilespmem:$0x18AB0] =	vst v2;
	v2 =	vadd.s32 v0, v48  }
0x5a: {  	v53 =	vld [tilespmem:$0x18B20];
	[tilespmem:$0x18AC0] =	vst v2;
	v2 =	vadd.s32 v0, v49  }
0x5b: {  	[tilespmem:$0x18AD0] =	vst v2;
	v2 =	vadd.s32 v0, v3;
	v3 =	vld [tilespmem:$0x18B30]  }
0x5c: {  	v54 =	vld [tilespmem:$0x18B40];
	[tilespmem:$0x18AE0] =	vst v2;
	v2 =	vadd.s32 v0, v50  }
0x5d: {  	v55 =	vld [tilespmem:$0x18B50];
	[tilespmem:$0x18AF0] =	vst v2;
	v2 =	vadd.s32 v0, v51  }
0x5e: {  	v56 =	vld [tilespmem:$0x18B60];
	[tilespmem:$0x18B00] =	vst v2;
	v2 =	vadd.s32 v0, v52  }
0x5f: {  	v57 =	vld [tilespmem:$0x18B70];
	[tilespmem:$0x18B10] =	vst v2;
	v2 =	vadd.s32 v0, v53  }
0x60: {  	[tilespmem:$0x18B20] =	vst v2;
	v2 =	vadd.s32 v0, v3;
	v3 =	vld [tilespmem:$0x18B80]  }
0x61: {  	v58 =	vld [tilespmem:$0x18B90];
	[tilespmem:$0x18B30] =	vst v2;
	v2 =	vadd.s32 v0, v54  }
0x62: {  	v59 =	vld [tilespmem:$0x18BA0];
	[tilespmem:$0x18B40] =	vst v2;
	v2 =	vadd.s32 v0, v55  }
0x63: {  	v60 =	vld [tilespmem:$0x18BB0];
	[tilespmem:$0x18B50] =	vst v2;
	v2 =	vadd.s32 v0, v56  }
0x64: {  	v61 =	vld [tilespmem:$0x18BC0];
	[tilespmem:$0x18B60] =	vst v2;
	v2 =	vadd.s32 v0, v57  }
0x65: {  	[tilespmem:$0x18B70] =	vst v2;
	v2 =	vadd.s32 v0, v3;
	v3 =	vld [tilespmem:$0x18BD0]  }
0x66: {  	v62 =	vld [tilespmem:$0x18BE0];
	[tilespmem:$0x18B80] =	vst v2;
	v2 =	vadd.s32 v0, v58  }
0x67: {  	v63 =	vld [tilespmem:$0x18BF0];
	[tilespmem:$0x18B90] =	vst v2;
	v2 =	vadd.s32 v0, v59  }
0x68: {  	[tilespmem:$0x18BA0] =	vst v2;
	v2 =	vadd.s32 v0, v60  }
0x69: {  	[tilespmem:$0x18BB0] =	vst v2;
	v2 =	vadd.s32 v0, v61  }
0x6a: {  	[tilespmem:$0x18BC0] =	vst v2;
	v2 =	vadd.s32 v0, v3  }
0x6b: {  	[tilespmem:$0x18BD0] =	vst v2;
	v2 =	vadd.s32 v0, v62  }
0x6c: {  	[tilespmem:$0x18BE0] =	vst v2;
	v2 =	vadd.s32 v0, v63  }
0x6d: {  	[tilespmem:$0x18BF0] =	vst v2  }
0x6e: {  	[tilespmem:s18], [sflag:$0x1] =	stream.indirect.gather [hbm4b:s4+s17], $0x10, s15, s17, $0xb8;
	[tilespmem:$0x1D000] =	vst v63  }
0x6f: {  	_ = 	snop  }
0x70: {  	[tilespmem:s20], [sflag:$0x1] =	stream.indirect.gather [hbm4b:s4+s17], $0x10, s25, s17, $0xb8;
	[tilespmem:$0x1D000] =	vst v63  }
0x71: {  	s23 =	simm.s32 $0x18900  }
0x72: {  	[tilespmem:s22], [sflag:$0x1] =	stream.indirect.gather [hbm4b:s4+s17], $0x10, s23, s17, $0xb8;
	[tilespmem:$0x1D000] =	vst v63  }
0x73: {  	s23 =	simm.s32 $0x18980  }
0x74: {  	[tilespmem:s24], [sflag:$0x1] =	stream.indirect.gather [hbm4b:s4+s17], $0x10, s23, s17, $0xb8;
	[tilespmem:$0x1D000] =	vst v63  }
0x75: {  	s23 =	simm.s32 $0x18A00  }
0x76: {  	[tilespmem:s26], [sflag:$0x1] =	stream.indirect.gather [hbm4b:s4+s17], $0x10, s23, s17, $0xb8;
	[tilespmem:$0x1D000] =	vst v63  }
0x77: {  	_ = 	snop  }
0x78: {  	[tilespmem:s29], [sflag:$0x1] =	stream.indirect.gather [hbm4b:s4+s17], $0x10, s7, s17, $0xb8;
	[tilespmem:$0x1D000] =	vst v63  }
0x79: {  	_ = 	snop  }
0x7a: {  	[tilespmem:s31], [sflag:$0x1] =	stream.indirect.gather [hbm4b:s4+s17], $0x10, s8, s17, $0xb8;
	[tilespmem:$0x1D000] =	vst v63  }
0x7b: {  	_ = 	snop  }
0x7c: {  	[tilespmem:s1], [sflag:$0x1] =	stream.indirect.gather [hbm4b:s4+s17], $0x10, s9, s17, $0xb8;
	[tilespmem:$0x1D000] =	vst v63  }
0x7d: {  	_ =	swait.ge [sflag:s5], $0x800  }
0x7e: {  	[sflag:s5] =	ssyncset.done $0x0  }
0x7f: {  	[sflag:s5] =	ssyncadd.s32 $0xFFFFF800  }
0x80: {  	[spmem:s2] =	stream.indirect.scatter.add.f32 [tilespmem:s18], [sflag:$0x2], $0x10, s16, s17, $0xb8;
	[tilespmem:$0x1D000] =	vst v63  }
0x81: {  	_ =	swait.ge [sflag:s14], $0x800  }
0x82: {  	[sflag:s14] =	ssyncset.done $0x0  }
0x83: {  	[sflag:s14] =	ssyncadd.s32 $0xFFFFF800  }
0x84: {  	_ =	swait.ge [sflag:s5], $0x800  }
0x85: {  	[sflag:s5] =	ssyncset.done $0x0  }
0x86: {  	[sflag:s5] =	ssyncadd.s32 $0xFFFFF800  }
0x87: {  	[spmem:s2] =	stream.indirect.scatter.add.f32 [tilespmem:s20], [sflag:$0x2], $0x10, s10, s17, $0xb8;
	[tilespmem:$0x1D000] =	vst v63  }
0x88: {  	_ =	swait.ge [sflag:s14], $0x800  }
0x89: {  	[sflag:s14] =	ssyncset.done $0x0  }
0x8a: {  	[sflag:s14] =	ssyncadd.s32 $0xFFFFF800  }
0x8b: {  	_ =	swait.ge [sflag:s5], $0x800  }
0x8c: {  	[sflag:s5] =	ssyncset.done $0x0  }
0x8d: {  	[sflag:s5] =	ssyncadd.s32 $0xFFFFF800  }
0x8e: {  	[spmem:s2] =	stream.indirect.scatter.add.f32 [tilespmem:s22], [sflag:$0x2], $0x10, s6, s17, $0xb8;
	[tilespmem:$0x1D000] =	vst v63  }
0x8f: {  	_ =	swait.ge [sflag:s14], $0x800  }
0x90: {  	[sflag:s14] =	ssyncset.done $0x0  }
0x91: {  	[sflag:s14] =	ssyncadd.s32 $0xFFFFF800  }
0x92: {  	_ =	swait.ge [sflag:s5], $0x800  }
0x93: {  	[sflag:s5] =	ssyncset.done $0x0  }
0x94: {  	[sflag:s5] =	ssyncadd.s32 $0xFFFFF800  }
0x95: {  	[spmem:s2] =	stream.indirect.scatter.add.f32 [tilespmem:s24], [sflag:$0x2], $0x10, s13, s17, $0xb8;
	[tilespmem:$0x1D000] =	vst v63  }
0x96: {  	_ =	swait.ge [sflag:s14], $0x800  }
0x97: {  	[sflag:s14] =	ssyncset.done $0x0  }
0x98: {  	[sflag:s14] =	ssyncadd.s32 $0xFFFFF800  }
0x99: {  	_ =	swait.ge [sflag:s5], $0x800  }
0x9a: {  	[sflag:s5] =	ssyncset.done $0x0  }
0x9b: {  	[sflag:s5] =	ssyncadd.s32 $0xFFFFF800  }
0x9c: {  	[spmem:s2] =	stream.indirect.scatter.add.f32 [tilespmem:s26], [sflag:$0x2], $0x10, s19, s17, $0xb8;
	[tilespmem:$0x1D000] =	vst v63  }
0x9d: {  	_ =	swait.ge [sflag:s14], $0x800  }
0x9e: {  	[sflag:s14] =	ssyncset.done $0x0  }
0x9f: {  	[sflag:s14] =	ssyncadd.s32 $0xFFFFF800  }
0xa0: {  	_ =	swait.ge [sflag:s5], $0x800  }
0xa1: {  	[sflag:s5] =	ssyncset.done $0x0  }
0xa2: {  	[sflag:s5] =	ssyncadd.s32 $0xFFFFF800  }
0xa3: {  	[spmem:s2] =	stream.indirect.scatter.add.f32 [tilespmem:s29], [sflag:$0x2], $0x10, s28, s17, $0xb8;
	[tilespmem:$0x1D000] =	vst v63  }
0xa4: {  	_ =	swait.ge [sflag:s14], $0x800  }
0xa5: {  	[sflag:s14] =	ssyncset.done $0x0  }
0xa6: {  	[sflag:s14] =	ssyncadd.s32 $0xFFFFF800  }
0xa7: {  	_ =	swait.ge [sflag:s5], $0x800  }
0xa8: {  	[sflag:s5] =	ssyncset.done $0x0  }
0xa9: {  	[sflag:s5] =	ssyncadd.s32 $0xFFFFF800  }
0xaa: {  	[spmem:s2] =	stream.indirect.scatter.add.f32 [tilespmem:s31], [sflag:$0x2], $0x10, s30, s17, $0xb8;
	[tilespmem:$0x1D000] =	vst v63  }
0xab: {  	_ =	swait.ge [sflag:s14], $0x800  }
0xac: {  	[sflag:s14] =	ssyncset.done $0x0  }
0xad: {  	[sflag:s14] =	ssyncadd.s32 $0xFFFFF800  }
0xae: {  	_ =	swait.ge [sflag:s5], $0x800  }
0xaf: {  	p0 =	sne.s32 s21, $0x3080;
	[sflag:s5] =	ssyncset.done $0x0  }
.Ltmp0:
0xb0: {  	[sflag:s5] =	ssyncadd.s32 $0xFFFFF800;
	(pc) =	sbr.rel @p0 .LBB2_2-.Ltmp0, $4  }
0xb1: {  	[spmem:s2] =	stream.indirect.scatter.add.f32 [tilespmem:s1], [sflag:$0x2], $0x10, s0, s17, $0xb8;
	[tilespmem:$0x1D000] =	vst v63  }
0xb2: {  	_ =	swait.ge [sflag:s14], $0x800  }
0xb3: {  	[sflag:s14] =	ssyncset.done $0x0  }
0xb4: {  	s21 =	sadd.s32 $0x80, s21;
	[sflag:s14] =	ssyncadd.s32 $0xFFFFF800  }
0xb5: {  	[bflag:$0x0] =	sbarrier.arrive $0xFFFF  }
0xb6: {  	s21 =	rddreg [dreg:$0x4]  }
0xb7: {  	s23 =	rddreg [dreg:$0x5]  }
0xb8: {  	s25 =	rddreg [dreg:$0x9]  }
0xb9: {  	[hbm:s23], [sflag:s21] =	dma.local [spmem:s25], $0x3100  }
0xba: {  	_ =	swait.ge [sflag:s14], $0x3100  }
0xbb: {  	[sflag:s14] =	ssyncset.done $0x0  }
0xbc: {  	[sflag:s14] =	ssyncadd.s32 $0xFFFFCF00  }
0xbd: {  	[bflag:$0x0] =	sbarrier.arrive $0xFFFF  }
0xbe: {  	s23 =	rddreg [dreg:$0x6]  }
0xbf: {  	[spmem:s25], [sflag:s21] =	dma.local [hbm:s23], $0x3100  }
0xc0: {  	_ =	swait.ge [sflag:s14], $0x3100  }
0xc1: {  	[sflag:s14] =	ssyncset.done $0x0  }
0xc2: {  	[sflag:s14] =	ssyncadd.s32 $0xFFFFCF00  }
0xc3: {  	s25 =	simm.s32 $0x18880;
	s21 =	simm.s32 $0x0;
	[bflag:$0x0] =	sbarrier.arrive $0xFFFF  }
.LBB2_4:
0xc4: {  	s23 =	sadd.s32 s21, s12  }
0xc5: {  	[tilespmem:s15], [sflag:$0x2] =	stream.linear.gather [hbm4b:s23+s3], $0x400, $0x38;
	[tilespmem:$0x1D000] =	vst v63  }
0xc6: {  	_ =	swait.ge [sflag:s14], $0x400  }
0xc7: {  	[sflag:s14] =	ssyncset.done $0x0  }
0xc8: {  	s23 =	sadd.s32 s21, s11;
	[sflag:s14] =	ssyncadd.s32 $0xFFFFFC00  }
0xc9: {  	[tilespmem:s16], [sflag:$0x2] =	stream.linear.gather [hbm4b:s23+s3], $0x400, $0x38;
	[tilespmem:$0x1D000] =	vst v63  }
0xca: {  	_ =	swait.ge [sflag:s14], $0x400  }
0xcb: {  	[sflag:s14] =	ssyncset.done $0x0  }
0xcc: {  	[sflag:s14] =	ssyncadd.s32 $0xFFFFFC00  }
0xcd: {  	v2 =	vld [tilespmem:$0x18800]  }
0xce: {  	v3 =	vld [tilespmem:$0x18810]  }
0xcf: {  	v4 =	vld [tilespmem:$0x18820]  }
0xd0: {  	v5 =	vld [tilespmem:$0x18830]  }
0xd1: {  	v6 =	vld [tilespmem:$0x18840]  }
0xd2: {  	v7 =	vld [tilespmem:$0x18850];
	v2 =	vadd.s32 v1, v2  }
0xd3: {  	[tilespmem:$0x18800] =	vst v2;
	v2 =	vadd.s32 v1, v3;
	v3 =	vld [tilespmem:$0x18860]  }
0xd4: {  	v18 =	vld [tilespmem:$0x18870];
	[tilespmem:$0x18810] =	vst v2;
	v2 =	vadd.s32 v1, v4  }
0xd5: {  	v19 =	vld [tilespmem:$0x18880];
	[tilespmem:$0x18820] =	vst v2;
	v2 =	vadd.s32 v1, v5  }
0xd6: {  	v20 =	vld [tilespmem:$0x18890];
	[tilespmem:$0x18830] =	vst v2;
	v2 =	vadd.s32 v1, v6  }
0xd7: {  	v21 =	vld [tilespmem:$0x188A0];
	[tilespmem:$0x18840] =	vst v2;
	v2 =	vadd.s32 v1, v7  }
0xd8: {  	[tilespmem:$0x18850] =	vst v2;
	v2 =	vadd.s32 v1, v3;
	v3 =	vld [tilespmem:$0x188B0]  }
0xd9: {  	v22 =	vld [tilespmem:$0x188C0];
	[tilespmem:$0x18860] =	vst v2;
	v2 =	vadd.s32 v1, v18  }
0xda: {  	v23 =	vld [tilespmem:$0x188D0];
	[tilespmem:$0x18870] =	vst v2;
	v2 =	vadd.s32 v1, v19  }
0xdb: {  	v24 =	vld [tilespmem:$0x188E0];
	[tilespmem:$0x18880] =	vst v2;
	v2 =	vadd.s32 v1, v20  }
0xdc: {  	v25 =	vld [tilespmem:$0x188F0];
	[tilespmem:$0x18890] =	vst v2;
	v2 =	vadd.s32 v1, v21  }
0xdd: {  	[tilespmem:$0x188A0] =	vst v2;
	v2 =	vadd.s32 v1, v3;
	v3 =	vld [tilespmem:$0x18900]  }
0xde: {  	v26 =	vld [tilespmem:$0x18910];
	[tilespmem:$0x188B0] =	vst v2;
	v2 =	vadd.s32 v1, v22  }
0xdf: {  	v27 =	vld [tilespmem:$0x18920];
	[tilespmem:$0x188C0] =	vst v2;
	v2 =	vadd.s32 v1, v23  }
0xe0: {  	v28 =	vld [tilespmem:$0x18930];
	[tilespmem:$0x188D0] =	vst v2;
	v2 =	vadd.s32 v1, v24  }
0xe1: {  	v29 =	vld [tilespmem:$0x18940];
	[tilespmem:$0x188E0] =	vst v2;
	v2 =	vadd.s32 v1, v25  }
0xe2: {  	[tilespmem:$0x188F0] =	vst v2;
	v2 =	vadd.s32 v1, v3;
	v3 =	vld [tilespmem:$0x18950]  }
0xe3: {  	v30 =	vld [tilespmem:$0x18960];
	[tilespmem:$0x18900] =	vst v2;
	v2 =	vadd.s32 v1, v26  }
0xe4: {  	v31 =	vld [tilespmem:$0x18970];
	[tilespmem:$0x18910] =	vst v2;
	v2 =	vadd.s32 v1, v27  }
0xe5: {  	v32 =	vld [tilespmem:$0x18980];
	[tilespmem:$0x18920] =	vst v2;
	v2 =	vadd.s32 v1, v28  }
0xe6: {  	v33 =	vld [tilespmem:$0x18990];
	[tilespmem:$0x18930] =	vst v2;
	v2 =	vadd.s32 v1, v29  }
0xe7: {  	[tilespmem:$0x18940] =	vst v2;
	v2 =	vadd.s32 v1, v3;
	v3 =	vld [tilespmem:$0x189A0]  }
0xe8: {  	v34 =	vld [tilespmem:$0x189B0];
	[tilespmem:$0x18950] =	vst v2;
	v2 =	vadd.s32 v1, v30  }
0xe9: {  	v35 =	vld [tilespmem:$0x189C0];
	[tilespmem:$0x18960] =	vst v2;
	v2 =	vadd.s32 v1, v31  }
0xea: {  	v36 =	vld [tilespmem:$0x189D0];
	[tilespmem:$0x18970] =	vst v2;
	v2 =	vadd.s32 v1, v32  }
0xeb: {  	v37 =	vld [tilespmem:$0x189E0];
	[tilespmem:$0x18980] =	vst v2;
	v2 =	vadd.s32 v1, v33  }
0xec: {  	[tilespmem:$0x18990] =	vst v2;
	v2 =	vadd.s32 v1, v3;
	v3 =	vld [tilespmem:$0x189F0]  }
0xed: {  	v38 =	vld [tilespmem:$0x18A00];
	[tilespmem:$0x189A0] =	vst v2;
	v2 =	vadd.s32 v1, v34  }
0xee: {  	v39 =	vld [tilespmem:$0x18A10];
	[tilespmem:$0x189B0] =	vst v2;
	v2 =	vadd.s32 v1, v35  }
0xef: {  	v40 =	vld [tilespmem:$0x18A20];
	[tilespmem:$0x189C0] =	vst v2;
	v2 =	vadd.s32 v1, v36  }
0xf0: {  	v41 =	vld [tilespmem:$0x18A30];
	[tilespmem:$0x189D0] =	vst v2;
	v2 =	vadd.s32 v1, v37  }
0xf1: {  	[tilespmem:$0x189E0] =	vst v2;
	v2 =	vadd.s32 v1, v3;
	v3 =	vld [tilespmem:$0x18A40]  }
0xf2: {  	v42 =	vld [tilespmem:$0x18A50];
	[tilespmem:$0x189F0] =	vst v2;
	v2 =	vadd.s32 v1, v38  }
0xf3: {  	v43 =	vld [tilespmem:$0x18A60];
	[tilespmem:$0x18A00] =	vst v2;
	v2 =	vadd.s32 v1, v39  }
0xf4: {  	v44 =	vld [tilespmem:$0x18A70];
	[tilespmem:$0x18A10] =	vst v2;
	v2 =	vadd.s32 v1, v40  }
0xf5: {  	v45 =	vld [tilespmem:$0x18A80];
	[tilespmem:$0x18A20] =	vst v2;
	v2 =	vadd.s32 v1, v41  }
0xf6: {  	[tilespmem:$0x18A30] =	vst v2;
	v2 =	vadd.s32 v1, v3;
	v3 =	vld [tilespmem:$0x18A90]  }
0xf7: {  	v46 =	vld [tilespmem:$0x18AA0];
	[tilespmem:$0x18A40] =	vst v2;
	v2 =	vadd.s32 v1, v42  }
0xf8: {  	v47 =	vld [tilespmem:$0x18AB0];
	[tilespmem:$0x18A50] =	vst v2;
	v2 =	vadd.s32 v1, v43  }
0xf9: {  	v48 =	vld [tilespmem:$0x18AC0];
	[tilespmem:$0x18A60] =	vst v2;
	v2 =	vadd.s32 v1, v44  }
0xfa: {  	v49 =	vld [tilespmem:$0x18AD0];
	[tilespmem:$0x18A70] =	vst v2;
	v2 =	vadd.s32 v1, v45  }
0xfb: {  	[tilespmem:$0x18A80] =	vst v2;
	v2 =	vadd.s32 v1, v3;
	v3 =	vld [tilespmem:$0x18AE0]  }
0xfc: {  	v50 =	vld [tilespmem:$0x18AF0];
	[tilespmem:$0x18A90] =	vst v2;
	v2 =	vadd.s32 v1, v46  }
0xfd: {  	v51 =	vld [tilespmem:$0x18B00];
	[tilespmem:$0x18AA0] =	vst v2;
	v2 =	vadd.s32 v1, v47  }
0xfe: {  	v52 =	vld [tilespmem:$0x18B10];
	[tilespmem:$0x18AB0] =	vst v2;
	v2 =	vadd.s32 v1, v48  }
0xff: {  	v53 =	vld [tilespmem:$0x18B20];
	[tilespmem:$0x18AC0] =	vst v2;
	v2 =	vadd.s32 v1, v49  }
0x100: {  	[tilespmem:$0x18AD0] =	vst v2;
	v2 =	vadd.s32 v1, v3;
	v3 =	vld [tilespmem:$0x18B30]  }
0x101: {  	v54 =	vld [tilespmem:$0x18B40];
	[tilespmem:$0x18AE0] =	vst v2;
	v2 =	vadd.s32 v1, v50  }
0x102: {  	v55 =	vld [tilespmem:$0x18B50];
	[tilespmem:$0x18AF0] =	vst v2;
	v2 =	vadd.s32 v1, v51  }
0x103: {  	v56 =	vld [tilespmem:$0x18B60];
	[tilespmem:$0x18B00] =	vst v2;
	v2 =	vadd.s32 v1, v52  }
0x104: {  	v57 =	vld [tilespmem:$0x18B70];
	[tilespmem:$0x18B10] =	vst v2;
	v2 =	vadd.s32 v1, v53  }
0x105: {  	[tilespmem:$0x18B20] =	vst v2;
	v2 =	vadd.s32 v1, v3;
	v3 =	vld [tilespmem:$0x18B80]  }
0x106: {  	v58 =	vld [tilespmem:$0x18B90];
	[tilespmem:$0x18B30] =	vst v2;
	v2 =	vadd.s32 v1, v54  }
0x107: {  	v59 =	vld [tilespmem:$0x18BA0];
	[tilespmem:$0x18B40] =	vst v2;
	v2 =	vadd.s32 v1, v55  }
0x108: {  	v60 =	vld [tilespmem:$0x18BB0];
	[tilespmem:$0x18B50] =	vst v2;
	v2 =	vadd.s32 v1, v56  }
0x109: {  	v61 =	vld [tilespmem:$0x18BC0];
	[tilespmem:$0x18B60] =	vst v2;
	v2 =	vadd.s32 v1, v57  }
0x10a: {  	[tilespmem:$0x18B70] =	vst v2;
	v2 =	vadd.s32 v1, v3;
	v3 =	vld [tilespmem:$0x18BD0]  }
0x10b: {  	v62 =	vld [tilespmem:$0x18BE0];
	[tilespmem:$0x18B80] =	vst v2;
	v2 =	vadd.s32 v1, v58  }
0x10c: {  	v63 =	vld [tilespmem:$0x18BF0];
	[tilespmem:$0x18B90] =	vst v2;
	v2 =	vadd.s32 v1, v59  }
0x10d: {  	[tilespmem:$0x18BA0] =	vst v2;
	v2 =	vadd.s32 v1, v60  }
0x10e: {  	[tilespmem:$0x18BB0] =	vst v2;
	v2 =	vadd.s32 v1, v61  }
0x10f: {  	[tilespmem:$0x18BC0] =	vst v2;
	v2 =	vadd.s32 v1, v3  }
0x110: {  	[tilespmem:$0x18BD0] =	vst v2;
	v2 =	vadd.s32 v1, v62  }
0x111: {  	[tilespmem:$0x18BE0] =	vst v2;
	v2 =	vadd.s32 v1, v63  }
0x112: {  	[tilespmem:$0x18BF0] =	vst v2  }
0x113: {  	[tilespmem:s18], [sflag:$0x1] =	stream.indirect.gather [hbm4b:s4+s17], $0x10, s15, s17, $0xb8;
	[tilespmem:$0x1D000] =	vst v63  }
0x114: {  	_ = 	snop  }
0x115: {  	[tilespmem:s20], [sflag:$0x1] =	stream.indirect.gather [hbm4b:s4+s17], $0x10, s25, s17, $0xb8;
	[tilespmem:$0x1D000] =	vst v63  }
0x116: {  	s23 =	simm.s32 $0x18900  }
0x117: {  	[tilespmem:s22], [sflag:$0x1] =	stream.indirect.gather [hbm4b:s4+s17], $0x10, s23, s17, $0xb8;
	[tilespmem:$0x1D000] =	vst v63  }
0x118: {  	s23 =	simm.s32 $0x18980  }
0x119: {  	[tilespmem:s24], [sflag:$0x1] =	stream.indirect.gather [hbm4b:s4+s17], $0x10, s23, s17, $0xb8;
	[tilespmem:$0x1D000] =	vst v63  }
0x11a: {  	s23 =	simm.s32 $0x18A00  }
0x11b: {  	[tilespmem:s26], [sflag:$0x1] =	stream.indirect.gather [hbm4b:s4+s17], $0x10, s23, s17, $0xb8;
	[tilespmem:$0x1D000] =	vst v63  }
0x11c: {  	_ = 	snop  }
0x11d: {  	[tilespmem:s29], [sflag:$0x1] =	stream.indirect.gather [hbm4b:s4+s17], $0x10, s7, s17, $0xb8;
	[tilespmem:$0x1D000] =	vst v63  }
0x11e: {  	_ = 	snop  }
0x11f: {  	[tilespmem:s31], [sflag:$0x1] =	stream.indirect.gather [hbm4b:s4+s17], $0x10, s8, s17, $0xb8;
	[tilespmem:$0x1D000] =	vst v63  }
0x120: {  	_ = 	snop  }
0x121: {  	[tilespmem:s1], [sflag:$0x1] =	stream.indirect.gather [hbm4b:s4+s17], $0x10, s9, s17, $0xb8;
	[tilespmem:$0x1D000] =	vst v63  }
0x122: {  	_ =	swait.ge [sflag:s5], $0x800  }
0x123: {  	[sflag:s5] =	ssyncset.done $0x0  }
0x124: {  	[sflag:s5] =	ssyncadd.s32 $0xFFFFF800  }
0x125: {  	[spmem:s2] =	stream.indirect.scatter.add.f32 [tilespmem:s18], [sflag:$0x2], $0x10, s16, s17, $0xb8;
	[tilespmem:$0x1D000] =	vst v63  }
0x126: {  	_ =	swait.ge [sflag:s14], $0x800  }
0x127: {  	[sflag:s14] =	ssyncset.done $0x0  }
0x128: {  	[sflag:s14] =	ssyncadd.s32 $0xFFFFF800  }
0x129: {  	_ =	swait.ge [sflag:s5], $0x800  }
0x12a: {  	[sflag:s5] =	ssyncset.done $0x0  }
0x12b: {  	[sflag:s5] =	ssyncadd.s32 $0xFFFFF800  }
0x12c: {  	[spmem:s2] =	stream.indirect.scatter.add.f32 [tilespmem:s20], [sflag:$0x2], $0x10, s10, s17, $0xb8;
	[tilespmem:$0x1D000] =	vst v63  }
0x12d: {  	_ =	swait.ge [sflag:s14], $0x800  }
0x12e: {  	[sflag:s14] =	ssyncset.done $0x0  }
0x12f: {  	[sflag:s14] =	ssyncadd.s32 $0xFFFFF800  }
0x130: {  	_ =	swait.ge [sflag:s5], $0x800  }
0x131: {  	[sflag:s5] =	ssyncset.done $0x0  }
0x132: {  	[sflag:s5] =	ssyncadd.s32 $0xFFFFF800  }
0x133: {  	[spmem:s2] =	stream.indirect.scatter.add.f32 [tilespmem:s22], [sflag:$0x2], $0x10, s6, s17, $0xb8;
	[tilespmem:$0x1D000] =	vst v63  }
0x134: {  	_ =	swait.ge [sflag:s14], $0x800  }
0x135: {  	[sflag:s14] =	ssyncset.done $0x0  }
0x136: {  	[sflag:s14] =	ssyncadd.s32 $0xFFFFF800  }
0x137: {  	_ =	swait.ge [sflag:s5], $0x800  }
0x138: {  	[sflag:s5] =	ssyncset.done $0x0  }
0x139: {  	[sflag:s5] =	ssyncadd.s32 $0xFFFFF800  }
0x13a: {  	[spmem:s2] =	stream.indirect.scatter.add.f32 [tilespmem:s24], [sflag:$0x2], $0x10, s13, s17, $0xb8;
	[tilespmem:$0x1D000] =	vst v63  }
0x13b: {  	_ =	swait.ge [sflag:s14], $0x800  }
0x13c: {  	[sflag:s14] =	ssyncset.done $0x0  }
0x13d: {  	[sflag:s14] =	ssyncadd.s32 $0xFFFFF800  }
0x13e: {  	_ =	swait.ge [sflag:s5], $0x800  }
0x13f: {  	[sflag:s5] =	ssyncset.done $0x0  }
0x140: {  	[sflag:s5] =	ssyncadd.s32 $0xFFFFF800  }
0x141: {  	[spmem:s2] =	stream.indirect.scatter.add.f32 [tilespmem:s26], [sflag:$0x2], $0x10, s19, s17, $0xb8;
	[tilespmem:$0x1D000] =	vst v63  }
0x142: {  	_ =	swait.ge [sflag:s14], $0x800  }
0x143: {  	[sflag:s14] =	ssyncset.done $0x0  }
0x144: {  	[sflag:s14] =	ssyncadd.s32 $0xFFFFF800  }
0x145: {  	_ =	swait.ge [sflag:s5], $0x800  }
0x146: {  	[sflag:s5] =	ssyncset.done $0x0  }
0x147: {  	[sflag:s5] =	ssyncadd.s32 $0xFFFFF800  }
0x148: {  	[spmem:s2] =	stream.indirect.scatter.add.f32 [tilespmem:s29], [sflag:$0x2], $0x10, s28, s17, $0xb8;
	[tilespmem:$0x1D000] =	vst v63  }
0x149: {  	_ =	swait.ge [sflag:s14], $0x800  }
0x14a: {  	[sflag:s14] =	ssyncset.done $0x0  }
0x14b: {  	[sflag:s14] =	ssyncadd.s32 $0xFFFFF800  }
0x14c: {  	_ =	swait.ge [sflag:s5], $0x800  }
0x14d: {  	[sflag:s5] =	ssyncset.done $0x0  }
0x14e: {  	[sflag:s5] =	ssyncadd.s32 $0xFFFFF800  }
0x14f: {  	[spmem:s2] =	stream.indirect.scatter.add.f32 [tilespmem:s31], [sflag:$0x2], $0x10, s30, s17, $0xb8;
	[tilespmem:$0x1D000] =	vst v63  }
0x150: {  	_ =	swait.ge [sflag:s14], $0x800  }
0x151: {  	[sflag:s14] =	ssyncset.done $0x0  }
0x152: {  	[sflag:s14] =	ssyncadd.s32 $0xFFFFF800  }
0x153: {  	_ =	swait.ge [sflag:s5], $0x800  }
0x154: {  	p0 =	sne.s32 s21, $0x3080;
	[sflag:s5] =	ssyncset.done $0x0  }
.Ltmp1:
0x155: {  	[sflag:s5] =	ssyncadd.s32 $0xFFFFF800;
	(pc) =	sbr.rel @p0 .LBB2_4-.Ltmp1, $4  }
0x156: {  	[spmem:s2] =	stream.indirect.scatter.add.f32 [tilespmem:s1], [sflag:$0x2], $0x10, s0, s17, $0xb8;
	[tilespmem:$0x1D000] =	vst v63  }
0x157: {  	_ =	swait.ge [sflag:s14], $0x800  }
0x158: {  	[sflag:s14] =	ssyncset.done $0x0  }
0x159: {  	s21 =	sadd.s32 $0x80, s21;
	[sflag:s14] =	ssyncadd.s32 $0xFFFFF800  }
0x15a: {  	[bflag:$0x0] =	sbarrier.arrive $0xFFFF  }
0x15b: {  	s23 =	rddreg [dreg:$0x4]  }
0x15c: {  	s21 =	rddreg [dreg:$0x7]  }
0x15d: {  	s25 =	rddreg [dreg:$0x9]  }
0x15e: {  	[hbm:s21], [sflag:s23] =	dma.local [spmem:s25], $0x3100  }
0x15f: {  	_ =	swait.ge [sflag:s14], $0x3100  }
0x160: {  	s0 =	rddreg [dreg:$0xa]  }
0x161: {  	s21 =	rddreg [dreg:$0x8];
	s0 =	sadd.s32 $0x1, s0  }
0x162: {  	p0 =	sne.s32 s0, s21  }
.Ltmp2:
0x163: {  	_ = 	snop;
	(pc) =	sbr.rel @p0 .LBB2_1-.Ltmp2, $3  }
0x164: {  	[sflag:s14] =	ssyncset.done $0x0  }
0x165: {  	[sflag:s14] =	ssyncadd.s32 $0xFFFFCF00  }
0x166: {  	[bflag:$0x0] =	sbarrier.arrive $0xFFFF;
	_ =	sdelay $0x1  }
0x167: {  	_ =	sfence.sel $0x180000  }
0x168: {  	[bflag:$0x0] =	sbarrier.arrive $0xFFFF  }
0x169: {  	_ =	strace $0x9000004A  }
0x16a: {  	s0 =	stileid.u32;
	[bflag:$0x2] =	sbarrier.arrive $0xFFFF  }
0x16b: {  	p0 =	sne.s32 s0, $0x0;
	s0 =	rddreg [dreg:$0x2]  }
0x16c: {  	s0 =	sadd.s32 @!p0 $0x100000, s0  }
0x16d: {  	[sflag:s0] =	ssyncadd.tile.s32 @!p0 $0x1;
	_ =	shalt  }
.Lfunc_end2:
_tile_overlayer_lowered:
.L_overlay_start_2:
0x16e: {  	(tag) =	ssettag $0x2  }
0x16f: {  	s0 =	rddreg [dreg:$0x0];
	s2 =	stileid.u32  }
0x170: {  	s1 =	rddreg [dreg:$0x1];
	p0 =	sne.s32 s2, $0x0  }
0x171: {  	s3 =	rddreg [dreg:$0x2];
	[bflag:$0x3] =	sbarrier.arrive $0xFFFF;
	s2 =	simm.s32 @!p0 $0x1C02  }
0x172: {  	[timem:s3], [sflag:s2] =	dma.local @!p0 [hbm:s0], s1  }
0x173: {  	s0 =	simm.s32 @!p0 $0x2  }
0x174: {  	_ =	swait.ge @!p0 [sflag:s0], s1  }
0x175: {  	s1 =	ssub.s32 @!p0 $0x0, s1;
	[sflag:s0] =	ssyncset.done @!p0 $0x0  }
0x176: {  	[sflag:s0] =	ssyncadd.s32 @!p0 s1  }
0x177: {  	[bflag:$0x3] =	sbarrier.arrive $0xFFFF  }
0x178: {  	_ =	shalt  }

</sc_bundles>
